<compile_context>
chip_gen: v7x
topology: tpu7x:2x2x1
jax: 0.10.2.dev20260603
libtpu: 0.0.44.dev20260713+nightly
codegen_flags: <defaults>
</compile_context>

<pallas_src>
import functools

import jax
import jax.numpy as jnp
from jax import lax
from jax.experimental import pallas as pl
from jax.experimental.pallas import tpu as pltpu
from jax.experimental.pallas import tpu_sc as plsc

N = 10000
E = 320000
D_IN = 128
D_HID = 128
D_OUT = 64

NC = 2
NS = 16
L = 16
NW = NC * NS
EPW = E // NW
C = 80
NCH = EPW // C
GB = 5
NBLK = NCH // GB
NP = 10240
ZC = 2048
RPW = 624
TAIL = N - NS * RPW

_BLK = 1000
_G = N // _BLK


def _make_edge_kernel(D, tc_tiling, NBUF):
    grp = D // L
    mesh = plsc.VectorSubcoreMesh(core_axis_name="c", subcore_axis_name="s")

    @functools.partial(
        pl.kernel,
        out_type=(
            jax.ShapeDtypeStruct((NC, N, D), jnp.float32),
            jax.ShapeDtypeStruct((NC, 1, NP), jnp.float32),
        ),
        mesh=mesh,
        compiler_params=pltpu.CompilerParams(
            needs_layout_passes=False,
            **({} if tc_tiling is None else
               {"use_tc_tiling_on_sc": tc_tiling})),
        scratch_types=[
            pltpu.VMEM((N,), jnp.float32),
            pltpu.VMEM((N,), jnp.float32),
            pltpu.VMEM((ZC,), jnp.float32),
            pltpu.VMEM((2, GB, C), jnp.int32),
            pltpu.VMEM((2, GB, C), jnp.int32),
            pltpu.VMEM((NBUF, C, D), jnp.float32),
            pltpu.VMEM((2, C), jnp.float32),
            pltpu.VMEM_SHARED((N, D), jnp.float32),
            pltpu.VMEM_SHARED((NP,), jnp.float32),
            pltpu.SemaphoreType.DMA,
            pltpu.SemaphoreType.DMA,
            pltpu.SemaphoreType.DMA,
            pltpu.SemaphoreType.DMA,
        ],
    )
    def edge_kernel(h_hbm, asrc_hbm, adst_hbm, eidx_hbm, part_hbm, dpart_hbm,
                    asrc_v, adst_v, zden_v, sidx2_v, didx2_v, rows2_v, coef2_v,
                    acc_sh, den_sh, gsem, ssem, dsem, isem):
        c = lax.axis_index("c")
        s = lax.axis_index("s")
        w = c * NS + s

        pltpu.async_copy(asrc_hbm, asrc_v, gsem)
        pltpu.async_copy(adst_hbm, adst_v, gsem)
        pltpu.async_copy(eidx_hbm.at[0, w, 0], sidx2_v.at[0], isem)
        pltpu.async_copy(eidx_hbm.at[1, w, 0], didx2_v.at[0], isem)

        zf = jnp.zeros((L,), jnp.float32)

        @pl.when(s == 0)
        def _zero_den():
            def zd(i, carry):
                zden_v[pl.ds(i * L, L)] = zf
                return carry

            lax.fori_loop(0, ZC // L, zd, 0)
            for j in range(NP // ZC):
                pltpu.sync_copy(zden_v, den_sh.at[pl.ds(j * ZC, ZC)])

        zrows = rows2_v.at[0]

        def zero_rows(i, carry):
            for r in range(D // L):
                zrows[i, pl.ds(r * L, L)] = zf
            return carry

        lax.fori_loop(0, C, zero_rows, 0)
        base = s * RPW
        for j in range(RPW // C):
            pltpu.sync_copy(zrows, acc_sh.at[pl.ds(base + j * C, C)])
        rem = RPW - (RPW // C) * C
        if rem:
            pltpu.sync_copy(zrows.at[pl.ds(0, rem)],
                            acc_sh.at[pl.ds(base + (RPW // C) * C, rem)])

        @pl.when(s == NS - 1)
        def _zero_tail():
            pltpu.sync_copy(zrows.at[pl.ds(0, TAIL)],
                            acc_sh.at[pl.ds(NS * RPW, TAIL)])

        pltpu.make_async_copy(asrc_hbm, asrc_v, gsem).wait()
        pltpu.make_async_copy(adst_hbm, adst_v, gsem).wait()

        plsc.subcore_barrier()

        def block(blk, carry):
            bb = lax.rem(blk, 2)
            sv = sidx2_v.at[bb]
            dv = didx2_v.at[bb]
            pltpu.make_async_copy(eidx_hbm.at[0, w, 0], sv, isem).wait()
            pltpu.make_async_copy(eidx_hbm.at[1, w, 0], dv, isem).wait()

            @pl.when(blk < NBLK - 1)
            def _stage_next():
                bn = jnp.minimum(blk + 1, NBLK - 1)
                pltpu.async_copy(eidx_hbm.at[0, w, bn], sidx2_v.at[1 - bb],
                                 isem)
                pltpu.async_copy(eidx_hbm.at[1, w, bn], didx2_v.at[1 - bb],
                                 isem)

            pltpu.async_copy(h_hbm.at[sv.at[0]], rows2_v.at[0], gsem)

            def chunk(j, carry2):
                b = lax.rem(j, NBUF)
                b2 = lax.rem(j, 2)
                cb = coef2_v.at[b2]
                @pl.when(j >= 2)
                def _wait_old_den_scatter():
                    pltpu.make_async_copy(
                        cb, den_sh.at[dv.at[0]], dsem).wait()

                for g in range(C // L):
                    si = sv[j, pl.ds(g * L, L)]
                    di = dv[j, pl.ds(g * L, L)]
                    a = (plsc.load_gather(asrc_v, [si])
                         + plsc.load_gather(adst_v, [di]))
                    a = jnp.where(a >= 0.0, a, a * 0.2)
                    e = jnp.exp(a)
                    cb[pl.ds(g * L, L)] = e

                pltpu.async_copy(cb, den_sh.at[dv.at[j]], dsem, add=True)

                tn = lax.rem(j + 1, NBUF)

                @pl.when(j >= NBUF - 1)
                def _wait_old_scatter():
                    pltpu.make_async_copy(
                        rows2_v.at[tn], acc_sh.at[dv.at[0]], ssem).wait()

                @pl.when(j < GB - 1)
                def _start_next_gather():
                    jn = jnp.minimum(j + 1, GB - 1)
                    pltpu.async_copy(h_hbm.at[sv.at[jn]], rows2_v.at[tn],
                                     gsem)

                pltpu.make_async_copy(
                    h_hbm.at[sv.at[0]], rows2_v.at[b], gsem).wait()
                rb = rows2_v.at[b]

                @plsc.parallel_loop(0, C, unroll=8)
                def _scale(ei):
                    ce = plsc.load_gather(
                        cb, [jnp.zeros((L,), jnp.int32) + ei])
                    for r in range(grp):
                        v = rb[ei, pl.ds(r * L, L)]
                        rb[ei, pl.ds(r * L, L)] = v * ce

                pltpu.async_copy(rows2_v.at[b], acc_sh.at[dv.at[j]], ssem,
                                 add=True)
                return carry2

            lax.fori_loop(0, GB, chunk, 0)
            for _ in range(NBUF - 1):
                pltpu.make_async_copy(
                    rows2_v.at[0], acc_sh.at[dv.at[0]], ssem).wait()
            for _ in range(2):
                pltpu.make_async_copy(
                    coef2_v.at[0], den_sh.at[dv.at[0]], dsem).wait()
            return carry

        lax.fori_loop(0, NBLK, block, 0)

        plsc.subcore_barrier()
        pltpu.sync_copy(acc_sh.at[pl.ds(base, RPW)],
                        part_hbm.at[c, pl.ds(base, RPW)])

        @pl.when(s == NS - 1)
        def _copy_tail():
            pltpu.sync_copy(acc_sh.at[pl.ds(NS * RPW, TAIL)],
                            part_hbm.at[c, pl.ds(NS * RPW, TAIL)])

        dstride = NP // NS
        pltpu.sync_copy(den_sh.at[pl.ds(s * dstride, dstride)],
                        dpart_hbm.at[c, 0, pl.ds(s * dstride, dstride)])

    return edge_kernel


_edge_kernel_l1 = _make_edge_kernel(D_HID, False, 2)
_edge_kernel_l2 = _make_edge_kernel(D_OUT, False, 3)


def _tc_first_body(x_ref, w_ref, a_ref, h_ref, al_ref):
    h = jnp.dot(x_ref[...], w_ref[...], preferred_element_type=jnp.float32)
    h_ref[...] = h
    al_ref[...] = jnp.dot(h, a_ref[...], preferred_element_type=jnp.float32)


def _tc_mid_body(p0_ref, p1_ref, dh_ref, b_ref, w_ref, a_ref, h_ref, al_ref):
    d = jnp.sum(dh_ref[...], axis=1)
    o = (p0_ref[...] + p1_ref[...]) / (d[:, None] + 1e-16) + b_ref[...]
    o = jnp.maximum(o, 0.0)
    h = jnp.dot(o, w_ref[...], preferred_element_type=jnp.float32)
    h_ref[...] = h
    al_ref[...] = jnp.dot(h, a_ref[...], preferred_element_type=jnp.float32)


def _tc_last_body(p0_ref, p1_ref, dh_ref, b_ref, out_ref):
    d = jnp.sum(dh_ref[...], axis=1)
    p = p0_ref[...] + p1_ref[...]
    o = p / (d[:, None] + 1e-16) + b_ref[...]
    m = jnp.max(o, axis=1, keepdims=True)
    ls = o - m
    out_ref[...] = ls - jnp.log(jnp.sum(jnp.exp(ls), axis=1, keepdims=True))


def _row_spec(d):
    return pl.BlockSpec((_BLK, d), lambda i: (i, 0))


def _full_spec(r, c):
    return pl.BlockSpec((r, c), lambda i: (0, 0))


_DH_SPEC = pl.BlockSpec((_BLK, NC), lambda i: (i, 0))


_tc_first = pl.pallas_call(
    _tc_first_body,
    grid=(_G,),
    in_specs=[_row_spec(D_IN), _full_spec(D_IN, D_HID), _full_spec(D_HID, 8)],
    out_specs=[_row_spec(D_HID), _row_spec(8)],
    out_shape=[
        jax.ShapeDtypeStruct((N, D_HID), jnp.float32),
        jax.ShapeDtypeStruct((N, 8), jnp.float32),
    ],
)

_tc_mid = pl.pallas_call(
    _tc_mid_body,
    grid=(_G,),
    in_specs=[_row_spec(D_HID), _row_spec(D_HID), _DH_SPEC,
              _full_spec(1, D_HID), _full_spec(D_HID, D_OUT),
              _full_spec(D_OUT, 8)],
    out_specs=[_row_spec(D_OUT), _row_spec(8)],
    out_shape=[
        jax.ShapeDtypeStruct((N, D_OUT), jnp.float32),
        jax.ShapeDtypeStruct((N, 8), jnp.float32),
    ],
)

_tc_last = pl.pallas_call(
    _tc_last_body,
    grid=(_G,),
    in_specs=[_row_spec(D_OUT), _row_spec(D_OUT), _DH_SPEC,
              _full_spec(1, D_OUT)],
    out_specs=_row_spec(D_OUT),
    out_shape=jax.ShapeDtypeStruct((N, D_OUT), jnp.float32),
)


def kernel(x, edge_index, W1, att_src1, att_dst1, b1, W2, att_src2, att_dst2, b2):
    A1 = jnp.concatenate(
        [att_src1[:, None], att_dst1[:, None],
         jnp.zeros((D_HID, 6), jnp.float32)], axis=1)
    A2 = jnp.concatenate(
        [att_src2[:, None], att_dst2[:, None],
         jnp.zeros((D_OUT, 6), jnp.float32)], axis=1)
    eidx = edge_index.reshape(2, NW, NBLK, GB, C)

    h1, al1 = _tc_first(x, W1, A1)
    part1, dp1 = _edge_kernel_l1(h1, al1[:, 0], al1[:, 1], eidx)
    h2, al2 = _tc_mid(part1[0], part1[1], dp1[:, 0, :N].T, b1[None, :], W2, A2)
    part2, dp2 = _edge_kernel_l2(h2, al2[:, 0], al2[:, 1], eidx)
    return _tc_last(part2[0], part2[1], dp2[:, 0, :N].T, b2[None, :])

# --- scband reference (transcript-rebuilt; emitter-appended) ---
"""Pipeline reference for scband-graph-policy-1881195675940 (READ-ONLY COPY).

The authoritative reference and input builder live on the scoring server;
editing this copy changes nothing except your own understanding.
"""

import jax, jax.numpy as jnp
import numpy as np

N = 10000
E = 320000
D_IN = 128
D_HID = 128
D_OUT = 64


def setup_inputs(seed: int = 0) -> dict:
    key = jax.random.key(seed)
    ks = jax.random.split(key, 12)
    x = jax.random.normal(ks[0], (N, D_IN), dtype=jnp.float32)
    edge_index = jax.random.randint(ks[1], (2, E), 0, N, dtype=jnp.int32)
    W1 = jax.random.normal(ks[2], (D_IN, D_HID), dtype=jnp.float32) * (1.0 / np.sqrt(D_IN))
    att_src1 = jax.random.normal(ks[3], (D_HID,), dtype=jnp.float32) * (1.0 / np.sqrt(D_HID))
    att_dst1 = jax.random.normal(ks[4], (D_HID,), dtype=jnp.float32) * (1.0 / np.sqrt(D_HID))
    b1 = jnp.zeros((D_HID,), dtype=jnp.float32)
    W2 = jax.random.normal(ks[5], (D_HID, D_OUT), dtype=jnp.float32) * (1.0 / np.sqrt(D_HID))
    att_src2 = jax.random.normal(ks[6], (D_OUT,), dtype=jnp.float32) * (1.0 / np.sqrt(D_OUT))
    att_dst2 = jax.random.normal(ks[7], (D_OUT,), dtype=jnp.float32) * (1.0 / np.sqrt(D_OUT))
    b2 = jnp.zeros((D_OUT,), dtype=jnp.float32)
    return {"x": x, "edge_index": edge_index, "W1": W1, "att_src1": att_src1, "att_dst1": att_dst1, "b1": b1, "W2": W2, "att_src2": att_src2, "att_dst2": att_dst2, "b2": b2}


def _gat_conv(x, edge_index, W, a_src, a_dst, b):
    # PyG GATConv, heads=1, concat=True, negative_slope=0.2
    h = x @ W                                   # [N, D]
    src = edge_index[0]
    dst = edge_index[1]
    alpha_src = (h * a_src).sum(axis=-1)        # [N]
    alpha_dst = (h * a_dst).sum(axis=-1)        # [N]
    alpha = alpha_src[src] + alpha_dst[dst]     # [E]  (gather)
    alpha = jax.nn.leaky_relu(alpha, negative_slope=0.2)
    # segment softmax over incoming edges of each dst node
    amax = jax.ops.segment_max(alpha, dst, num_segments=N)
    amax = jnp.where(jnp.isfinite(amax), amax, 0.0)
    ex = jnp.exp(alpha - amax[dst])
    denom = jax.ops.segment_sum(ex, dst, num_segments=N)
    coef = ex / (denom[dst] + 1e-16)            # [E]
    msg = h[src] * coef[:, None]                # gather + scale
    out = jax.ops.segment_sum(msg, dst, num_segments=N)  # scatter-add
    return out + b


def reference(x, edge_index, W1, att_src1, att_dst1, b1, W2, att_src2, att_dst2, b2):
    h = jax.nn.relu(_gat_conv(x, edge_index, W1, att_src1, att_dst1, b1))
    h = _gat_conv(h, edge_index, W2, att_src2, att_dst2, b2)
    return jax.nn.log_softmax(h, axis=1)

if __name__ == "__main__":
    import jax
    _d = setup_inputs()
    print(jax.jit(kernel)(*tuple(_d.values())))

</pallas_src>

<mosaic_0001>
#map = affine_map<(d0, d1) -> (0, 0)>
#map1 = affine_map<(d0, d1) -> (0)>
#map2 = affine_map<(d0, d1) -> (0, 0, 0, 0, 0)>
#map3 = affine_map<(d0, d1) -> (0, 0, 0)>
module attributes {stable_mosaic.version = 14 : i64} {
  func.func @edge_kernel(%arg0: i32, %arg1: i32, %arg2: memref<10000x64xf32, #tpu.memory_space<hbm>>, %arg3: memref<10000xf32, #tpu.memory_space<hbm>>, %arg4: memref<10000xf32, #tpu.memory_space<hbm>>, %arg5: memref<2x32x25x5x80xi32, #tpu.memory_space<hbm>>, %arg6: memref<2x10000x64xf32, #tpu.memory_space<hbm>>, %arg7: memref<2x1x10240xf32, #tpu.memory_space<hbm>>, %arg8: memref<10000xf32, #tpu.memory_space<vmem>>, %arg9: memref<10000xf32, #tpu.memory_space<vmem>>, %arg10: memref<2048xf32, #tpu.memory_space<vmem>>, %arg11: memref<2x5x80xi32, #tpu.memory_space<vmem>>, %arg12: memref<2x5x80xi32, #tpu.memory_space<vmem>>, %arg13: memref<3x80x64xf32, #tpu.memory_space<vmem>>, %arg14: memref<2x80xf32, #tpu.memory_space<vmem>>, %arg15: memref<10000x64xf32, #tpu.memory_space<vmem_shared>>, %arg16: memref<10240xf32, #tpu.memory_space<vmem_shared>>, %arg17: memref<!tpu.dma_semaphore, #tpu.memory_space<semaphore_mem>>, %arg18: memref<!tpu.dma_semaphore, #tpu.memory_space<semaphore_mem>>, %arg19: memref<!tpu.dma_semaphore, #tpu.memory_space<semaphore_mem>>, %arg20: memref<!tpu.dma_semaphore, #tpu.memory_space<semaphore_mem>>) attributes {dimension_semantics = [#tpu.dimension_semantics<core_parallel>, #tpu.dimension_semantics<subcore_parallel>], iteration_bounds = array<i64: 2, 16>, scalar_prefetch = 0 : i64, scratch_operands = 13 : i64, tpu.core_type = #tpu.core_type<sc_vector_subcore>, window_params = [{transform_indices = #map}, {transform_indices = #map1}, {transform_indices = #map1}, {transform_indices = #map2}, {transform_indices = #map3}, {transform_indices = #map3}]} {
    %mul3A = arith.constant 16 : i32
    %mul3A_0 = arith.muli %arg0, %mul3A : i32
    %add3A = arith.addi %mul3A_0, %arg1 : i32
    tpu.enqueue_dma source(%arg3 : memref<10000xf32, #tpu.memory_space<hbm>>) target(%arg8 : memref<10000xf32, #tpu.memory_space<vmem>>) target_semaphore(%arg17 : memref<!tpu.dma_semaphore, #tpu.memory_space<semaphore_mem>>)
    tpu.enqueue_dma source(%arg4 : memref<10000xf32, #tpu.memory_space<hbm>>) target(%arg9 : memref<10000xf32, #tpu.memory_space<vmem>>) target_semaphore(%arg17 : memref<!tpu.dma_semaphore, #tpu.memory_space<semaphore_mem>>)
    %dma_start3A = arith.constant 0 : i32
    %dma_start3A_1 = arith.constant 0 : i32
    %dma_start3A_2 = arith.constant 0 : i32
    %dma_start3A_3 = arith.constant 0 : i32
    %dma_start3A_4 = arith.constant 0 : i32
    %dma_start3A_5 = tpu.memref_slice %arg11[%dma_start3A_2, %dma_start3A_3, %dma_start3A_4] : memref<2x5x80xi32, #tpu.memory_space<vmem>> -> memref<1x5x80xi32, #tpu.memory_space<vmem>>
    %dma_start3A_6 = tpu.memref_squeeze %dma_start3A_5 : memref<1x5x80xi32, #tpu.memory_space<vmem>> -> memref<5x80xi32, #tpu.memory_space<vmem>>
    %dma_start3A_7 = arith.constant 0 : i32
    %dma_start3A_8 = arith.constant 0 : i32
    %dma_start3A_9 = tpu.memref_slice %arg5[%dma_start3A, %add3A, %dma_start3A_1, %dma_start3A_7, %dma_start3A_8] : memref<2x32x25x5x80xi32, #tpu.memory_space<hbm>> -> memref<1x1x1x5x80xi32, #tpu.memory_space<hbm>>
    %dma_start3A_10 = tpu.memref_squeeze %dma_start3A_9 : memref<1x1x1x5x80xi32, #tpu.memory_space<hbm>> -> memref<5x80xi32, #tpu.memory_space<hbm>>
    %dma_start3A_11 = arith.constant 0 : i32
    %dma_start3A_12 = arith.constant 0 : i32
    %dma_start3A_13 = tpu.memref_slice %arg11[%dma_start3A_2, %dma_start3A_11, %dma_start3A_12] : memref<2x5x80xi32, #tpu.memory_space<vmem>> -> memref<1x5x80xi32, #tpu.memory_space<vmem>>
    %dma_start3A_14 = tpu.memref_squeeze %dma_start3A_13 : memref<1x5x80xi32, #tpu.memory_space<vmem>> -> memref<5x80xi32, #tpu.memory_space<vmem>>
    %dma_start3A_15 = arith.constant 0 : i32
    %dma_start3A_16 = arith.constant 0 : i32
    %dma_start3A_17 = tpu.memref_slice %arg5[%dma_start3A, %add3A, %dma_start3A_1, %dma_start3A_15, %dma_start3A_16] : memref<2x32x25x5x80xi32, #tpu.memory_space<hbm>> -> memref<1x1x1x5x80xi32, #tpu.memory_space<hbm>>
    %dma_start3A_18 = tpu.memref_squeeze %dma_start3A_17 : memref<1x1x1x5x80xi32, #tpu.memory_space<hbm>> -> memref<5x80xi32, #tpu.memory_space<hbm>>
    tpu.enqueue_dma source(%dma_start3A_18 : memref<5x80xi32, #tpu.memory_space<hbm>>) target(%dma_start3A_14 : memref<5x80xi32, #tpu.memory_space<vmem>>) target_semaphore(%arg20 : memref<!tpu.dma_semaphore, #tpu.memory_space<semaphore_mem>>)
    %dma_start3A_19 = arith.constant 1 : i32
    %dma_start3A_20 = arith.constant 0 : i32
    %dma_start3A_21 = arith.constant 0 : i32
    %dma_start3A_22 = arith.constant 0 : i32
    %dma_start3A_23 = arith.constant 0 : i32
    %dma_start3A_24 = tpu.memref_slice %arg12[%dma_start3A_21, %dma_start3A_22, %dma_start3A_23] : memref<2x5x80xi32, #tpu.memory_space<vmem>> -> memref<1x5x80xi32, #tpu.memory_space<vmem>>
    %dma_start3A_25 = tpu.memref_squeeze %dma_start3A_24 : memref<1x5x80xi32, #tpu.memory_space<vmem>> -> memref<5x80xi32, #tpu.memory_space<vmem>>
    %dma_start3A_26 = arith.constant 0 : i32
    %dma_start3A_27 = arith.constant 0 : i32
    %dma_start3A_28 = tpu.memref_slice %arg5[%dma_start3A_19, %add3A, %dma_start3A_20, %dma_start3A_26, %dma_start3A_27] : memref<2x32x25x5x80xi32, #tpu.memory_space<hbm>> -> memref<1x1x1x5x80xi32, #tpu.memory_space<hbm>>
    %dma_start3A_29 = tpu.memref_squeeze %dma_start3A_28 : memref<1x1x1x5x80xi32, #tpu.memory_space<hbm>> -> memref<5x80xi32, #tpu.memory_space<hbm>>
    %dma_start3A_30 = arith.constant 0 : i32
    %dma_start3A_31 = arith.constant 0 : i32
    %dma_start3A_32 = tpu.memref_slice %arg12[%dma_start3A_21, %dma_start3A_30, %dma_start3A_31] : memref<2x5x80xi32, #tpu.memory_space<vmem>> -> memref<1x5x80xi32, #tpu.memory_space<vmem>>
    %dma_start3A_33 = tpu.memref_squeeze %dma_start3A_32 : memref<1x5x80xi32, #tpu.memory_space<vmem>> -> memref<5x80xi32, #tpu.memory_space<vmem>>
    %dma_start3A_34 = arith.constant 0 : i32
    %dma_start3A_35 = arith.constant 0 : i32
    %dma_start3A_36 = tpu.memref_slice %arg5[%dma_start3A_19, %add3A, %dma_start3A_20, %dma_start3A_34, %dma_start3A_35] : memref<2x32x25x5x80xi32, #tpu.memory_space<hbm>> -> memref<1x1x1x5x80xi32, #tpu.memory_space<hbm>>
    %dma_start3A_37 = tpu.memref_squeeze %dma_start3A_36 : memref<1x1x1x5x80xi32, #tpu.memory_space<hbm>> -> memref<5x80xi32, #tpu.memory_space<hbm>>
    tpu.enqueue_dma source(%dma_start3A_37 : memref<5x80xi32, #tpu.memory_space<hbm>>) target(%dma_start3A_33 : memref<5x80xi32, #tpu.memory_space<vmem>>) target_semaphore(%arg20 : memref<!tpu.dma_semaphore, #tpu.memory_space<semaphore_mem>>)
    %broadcast_in_dim3A = arith.constant 0.000000e+00 : f32
    %broadcast_in_dim3A_38 = vector.broadcast %broadcast_in_dim3A : f32 to vector<16xf32>
    %eq3A = arith.constant 0 : i32
    %eq3A_39 = arith.cmpi eq, %arg1, %eq3A : i32
    %convert_element_type3A = arith.extui %eq3A_39 : i1 to i32
    %cond3A = arith.constant 0 : i32
    %cond3A_40 = arith.cmpi ne, %convert_element_type3A, %cond3A : i32
    scf.if %cond3A_40 {
      %scan3A_95 = arith.constant 0 : i32
      %scan3A_96 = arith.constant 0 : i32
      %scan3A_97 = arith.constant 128 : i32
      %scan3A_98 = arith.addi %scan3A_96, %scan3A_97 : i32
      %scan3A_99 = arith.constant 1 : i32
      scf.for %scan3A_101 = %scan3A_96 to %scan3A_98 step %scan3A_99  : i32 {
        %mul3A_102 = arith.constant 16 : i32
        %mul3A_103 = arith.muli %scan3A_101, %mul3A_102 : i32
        %swap3A = arith.index_cast %mul3A_103 : i32 to index
        %swap3A_104 = tpu.vector_load %arg10[%swap3A] {strides = array<i32>} : memref<2048xf32, #tpu.memory_space<vmem>>, vector<16xf32>,
        tpu.vector_store %arg10[%swap3A], %broadcast_in_dim3A_38 {strides = array<i32>} : memref<2048xf32, #tpu.memory_space<vmem>>, vector<16xf32>,
      }
      %scan3A_100 = arith.constant 128 : i32
      "tpu.region"() ({
        %run_scoped3A_101 = tpu.sem_alloc : memref<!tpu.dma_semaphore, #tpu.memory_space<semaphore_mem>>
        %dma_start3A_102 = arith.constant 0 : i32
        %dma_start3A_103 = tpu.memref_slice %arg16[%dma_start3A_102] : memref<10240xf32, #tpu.memory_space<vmem_shared>> -> memref<2048xf32, #tpu.memory_space<vmem_shared>>
        %dma_start3A_104 = arith.constant 0 : i32
        %dma_start3A_105 = tpu.memref_slice %arg16[%dma_start3A_104] : memref<10240xf32, #tpu.memory_space<vmem_shared>> -> memref<2048xf32, #tpu.memory_space<vmem_shared>>
        tpu.enqueue_dma source(%arg10 : memref<2048xf32, #tpu.memory_space<vmem>>) target(%dma_start3A_105 : memref<2048xf32, #tpu.memory_space<vmem_shared>>) target_semaphore(%run_scoped3A_101 : memref<!tpu.dma_semaphore, #tpu.memory_space<semaphore_mem>>)
        %dma_wait3A = arith.constant 0 : i32
        %dma_wait3A_106 = tpu.memref_slice %arg16[%dma_wait3A] : memref<10240xf32, #tpu.memory_space<vmem_shared>> -> memref<2048xf32, #tpu.memory_space<vmem_shared>>
        %dma_wait3A_107 = arith.constant 0 : i32
        %dma_wait3A_108 = tpu.memref_slice %arg16[%dma_wait3A_107] : memref<10240xf32, #tpu.memory_space<vmem_shared>> -> memref<2048xf32, #tpu.memory_space<vmem_shared>>
        tpu.wait_dma2 semaphore(%run_scoped3A_101 : memref<!tpu.dma_semaphore, #tpu.memory_space<semaphore_mem>>) src(%arg10 : memref<2048xf32, #tpu.memory_space<vmem>>) dst(%dma_wait3A_108 : memref<2048xf32, #tpu.memory_space<vmem_shared>>)
        tpu.yield
      }) : () -> ()
      "tpu.region"() ({
        %run_scoped3A_101 = tpu.sem_alloc : memref<!tpu.dma_semaphore, #tpu.memory_space<semaphore_mem>>
        %dma_start3A_102 = arith.constant 2048 : i32
        %dma_start3A_103 = tpu.memref_slice %arg16[%dma_start3A_102] : memref<10240xf32, #tpu.memory_space<vmem_shared>> -> memref<2048xf32, #tpu.memory_space<vmem_shared>>
        %dma_start3A_104 = arith.constant 2048 : i32
        %dma_start3A_105 = tpu.memref_slice %arg16[%dma_start3A_104] : memref<10240xf32, #tpu.memory_space<vmem_shared>> -> memref<2048xf32, #tpu.memory_space<vmem_shared>>
        tpu.enqueue_dma source(%arg10 : memref<2048xf32, #tpu.memory_space<vmem>>) target(%dma_start3A_105 : memref<2048xf32, #tpu.memory_space<vmem_shared>>) target_semaphore(%run_scoped3A_101 : memref<!tpu.dma_semaphore, #tpu.memory_space<semaphore_mem>>)
        %dma_wait3A = arith.constant 2048 : i32
        %dma_wait3A_106 = tpu.memref_slice %arg16[%dma_wait3A] : memref<10240xf32, #tpu.memory_space<vmem_shared>> -> memref<2048xf32, #tpu.memory_space<vmem_shared>>
        %dma_wait3A_107 = arith.constant 2048 : i32
        %dma_wait3A_108 = tpu.memref_slice %arg16[%dma_wait3A_107] : memref<10240xf32, #tpu.memory_space<vmem_shared>> -> memref<2048xf32, #tpu.memory_space<vmem_shared>>
        tpu.wait_dma2 semaphore(%run_scoped3A_101 : memref<!tpu.dma_semaphore, #tpu.memory_space<semaphore_mem>>) src(%arg10 : memref<2048xf32, #tpu.memory_space<vmem>>) dst(%dma_wait3A_108 : memref<2048xf32, #tpu.memory_space<vmem_shared>>)
        tpu.yield
      }) : () -> ()
      "tpu.region"() ({
        %run_scoped3A_101 = tpu.sem_alloc : memref<!tpu.dma_semaphore, #tpu.memory_space<semaphore_mem>>
        %dma_start3A_102 = arith.constant 4096 : i32
        %dma_start3A_103 = tpu.memref_slice %arg16[%dma_start3A_102] : memref<10240xf32, #tpu.memory_space<vmem_shared>> -> memref<2048xf32, #tpu.memory_space<vmem_shared>>
        %dma_start3A_104 = arith.constant 4096 : i32
        %dma_start3A_105 = tpu.memref_slice %arg16[%dma_start3A_104] : memref<10240xf32, #tpu.memory_space<vmem_shared>> -> memref<2048xf32, #tpu.memory_space<vmem_shared>>
        tpu.enqueue_dma source(%arg10 : memref<2048xf32, #tpu.memory_space<vmem>>) target(%dma_start3A_105 : memref<2048xf32, #tpu.memory_space<vmem_shared>>) target_semaphore(%run_scoped3A_101 : memref<!tpu.dma_semaphore, #tpu.memory_space<semaphore_mem>>)
        %dma_wait3A = arith.constant 4096 : i32
        %dma_wait3A_106 = tpu.memref_slice %arg16[%dma_wait3A] : memref<10240xf32, #tpu.memory_space<vmem_shared>> -> memref<2048xf32, #tpu.memory_space<vmem_shared>>
        %dma_wait3A_107 = arith.constant 4096 : i32
        %dma_wait3A_108 = tpu.memref_slice %arg16[%dma_wait3A_107] : memref<10240xf32, #tpu.memory_space<vmem_shared>> -> memref<2048xf32, #tpu.memory_space<vmem_shared>>
        tpu.wait_dma2 semaphore(%run_scoped3A_101 : memref<!tpu.dma_semaphore, #tpu.memory_space<semaphore_mem>>) src(%arg10 : memref<2048xf32, #tpu.memory_space<vmem>>) dst(%dma_wait3A_108 : memref<2048xf32, #tpu.memory_space<vmem_shared>>)
        tpu.yield
      }) : () -> ()
      "tpu.region"() ({
        %run_scoped3A_101 = tpu.sem_alloc : memref<!tpu.dma_semaphore, #tpu.memory_space<semaphore_mem>>
        %dma_start3A_102 = arith.constant 6144 : i32
        %dma_start3A_103 = tpu.memref_slice %arg16[%dma_start3A_102] : memref<10240xf32, #tpu.memory_space<vmem_shared>> -> memref<2048xf32, #tpu.memory_space<vmem_shared>>
        %dma_start3A_104 = arith.constant 6144 : i32
        %dma_start3A_105 = tpu.memref_slice %arg16[%dma_start3A_104] : memref<10240xf32, #tpu.memory_space<vmem_shared>> -> memref<2048xf32, #tpu.memory_space<vmem_shared>>
        tpu.enqueue_dma source(%arg10 : memref<2048xf32, #tpu.memory_space<vmem>>) target(%dma_start3A_105 : memref<2048xf32, #tpu.memory_space<vmem_shared>>) target_semaphore(%run_scoped3A_101 : memref<!tpu.dma_semaphore, #tpu.memory_space<semaphore_mem>>)
        %dma_wait3A = arith.constant 6144 : i32
        %dma_wait3A_106 = tpu.memref_slice %arg16[%dma_wait3A] : memref<10240xf32, #tpu.memory_space<vmem_shared>> -> memref<2048xf32, #tpu.memory_space<vmem_shared>>
        %dma_wait3A_107 = arith.constant 6144 : i32
        %dma_wait3A_108 = tpu.memref_slice %arg16[%dma_wait3A_107] : memref<10240xf32, #tpu.memory_space<vmem_shared>> -> memref<2048xf32, #tpu.memory_space<vmem_shared>>
        tpu.wait_dma2 semaphore(%run_scoped3A_101 : memref<!tpu.dma_semaphore, #tpu.memory_space<semaphore_mem>>) src(%arg10 : memref<2048xf32, #tpu.memory_space<vmem>>) dst(%dma_wait3A_108 : memref<2048xf32, #tpu.memory_space<vmem_shared>>)
        tpu.yield
      }) : () -> ()
      "tpu.region"() ({
        %run_scoped3A_101 = tpu.sem_alloc : memref<!tpu.dma_semaphore, #tpu.memory_space<semaphore_mem>>
        %dma_start3A_102 = arith.constant 8192 : i32
        %dma_start3A_103 = tpu.memref_slice %arg16[%dma_start3A_102] : memref<10240xf32, #tpu.memory_space<vmem_shared>> -> memref<2048xf32, #tpu.memory_space<vmem_shared>>
        %dma_start3A_104 = arith.constant 8192 : i32
        %dma_start3A_105 = tpu.memref_slice %arg16[%dma_start3A_104] : memref<10240xf32, #tpu.memory_space<vmem_shared>> -> memref<2048xf32, #tpu.memory_space<vmem_shared>>
        tpu.enqueue_dma source(%arg10 : memref<2048xf32, #tpu.memory_space<vmem>>) target(%dma_start3A_105 : memref<2048xf32, #tpu.memory_space<vmem_shared>>) target_semaphore(%run_scoped3A_101 : memref<!tpu.dma_semaphore, #tpu.memory_space<semaphore_mem>>)
        %dma_wait3A = arith.constant 8192 : i32
        %dma_wait3A_106 = tpu.memref_slice %arg16[%dma_wait3A] : memref<10240xf32, #tpu.memory_space<vmem_shared>> -> memref<2048xf32, #tpu.memory_space<vmem_shared>>
        %dma_wait3A_107 = arith.constant 8192 : i32
        %dma_wait3A_108 = tpu.memref_slice %arg16[%dma_wait3A_107] : memref<10240xf32, #tpu.memory_space<vmem_shared>> -> memref<2048xf32, #tpu.memory_space<vmem_shared>>
        tpu.wait_dma2 semaphore(%run_scoped3A_101 : memref<!tpu.dma_semaphore, #tpu.memory_space<semaphore_mem>>) src(%arg10 : memref<2048xf32, #tpu.memory_space<vmem>>) dst(%dma_wait3A_108 : memref<2048xf32, #tpu.memory_space<vmem_shared>>)
        tpu.yield
      }) : () -> ()
    } else {
    }
    %scan3A = arith.constant 0 : i32
    %scan3A_41 = arith.constant 0 : i32
    %scan3A_42 = arith.constant 0 : i32
    %scan3A_43 = arith.constant 80 : i32
    %scan3A_44 = arith.addi %scan3A_42, %scan3A_43 : i32
    %scan3A_45 = arith.constant 1 : i32
    scf.for %scan3A_95 = %scan3A_42 to %scan3A_44 step %scan3A_45  : i32 {
      %swap3A = arith.constant 0 : i32
      %swap3A_96 = arith.constant 0 : i32
      %swap3A_97 = tpu.memref_slice %arg13[%scan3A_41, %swap3A, %swap3A_96] : memref<3x80x64xf32, #tpu.memory_space<vmem>> -> memref<1x80x64xf32, #tpu.memory_space<vmem>>
      %swap3A_98 = tpu.memref_squeeze %swap3A_97 : memref<1x80x64xf32, #tpu.memory_space<vmem>> -> memref<80x64xf32, #tpu.memory_space<vmem>>
      %swap3A_99 = arith.index_cast %scan3A_95 : i32 to index
      %swap3A_100 = arith.constant 0 : index
      %swap3A_101 = tpu.vector_load %swap3A_98[%swap3A_99, %swap3A_100] {strides = array<i32>} : memref<80x64xf32, #tpu.memory_space<vmem>>, vector<16xf32>,
      tpu.vector_store %swap3A_98[%swap3A_99, %swap3A_100], %broadcast_in_dim3A_38 {strides = array<i32>} : memref<80x64xf32, #tpu.memory_space<vmem>>, vector<16xf32>,
      %swap3A_102 = arith.constant 0 : i32
      %swap3A_103 = arith.constant 0 : i32
      %swap3A_104 = tpu.memref_slice %arg13[%scan3A_41, %swap3A_102, %swap3A_103] : memref<3x80x64xf32, #tpu.memory_space<vmem>> -> memref<1x80x64xf32, #tpu.memory_space<vmem>>
      %swap3A_105 = tpu.memref_squeeze %swap3A_104 : memref<1x80x64xf32, #tpu.memory_space<vmem>> -> memref<80x64xf32, #tpu.memory_space<vmem>>
      %swap3A_106 = arith.index_cast %scan3A_95 : i32 to index
      %swap3A_107 = arith.constant 16 : index
      %swap3A_108 = tpu.vector_load %swap3A_105[%swap3A_106, %swap3A_107] {strides = array<i32>} : memref<80x64xf32, #tpu.memory_space<vmem>>, vector<16xf32>,
      tpu.vector_store %swap3A_105[%swap3A_106, %swap3A_107], %broadcast_in_dim3A_38 {strides = array<i32>} : memref<80x64xf32, #tpu.memory_space<vmem>>, vector<16xf32>,
      %swap3A_109 = arith.constant 0 : i32
      %swap3A_110 = arith.constant 0 : i32
      %swap3A_111 = tpu.memref_slice %arg13[%scan3A_41, %swap3A_109, %swap3A_110] : memref<3x80x64xf32, #tpu.memory_space<vmem>> -> memref<1x80x64xf32, #tpu.memory_space<vmem>>
      %swap3A_112 = tpu.memref_squeeze %swap3A_111 : memref<1x80x64xf32, #tpu.memory_space<vmem>> -> memref<80x64xf32, #tpu.memory_space<vmem>>
      %swap3A_113 = arith.index_cast %scan3A_95 : i32 to index
      %swap3A_114 = arith.constant 32 : index
      %swap3A_115 = tpu.vector_load %swap3A_112[%swap3A_113, %swap3A_114] {strides = array<i32>} : memref<80x64xf32, #tpu.memory_space<vmem>>, vector<16xf32>,
      tpu.vector_store %swap3A_112[%swap3A_113, %swap3A_114], %broadcast_in_dim3A_38 {strides = array<i32>} : memref<80x64xf32, #tpu.memory_space<vmem>>, vector<16xf32>,
      %swap3A_116 = arith.constant 0 : i32
      %swap3A_117 = arith.constant 0 : i32
      %swap3A_118 = tpu.memref_slice %arg13[%scan3A_41, %swap3A_116, %swap3A_117] : memref<3x80x64xf32, #tpu.memory_space<vmem>> -> memref<1x80x64xf32, #tpu.memory_space<vmem>>
      %swap3A_119 = tpu.memref_squeeze %swap3A_118 : memref<1x80x64xf32, #tpu.memory_space<vmem>> -> memref<80x64xf32, #tpu.memory_space<vmem>>
      %swap3A_120 = arith.index_cast %scan3A_95 : i32 to index
      %swap3A_121 = arith.constant 48 : index
      %swap3A_122 = tpu.vector_load %swap3A_119[%swap3A_120, %swap3A_121] {strides = array<i32>} : memref<80x64xf32, #tpu.memory_space<vmem>>, vector<16xf32>,
      tpu.vector_store %swap3A_119[%swap3A_120, %swap3A_121], %broadcast_in_dim3A_38 {strides = array<i32>} : memref<80x64xf32, #tpu.memory_space<vmem>>, vector<16xf32>,
    }
    %scan3A_46 = arith.constant 80 : i32
    %mul3A_47 = arith.constant 624 : i32
    %mul3A_48 = arith.muli %arg1, %mul3A_47 : i32
    %add3A_49 = arith.constant 0 : i32
    %add3A_50 = arith.addi %mul3A_48, %add3A_49 : i32
    %run_scoped3A = arith.constant 0 : i32
    "tpu.region"() ({
      %run_scoped3A_95 = tpu.sem_alloc : memref<!tpu.dma_semaphore, #tpu.memory_space<semaphore_mem>>
      %dma_start3A_96 = arith.constant 0 : i32
      %dma_start3A_97 = arith.constant 0 : i32
      %dma_start3A_98 = tpu.memref_slice %arg13[%run_scoped3A, %dma_start3A_96, %dma_start3A_97] : memref<3x80x64xf32, #tpu.memory_space<vmem>> -> memref<1x80x64xf32, #tpu.memory_space<vmem>>
      %dma_start3A_99 = tpu.memref_squeeze %dma_start3A_98 : memref<1x80x64xf32, #tpu.memory_space<vmem>> -> memref<80x64xf32, #tpu.memory_space<vmem>>
      %dma_start3A_100 = arith.constant 0 : i32
      %dma_start3A_101 = tpu.memref_slice %arg15[%add3A_50, %dma_start3A_100] : memref<10000x64xf32, #tpu.memory_space<vmem_shared>> -> memref<80x64xf32, #tpu.memory_space<vmem_shared>>
      %dma_start3A_102 = arith.constant 0 : i32
      %dma_start3A_103 = tpu.memref_slice %arg15[%add3A_50, %dma_start3A_102] : memref<10000x64xf32, #tpu.memory_space<vmem_shared>> -> memref<80x64xf32, #tpu.memory_space<vmem_shared>>
      %dma_start3A_104 = arith.constant 0 : i32
      %dma_start3A_105 = arith.constant 0 : i32
      %dma_start3A_106 = tpu.memref_slice %arg13[%run_scoped3A, %dma_start3A_104, %dma_start3A_105] : memref<3x80x64xf32, #tpu.memory_space<vmem>> -> memref<1x80x64xf32, #tpu.memory_space<vmem>>
      %dma_start3A_107 = tpu.memref_squeeze %dma_start3A_106 : memref<1x80x64xf32, #tpu.memory_space<vmem>> -> memref<80x64xf32, #tpu.memory_space<vmem>>
      tpu.enqueue_dma source(%dma_start3A_107 : memref<80x64xf32, #tpu.memory_space<vmem>>) target(%dma_start3A_103 : memref<80x64xf32, #tpu.memory_space<vmem_shared>>) target_semaphore(%run_scoped3A_95 : memref<!tpu.dma_semaphore, #tpu.memory_space<semaphore_mem>>)
      %dma_wait3A = arith.constant 0 : i32
      %dma_wait3A_108 = arith.constant 0 : i32
      %dma_wait3A_109 = tpu.memref_slice %arg13[%run_scoped3A, %dma_wait3A, %dma_wait3A_108] : memref<3x80x64xf32, #tpu.memory_space<vmem>> -> memref<1x80x64xf32, #tpu.memory_space<vmem>>
      %dma_wait3A_110 = tpu.memref_squeeze %dma_wait3A_109 : memref<1x80x64xf32, #tpu.memory_space<vmem>> -> memref<80x64xf32, #tpu.memory_space<vmem>>
      %dma_wait3A_111 = arith.constant 0 : i32
      %dma_wait3A_112 = tpu.memref_slice %arg15[%add3A_50, %dma_wait3A_111] : memref<10000x64xf32, #tpu.memory_space<vmem_shared>> -> memref<80x64xf32, #tpu.memory_space<vmem_shared>>
      %dma_wait3A_113 = arith.constant 0 : i32
      %dma_wait3A_114 = tpu.memref_slice %arg15[%add3A_50, %dma_wait3A_113] : memref<10000x64xf32, #tpu.memory_space<vmem_shared>> -> memref<80x64xf32, #tpu.memory_space<vmem_shared>>
      %dma_wait3A_115 = arith.constant 0 : i32
      %dma_wait3A_116 = arith.constant 0 : i32
      %dma_wait3A_117 = tpu.memref_slice %arg13[%run_scoped3A, %dma_wait3A_115, %dma_wait3A_116] : memref<3x80x64xf32, #tpu.memory_space<vmem>> -> memref<1x80x64xf32, #tpu.memory_space<vmem>>
      %dma_wait3A_118 = tpu.memref_squeeze %dma_wait3A_117 : memref<1x80x64xf32, #tpu.memory_space<vmem>> -> memref<80x64xf32, #tpu.memory_space<vmem>>
      tpu.wait_dma2 semaphore(%run_scoped3A_95 : memref<!tpu.dma_semaphore, #tpu.memory_space<semaphore_mem>>) src(%dma_wait3A_118 : memref<80x64xf32, #tpu.memory_space<vmem>>) dst(%dma_wait3A_114 : memref<80x64xf32, #tpu.memory_space<vmem_shared>>)
      tpu.yield
    }) : () -> ()
    %add3A_51 = arith.constant 80 : i32
    %add3A_52 = arith.addi %mul3A_48, %add3A_51 : i32
    %run_scoped3A_53 = arith.constant 0 : i32
    "tpu.region"() ({
      %run_scoped3A_95 = tpu.sem_alloc : memref<!tpu.dma_semaphore, #tpu.memory_space<semaphore_mem>>
      %dma_start3A_96 = arith.constant 0 : i32
      %dma_start3A_97 = arith.constant 0 : i32
      %dma_start3A_98 = tpu.memref_slice %arg13[%run_scoped3A_53, %dma_start3A_96, %dma_start3A_97] : memref<3x80x64xf32, #tpu.memory_space<vmem>> -> memref<1x80x64xf32, #tpu.memory_space<vmem>>
      %dma_start3A_99 = tpu.memref_squeeze %dma_start3A_98 : memref<1x80x64xf32, #tpu.memory_space<vmem>> -> memref<80x64xf32, #tpu.memory_space<vmem>>
      %dma_start3A_100 = arith.constant 0 : i32
      %dma_start3A_101 = tpu.memref_slice %arg15[%add3A_52, %dma_start3A_100] : memref<10000x64xf32, #tpu.memory_space<vmem_shared>> -> memref<80x64xf32, #tpu.memory_space<vmem_shared>>
      %dma_start3A_102 = arith.constant 0 : i32
      %dma_start3A_103 = tpu.memref_slice %arg15[%add3A_52, %dma_start3A_102] : memref<10000x64xf32, #tpu.memory_space<vmem_shared>> -> memref<80x64xf32, #tpu.memory_space<vmem_shared>>
      %dma_start3A_104 = arith.constant 0 : i32
      %dma_start3A_105 = arith.constant 0 : i32
      %dma_start3A_106 = tpu.memref_slice %arg13[%run_scoped3A_53, %dma_start3A_104, %dma_start3A_105] : memref<3x80x64xf32, #tpu.memory_space<vmem>> -> memref<1x80x64xf32, #tpu.memory_space<vmem>>
      %dma_start3A_107 = tpu.memref_squeeze %dma_start3A_106 : memref<1x80x64xf32, #tpu.memory_space<vmem>> -> memref<80x64xf32, #tpu.memory_space<vmem>>
      tpu.enqueue_dma source(%dma_start3A_107 : memref<80x64xf32, #tpu.memory_space<vmem>>) target(%dma_start3A_103 : memref<80x64xf32, #tpu.memory_space<vmem_shared>>) target_semaphore(%run_scoped3A_95 : memref<!tpu.dma_semaphore, #tpu.memory_space<semaphore_mem>>)
      %dma_wait3A = arith.constant 0 : i32
      %dma_wait3A_108 = arith.constant 0 : i32
      %dma_wait3A_109 = tpu.memref_slice %arg13[%run_scoped3A_53, %dma_wait3A, %dma_wait3A_108] : memref<3x80x64xf32, #tpu.memory_space<vmem>> -> memref<1x80x64xf32, #tpu.memory_space<vmem>>
      %dma_wait3A_110 = tpu.memref_squeeze %dma_wait3A_109 : memref<1x80x64xf32, #tpu.memory_space<vmem>> -> memref<80x64xf32, #tpu.memory_space<vmem>>
      %dma_wait3A_111 = arith.constant 0 : i32
      %dma_wait3A_112 = tpu.memref_slice %arg15[%add3A_52, %dma_wait3A_111] : memref<10000x64xf32, #tpu.memory_space<vmem_shared>> -> memref<80x64xf32, #tpu.memory_space<vmem_shared>>
      %dma_wait3A_113 = arith.constant 0 : i32
      %dma_wait3A_114 = tpu.memref_slice %arg15[%add3A_52, %dma_wait3A_113] : memref<10000x64xf32, #tpu.memory_space<vmem_shared>> -> memref<80x64xf32, #tpu.memory_space<vmem_shared>>
      %dma_wait3A_115 = arith.constant 0 : i32
      %dma_wait3A_116 = arith.constant 0 : i32
      %dma_wait3A_117 = tpu.memref_slice %arg13[%run_scoped3A_53, %dma_wait3A_115, %dma_wait3A_116] : memref<3x80x64xf32, #tpu.memory_space<vmem>> -> memref<1x80x64xf32, #tpu.memory_space<vmem>>
      %dma_wait3A_118 = tpu.memref_squeeze %dma_wait3A_117 : memref<1x80x64xf32, #tpu.memory_space<vmem>> -> memref<80x64xf32, #tpu.memory_space<vmem>>
      tpu.wait_dma2 semaphore(%run_scoped3A_95 : memref<!tpu.dma_semaphore, #tpu.memory_space<semaphore_mem>>) src(%dma_wait3A_118 : memref<80x64xf32, #tpu.memory_space<vmem>>) dst(%dma_wait3A_114 : memref<80x64xf32, #tpu.memory_space<vmem_shared>>)
      tpu.yield
    }) : () -> ()
    %add3A_54 = arith.constant 160 : i32
    %add3A_55 = arith.addi %mul3A_48, %add3A_54 : i32
    %run_scoped3A_56 = arith.constant 0 : i32
    "tpu.region"() ({
      %run_scoped3A_95 = tpu.sem_alloc : memref<!tpu.dma_semaphore, #tpu.memory_space<semaphore_mem>>
      %dma_start3A_96 = arith.constant 0 : i32
      %dma_start3A_97 = arith.constant 0 : i32
      %dma_start3A_98 = tpu.memref_slice %arg13[%run_scoped3A_56, %dma_start3A_96, %dma_start3A_97] : memref<3x80x64xf32, #tpu.memory_space<vmem>> -> memref<1x80x64xf32, #tpu.memory_space<vmem>>
      %dma_start3A_99 = tpu.memref_squeeze %dma_start3A_98 : memref<1x80x64xf32, #tpu.memory_space<vmem>> -> memref<80x64xf32, #tpu.memory_space<vmem>>
      %dma_start3A_100 = arith.constant 0 : i32
      %dma_start3A_101 = tpu.memref_slice %arg15[%add3A_55, %dma_start3A_100] : memref<10000x64xf32, #tpu.memory_space<vmem_shared>> -> memref<80x64xf32, #tpu.memory_space<vmem_shared>>
      %dma_start3A_102 = arith.constant 0 : i32
      %dma_start3A_103 = tpu.memref_slice %arg15[%add3A_55, %dma_start3A_102] : memref<10000x64xf32, #tpu.memory_space<vmem_shared>> -> memref<80x64xf32, #tpu.memory_space<vmem_shared>>
      %dma_start3A_104 = arith.constant 0 : i32
      %dma_start3A_105 = arith.constant 0 : i32
      %dma_start3A_106 = tpu.memref_slice %arg13[%run_scoped3A_56, %dma_start3A_104, %dma_start3A_105] : memref<3x80x64xf32, #tpu.memory_space<vmem>> -> memref<1x80x64xf32, #tpu.memory_space<vmem>>
      %dma_start3A_107 = tpu.memref_squeeze %dma_start3A_106 : memref<1x80x64xf32, #tpu.memory_space<vmem>> -> memref<80x64xf32, #tpu.memory_space<vmem>>
      tpu.enqueue_dma source(%dma_start3A_107 : memref<80x64xf32, #tpu.memory_space<vmem>>) target(%dma_start3A_103 : memref<80x64xf32, #tpu.memory_space<vmem_shared>>) target_semaphore(%run_scoped3A_95 : memref<!tpu.dma_semaphore, #tpu.memory_space<semaphore_mem>>)
      %dma_wait3A = arith.constant 0 : i32
      %dma_wait3A_108 = arith.constant 0 : i32
      %dma_wait3A_109 = tpu.memref_slice %arg13[%run_scoped3A_56, %dma_wait3A, %dma_wait3A_108] : memref<3x80x64xf32, #tpu.memory_space<vmem>> -> memref<1x80x64xf32, #tpu.memory_space<vmem>>
      %dma_wait3A_110 = tpu.memref_squeeze %dma_wait3A_109 : memref<1x80x64xf32, #tpu.memory_space<vmem>> -> memref<80x64xf32, #tpu.memory_space<vmem>>
      %dma_wait3A_111 = arith.constant 0 : i32
      %dma_wait3A_112 = tpu.memref_slice %arg15[%add3A_55, %dma_wait3A_111] : memref<10000x64xf32, #tpu.memory_space<vmem_shared>> -> memref<80x64xf32, #tpu.memory_space<vmem_shared>>
      %dma_wait3A_113 = arith.constant 0 : i32
      %dma_wait3A_114 = tpu.memref_slice %arg15[%add3A_55, %dma_wait3A_113] : memref<10000x64xf32, #tpu.memory_space<vmem_shared>> -> memref<80x64xf32, #tpu.memory_space<vmem_shared>>
      %dma_wait3A_115 = arith.constant 0 : i32
      %dma_wait3A_116 = arith.constant 0 : i32
      %dma_wait3A_117 = tpu.memref_slice %arg13[%run_scoped3A_56, %dma_wait3A_115, %dma_wait3A_116] : memref<3x80x64xf32, #tpu.memory_space<vmem>> -> memref<1x80x64xf32, #tpu.memory_space<vmem>>
      %dma_wait3A_118 = tpu.memref_squeeze %dma_wait3A_117 : memref<1x80x64xf32, #tpu.memory_space<vmem>> -> memref<80x64xf32, #tpu.memory_space<vmem>>
      tpu.wait_dma2 semaphore(%run_scoped3A_95 : memref<!tpu.dma_semaphore, #tpu.memory_space<semaphore_mem>>) src(%dma_wait3A_118 : memref<80x64xf32, #tpu.memory_space<vmem>>) dst(%dma_wait3A_114 : memref<80x64xf32, #tpu.memory_space<vmem_shared>>)
      tpu.yield
    }) : () -> ()
    %add3A_57 = arith.constant 240 : i32
    %add3A_58 = arith.addi %mul3A_48, %add3A_57 : i32
    %run_scoped3A_59 = arith.constant 0 : i32
    "tpu.region"() ({
      %run_scoped3A_95 = tpu.sem_alloc : memref<!tpu.dma_semaphore, #tpu.memory_space<semaphore_mem>>
      %dma_start3A_96 = arith.constant 0 : i32
      %dma_start3A_97 = arith.constant 0 : i32
      %dma_start3A_98 = tpu.memref_slice %arg13[%run_scoped3A_59, %dma_start3A_96, %dma_start3A_97] : memref<3x80x64xf32, #tpu.memory_space<vmem>> -> memref<1x80x64xf32, #tpu.memory_space<vmem>>
      %dma_start3A_99 = tpu.memref_squeeze %dma_start3A_98 : memref<1x80x64xf32, #tpu.memory_space<vmem>> -> memref<80x64xf32, #tpu.memory_space<vmem>>
      %dma_start3A_100 = arith.constant 0 : i32
      %dma_start3A_101 = tpu.memref_slice %arg15[%add3A_58, %dma_start3A_100] : memref<10000x64xf32, #tpu.memory_space<vmem_shared>> -> memref<80x64xf32, #tpu.memory_space<vmem_shared>>
      %dma_start3A_102 = arith.constant 0 : i32
      %dma_start3A_103 = tpu.memref_slice %arg15[%add3A_58, %dma_start3A_102] : memref<10000x64xf32, #tpu.memory_space<vmem_shared>> -> memref<80x64xf32, #tpu.memory_space<vmem_shared>>
      %dma_start3A_104 = arith.constant 0 : i32
      %dma_start3A_105 = arith.constant 0 : i32
      %dma_start3A_106 = tpu.memref_slice %arg13[%run_scoped3A_59, %dma_start3A_104, %dma_start3A_105] : memref<3x80x64xf32, #tpu.memory_space<vmem>> -> memref<1x80x64xf32, #tpu.memory_space<vmem>>
      %dma_start3A_107 = tpu.memref_squeeze %dma_start3A_106 : memref<1x80x64xf32, #tpu.memory_space<vmem>> -> memref<80x64xf32, #tpu.memory_space<vmem>>
      tpu.enqueue_dma source(%dma_start3A_107 : memref<80x64xf32, #tpu.memory_space<vmem>>) target(%dma_start3A_103 : memref<80x64xf32, #tpu.memory_space<vmem_shared>>) target_semaphore(%run_scoped3A_95 : memref<!tpu.dma_semaphore, #tpu.memory_space<semaphore_mem>>)
      %dma_wait3A = arith.constant 0 : i32
      %dma_wait3A_108 = arith.constant 0 : i32
      %dma_wait3A_109 = tpu.memref_slice %arg13[%run_scoped3A_59, %dma_wait3A, %dma_wait3A_108] : memref<3x80x64xf32, #tpu.memory_space<vmem>> -> memref<1x80x64xf32, #tpu.memory_space<vmem>>
      %dma_wait3A_110 = tpu.memref_squeeze %dma_wait3A_109 : memref<1x80x64xf32, #tpu.memory_space<vmem>> -> memref<80x64xf32, #tpu.memory_space<vmem>>
      %dma_wait3A_111 = arith.constant 0 : i32
      %dma_wait3A_112 = tpu.memref_slice %arg15[%add3A_58, %dma_wait3A_111] : memref<10000x64xf32, #tpu.memory_space<vmem_shared>> -> memref<80x64xf32, #tpu.memory_space<vmem_shared>>
      %dma_wait3A_113 = arith.constant 0 : i32
      %dma_wait3A_114 = tpu.memref_slice %arg15[%add3A_58, %dma_wait3A_113] : memref<10000x64xf32, #tpu.memory_space<vmem_shared>> -> memref<80x64xf32, #tpu.memory_space<vmem_shared>>
      %dma_wait3A_115 = arith.constant 0 : i32
      %dma_wait3A_116 = arith.constant 0 : i32
      %dma_wait3A_117 = tpu.memref_slice %arg13[%run_scoped3A_59, %dma_wait3A_115, %dma_wait3A_116] : memref<3x80x64xf32, #tpu.memory_space<vmem>> -> memref<1x80x64xf32, #tpu.memory_space<vmem>>
      %dma_wait3A_118 = tpu.memref_squeeze %dma_wait3A_117 : memref<1x80x64xf32, #tpu.memory_space<vmem>> -> memref<80x64xf32, #tpu.memory_space<vmem>>
      tpu.wait_dma2 semaphore(%run_scoped3A_95 : memref<!tpu.dma_semaphore, #tpu.memory_space<semaphore_mem>>) src(%dma_wait3A_118 : memref<80x64xf32, #tpu.memory_space<vmem>>) dst(%dma_wait3A_114 : memref<80x64xf32, #tpu.memory_space<vmem_shared>>)
      tpu.yield
    }) : () -> ()
    %add3A_60 = arith.constant 320 : i32
    %add3A_61 = arith.addi %mul3A_48, %add3A_60 : i32
    %run_scoped3A_62 = arith.constant 0 : i32
    "tpu.region"() ({
      %run_scoped3A_95 = tpu.sem_alloc : memref<!tpu.dma_semaphore, #tpu.memory_space<semaphore_mem>>
      %dma_start3A_96 = arith.constant 0 : i32
      %dma_start3A_97 = arith.constant 0 : i32
      %dma_start3A_98 = tpu.memref_slice %arg13[%run_scoped3A_62, %dma_start3A_96, %dma_start3A_97] : memref<3x80x64xf32, #tpu.memory_space<vmem>> -> memref<1x80x64xf32, #tpu.memory_space<vmem>>
      %dma_start3A_99 = tpu.memref_squeeze %dma_start3A_98 : memref<1x80x64xf32, #tpu.memory_space<vmem>> -> memref<80x64xf32, #tpu.memory_space<vmem>>
      %dma_start3A_100 = arith.constant 0 : i32
      %dma_start3A_101 = tpu.memref_slice %arg15[%add3A_61, %dma_start3A_100] : memref<10000x64xf32, #tpu.memory_space<vmem_shared>> -> memref<80x64xf32, #tpu.memory_space<vmem_shared>>
      %dma_start3A_102 = arith.constant 0 : i32
      %dma_start3A_103 = tpu.memref_slice %arg15[%add3A_61, %dma_start3A_102] : memref<10000x64xf32, #tpu.memory_space<vmem_shared>> -> memref<80x64xf32, #tpu.memory_space<vmem_shared>>
      %dma_start3A_104 = arith.constant 0 : i32
      %dma_start3A_105 = arith.constant 0 : i32
      %dma_start3A_106 = tpu.memref_slice %arg13[%run_scoped3A_62, %dma_start3A_104, %dma_start3A_105] : memref<3x80x64xf32, #tpu.memory_space<vmem>> -> memref<1x80x64xf32, #tpu.memory_space<vmem>>
      %dma_start3A_107 = tpu.memref_squeeze %dma_start3A_106 : memref<1x80x64xf32, #tpu.memory_space<vmem>> -> memref<80x64xf32, #tpu.memory_space<vmem>>
      tpu.enqueue_dma source(%dma_start3A_107 : memref<80x64xf32, #tpu.memory_space<vmem>>) target(%dma_start3A_103 : memref<80x64xf32, #tpu.memory_space<vmem_shared>>) target_semaphore(%run_scoped3A_95 : memref<!tpu.dma_semaphore, #tpu.memory_space<semaphore_mem>>)
      %dma_wait3A = arith.constant 0 : i32
      %dma_wait3A_108 = arith.constant 0 : i32
      %dma_wait3A_109 = tpu.memref_slice %arg13[%run_scoped3A_62, %dma_wait3A, %dma_wait3A_108] : memref<3x80x64xf32, #tpu.memory_space<vmem>> -> memref<1x80x64xf32, #tpu.memory_space<vmem>>
      %dma_wait3A_110 = tpu.memref_squeeze %dma_wait3A_109 : memref<1x80x64xf32, #tpu.memory_space<vmem>> -> memref<80x64xf32, #tpu.memory_space<vmem>>
      %dma_wait3A_111 = arith.constant 0 : i32
      %dma_wait3A_112 = tpu.memref_slice %arg15[%add3A_61, %dma_wait3A_111] : memref<10000x64xf32, #tpu.memory_space<vmem_shared>> -> memref<80x64xf32, #tpu.memory_space<vmem_shared>>
      %dma_wait3A_113 = arith.constant 0 : i32
      %dma_wait3A_114 = tpu.memref_slice %arg15[%add3A_61, %dma_wait3A_113] : memref<10000x64xf32, #tpu.memory_space<vmem_shared>> -> memref<80x64xf32, #tpu.memory_space<vmem_shared>>
      %dma_wait3A_115 = arith.constant 0 : i32
      %dma_wait3A_116 = arith.constant 0 : i32
      %dma_wait3A_117 = tpu.memref_slice %arg13[%run_scoped3A_62, %dma_wait3A_115, %dma_wait3A_116] : memref<3x80x64xf32, #tpu.memory_space<vmem>> -> memref<1x80x64xf32, #tpu.memory_space<vmem>>
      %dma_wait3A_118 = tpu.memref_squeeze %dma_wait3A_117 : memref<1x80x64xf32, #tpu.memory_space<vmem>> -> memref<80x64xf32, #tpu.memory_space<vmem>>
      tpu.wait_dma2 semaphore(%run_scoped3A_95 : memref<!tpu.dma_semaphore, #tpu.memory_space<semaphore_mem>>) src(%dma_wait3A_118 : memref<80x64xf32, #tpu.memory_space<vmem>>) dst(%dma_wait3A_114 : memref<80x64xf32, #tpu.memory_space<vmem_shared>>)
      tpu.yield
    }) : () -> ()
    %add3A_63 = arith.constant 400 : i32
    %add3A_64 = arith.addi %mul3A_48, %add3A_63 : i32
    %run_scoped3A_65 = arith.constant 0 : i32
    "tpu.region"() ({
      %run_scoped3A_95 = tpu.sem_alloc : memref<!tpu.dma_semaphore, #tpu.memory_space<semaphore_mem>>
      %dma_start3A_96 = arith.constant 0 : i32
      %dma_start3A_97 = arith.constant 0 : i32
      %dma_start3A_98 = tpu.memref_slice %arg13[%run_scoped3A_65, %dma_start3A_96, %dma_start3A_97] : memref<3x80x64xf32, #tpu.memory_space<vmem>> -> memref<1x80x64xf32, #tpu.memory_space<vmem>>
      %dma_start3A_99 = tpu.memref_squeeze %dma_start3A_98 : memref<1x80x64xf32, #tpu.memory_space<vmem>> -> memref<80x64xf32, #tpu.memory_space<vmem>>
      %dma_start3A_100 = arith.constant 0 : i32
      %dma_start3A_101 = tpu.memref_slice %arg15[%add3A_64, %dma_start3A_100] : memref<10000x64xf32, #tpu.memory_space<vmem_shared>> -> memref<80x64xf32, #tpu.memory_space<vmem_shared>>
      %dma_start3A_102 = arith.constant 0 : i32
      %dma_start3A_103 = tpu.memref_slice %arg15[%add3A_64, %dma_start3A_102] : memref<10000x64xf32, #tpu.memory_space<vmem_shared>> -> memref<80x64xf32, #tpu.memory_space<vmem_shared>>
      %dma_start3A_104 = arith.constant 0 : i32
      %dma_start3A_105 = arith.constant 0 : i32
      %dma_start3A_106 = tpu.memref_slice %arg13[%run_scoped3A_65, %dma_start3A_104, %dma_start3A_105] : memref<3x80x64xf32, #tpu.memory_space<vmem>> -> memref<1x80x64xf32, #tpu.memory_space<vmem>>
      %dma_start3A_107 = tpu.memref_squeeze %dma_start3A_106 : memref<1x80x64xf32, #tpu.memory_space<vmem>> -> memref<80x64xf32, #tpu.memory_space<vmem>>
      tpu.enqueue_dma source(%dma_start3A_107 : memref<80x64xf32, #tpu.memory_space<vmem>>) target(%dma_start3A_103 : memref<80x64xf32, #tpu.memory_space<vmem_shared>>) target_semaphore(%run_scoped3A_95 : memref<!tpu.dma_semaphore, #tpu.memory_space<semaphore_mem>>)
      %dma_wait3A = arith.constant 0 : i32
      %dma_wait3A_108 = arith.constant 0 : i32
      %dma_wait3A_109 = tpu.memref_slice %arg13[%run_scoped3A_65, %dma_wait3A, %dma_wait3A_108] : memref<3x80x64xf32, #tpu.memory_space<vmem>> -> memref<1x80x64xf32, #tpu.memory_space<vmem>>
      %dma_wait3A_110 = tpu.memref_squeeze %dma_wait3A_109 : memref<1x80x64xf32, #tpu.memory_space<vmem>> -> memref<80x64xf32, #tpu.memory_space<vmem>>
      %dma_wait3A_111 = arith.constant 0 : i32
      %dma_wait3A_112 = tpu.memref_slice %arg15[%add3A_64, %dma_wait3A_111] : memref<10000x64xf32, #tpu.memory_space<vmem_shared>> -> memref<80x64xf32, #tpu.memory_space<vmem_shared>>
      %dma_wait3A_113 = arith.constant 0 : i32
      %dma_wait3A_114 = tpu.memref_slice %arg15[%add3A_64, %dma_wait3A_113] : memref<10000x64xf32, #tpu.memory_space<vmem_shared>> -> memref<80x64xf32, #tpu.memory_space<vmem_shared>>
      %dma_wait3A_115 = arith.constant 0 : i32
      %dma_wait3A_116 = arith.constant 0 : i32
      %dma_wait3A_117 = tpu.memref_slice %arg13[%run_scoped3A_65, %dma_wait3A_115, %dma_wait3A_116] : memref<3x80x64xf32, #tpu.memory_space<vmem>> -> memref<1x80x64xf32, #tpu.memory_space<vmem>>
      %dma_wait3A_118 = tpu.memref_squeeze %dma_wait3A_117 : memref<1x80x64xf32, #tpu.memory_space<vmem>> -> memref<80x64xf32, #tpu.memory_space<vmem>>
      tpu.wait_dma2 semaphore(%run_scoped3A_95 : memref<!tpu.dma_semaphore, #tpu.memory_space<semaphore_mem>>) src(%dma_wait3A_118 : memref<80x64xf32, #tpu.memory_space<vmem>>) dst(%dma_wait3A_114 : memref<80x64xf32, #tpu.memory_space<vmem_shared>>)
      tpu.yield
    }) : () -> ()
    %add3A_66 = arith.constant 480 : i32
    %add3A_67 = arith.addi %mul3A_48, %add3A_66 : i32
    %run_scoped3A_68 = arith.constant 0 : i32
    "tpu.region"() ({
      %run_scoped3A_95 = tpu.sem_alloc : memref<!tpu.dma_semaphore, #tpu.memory_space<semaphore_mem>>
      %dma_start3A_96 = arith.constant 0 : i32
      %dma_start3A_97 = arith.constant 0 : i32
      %dma_start3A_98 = tpu.memref_slice %arg13[%run_scoped3A_68, %dma_start3A_96, %dma_start3A_97] : memref<3x80x64xf32, #tpu.memory_space<vmem>> -> memref<1x80x64xf32, #tpu.memory_space<vmem>>
      %dma_start3A_99 = tpu.memref_squeeze %dma_start3A_98 : memref<1x80x64xf32, #tpu.memory_space<vmem>> -> memref<80x64xf32, #tpu.memory_space<vmem>>
      %dma_start3A_100 = arith.constant 0 : i32
      %dma_start3A_101 = tpu.memref_slice %arg15[%add3A_67, %dma_start3A_100] : memref<10000x64xf32, #tpu.memory_space<vmem_shared>> -> memref<80x64xf32, #tpu.memory_space<vmem_shared>>
      %dma_start3A_102 = arith.constant 0 : i32
      %dma_start3A_103 = tpu.memref_slice %arg15[%add3A_67, %dma_start3A_102] : memref<10000x64xf32, #tpu.memory_space<vmem_shared>> -> memref<80x64xf32, #tpu.memory_space<vmem_shared>>
      %dma_start3A_104 = arith.constant 0 : i32
      %dma_start3A_105 = arith.constant 0 : i32
      %dma_start3A_106 = tpu.memref_slice %arg13[%run_scoped3A_68, %dma_start3A_104, %dma_start3A_105] : memref<3x80x64xf32, #tpu.memory_space<vmem>> -> memref<1x80x64xf32, #tpu.memory_space<vmem>>
      %dma_start3A_107 = tpu.memref_squeeze %dma_start3A_106 : memref<1x80x64xf32, #tpu.memory_space<vmem>> -> memref<80x64xf32, #tpu.memory_space<vmem>>
      tpu.enqueue_dma source(%dma_start3A_107 : memref<80x64xf32, #tpu.memory_space<vmem>>) target(%dma_start3A_103 : memref<80x64xf32, #tpu.memory_space<vmem_shared>>) target_semaphore(%run_scoped3A_95 : memref<!tpu.dma_semaphore, #tpu.memory_space<semaphore_mem>>)
      %dma_wait3A = arith.constant 0 : i32
      %dma_wait3A_108 = arith.constant 0 : i32
      %dma_wait3A_109 = tpu.memref_slice %arg13[%run_scoped3A_68, %dma_wait3A, %dma_wait3A_108] : memref<3x80x64xf32, #tpu.memory_space<vmem>> -> memref<1x80x64xf32, #tpu.memory_space<vmem>>
      %dma_wait3A_110 = tpu.memref_squeeze %dma_wait3A_109 : memref<1x80x64xf32, #tpu.memory_space<vmem>> -> memref<80x64xf32, #tpu.memory_space<vmem>>
      %dma_wait3A_111 = arith.constant 0 : i32
      %dma_wait3A_112 = tpu.memref_slice %arg15[%add3A_67, %dma_wait3A_111] : memref<10000x64xf32, #tpu.memory_space<vmem_shared>> -> memref<80x64xf32, #tpu.memory_space<vmem_shared>>
      %dma_wait3A_113 = arith.constant 0 : i32
      %dma_wait3A_114 = tpu.memref_slice %arg15[%add3A_67, %dma_wait3A_113] : memref<10000x64xf32, #tpu.memory_space<vmem_shared>> -> memref<80x64xf32, #tpu.memory_space<vmem_shared>>
      %dma_wait3A_115 = arith.constant 0 : i32
      %dma_wait3A_116 = arith.constant 0 : i32
      %dma_wait3A_117 = tpu.memref_slice %arg13[%run_scoped3A_68, %dma_wait3A_115, %dma_wait3A_116] : memref<3x80x64xf32, #tpu.memory_space<vmem>> -> memref<1x80x64xf32, #tpu.memory_space<vmem>>
      %dma_wait3A_118 = tpu.memref_squeeze %dma_wait3A_117 : memref<1x80x64xf32, #tpu.memory_space<vmem>> -> memref<80x64xf32, #tpu.memory_space<vmem>>
      tpu.wait_dma2 semaphore(%run_scoped3A_95 : memref<!tpu.dma_semaphore, #tpu.memory_space<semaphore_mem>>) src(%dma_wait3A_118 : memref<80x64xf32, #tpu.memory_space<vmem>>) dst(%dma_wait3A_114 : memref<80x64xf32, #tpu.memory_space<vmem_shared>>)
      tpu.yield
    }) : () -> ()
    %add3A_69 = arith.constant 560 : i32
    %add3A_70 = arith.addi %mul3A_48, %add3A_69 : i32
    %run_scoped3A_71 = arith.constant 0 : i32
    "tpu.region"() ({
      %run_scoped3A_95 = tpu.sem_alloc : memref<!tpu.dma_semaphore, #tpu.memory_space<semaphore_mem>>
      %dma_start3A_96 = arith.constant 0 : i32
      %dma_start3A_97 = arith.constant 0 : i32
      %dma_start3A_98 = tpu.memref_slice %arg13[%run_scoped3A_71, %dma_start3A_96, %dma_start3A_97] : memref<3x80x64xf32, #tpu.memory_space<vmem>> -> memref<1x80x64xf32, #tpu.memory_space<vmem>>
      %dma_start3A_99 = tpu.memref_squeeze %dma_start3A_98 : memref<1x80x64xf32, #tpu.memory_space<vmem>> -> memref<80x64xf32, #tpu.memory_space<vmem>>
      %dma_start3A_100 = arith.constant 0 : i32
      %dma_start3A_101 = arith.constant 0 : i32
      %dma_start3A_102 = tpu.memref_slice %dma_start3A_99[%dma_start3A_100, %dma_start3A_101] : memref<80x64xf32, #tpu.memory_space<vmem>> -> memref<64x64xf32, #tpu.memory_space<vmem>>
      %dma_start3A_103 = arith.constant 0 : i32
      %dma_start3A_104 = tpu.memref_slice %arg15[%add3A_70, %dma_start3A_103] : memref<10000x64xf32, #tpu.memory_space<vmem_shared>> -> memref<64x64xf32, #tpu.memory_space<vmem_shared>>
      %dma_start3A_105 = arith.constant 0 : i32
      %dma_start3A_106 = tpu.memref_slice %arg15[%add3A_70, %dma_start3A_105] : memref<10000x64xf32, #tpu.memory_space<vmem_shared>> -> memref<64x64xf32, #tpu.memory_space<vmem_shared>>
      %dma_start3A_107 = arith.constant 0 : i32
      %dma_start3A_108 = arith.constant 0 : i32
      %dma_start3A_109 = tpu.memref_slice %arg13[%run_scoped3A_71, %dma_start3A_107, %dma_start3A_108] : memref<3x80x64xf32, #tpu.memory_space<vmem>> -> memref<1x80x64xf32, #tpu.memory_space<vmem>>
      %dma_start3A_110 = tpu.memref_squeeze %dma_start3A_109 : memref<1x80x64xf32, #tpu.memory_space<vmem>> -> memref<80x64xf32, #tpu.memory_space<vmem>>
      %dma_start3A_111 = arith.constant 0 : i32
      %dma_start3A_112 = arith.constant 0 : i32
      %dma_start3A_113 = tpu.memref_slice %dma_start3A_110[%dma_start3A_111, %dma_start3A_112] : memref<80x64xf32, #tpu.memory_space<vmem>> -> memref<64x64xf32, #tpu.memory_space<vmem>>
      tpu.enqueue_dma source(%dma_start3A_113 : memref<64x64xf32, #tpu.memory_space<vmem>>) target(%dma_start3A_106 : memref<64x64xf32, #tpu.memory_space<vmem_shared>>) target_semaphore(%run_scoped3A_95 : memref<!tpu.dma_semaphore, #tpu.memory_space<semaphore_mem>>)
      %dma_wait3A = arith.constant 0 : i32
      %dma_wait3A_114 = arith.constant 0 : i32
      %dma_wait3A_115 = tpu.memref_slice %arg13[%run_scoped3A_71, %dma_wait3A, %dma_wait3A_114] : memref<3x80x64xf32, #tpu.memory_space<vmem>> -> memref<1x80x64xf32, #tpu.memory_space<vmem>>
      %dma_wait3A_116 = tpu.memref_squeeze %dma_wait3A_115 : memref<1x80x64xf32, #tpu.memory_space<vmem>> -> memref<80x64xf32, #tpu.memory_space<vmem>>
      %dma_wait3A_117 = arith.constant 0 : i32
      %dma_wait3A_118 = arith.constant 0 : i32
      %dma_wait3A_119 = tpu.memref_slice %dma_wait3A_116[%dma_wait3A_117, %dma_wait3A_118] : memref<80x64xf32, #tpu.memory_space<vmem>> -> memref<64x64xf32, #tpu.memory_space<vmem>>
      %dma_wait3A_120 = arith.constant 0 : i32
      %dma_wait3A_121 = tpu.memref_slice %arg15[%add3A_70, %dma_wait3A_120] : memref<10000x64xf32, #tpu.memory_space<vmem_shared>> -> memref<64x64xf32, #tpu.memory_space<vmem_shared>>
      %dma_wait3A_122 = arith.constant 0 : i32
      %dma_wait3A_123 = tpu.memref_slice %arg15[%add3A_70, %dma_wait3A_122] : memref<10000x64xf32, #tpu.memory_space<vmem_shared>> -> memref<64x64xf32, #tpu.memory_space<vmem_shared>>
      %dma_wait3A_124 = arith.constant 0 : i32
      %dma_wait3A_125 = arith.constant 0 : i32
      %dma_wait3A_126 = tpu.memref_slice %arg13[%run_scoped3A_71, %dma_wait3A_124, %dma_wait3A_125] : memref<3x80x64xf32, #tpu.memory_space<vmem>> -> memref<1x80x64xf32, #tpu.memory_space<vmem>>
      %dma_wait3A_127 = tpu.memref_squeeze %dma_wait3A_126 : memref<1x80x64xf32, #tpu.memory_space<vmem>> -> memref<80x64xf32, #tpu.memory_space<vmem>>
      %dma_wait3A_128 = arith.constant 0 : i32
      %dma_wait3A_129 = arith.constant 0 : i32
      %dma_wait3A_130 = tpu.memref_slice %dma_wait3A_127[%dma_wait3A_128, %dma_wait3A_129] : memref<80x64xf32, #tpu.memory_space<vmem>> -> memref<64x64xf32, #tpu.memory_space<vmem>>
      tpu.wait_dma2 semaphore(%run_scoped3A_95 : memref<!tpu.dma_semaphore, #tpu.memory_space<semaphore_mem>>) src(%dma_wait3A_130 : memref<64x64xf32, #tpu.memory_space<vmem>>) dst(%dma_wait3A_123 : memref<64x64xf32, #tpu.memory_space<vmem_shared>>)
      tpu.yield
    }) : () -> ()
    %eq3A_72 = arith.constant 15 : i32
    %eq3A_73 = arith.cmpi eq, %arg1, %eq3A_72 : i32
    %convert_element_type3A_74 = arith.extui %eq3A_73 : i1 to i32
    %cond3A_75 = arith.constant 0 : i32
    %cond3A_76 = arith.constant 0 : i32
    %cond3A_77 = arith.cmpi ne, %convert_element_type3A_74, %cond3A_76 : i32
    scf.if %cond3A_77 {
      "tpu.region"() ({
        %run_scoped3A_95 = tpu.sem_alloc : memref<!tpu.dma_semaphore, #tpu.memory_space<semaphore_mem>>
        %dma_start3A_96 = arith.constant 0 : i32
        %dma_start3A_97 = arith.constant 0 : i32
        %dma_start3A_98 = tpu.memref_slice %arg13[%cond3A_75, %dma_start3A_96, %dma_start3A_97] : memref<3x80x64xf32, #tpu.memory_space<vmem>> -> memref<1x80x64xf32, #tpu.memory_space<vmem>>
        %dma_start3A_99 = tpu.memref_squeeze %dma_start3A_98 : memref<1x80x64xf32, #tpu.memory_space<vmem>> -> memref<80x64xf32, #tpu.memory_space<vmem>>
        %dma_start3A_100 = arith.constant 0 : i32
        %dma_start3A_101 = arith.constant 0 : i32
        %dma_start3A_102 = tpu.memref_slice %dma_start3A_99[%dma_start3A_100, %dma_start3A_101] : memref<80x64xf32, #tpu.memory_space<vmem>> -> memref<16x64xf32, #tpu.memory_space<vmem>>
        %dma_start3A_103 = arith.constant 9984 : i32
        %dma_start3A_104 = arith.constant 0 : i32
        %dma_start3A_105 = tpu.memref_slice %arg15[%dma_start3A_103, %dma_start3A_104] : memref<10000x64xf32, #tpu.memory_space<vmem_shared>> -> memref<16x64xf32, #tpu.memory_space<vmem_shared>>
        %dma_start3A_106 = arith.constant 9984 : i32
        %dma_start3A_107 = arith.constant 0 : i32
        %dma_start3A_108 = tpu.memref_slice %arg15[%dma_start3A_106, %dma_start3A_107] : memref<10000x64xf32, #tpu.memory_space<vmem_shared>> -> memref<16x64xf32, #tpu.memory_space<vmem_shared>>
        %dma_start3A_109 = arith.constant 0 : i32
        %dma_start3A_110 = arith.constant 0 : i32
        %dma_start3A_111 = tpu.memref_slice %arg13[%cond3A_75, %dma_start3A_109, %dma_start3A_110] : memref<3x80x64xf32, #tpu.memory_space<vmem>> -> memref<1x80x64xf32, #tpu.memory_space<vmem>>
        %dma_start3A_112 = tpu.memref_squeeze %dma_start3A_111 : memref<1x80x64xf32, #tpu.memory_space<vmem>> -> memref<80x64xf32, #tpu.memory_space<vmem>>
        %dma_start3A_113 = arith.constant 0 : i32
        %dma_start3A_114 = arith.constant 0 : i32
        %dma_start3A_115 = tpu.memref_slice %dma_start3A_112[%dma_start3A_113, %dma_start3A_114] : memref<80x64xf32, #tpu.memory_space<vmem>> -> memref<16x64xf32, #tpu.memory_space<vmem>>
        tpu.enqueue_dma source(%dma_start3A_115 : memref<16x64xf32, #tpu.memory_space<vmem>>) target(%dma_start3A_108 : memref<16x64xf32, #tpu.memory_space<vmem_shared>>) target_semaphore(%run_scoped3A_95 : memref<!tpu.dma_semaphore, #tpu.memory_space<semaphore_mem>>)
        %dma_wait3A = arith.constant 0 : i32
        %dma_wait3A_116 = arith.constant 0 : i32
        %dma_wait3A_117 = tpu.memref_slice %arg13[%cond3A_75, %dma_wait3A, %dma_wait3A_116] : memref<3x80x64xf32, #tpu.memory_space<vmem>> -> memref<1x80x64xf32, #tpu.memory_space<vmem>>
        %dma_wait3A_118 = tpu.memref_squeeze %dma_wait3A_117 : memref<1x80x64xf32, #tpu.memory_space<vmem>> -> memref<80x64xf32, #tpu.memory_space<vmem>>
        %dma_wait3A_119 = arith.constant 0 : i32
        %dma_wait3A_120 = arith.constant 0 : i32
        %dma_wait3A_121 = tpu.memref_slice %dma_wait3A_118[%dma_wait3A_119, %dma_wait3A_120] : memref<80x64xf32, #tpu.memory_space<vmem>> -> memref<16x64xf32, #tpu.memory_space<vmem>>
        %dma_wait3A_122 = arith.constant 9984 : i32
        %dma_wait3A_123 = arith.constant 0 : i32
        %dma_wait3A_124 = tpu.memref_slice %arg15[%dma_wait3A_122, %dma_wait3A_123] : memref<10000x64xf32, #tpu.memory_space<vmem_shared>> -> memref<16x64xf32, #tpu.memory_space<vmem_shared>>
        %dma_wait3A_125 = arith.constant 9984 : i32
        %dma_wait3A_126 = arith.constant 0 : i32
        %dma_wait3A_127 = tpu.memref_slice %arg15[%dma_wait3A_125, %dma_wait3A_126] : memref<10000x64xf32, #tpu.memory_space<vmem_shared>> -> memref<16x64xf32, #tpu.memory_space<vmem_shared>>
        %dma_wait3A_128 = arith.constant 0 : i32
        %dma_wait3A_129 = arith.constant 0 : i32
        %dma_wait3A_130 = tpu.memref_slice %arg13[%cond3A_75, %dma_wait3A_128, %dma_wait3A_129] : memref<3x80x64xf32, #tpu.memory_space<vmem>> -> memref<1x80x64xf32, #tpu.memory_space<vmem>>
        %dma_wait3A_131 = tpu.memref_squeeze %dma_wait3A_130 : memref<1x80x64xf32, #tpu.memory_space<vmem>> -> memref<80x64xf32, #tpu.memory_space<vmem>>
        %dma_wait3A_132 = arith.constant 0 : i32
        %dma_wait3A_133 = arith.constant 0 : i32
        %dma_wait3A_134 = tpu.memref_slice %dma_wait3A_131[%dma_wait3A_132, %dma_wait3A_133] : memref<80x64xf32, #tpu.memory_space<vmem>> -> memref<16x64xf32, #tpu.memory_space<vmem>>
        tpu.wait_dma2 semaphore(%run_scoped3A_95 : memref<!tpu.dma_semaphore, #tpu.memory_space<semaphore_mem>>) src(%dma_wait3A_134 : memref<16x64xf32, #tpu.memory_space<vmem>>) dst(%dma_wait3A_127 : memref<16x64xf32, #tpu.memory_space<vmem_shared>>)
        tpu.yield
      }) : () -> ()
    } else {
    }
    tpu.wait_dma2 semaphore(%arg17 : memref<!tpu.dma_semaphore, #tpu.memory_space<semaphore_mem>>) src(%arg3 : memref<10000xf32, #tpu.memory_space<hbm>>) dst(%arg8 : memref<10000xf32, #tpu.memory_space<vmem>>)
    tpu.wait_dma2 semaphore(%arg17 : memref<!tpu.dma_semaphore, #tpu.memory_space<semaphore_mem>>) src(%arg4 : memref<10000xf32, #tpu.memory_space<hbm>>) dst(%arg9 : memref<10000xf32, #tpu.memory_space<vmem>>)
    %barrier3A = arith.constant 0 : index
    tpu.barrier barrier_id(%barrier3A)
    %scan3A_78 = arith.constant 0 : i32
    %scan3A_79 = arith.constant 0 : i32
    %scan3A_80 = arith.constant 25 : i32
    %scan3A_81 = arith.addi %scan3A_79, %scan3A_80 : i32
    %scan3A_82 = arith.constant 1 : i32
    scf.for %scan3A_95 = %scan3A_79 to %scan3A_81 step %scan3A_82  : i32 {
      %rem3A = arith.constant 2 : i32
      %rem3A_96 = arith.remsi %scan3A_95, %rem3A : i32
      %dma_wait3A = arith.constant 0 : i32
      %dma_wait3A_97 = arith.constant 0 : i32
      %dma_wait3A_98 = arith.constant 0 : i32
      %dma_wait3A_99 = arith.constant 0 : i32
      %dma_wait3A_100 = tpu.memref_slice %arg11[%rem3A_96, %dma_wait3A_98, %dma_wait3A_99] : memref<2x5x80xi32, #tpu.memory_space<vmem>> -> memref<1x5x80xi32, #tpu.memory_space<vmem>>
      %dma_wait3A_101 = tpu.memref_squeeze %dma_wait3A_100 : memref<1x5x80xi32, #tpu.memory_space<vmem>> -> memref<5x80xi32, #tpu.memory_space<vmem>>
      %dma_wait3A_102 = arith.constant 0 : i32
      %dma_wait3A_103 = arith.constant 0 : i32
      %dma_wait3A_104 = tpu.memref_slice %arg5[%dma_wait3A, %add3A, %dma_wait3A_97, %dma_wait3A_102, %dma_wait3A_103] : memref<2x32x25x5x80xi32, #tpu.memory_space<hbm>> -> memref<1x1x1x5x80xi32, #tpu.memory_space<hbm>>
      %dma_wait3A_105 = tpu.memref_squeeze %dma_wait3A_104 : memref<1x1x1x5x80xi32, #tpu.memory_space<hbm>> -> memref<5x80xi32, #tpu.memory_space<hbm>>
      %dma_wait3A_106 = arith.constant 0 : i32
      %dma_wait3A_107 = arith.constant 0 : i32
      %dma_wait3A_108 = tpu.memref_slice %arg11[%rem3A_96, %dma_wait3A_106, %dma_wait3A_107] : memref<2x5x80xi32, #tpu.memory_space<vmem>> -> memref<1x5x80xi32, #tpu.memory_space<vmem>>
      %dma_wait3A_109 = tpu.memref_squeeze %dma_wait3A_108 : memref<1x5x80xi32, #tpu.memory_space<vmem>> -> memref<5x80xi32, #tpu.memory_space<vmem>>
      %dma_wait3A_110 = arith.constant 0 : i32
      %dma_wait3A_111 = arith.constant 0 : i32
      %dma_wait3A_112 = tpu.memref_slice %arg5[%dma_wait3A, %add3A, %dma_wait3A_97, %dma_wait3A_110, %dma_wait3A_111] : memref<2x32x25x5x80xi32, #tpu.memory_space<hbm>> -> memref<1x1x1x5x80xi32, #tpu.memory_space<hbm>>
      %dma_wait3A_113 = tpu.memref_squeeze %dma_wait3A_112 : memref<1x1x1x5x80xi32, #tpu.memory_space<hbm>> -> memref<5x80xi32, #tpu.memory_space<hbm>>
      tpu.wait_dma2 semaphore(%arg20 : memref<!tpu.dma_semaphore, #tpu.memory_space<semaphore_mem>>) src(%dma_wait3A_113 : memref<5x80xi32, #tpu.memory_space<hbm>>) dst(%dma_wait3A_109 : memref<5x80xi32, #tpu.memory_space<vmem>>)
      %dma_wait3A_114 = arith.constant 1 : i32
      %dma_wait3A_115 = arith.constant 0 : i32
      %dma_wait3A_116 = arith.constant 0 : i32
      %dma_wait3A_117 = arith.constant 0 : i32
      %dma_wait3A_118 = tpu.memref_slice %arg12[%rem3A_96, %dma_wait3A_116, %dma_wait3A_117] : memref<2x5x80xi32, #tpu.memory_space<vmem>> -> memref<1x5x80xi32, #tpu.memory_space<vmem>>
      %dma_wait3A_119 = tpu.memref_squeeze %dma_wait3A_118 : memref<1x5x80xi32, #tpu.memory_space<vmem>> -> memref<5x80xi32, #tpu.memory_space<vmem>>
      %dma_wait3A_120 = arith.constant 0 : i32
      %dma_wait3A_121 = arith.constant 0 : i32
      %dma_wait3A_122 = tpu.memref_slice %arg5[%dma_wait3A_114, %add3A, %dma_wait3A_115, %dma_wait3A_120, %dma_wait3A_121] : memref<2x32x25x5x80xi32, #tpu.memory_space<hbm>> -> memref<1x1x1x5x80xi32, #tpu.memory_space<hbm>>
      %dma_wait3A_123 = tpu.memref_squeeze %dma_wait3A_122 : memref<1x1x1x5x80xi32, #tpu.memory_space<hbm>> -> memref<5x80xi32, #tpu.memory_space<hbm>>
      %dma_wait3A_124 = arith.constant 0 : i32
      %dma_wait3A_125 = arith.constant 0 : i32
      %dma_wait3A_126 = tpu.memref_slice %arg12[%rem3A_96, %dma_wait3A_124, %dma_wait3A_125] : memref<2x5x80xi32, #tpu.memory_space<vmem>> -> memref<1x5x80xi32, #tpu.memory_space<vmem>>
      %dma_wait3A_127 = tpu.memref_squeeze %dma_wait3A_126 : memref<1x5x80xi32, #tpu.memory_space<vmem>> -> memref<5x80xi32, #tpu.memory_space<vmem>>
      %dma_wait3A_128 = arith.constant 0 : i32
      %dma_wait3A_129 = arith.constant 0 : i32
      %dma_wait3A_130 = tpu.memref_slice %arg5[%dma_wait3A_114, %add3A, %dma_wait3A_115, %dma_wait3A_128, %dma_wait3A_129] : memref<2x32x25x5x80xi32, #tpu.memory_space<hbm>> -> memref<1x1x1x5x80xi32, #tpu.memory_space<hbm>>
      %dma_wait3A_131 = tpu.memref_squeeze %dma_wait3A_130 : memref<1x1x1x5x80xi32, #tpu.memory_space<hbm>> -> memref<5x80xi32, #tpu.memory_space<hbm>>
      tpu.wait_dma2 semaphore(%arg20 : memref<!tpu.dma_semaphore, #tpu.memory_space<semaphore_mem>>) src(%dma_wait3A_131 : memref<5x80xi32, #tpu.memory_space<hbm>>) dst(%dma_wait3A_127 : memref<5x80xi32, #tpu.memory_space<vmem>>)
      %lt3A = arith.constant 24 : i32
      %lt3A_132 = arith.cmpi slt, %scan3A_95, %lt3A : i32
      %convert_element_type3A_133 = arith.extui %lt3A_132 : i1 to i32
      %cond3A_134 = arith.constant 0 : i32
      %cond3A_135 = arith.cmpi ne, %convert_element_type3A_133, %cond3A_134 : i32
      scf.if %cond3A_135 {
        %add3A_218 = arith.constant 1 : i32
        %add3A_219 = arith.addi %scan3A_95, %add3A_218 : i32
        %min3A = arith.constant 24 : i32
        %min3A_220 = arith.minsi %add3A_219, %min3A : i32
        %sub3A = arith.constant 1 : i32
        %sub3A_221 = arith.subi %sub3A, %rem3A_96 : i32
        %dma_start3A_222 = arith.constant 0 : i32
        %dma_start3A_223 = arith.constant 0 : i32
        %dma_start3A_224 = arith.constant 0 : i32
        %dma_start3A_225 = tpu.memref_slice %arg11[%sub3A_221, %dma_start3A_223, %dma_start3A_224] : memref<2x5x80xi32, #tpu.memory_space<vmem>> -> memref<1x5x80xi32, #tpu.memory_space<vmem>>
        %dma_start3A_226 = tpu.memref_squeeze %dma_start3A_225 : memref<1x5x80xi32, #tpu.memory_space<vmem>> -> memref<5x80xi32, #tpu.memory_space<vmem>>
        %dma_start3A_227 = arith.constant 0 : i32
        %dma_start3A_228 = arith.constant 0 : i32
        %dma_start3A_229 = tpu.memref_slice %arg5[%dma_start3A_222, %add3A, %min3A_220, %dma_start3A_227, %dma_start3A_228] : memref<2x32x25x5x80xi32, #tpu.memory_space<hbm>> -> memref<1x1x1x5x80xi32, #tpu.memory_space<hbm>>
        %dma_start3A_230 = tpu.memref_squeeze %dma_start3A_229 : memref<1x1x1x5x80xi32, #tpu.memory_space<hbm>> -> memref<5x80xi32, #tpu.memory_space<hbm>>
        %dma_start3A_231 = arith.constant 0 : i32
        %dma_start3A_232 = arith.constant 0 : i32
        %dma_start3A_233 = tpu.memref_slice %arg11[%sub3A_221, %dma_start3A_231, %dma_start3A_232] : memref<2x5x80xi32, #tpu.memory_space<vmem>> -> memref<1x5x80xi32, #tpu.memory_space<vmem>>
        %dma_start3A_234 = tpu.memref_squeeze %dma_start3A_233 : memref<1x5x80xi32, #tpu.memory_space<vmem>> -> memref<5x80xi32, #tpu.memory_space<vmem>>
        %dma_start3A_235 = arith.constant 0 : i32
        %dma_start3A_236 = arith.constant 0 : i32
        %dma_start3A_237 = tpu.memref_slice %arg5[%dma_start3A_222, %add3A, %min3A_220, %dma_start3A_235, %dma_start3A_236] : memref<2x32x25x5x80xi32, #tpu.memory_space<hbm>> -> memref<1x1x1x5x80xi32, #tpu.memory_space<hbm>>
        %dma_start3A_238 = tpu.memref_squeeze %dma_start3A_237 : memref<1x1x1x5x80xi32, #tpu.memory_space<hbm>> -> memref<5x80xi32, #tpu.memory_space<hbm>>
        tpu.enqueue_dma source(%dma_start3A_238 : memref<5x80xi32, #tpu.memory_space<hbm>>) target(%dma_start3A_234 : memref<5x80xi32, #tpu.memory_space<vmem>>) target_semaphore(%arg20 : memref<!tpu.dma_semaphore, #tpu.memory_space<semaphore_mem>>)
        %sub3A_239 = arith.constant 1 : i32
        %sub3A_240 = arith.subi %sub3A_239, %rem3A_96 : i32
        %dma_start3A_241 = arith.constant 1 : i32
        %dma_start3A_242 = arith.constant 0 : i32
        %dma_start3A_243 = arith.constant 0 : i32
        %dma_start3A_244 = tpu.memref_slice %arg12[%sub3A_240, %dma_start3A_242, %dma_start3A_243] : memref<2x5x80xi32, #tpu.memory_space<vmem>> -> memref<1x5x80xi32, #tpu.memory_space<vmem>>
        %dma_start3A_245 = tpu.memref_squeeze %dma_start3A_244 : memref<1x5x80xi32, #tpu.memory_space<vmem>> -> memref<5x80xi32, #tpu.memory_space<vmem>>
        %dma_start3A_246 = arith.constant 0 : i32
        %dma_start3A_247 = arith.constant 0 : i32
        %dma_start3A_248 = tpu.memref_slice %arg5[%dma_start3A_241, %add3A, %min3A_220, %dma_start3A_246, %dma_start3A_247] : memref<2x32x25x5x80xi32, #tpu.memory_space<hbm>> -> memref<1x1x1x5x80xi32, #tpu.memory_space<hbm>>
        %dma_start3A_249 = tpu.memref_squeeze %dma_start3A_248 : memref<1x1x1x5x80xi32, #tpu.memory_space<hbm>> -> memref<5x80xi32, #tpu.memory_space<hbm>>
        %dma_start3A_250 = arith.constant 0 : i32
        %dma_start3A_251 = arith.constant 0 : i32
        %dma_start3A_252 = tpu.memref_slice %arg12[%sub3A_240, %dma_start3A_250, %dma_start3A_251] : memref<2x5x80xi32, #tpu.memory_space<vmem>> -> memref<1x5x80xi32, #tpu.memory_space<vmem>>
        %dma_start3A_253 = tpu.memref_squeeze %dma_start3A_252 : memref<1x5x80xi32, #tpu.memory_space<vmem>> -> memref<5x80xi32, #tpu.memory_space<vmem>>
        %dma_start3A_254 = arith.constant 0 : i32
        %dma_start3A_255 = arith.constant 0 : i32
        %dma_start3A_256 = tpu.memref_slice %arg5[%dma_start3A_241, %add3A, %min3A_220, %dma_start3A_254, %dma_start3A_255] : memref<2x32x25x5x80xi32, #tpu.memory_space<hbm>> -> memref<1x1x1x5x80xi32, #tpu.memory_space<hbm>>
        %dma_start3A_257 = tpu.memref_squeeze %dma_start3A_256 : memref<1x1x1x5x80xi32, #tpu.memory_space<hbm>> -> memref<5x80xi32, #tpu.memory_space<hbm>>
        tpu.enqueue_dma source(%dma_start3A_257 : memref<5x80xi32, #tpu.memory_space<hbm>>) target(%dma_start3A_253 : memref<5x80xi32, #tpu.memory_space<vmem>>) target_semaphore(%arg20 : memref<!tpu.dma_semaphore, #tpu.memory_space<semaphore_mem>>)
      } else {
      }
      %dma_start3A_136 = arith.constant 0 : i32
      %dma_start3A_137 = arith.constant 0 : i32
      %dma_start3A_138 = arith.constant 0 : i32
      %dma_start3A_139 = arith.constant 0 : i32
      %dma_start3A_140 = tpu.memref_slice %arg13[%dma_start3A_137, %dma_start3A_138, %dma_start3A_139] : memref<3x80x64xf32, #tpu.memory_space<vmem>> -> memref<1x80x64xf32, #tpu.memory_space<vmem>>
      %dma_start3A_141 = tpu.memref_squeeze %dma_start3A_140 : memref<1x80x64xf32, #tpu.memory_space<vmem>> -> memref<80x64xf32, #tpu.memory_space<vmem>>
      %dma_start3A_142 = arith.constant 0 : i32
      %dma_start3A_143 = arith.constant 0 : i32
      %dma_start3A_144 = tpu.memref_slice %arg11[%rem3A_96, %dma_start3A_142, %dma_start3A_143] : memref<2x5x80xi32, #tpu.memory_space<vmem>> -> memref<1x5x80xi32, #tpu.memory_space<vmem>>
      %dma_start3A_145 = tpu.memref_squeeze %dma_start3A_144 : memref<1x5x80xi32, #tpu.memory_space<vmem>> -> memref<5x80xi32, #tpu.memory_space<vmem>>
      %dma_start3A_146 = arith.constant 0 : i32
      %dma_start3A_147 = tpu.memref_slice %dma_start3A_145[%dma_start3A_136, %dma_start3A_146] : memref<5x80xi32, #tpu.memory_space<vmem>> -> memref<1x80xi32, #tpu.memory_space<vmem>>
      %dma_start3A_148 = tpu.memref_squeeze %dma_start3A_147 : memref<1x80xi32, #tpu.memory_space<vmem>> -> memref<80xi32, #tpu.memory_space<vmem>>
      %dma_start3A_149 = arith.constant 0 : i32
      %dma_start3A_150 = arith.constant 0 : i32
      %dma_start3A_151 = tpu.memref_slice %arg2[%dma_start3A_149, %dma_start3A_150] : memref<10000x64xf32, #tpu.memory_space<hbm>> -> memref<10000x64xf32, #tpu.memory_space<hbm>>
      tpu.enqueue_indirect_dma source(%dma_start3A_151 : memref<10000x64xf32, #tpu.memory_space<hbm>>) target(%dma_start3A_141 : memref<80x64xf32, #tpu.memory_space<vmem>>) offsets(%dma_start3A_148 : memref<80xi32, #tpu.memory_space<vmem>>) semaphore(%arg17 : memref<!tpu.dma_semaphore, #tpu.memory_space<semaphore_mem>>)
      %scan3A_152 = arith.constant 0 : i32
      %scan3A_153 = arith.constant 0 : i32
      %scan3A_154 = arith.constant 5 : i32
      %scan3A_155 = arith.addi %scan3A_153, %scan3A_154 : i32
      %scan3A_156 = arith.constant 1 : i32
      scf.for %scan3A_218 = %scan3A_153 to %scan3A_155 step %scan3A_156  : i32 {
        %rem3A_219 = arith.constant 3 : i32
        %rem3A_220 = arith.remsi %scan3A_218, %rem3A_219 : i32
        %rem3A_221 = arith.constant 2 : i32
        %rem3A_222 = arith.remsi %scan3A_218, %rem3A_221 : i32
        %ge3A = arith.constant 2 : i32
        %ge3A_223 = arith.cmpi sge, %scan3A_218, %ge3A : i32
        %convert_element_type3A_224 = arith.extui %ge3A_223 : i1 to i32
        %cond3A_225 = arith.constant 0 : i32
        %cond3A_226 = arith.cmpi ne, %convert_element_type3A_224, %cond3A_225 : i32
        scf.if %cond3A_226 {
          %dma_wait3A_429 = arith.constant 0 : i32
          %dma_wait3A_430 = arith.constant 0 : i32
          %dma_wait3A_431 = tpu.memref_slice %arg14[%rem3A_222, %dma_wait3A_430] : memref<2x80xf32, #tpu.memory_space<vmem>> -> memref<1x80xf32, #tpu.memory_space<vmem>>
          %dma_wait3A_432 = tpu.memref_squeeze %dma_wait3A_431 : memref<1x80xf32, #tpu.memory_space<vmem>> -> memref<80xf32, #tpu.memory_space<vmem>>
          %dma_wait3A_433 = arith.constant 0 : i32
          %dma_wait3A_434 = arith.constant 0 : i32
          %dma_wait3A_435 = tpu.memref_slice %arg12[%rem3A_96, %dma_wait3A_433, %dma_wait3A_434] : memref<2x5x80xi32, #tpu.memory_space<vmem>> -> memref<1x5x80xi32, #tpu.memory_space<vmem>>
          %dma_wait3A_436 = tpu.memref_squeeze %dma_wait3A_435 : memref<1x5x80xi32, #tpu.memory_space<vmem>> -> memref<5x80xi32, #tpu.memory_space<vmem>>
          %dma_wait3A_437 = arith.constant 0 : i32
          %dma_wait3A_438 = tpu.memref_slice %dma_wait3A_436[%dma_wait3A_429, %dma_wait3A_437] : memref<5x80xi32, #tpu.memory_space<vmem>> -> memref<1x80xi32, #tpu.memory_space<vmem>>
          %dma_wait3A_439 = tpu.memref_squeeze %dma_wait3A_438 : memref<1x80xi32, #tpu.memory_space<vmem>> -> memref<80xi32, #tpu.memory_space<vmem>>
          %dma_wait3A_440 = arith.constant 0 : i32
          %dma_wait3A_441 = tpu.memref_slice %arg16[%dma_wait3A_440] : memref<10240xf32, #tpu.memory_space<vmem_shared>> -> memref<10240xf32, #tpu.memory_space<vmem_shared>>
          tpu.wait_indirect_dma semaphore(%arg19 : memref<!tpu.dma_semaphore, #tpu.memory_space<semaphore_mem>>) src(%dma_wait3A_432 : memref<80xf32, #tpu.memory_space<vmem>>) dst(%dma_wait3A_441 : memref<10240xf32, #tpu.memory_space<vmem_shared>>)
        } else {
        }
        %get3A = arith.constant 0 : i32
        %get3A_227 = arith.constant 0 : i32
        %get3A_228 = tpu.memref_slice %arg11[%rem3A_96, %get3A, %get3A_227] : memref<2x5x80xi32, #tpu.memory_space<vmem>> -> memref<1x5x80xi32, #tpu.memory_space<vmem>>
        %get3A_229 = tpu.memref_squeeze %get3A_228 : memref<1x5x80xi32, #tpu.memory_space<vmem>> -> memref<5x80xi32, #tpu.memory_space<vmem>>
        %get3A_230 = arith.index_cast %scan3A_218 : i32 to index
        %get3A_231 = arith.constant 0 : index
        %get3A_232 = tpu.vector_load %get3A_229[%get3A_230, %get3A_231] {strides = array<i32>} : memref<5x80xi32, #tpu.memory_space<vmem>>, vector<16xi32>,
        %get3A_233 = arith.constant 0 : i32
        %get3A_234 = arith.constant 0 : i32
        %get3A_235 = tpu.memref_slice %arg12[%rem3A_96, %get3A_233, %get3A_234] : memref<2x5x80xi32, #tpu.memory_space<vmem>> -> memref<1x5x80xi32, #tpu.memory_space<vmem>>
        %get3A_236 = tpu.memref_squeeze %get3A_235 : memref<1x5x80xi32, #tpu.memory_space<vmem>> -> memref<5x80xi32, #tpu.memory_space<vmem>>
        %get3A_237 = arith.index_cast %scan3A_218 : i32 to index
        %get3A_238 = arith.constant 0 : index
        %get3A_239 = tpu.vector_load %get3A_236[%get3A_237, %get3A_238] {strides = array<i32>} : memref<5x80xi32, #tpu.memory_space<vmem>>, vector<16xi32>,
        %gather3A = tpu.vector_load_idx %arg8[%get3A_232] : memref<10000xf32, #tpu.memory_space<vmem>>[vector<16xi32>], vector<16xf32>,
        %gather3A_240 = tpu.vector_load_idx %arg9[%get3A_239] : memref<10000xf32, #tpu.memory_space<vmem>>[vector<16xi32>], vector<16xf32>,
        %add3A_241 = arith.addf %gather3A, %gather3A_240 : vector<16xf32>
        %ge3A_242 = arith.constant 0.000000e+00 : f32
        %ge3A_243 = vector.broadcast %ge3A_242 : f32 to vector<16xf32>
        %ge3A_244 = arith.cmpf oge, %add3A_241, %ge3A_243 : vector<16xf32>
        %mul3A_245 = arith.constant 2.000000e-01 : f32
        %mul3A_246 = vector.broadcast %mul3A_245 : f32 to vector<16xf32>
        %mul3A_247 = arith.mulf %add3A_241, %mul3A_246 : vector<16xf32>
        %select_n3A = arith.select %ge3A_244, %add3A_241, %mul3A_247 : vector<16xi1>, vector<16xf32>
        %exp3A = math.exp %select_n3A : vector<16xf32>
        %swap3A = arith.constant 0 : i32
        %swap3A_248 = tpu.memref_slice %arg14[%rem3A_222, %swap3A] : memref<2x80xf32, #tpu.memory_space<vmem>> -> memref<1x80xf32, #tpu.memory_space<vmem>>
        %swap3A_249 = tpu.memref_squeeze %swap3A_248 : memref<1x80xf32, #tpu.memory_space<vmem>> -> memref<80xf32, #tpu.memory_space<vmem>>
        %swap3A_250 = arith.constant 0 : index
        %swap3A_251 = tpu.vector_load %swap3A_249[%swap3A_250] {strides = array<i32>} : memref<80xf32, #tpu.memory_space<vmem>>, vector<16xf32>,
        tpu.vector_store %swap3A_249[%swap3A_250], %exp3A {strides = array<i32>} : memref<80xf32, #tpu.memory_space<vmem>>, vector<16xf32>,
        %get3A_252 = arith.constant 0 : i32
        %get3A_253 = arith.constant 0 : i32
        %get3A_254 = tpu.memref_slice %arg11[%rem3A_96, %get3A_252, %get3A_253] : memref<2x5x80xi32, #tpu.memory_space<vmem>> -> memref<1x5x80xi32, #tpu.memory_space<vmem>>
        %get3A_255 = tpu.memref_squeeze %get3A_254 : memref<1x5x80xi32, #tpu.memory_space<vmem>> -> memref<5x80xi32, #tpu.memory_space<vmem>>
        %get3A_256 = arith.index_cast %scan3A_218 : i32 to index
        %get3A_257 = arith.constant 16 : index
        %get3A_258 = tpu.vector_load %get3A_255[%get3A_256, %get3A_257] {strides = array<i32>} : memref<5x80xi32, #tpu.memory_space<vmem>>, vector<16xi32>,
        %get3A_259 = arith.constant 0 : i32
        %get3A_260 = arith.constant 0 : i32
        %get3A_261 = tpu.memref_slice %arg12[%rem3A_96, %get3A_259, %get3A_260] : memref<2x5x80xi32, #tpu.memory_space<vmem>> -> memref<1x5x80xi32, #tpu.memory_space<vmem>>
        %get3A_262 = tpu.memref_squeeze %get3A_261 : memref<1x5x80xi32, #tpu.memory_space<vmem>> -> memref<5x80xi32, #tpu.memory_space<vmem>>
        %get3A_263 = arith.index_cast %scan3A_218 : i32 to index
        %get3A_264 = arith.constant 16 : index
        %get3A_265 = tpu.vector_load %get3A_262[%get3A_263, %get3A_264] {strides = array<i32>} : memref<5x80xi32, #tpu.memory_space<vmem>>, vector<16xi32>,
        %gather3A_266 = tpu.vector_load_idx %arg8[%get3A_258] : memref<10000xf32, #tpu.memory_space<vmem>>[vector<16xi32>], vector<16xf32>,
        %gather3A_267 = tpu.vector_load_idx %arg9[%get3A_265] : memref<10000xf32, #tpu.memory_space<vmem>>[vector<16xi32>], vector<16xf32>,
        %add3A_268 = arith.addf %gather3A_266, %gather3A_267 : vector<16xf32>
        %ge3A_269 = arith.constant 0.000000e+00 : f32
        %ge3A_270 = vector.broadcast %ge3A_269 : f32 to vector<16xf32>
        %ge3A_271 = arith.cmpf oge, %add3A_268, %ge3A_270 : vector<16xf32>
        %mul3A_272 = arith.constant 2.000000e-01 : f32
        %mul3A_273 = vector.broadcast %mul3A_272 : f32 to vector<16xf32>
        %mul3A_274 = arith.mulf %add3A_268, %mul3A_273 : vector<16xf32>
        %select_n3A_275 = arith.select %ge3A_271, %add3A_268, %mul3A_274 : vector<16xi1>, vector<16xf32>
        %exp3A_276 = math.exp %select_n3A_275 : vector<16xf32>
        %swap3A_277 = arith.constant 0 : i32
        %swap3A_278 = tpu.memref_slice %arg14[%rem3A_222, %swap3A_277] : memref<2x80xf32, #tpu.memory_space<vmem>> -> memref<1x80xf32, #tpu.memory_space<vmem>>
        %swap3A_279 = tpu.memref_squeeze %swap3A_278 : memref<1x80xf32, #tpu.memory_space<vmem>> -> memref<80xf32, #tpu.memory_space<vmem>>
        %swap3A_280 = arith.constant 16 : index
        %swap3A_281 = tpu.vector_load %swap3A_279[%swap3A_280] {strides = array<i32>} : memref<80xf32, #tpu.memory_space<vmem>>, vector<16xf32>,
        tpu.vector_store %swap3A_279[%swap3A_280], %exp3A_276 {strides = array<i32>} : memref<80xf32, #tpu.memory_space<vmem>>, vector<16xf32>,
        %get3A_282 = arith.constant 0 : i32
        %get3A_283 = arith.constant 0 : i32
        %get3A_284 = tpu.memref_slice %arg11[%rem3A_96, %get3A_282, %get3A_283] : memref<2x5x80xi32, #tpu.memory_space<vmem>> -> memref<1x5x80xi32, #tpu.memory_space<vmem>>
        %get3A_285 = tpu.memref_squeeze %get3A_284 : memref<1x5x80xi32, #tpu.memory_space<vmem>> -> memref<5x80xi32, #tpu.memory_space<vmem>>
        %get3A_286 = arith.index_cast %scan3A_218 : i32 to index
        %get3A_287 = arith.constant 32 : index
        %get3A_288 = tpu.vector_load %get3A_285[%get3A_286, %get3A_287] {strides = array<i32>} : memref<5x80xi32, #tpu.memory_space<vmem>>, vector<16xi32>,
        %get3A_289 = arith.constant 0 : i32
        %get3A_290 = arith.constant 0 : i32
        %get3A_291 = tpu.memref_slice %arg12[%rem3A_96, %get3A_289, %get3A_290] : memref<2x5x80xi32, #tpu.memory_space<vmem>> -> memref<1x5x80xi32, #tpu.memory_space<vmem>>
        %get3A_292 = tpu.memref_squeeze %get3A_291 : memref<1x5x80xi32, #tpu.memory_space<vmem>> -> memref<5x80xi32, #tpu.memory_space<vmem>>
        %get3A_293 = arith.index_cast %scan3A_218 : i32 to index
        %get3A_294 = arith.constant 32 : index
        %get3A_295 = tpu.vector_load %get3A_292[%get3A_293, %get3A_294] {strides = array<i32>} : memref<5x80xi32, #tpu.memory_space<vmem>>, vector<16xi32>,
        %gather3A_296 = tpu.vector_load_idx %arg8[%get3A_288] : memref<10000xf32, #tpu.memory_space<vmem>>[vector<16xi32>], vector<16xf32>,
        %gather3A_297 = tpu.vector_load_idx %arg9[%get3A_295] : memref<10000xf32, #tpu.memory_space<vmem>>[vector<16xi32>], vector<16xf32>,
        %add3A_298 = arith.addf %gather3A_296, %gather3A_297 : vector<16xf32>
        %ge3A_299 = arith.constant 0.000000e+00 : f32
        %ge3A_300 = vector.broadcast %ge3A_299 : f32 to vector<16xf32>
        %ge3A_301 = arith.cmpf oge, %add3A_298, %ge3A_300 : vector<16xf32>
        %mul3A_302 = arith.constant 2.000000e-01 : f32
        %mul3A_303 = vector.broadcast %mul3A_302 : f32 to vector<16xf32>
        %mul3A_304 = arith.mulf %add3A_298, %mul3A_303 : vector<16xf32>
        %select_n3A_305 = arith.select %ge3A_301, %add3A_298, %mul3A_304 : vector<16xi1>, vector<16xf32>
        %exp3A_306 = math.exp %select_n3A_305 : vector<16xf32>
        %swap3A_307 = arith.constant 0 : i32
        %swap3A_308 = tpu.memref_slice %arg14[%rem3A_222, %swap3A_307] : memref<2x80xf32, #tpu.memory_space<vmem>> -> memref<1x80xf32, #tpu.memory_space<vmem>>
        %swap3A_309 = tpu.memref_squeeze %swap3A_308 : memref<1x80xf32, #tpu.memory_space<vmem>> -> memref<80xf32, #tpu.memory_space<vmem>>
        %swap3A_310 = arith.constant 32 : index
        %swap3A_311 = tpu.vector_load %swap3A_309[%swap3A_310] {strides = array<i32>} : memref<80xf32, #tpu.memory_space<vmem>>, vector<16xf32>,
        tpu.vector_store %swap3A_309[%swap3A_310], %exp3A_306 {strides = array<i32>} : memref<80xf32, #tpu.memory_space<vmem>>, vector<16xf32>,
        %get3A_312 = arith.constant 0 : i32
        %get3A_313 = arith.constant 0 : i32
        %get3A_314 = tpu.memref_slice %arg11[%rem3A_96, %get3A_312, %get3A_313] : memref<2x5x80xi32, #tpu.memory_space<vmem>> -> memref<1x5x80xi32, #tpu.memory_space<vmem>>
        %get3A_315 = tpu.memref_squeeze %get3A_314 : memref<1x5x80xi32, #tpu.memory_space<vmem>> -> memref<5x80xi32, #tpu.memory_space<vmem>>
        %get3A_316 = arith.index_cast %scan3A_218 : i32 to index
        %get3A_317 = arith.constant 48 : index
        %get3A_318 = tpu.vector_load %get3A_315[%get3A_316, %get3A_317] {strides = array<i32>} : memref<5x80xi32, #tpu.memory_space<vmem>>, vector<16xi32>,
        %get3A_319 = arith.constant 0 : i32
        %get3A_320 = arith.constant 0 : i32
        %get3A_321 = tpu.memref_slice %arg12[%rem3A_96, %get3A_319, %get3A_320] : memref<2x5x80xi32, #tpu.memory_space<vmem>> -> memref<1x5x80xi32, #tpu.memory_space<vmem>>
        %get3A_322 = tpu.memref_squeeze %get3A_321 : memref<1x5x80xi32, #tpu.memory_space<vmem>> -> memref<5x80xi32, #tpu.memory_space<vmem>>
        %get3A_323 = arith.index_cast %scan3A_218 : i32 to index
        %get3A_324 = arith.constant 48 : index
        %get3A_325 = tpu.vector_load %get3A_322[%get3A_323, %get3A_324] {strides = array<i32>} : memref<5x80xi32, #tpu.memory_space<vmem>>, vector<16xi32>,
        %gather3A_326 = tpu.vector_load_idx %arg8[%get3A_318] : memref<10000xf32, #tpu.memory_space<vmem>>[vector<16xi32>], vector<16xf32>,
        %gather3A_327 = tpu.vector_load_idx %arg9[%get3A_325] : memref<10000xf32, #tpu.memory_space<vmem>>[vector<16xi32>], vector<16xf32>,
        %add3A_328 = arith.addf %gather3A_326, %gather3A_327 : vector<16xf32>
        %ge3A_329 = arith.constant 0.000000e+00 : f32
        %ge3A_330 = vector.broadcast %ge3A_329 : f32 to vector<16xf32>
        %ge3A_331 = arith.cmpf oge, %add3A_328, %ge3A_330 : vector<16xf32>
        %mul3A_332 = arith.constant 2.000000e-01 : f32
        %mul3A_333 = vector.broadcast %mul3A_332 : f32 to vector<16xf32>
        %mul3A_334 = arith.mulf %add3A_328, %mul3A_333 : vector<16xf32>
        %select_n3A_335 = arith.select %ge3A_331, %add3A_328, %mul3A_334 : vector<16xi1>, vector<16xf32>
        %exp3A_336 = math.exp %select_n3A_335 : vector<16xf32>
        %swap3A_337 = arith.constant 0 : i32
        %swap3A_338 = tpu.memref_slice %arg14[%rem3A_222, %swap3A_337] : memref<2x80xf32, #tpu.memory_space<vmem>> -> memref<1x80xf32, #tpu.memory_space<vmem>>
        %swap3A_339 = tpu.memref_squeeze %swap3A_338 : memref<1x80xf32, #tpu.memory_space<vmem>> -> memref<80xf32, #tpu.memory_space<vmem>>
        %swap3A_340 = arith.constant 48 : index
        %swap3A_341 = tpu.vector_load %swap3A_339[%swap3A_340] {strides = array<i32>} : memref<80xf32, #tpu.memory_space<vmem>>, vector<16xf32>,
        tpu.vector_store %swap3A_339[%swap3A_340], %exp3A_336 {strides = array<i32>} : memref<80xf32, #tpu.memory_space<vmem>>, vector<16xf32>,
        %get3A_342 = arith.constant 0 : i32
        %get3A_343 = arith.constant 0 : i32
        %get3A_344 = tpu.memref_slice %arg11[%rem3A_96, %get3A_342, %get3A_343] : memref<2x5x80xi32, #tpu.memory_space<vmem>> -> memref<1x5x80xi32, #tpu.memory_space<vmem>>
        %get3A_345 = tpu.memref_squeeze %get3A_344 : memref<1x5x80xi32, #tpu.memory_space<vmem>> -> memref<5x80xi32, #tpu.memory_space<vmem>>
        %get3A_346 = arith.index_cast %scan3A_218 : i32 to index
        %get3A_347 = arith.constant 64 : index
        %get3A_348 = tpu.vector_load %get3A_345[%get3A_346, %get3A_347] {strides = array<i32>} : memref<5x80xi32, #tpu.memory_space<vmem>>, vector<16xi32>,
        %get3A_349 = arith.constant 0 : i32
        %get3A_350 = arith.constant 0 : i32
        %get3A_351 = tpu.memref_slice %arg12[%rem3A_96, %get3A_349, %get3A_350] : memref<2x5x80xi32, #tpu.memory_space<vmem>> -> memref<1x5x80xi32, #tpu.memory_space<vmem>>
        %get3A_352 = tpu.memref_squeeze %get3A_351 : memref<1x5x80xi32, #tpu.memory_space<vmem>> -> memref<5x80xi32, #tpu.memory_space<vmem>>
        %get3A_353 = arith.index_cast %scan3A_218 : i32 to index
        %get3A_354 = arith.constant 64 : index
        %get3A_355 = tpu.vector_load %get3A_352[%get3A_353, %get3A_354] {strides = array<i32>} : memref<5x80xi32, #tpu.memory_space<vmem>>, vector<16xi32>,
        %gather3A_356 = tpu.vector_load_idx %arg8[%get3A_348] : memref<10000xf32, #tpu.memory_space<vmem>>[vector<16xi32>], vector<16xf32>,
        %gather3A_357 = tpu.vector_load_idx %arg9[%get3A_355] : memref<10000xf32, #tpu.memory_space<vmem>>[vector<16xi32>], vector<16xf32>,
        %add3A_358 = arith.addf %gather3A_356, %gather3A_357 : vector<16xf32>
        %ge3A_359 = arith.constant 0.000000e+00 : f32
        %ge3A_360 = vector.broadcast %ge3A_359 : f32 to vector<16xf32>
        %ge3A_361 = arith.cmpf oge, %add3A_358, %ge3A_360 : vector<16xf32>
        %mul3A_362 = arith.constant 2.000000e-01 : f32
        %mul3A_363 = vector.broadcast %mul3A_362 : f32 to vector<16xf32>
        %mul3A_364 = arith.mulf %add3A_358, %mul3A_363 : vector<16xf32>
        %select_n3A_365 = arith.select %ge3A_361, %add3A_358, %mul3A_364 : vector<16xi1>, vector<16xf32>
        %exp3A_366 = math.exp %select_n3A_365 : vector<16xf32>
        %swap3A_367 = arith.constant 0 : i32
        %swap3A_368 = tpu.memref_slice %arg14[%rem3A_222, %swap3A_367] : memref<2x80xf32, #tpu.memory_space<vmem>> -> memref<1x80xf32, #tpu.memory_space<vmem>>
        %swap3A_369 = tpu.memref_squeeze %swap3A_368 : memref<1x80xf32, #tpu.memory_space<vmem>> -> memref<80xf32, #tpu.memory_space<vmem>>
        %swap3A_370 = arith.constant 64 : index
        %swap3A_371 = tpu.vector_load %swap3A_369[%swap3A_370] {strides = array<i32>} : memref<80xf32, #tpu.memory_space<vmem>>, vector<16xf32>,
        tpu.vector_store %swap3A_369[%swap3A_370], %exp3A_366 {strides = array<i32>} : memref<80xf32, #tpu.memory_space<vmem>>, vector<16xf32>,
        %dma_start3A_372 = arith.constant 0 : i32
        %dma_start3A_373 = tpu.memref_slice %arg14[%rem3A_222, %dma_start3A_372] : memref<2x80xf32, #tpu.memory_space<vmem>> -> memref<1x80xf32, #tpu.memory_space<vmem>>
        %dma_start3A_374 = tpu.memref_squeeze %dma_start3A_373 : memref<1x80xf32, #tpu.memory_space<vmem>> -> memref<80xf32, #tpu.memory_space<vmem>>
        %dma_start3A_375 = arith.constant 0 : i32
        %dma_start3A_376 = arith.constant 0 : i32
        %dma_start3A_377 = tpu.memref_slice %arg12[%rem3A_96, %dma_start3A_375, %dma_start3A_376] : memref<2x5x80xi32, #tpu.memory_space<vmem>> -> memref<1x5x80xi32, #tpu.memory_space<vmem>>
        %dma_start3A_378 = tpu.memref_squeeze %dma_start3A_377 : memref<1x5x80xi32, #tpu.memory_space<vmem>> -> memref<5x80xi32, #tpu.memory_space<vmem>>
        %dma_start3A_379 = arith.constant 0 : i32
        %dma_start3A_380 = tpu.memref_slice %dma_start3A_378[%scan3A_218, %dma_start3A_379] : memref<5x80xi32, #tpu.memory_space<vmem>> -> memref<1x80xi32, #tpu.memory_space<vmem>>
        %dma_start3A_381 = tpu.memref_squeeze %dma_start3A_380 : memref<1x80xi32, #tpu.memory_space<vmem>> -> memref<80xi32, #tpu.memory_space<vmem>>
        %dma_start3A_382 = arith.constant 0 : i32
        %dma_start3A_383 = tpu.memref_slice %arg16[%dma_start3A_382] : memref<10240xf32, #tpu.memory_space<vmem_shared>> -> memref<10240xf32, #tpu.memory_space<vmem_shared>>
        tpu.enqueue_indirect_dma source(%dma_start3A_374 : memref<80xf32, #tpu.memory_space<vmem>>) target(%dma_start3A_383 : memref<10240xf32, #tpu.memory_space<vmem_shared>>) offsets(%dma_start3A_381 : memref<80xi32, #tpu.memory_space<vmem>>) semaphore(%arg19 : memref<!tpu.dma_semaphore, #tpu.memory_space<semaphore_mem>>) {add = true}
        %add3A_384 = arith.constant 1 : i32
        %add3A_385 = arith.addi %scan3A_218, %add3A_384 : i32
        %rem3A_386 = arith.constant 3 : i32
        %rem3A_387 = arith.remsi %add3A_385, %rem3A_386 : i32
        %ge3A_388 = arith.constant 2 : i32
        %ge3A_389 = arith.cmpi sge, %scan3A_218, %ge3A_388 : i32
        %convert_element_type3A_390 = arith.extui %ge3A_389 : i1 to i32
        %cond3A_391 = arith.constant 0 : i32
        %cond3A_392 = arith.cmpi ne, %convert_element_type3A_390, %cond3A_391 : i32
        scf.if %cond3A_392 {
          %dma_wait3A_429 = arith.constant 0 : i32
          %dma_wait3A_430 = arith.constant 0 : i32
          %dma_wait3A_431 = arith.constant 0 : i32
          %dma_wait3A_432 = tpu.memref_slice %arg13[%rem3A_387, %dma_wait3A_430, %dma_wait3A_431] : memref<3x80x64xf32, #tpu.memory_space<vmem>> -> memref<1x80x64xf32, #tpu.memory_space<vmem>>
          %dma_wait3A_433 = tpu.memref_squeeze %dma_wait3A_432 : memref<1x80x64xf32, #tpu.memory_space<vmem>> -> memref<80x64xf32, #tpu.memory_space<vmem>>
          %dma_wait3A_434 = arith.constant 0 : i32
          %dma_wait3A_435 = arith.constant 0 : i32
          %dma_wait3A_436 = tpu.memref_slice %arg12[%rem3A_96, %dma_wait3A_434, %dma_wait3A_435] : memref<2x5x80xi32, #tpu.memory_space<vmem>> -> memref<1x5x80xi32, #tpu.memory_space<vmem>>
          %dma_wait3A_437 = tpu.memref_squeeze %dma_wait3A_436 : memref<1x5x80xi32, #tpu.memory_space<vmem>> -> memref<5x80xi32, #tpu.memory_space<vmem>>
          %dma_wait3A_438 = arith.constant 0 : i32
          %dma_wait3A_439 = tpu.memref_slice %dma_wait3A_437[%dma_wait3A_429, %dma_wait3A_438] : memref<5x80xi32, #tpu.memory_space<vmem>> -> memref<1x80xi32, #tpu.memory_space<vmem>>
          %dma_wait3A_440 = tpu.memref_squeeze %dma_wait3A_439 : memref<1x80xi32, #tpu.memory_space<vmem>> -> memref<80xi32, #tpu.memory_space<vmem>>
          %dma_wait3A_441 = arith.constant 0 : i32
          %dma_wait3A_442 = arith.constant 0 : i32
          %dma_wait3A_443 = tpu.memref_slice %arg15[%dma_wait3A_441, %dma_wait3A_442] : memref<10000x64xf32, #tpu.memory_space<vmem_shared>> -> memref<10000x64xf32, #tpu.memory_space<vmem_shared>>
          tpu.wait_indirect_dma semaphore(%arg18 : memref<!tpu.dma_semaphore, #tpu.memory_space<semaphore_mem>>) src(%dma_wait3A_433 : memref<80x64xf32, #tpu.memory_space<vmem>>) dst(%dma_wait3A_443 : memref<10000x64xf32, #tpu.memory_space<vmem_shared>>)
        } else {
        }
        %lt3A_393 = arith.constant 4 : i32
        %lt3A_394 = arith.cmpi slt, %scan3A_218, %lt3A_393 : i32
        %convert_element_type3A_395 = arith.extui %lt3A_394 : i1 to i32
        %cond3A_396 = arith.constant 0 : i32
        %cond3A_397 = arith.cmpi ne, %convert_element_type3A_395, %cond3A_396 : i32
        scf.if %cond3A_397 {
          %add3A_429 = arith.constant 1 : i32
          %add3A_430 = arith.addi %scan3A_218, %add3A_429 : i32
          %min3A = arith.constant 4 : i32
          %min3A_431 = arith.minsi %add3A_430, %min3A : i32
          %dma_start3A_432 = arith.constant 0 : i32
          %dma_start3A_433 = arith.constant 0 : i32
          %dma_start3A_434 = tpu.memref_slice %arg13[%rem3A_387, %dma_start3A_432, %dma_start3A_433] : memref<3x80x64xf32, #tpu.memory_space<vmem>> -> memref<1x80x64xf32, #tpu.memory_space<vmem>>
          %dma_start3A_435 = tpu.memref_squeeze %dma_start3A_434 : memref<1x80x64xf32, #tpu.memory_space<vmem>> -> memref<80x64xf32, #tpu.memory_space<vmem>>
          %dma_start3A_436 = arith.constant 0 : i32
          %dma_start3A_437 = arith.constant 0 : i32
          %dma_start3A_438 = tpu.memref_slice %arg11[%rem3A_96, %dma_start3A_436, %dma_start3A_437] : memref<2x5x80xi32, #tpu.memory_space<vmem>> -> memref<1x5x80xi32, #tpu.memory_space<vmem>>
          %dma_start3A_439 = tpu.memref_squeeze %dma_start3A_438 : memref<1x5x80xi32, #tpu.memory_space<vmem>> -> memref<5x80xi32, #tpu.memory_space<vmem>>
          %dma_start3A_440 = arith.constant 0 : i32
          %dma_start3A_441 = tpu.memref_slice %dma_start3A_439[%min3A_431, %dma_start3A_440] : memref<5x80xi32, #tpu.memory_space<vmem>> -> memref<1x80xi32, #tpu.memory_space<vmem>>
          %dma_start3A_442 = tpu.memref_squeeze %dma_start3A_441 : memref<1x80xi32, #tpu.memory_space<vmem>> -> memref<80xi32, #tpu.memory_space<vmem>>
          %dma_start3A_443 = arith.constant 0 : i32
          %dma_start3A_444 = arith.constant 0 : i32
          %dma_start3A_445 = tpu.memref_slice %arg2[%dma_start3A_443, %dma_start3A_444] : memref<10000x64xf32, #tpu.memory_space<hbm>> -> memref<10000x64xf32, #tpu.memory_space<hbm>>
          tpu.enqueue_indirect_dma source(%dma_start3A_445 : memref<10000x64xf32, #tpu.memory_space<hbm>>) target(%dma_start3A_435 : memref<80x64xf32, #tpu.memory_space<vmem>>) offsets(%dma_start3A_442 : memref<80xi32, #tpu.memory_space<vmem>>) semaphore(%arg17 : memref<!tpu.dma_semaphore, #tpu.memory_space<semaphore_mem>>)
        } else {
        }
        %dma_wait3A_398 = arith.constant 0 : i32
        %dma_wait3A_399 = arith.constant 0 : i32
        %dma_wait3A_400 = arith.constant 0 : i32
        %dma_wait3A_401 = tpu.memref_slice %arg13[%rem3A_220, %dma_wait3A_399, %dma_wait3A_400] : memref<3x80x64xf32, #tpu.memory_space<vmem>> -> memref<1x80x64xf32, #tpu.memory_space<vmem>>
        %dma_wait3A_402 = tpu.memref_squeeze %dma_wait3A_401 : memref<1x80x64xf32, #tpu.memory_space<vmem>> -> memref<80x64xf32, #tpu.memory_space<vmem>>
        %dma_wait3A_403 = arith.constant 0 : i32
        %dma_wait3A_404 = arith.constant 0 : i32
        %dma_wait3A_405 = tpu.memref_slice %arg11[%rem3A_96, %dma_wait3A_403, %dma_wait3A_404] : memref<2x5x80xi32, #tpu.memory_space<vmem>> -> memref<1x5x80xi32, #tpu.memory_space<vmem>>
        %dma_wait3A_406 = tpu.memref_squeeze %dma_wait3A_405 : memref<1x5x80xi32, #tpu.memory_space<vmem>> -> memref<5x80xi32, #tpu.memory_space<vmem>>
        %dma_wait3A_407 = arith.constant 0 : i32
        %dma_wait3A_408 = tpu.memref_slice %dma_wait3A_406[%dma_wait3A_398, %dma_wait3A_407] : memref<5x80xi32, #tpu.memory_space<vmem>> -> memref<1x80xi32, #tpu.memory_space<vmem>>
        %dma_wait3A_409 = tpu.memref_squeeze %dma_wait3A_408 : memref<1x80xi32, #tpu.memory_space<vmem>> -> memref<80xi32, #tpu.memory_space<vmem>>
        %dma_wait3A_410 = arith.constant 0 : i32
        %dma_wait3A_411 = arith.constant 0 : i32
        %dma_wait3A_412 = tpu.memref_slice %arg2[%dma_wait3A_410, %dma_wait3A_411] : memref<10000x64xf32, #tpu.memory_space<hbm>> -> memref<10000x64xf32, #tpu.memory_space<hbm>>
        tpu.wait_indirect_dma semaphore(%arg17 : memref<!tpu.dma_semaphore, #tpu.memory_space<semaphore_mem>>) src(%dma_wait3A_412 : memref<10000x64xf32, #tpu.memory_space<hbm>>) dst(%dma_wait3A_402 : memref<80x64xf32, #tpu.memory_space<vmem>>)
        %parallel_loop3A = arith.constant 0 : i32
        %parallel_loop3A_413 = arith.constant 80 : i32
        %parallel_loop3A_414 = arith.constant 1 : i32
        scf.for %parallel_loop3A_429 = %parallel_loop3A to %parallel_loop3A_413 step %parallel_loop3A_414  : i32 {
          %parallel_loop3A_430 = arith.constant 0 : i32
          %parallel_loop3A_431 = vector.broadcast %parallel_loop3A_430 : i32 to vector<16xi32>
          %parallel_loop3A_432 = vector.broadcast %parallel_loop3A_429 : i32 to vector<16xi32>
          %parallel_loop3A_433 = arith.addi %parallel_loop3A_431, %parallel_loop3A_432 : vector<16xi32>
          %parallel_loop3A_434 = arith.constant 0 : i32
          %parallel_loop3A_435 = tpu.memref_slice %arg14[%rem3A_222, %parallel_loop3A_434] : memref<2x80xf32, #tpu.memory_space<vmem>> -> memref<1x80xf32, #tpu.memory_space<vmem>>
          %parallel_loop3A_436 = tpu.memref_squeeze %parallel_loop3A_435 : memref<1x80xf32, #tpu.memory_space<vmem>> -> memref<80xf32, #tpu.memory_space<vmem>>
          %parallel_loop3A_437 = tpu.vector_load_idx %parallel_loop3A_436[%parallel_loop3A_433] : memref<80xf32, #tpu.memory_space<vmem>>[vector<16xi32>], vector<16xf32>,
          %parallel_loop3A_438 = arith.constant 0 : i32
          %parallel_loop3A_439 = arith.constant 0 : i32
          %parallel_loop3A_440 = tpu.memref_slice %arg13[%rem3A_220, %parallel_loop3A_438, %parallel_loop3A_439] : memref<3x80x64xf32, #tpu.memory_space<vmem>> -> memref<1x80x64xf32, #tpu.memory_space<vmem>>
          %parallel_loop3A_441 = tpu.memref_squeeze %parallel_loop3A_440 : memref<1x80x64xf32, #tpu.memory_space<vmem>> -> memref<80x64xf32, #tpu.memory_space<vmem>>
          %parallel_loop3A_442 = arith.index_cast %parallel_loop3A_429 : i32 to index
          %parallel_loop3A_443 = arith.constant 0 : index
          %parallel_loop3A_444 = tpu.vector_load %parallel_loop3A_441[%parallel_loop3A_442, %parallel_loop3A_443] {strides = array<i32>} : memref<80x64xf32, #tpu.memory_space<vmem>>, vector<16xf32>,
          %parallel_loop3A_445 = arith.mulf %parallel_loop3A_444, %parallel_loop3A_437 : vector<16xf32>
          %parallel_loop3A_446 = arith.constant 0 : i32
          %parallel_loop3A_447 = arith.constant 0 : i32
          %parallel_loop3A_448 = tpu.memref_slice %arg13[%rem3A_220, %parallel_loop3A_446, %parallel_loop3A_447] : memref<3x80x64xf32, #tpu.memory_space<vmem>> -> memref<1x80x64xf32, #tpu.memory_space<vmem>>
          %parallel_loop3A_449 = tpu.memref_squeeze %parallel_loop3A_448 : memref<1x80x64xf32, #tpu.memory_space<vmem>> -> memref<80x64xf32, #tpu.memory_space<vmem>>
          %parallel_loop3A_450 = arith.index_cast %parallel_loop3A_429 : i32 to index
          %parallel_loop3A_451 = arith.constant 0 : index
          %parallel_loop3A_452 = tpu.vector_load %parallel_loop3A_449[%parallel_loop3A_450, %parallel_loop3A_451] {strides = array<i32>} : memref<80x64xf32, #tpu.memory_space<vmem>>, vector<16xf32>,
          tpu.vector_store %parallel_loop3A_449[%parallel_loop3A_450, %parallel_loop3A_451], %parallel_loop3A_445 {strides = array<i32>} : memref<80x64xf32, #tpu.memory_space<vmem>>, vector<16xf32>,
          %parallel_loop3A_453 = arith.constant 0 : i32
          %parallel_loop3A_454 = arith.constant 0 : i32
          %parallel_loop3A_455 = tpu.memref_slice %arg13[%rem3A_220, %parallel_loop3A_453, %parallel_loop3A_454] : memref<3x80x64xf32, #tpu.memory_space<vmem>> -> memref<1x80x64xf32, #tpu.memory_space<vmem>>
          %parallel_loop3A_456 = tpu.memref_squeeze %parallel_loop3A_455 : memref<1x80x64xf32, #tpu.memory_space<vmem>> -> memref<80x64xf32, #tpu.memory_space<vmem>>
          %parallel_loop3A_457 = arith.index_cast %parallel_loop3A_429 : i32 to index
          %parallel_loop3A_458 = arith.constant 16 : index
          %parallel_loop3A_459 = tpu.vector_load %parallel_loop3A_456[%parallel_loop3A_457, %parallel_loop3A_458] {strides = array<i32>} : memref<80x64xf32, #tpu.memory_space<vmem>>, vector<16xf32>,
          %parallel_loop3A_460 = arith.mulf %parallel_loop3A_459, %parallel_loop3A_437 : vector<16xf32>
          %parallel_loop3A_461 = arith.constant 0 : i32
          %parallel_loop3A_462 = arith.constant 0 : i32
          %parallel_loop3A_463 = tpu.memref_slice %arg13[%rem3A_220, %parallel_loop3A_461, %parallel_loop3A_462] : memref<3x80x64xf32, #tpu.memory_space<vmem>> -> memref<1x80x64xf32, #tpu.memory_space<vmem>>
          %parallel_loop3A_464 = tpu.memref_squeeze %parallel_loop3A_463 : memref<1x80x64xf32, #tpu.memory_space<vmem>> -> memref<80x64xf32, #tpu.memory_space<vmem>>
          %parallel_loop3A_465 = arith.index_cast %parallel_loop3A_429 : i32 to index
          %parallel_loop3A_466 = arith.constant 16 : index
          %parallel_loop3A_467 = tpu.vector_load %parallel_loop3A_464[%parallel_loop3A_465, %parallel_loop3A_466] {strides = array<i32>} : memref<80x64xf32, #tpu.memory_space<vmem>>, vector<16xf32>,
          tpu.vector_store %parallel_loop3A_464[%parallel_loop3A_465, %parallel_loop3A_466], %parallel_loop3A_460 {strides = array<i32>} : memref<80x64xf32, #tpu.memory_space<vmem>>, vector<16xf32>,
          %parallel_loop3A_468 = arith.constant 0 : i32
          %parallel_loop3A_469 = arith.constant 0 : i32
          %parallel_loop3A_470 = tpu.memref_slice %arg13[%rem3A_220, %parallel_loop3A_468, %parallel_loop3A_469] : memref<3x80x64xf32, #tpu.memory_space<vmem>> -> memref<1x80x64xf32, #tpu.memory_space<vmem>>
          %parallel_loop3A_471 = tpu.memref_squeeze %parallel_loop3A_470 : memref<1x80x64xf32, #tpu.memory_space<vmem>> -> memref<80x64xf32, #tpu.memory_space<vmem>>
          %parallel_loop3A_472 = arith.index_cast %parallel_loop3A_429 : i32 to index
          %parallel_loop3A_473 = arith.constant 32 : index
          %parallel_loop3A_474 = tpu.vector_load %parallel_loop3A_471[%parallel_loop3A_472, %parallel_loop3A_473] {strides = array<i32>} : memref<80x64xf32, #tpu.memory_space<vmem>>, vector<16xf32>,
          %parallel_loop3A_475 = arith.mulf %parallel_loop3A_474, %parallel_loop3A_437 : vector<16xf32>
          %parallel_loop3A_476 = arith.constant 0 : i32
          %parallel_loop3A_477 = arith.constant 0 : i32
          %parallel_loop3A_478 = tpu.memref_slice %arg13[%rem3A_220, %parallel_loop3A_476, %parallel_loop3A_477] : memref<3x80x64xf32, #tpu.memory_space<vmem>> -> memref<1x80x64xf32, #tpu.memory_space<vmem>>
          %parallel_loop3A_479 = tpu.memref_squeeze %parallel_loop3A_478 : memref<1x80x64xf32, #tpu.memory_space<vmem>> -> memref<80x64xf32, #tpu.memory_space<vmem>>
          %parallel_loop3A_480 = arith.index_cast %parallel_loop3A_429 : i32 to index
          %parallel_loop3A_481 = arith.constant 32 : index
          %parallel_loop3A_482 = tpu.vector_load %parallel_loop3A_479[%parallel_loop3A_480, %parallel_loop3A_481] {strides = array<i32>} : memref<80x64xf32, #tpu.memory_space<vmem>>, vector<16xf32>,
          tpu.vector_store %parallel_loop3A_479[%parallel_loop3A_480, %parallel_loop3A_481], %parallel_loop3A_475 {strides = array<i32>} : memref<80x64xf32, #tpu.memory_space<vmem>>, vector<16xf32>,
          %parallel_loop3A_483 = arith.constant 0 : i32
          %parallel_loop3A_484 = arith.constant 0 : i32
          %parallel_loop3A_485 = tpu.memref_slice %arg13[%rem3A_220, %parallel_loop3A_483, %parallel_loop3A_484] : memref<3x80x64xf32, #tpu.memory_space<vmem>> -> memref<1x80x64xf32, #tpu.memory_space<vmem>>
          %parallel_loop3A_486 = tpu.memref_squeeze %parallel_loop3A_485 : memref<1x80x64xf32, #tpu.memory_space<vmem>> -> memref<80x64xf32, #tpu.memory_space<vmem>>
          %parallel_loop3A_487 = arith.index_cast %parallel_loop3A_429 : i32 to index
          %parallel_loop3A_488 = arith.constant 48 : index
          %parallel_loop3A_489 = tpu.vector_load %parallel_loop3A_486[%parallel_loop3A_487, %parallel_loop3A_488] {strides = array<i32>} : memref<80x64xf32, #tpu.memory_space<vmem>>, vector<16xf32>,
          %parallel_loop3A_490 = arith.mulf %parallel_loop3A_489, %parallel_loop3A_437 : vector<16xf32>
          %parallel_loop3A_491 = arith.constant 0 : i32
          %parallel_loop3A_492 = arith.constant 0 : i32
          %parallel_loop3A_493 = tpu.memref_slice %arg13[%rem3A_220, %parallel_loop3A_491, %parallel_loop3A_492] : memref<3x80x64xf32, #tpu.memory_space<vmem>> -> memref<1x80x64xf32, #tpu.memory_space<vmem>>
          %parallel_loop3A_494 = tpu.memref_squeeze %parallel_loop3A_493 : memref<1x80x64xf32, #tpu.memory_space<vmem>> -> memref<80x64xf32, #tpu.memory_space<vmem>>
          %parallel_loop3A_495 = arith.index_cast %parallel_loop3A_429 : i32 to index
          %parallel_loop3A_496 = arith.constant 48 : index
          %parallel_loop3A_497 = tpu.vector_load %parallel_loop3A_494[%parallel_loop3A_495, %parallel_loop3A_496] {strides = array<i32>} : memref<80x64xf32, #tpu.memory_space<vmem>>, vector<16xf32>,
          tpu.vector_store %parallel_loop3A_494[%parallel_loop3A_495, %parallel_loop3A_496], %parallel_loop3A_490 {strides = array<i32>} : memref<80x64xf32, #tpu.memory_space<vmem>>, vector<16xf32>,
        } {sc.loop_unroll_factor = 8 : i64, sc.parallel_access}
        %dma_start3A_415 = arith.constant 0 : i32
        %dma_start3A_416 = arith.constant 0 : i32
        %dma_start3A_417 = tpu.memref_slice %arg13[%rem3A_220, %dma_start3A_415, %dma_start3A_416] : memref<3x80x64xf32, #tpu.memory_space<vmem>> -> memref<1x80x64xf32, #tpu.memory_space<vmem>>
        %dma_start3A_418 = tpu.memref_squeeze %dma_start3A_417 : memref<1x80x64xf32, #tpu.memory_space<vmem>> -> memref<80x64xf32, #tpu.memory_space<vmem>>
        %dma_start3A_419 = arith.constant 0 : i32
        %dma_start3A_420 = arith.constant 0 : i32
        %dma_start3A_421 = tpu.memref_slice %arg12[%rem3A_96, %dma_start3A_419, %dma_start3A_420] : memref<2x5x80xi32, #tpu.memory_space<vmem>> -> memref<1x5x80xi32, #tpu.memory_space<vmem>>
        %dma_start3A_422 = tpu.memref_squeeze %dma_start3A_421 : memref<1x5x80xi32, #tpu.memory_space<vmem>> -> memref<5x80xi32, #tpu.memory_space<vmem>>
        %dma_start3A_423 = arith.constant 0 : i32
        %dma_start3A_424 = tpu.memref_slice %dma_start3A_422[%scan3A_218, %dma_start3A_423] : memref<5x80xi32, #tpu.memory_space<vmem>> -> memref<1x80xi32, #tpu.memory_space<vmem>>
        %dma_start3A_425 = tpu.memref_squeeze %dma_start3A_424 : memref<1x80xi32, #tpu.memory_space<vmem>> -> memref<80xi32, #tpu.memory_space<vmem>>
        %dma_start3A_426 = arith.constant 0 : i32
        %dma_start3A_427 = arith.constant 0 : i32
        %dma_start3A_428 = tpu.memref_slice %arg15[%dma_start3A_426, %dma_start3A_427] : memref<10000x64xf32, #tpu.memory_space<vmem_shared>> -> memref<10000x64xf32, #tpu.memory_space<vmem_shared>>
        tpu.enqueue_indirect_dma source(%dma_start3A_418 : memref<80x64xf32, #tpu.memory_space<vmem>>) target(%dma_start3A_428 : memref<10000x64xf32, #tpu.memory_space<vmem_shared>>) offsets(%dma_start3A_425 : memref<80xi32, #tpu.memory_space<vmem>>) semaphore(%arg18 : memref<!tpu.dma_semaphore, #tpu.memory_space<semaphore_mem>>) {add = true}
      }
      %scan3A_157 = arith.constant 5 : i32
      %dma_wait3A_158 = arith.constant 0 : i32
      %dma_wait3A_159 = arith.constant 0 : i32
      %dma_wait3A_160 = arith.constant 0 : i32
      %dma_wait3A_161 = arith.constant 0 : i32
      %dma_wait3A_162 = tpu.memref_slice %arg13[%dma_wait3A_158, %dma_wait3A_160, %dma_wait3A_161] : memref<3x80x64xf32, #tpu.memory_space<vmem>> -> memref<1x80x64xf32, #tpu.memory_space<vmem>>
      %dma_wait3A_163 = tpu.memref_squeeze %dma_wait3A_162 : memref<1x80x64xf32, #tpu.memory_space<vmem>> -> memref<80x64xf32, #tpu.memory_space<vmem>>
      %dma_wait3A_164 = arith.constant 0 : i32
      %dma_wait3A_165 = arith.constant 0 : i32
      %dma_wait3A_166 = tpu.memref_slice %arg12[%rem3A_96, %dma_wait3A_164, %dma_wait3A_165] : memref<2x5x80xi32, #tpu.memory_space<vmem>> -> memref<1x5x80xi32, #tpu.memory_space<vmem>>
      %dma_wait3A_167 = tpu.memref_squeeze %dma_wait3A_166 : memref<1x5x80xi32, #tpu.memory_space<vmem>> -> memref<5x80xi32, #tpu.memory_space<vmem>>
      %dma_wait3A_168 = arith.constant 0 : i32
      %dma_wait3A_169 = tpu.memref_slice %dma_wait3A_167[%dma_wait3A_159, %dma_wait3A_168] : memref<5x80xi32, #tpu.memory_space<vmem>> -> memref<1x80xi32, #tpu.memory_space<vmem>>
      %dma_wait3A_170 = tpu.memref_squeeze %dma_wait3A_169 : memref<1x80xi32, #tpu.memory_space<vmem>> -> memref<80xi32, #tpu.memory_space<vmem>>
      %dma_wait3A_171 = arith.constant 0 : i32
      %dma_wait3A_172 = arith.constant 0 : i32
      %dma_wait3A_173 = tpu.memref_slice %arg15[%dma_wait3A_171, %dma_wait3A_172] : memref<10000x64xf32, #tpu.memory_space<vmem_shared>> -> memref<10000x64xf32, #tpu.memory_space<vmem_shared>>
      tpu.wait_indirect_dma semaphore(%arg18 : memref<!tpu.dma_semaphore, #tpu.memory_space<semaphore_mem>>) src(%dma_wait3A_163 : memref<80x64xf32, #tpu.memory_space<vmem>>) dst(%dma_wait3A_173 : memref<10000x64xf32, #tpu.memory_space<vmem_shared>>)
      %dma_wait3A_174 = arith.constant 0 : i32
      %dma_wait3A_175 = arith.constant 0 : i32
      %dma_wait3A_176 = arith.constant 0 : i32
      %dma_wait3A_177 = arith.constant 0 : i32
      %dma_wait3A_178 = tpu.memref_slice %arg13[%dma_wait3A_174, %dma_wait3A_176, %dma_wait3A_177] : memref<3x80x64xf32, #tpu.memory_space<vmem>> -> memref<1x80x64xf32, #tpu.memory_space<vmem>>
      %dma_wait3A_179 = tpu.memref_squeeze %dma_wait3A_178 : memref<1x80x64xf32, #tpu.memory_space<vmem>> -> memref<80x64xf32, #tpu.memory_space<vmem>>
      %dma_wait3A_180 = arith.constant 0 : i32
      %dma_wait3A_181 = arith.constant 0 : i32
      %dma_wait3A_182 = tpu.memref_slice %arg12[%rem3A_96, %dma_wait3A_180, %dma_wait3A_181] : memref<2x5x80xi32, #tpu.memory_space<vmem>> -> memref<1x5x80xi32, #tpu.memory_space<vmem>>
      %dma_wait3A_183 = tpu.memref_squeeze %dma_wait3A_182 : memref<1x5x80xi32, #tpu.memory_space<vmem>> -> memref<5x80xi32, #tpu.memory_space<vmem>>
      %dma_wait3A_184 = arith.constant 0 : i32
      %dma_wait3A_185 = tpu.memref_slice %dma_wait3A_183[%dma_wait3A_175, %dma_wait3A_184] : memref<5x80xi32, #tpu.memory_space<vmem>> -> memref<1x80xi32, #tpu.memory_space<vmem>>
      %dma_wait3A_186 = tpu.memref_squeeze %dma_wait3A_185 : memref<1x80xi32, #tpu.memory_space<vmem>> -> memref<80xi32, #tpu.memory_space<vmem>>
      %dma_wait3A_187 = arith.constant 0 : i32
      %dma_wait3A_188 = arith.constant 0 : i32
      %dma_wait3A_189 = tpu.memref_slice %arg15[%dma_wait3A_187, %dma_wait3A_188] : memref<10000x64xf32, #tpu.memory_space<vmem_shared>> -> memref<10000x64xf32, #tpu.memory_space<vmem_shared>>
      tpu.wait_indirect_dma semaphore(%arg18 : memref<!tpu.dma_semaphore, #tpu.memory_space<semaphore_mem>>) src(%dma_wait3A_179 : memref<80x64xf32, #tpu.memory_space<vmem>>) dst(%dma_wait3A_189 : memref<10000x64xf32, #tpu.memory_space<vmem_shared>>)
      %dma_wait3A_190 = arith.constant 0 : i32
      %dma_wait3A_191 = arith.constant 0 : i32
      %dma_wait3A_192 = arith.constant 0 : i32
      %dma_wait3A_193 = tpu.memref_slice %arg14[%dma_wait3A_190, %dma_wait3A_192] : memref<2x80xf32, #tpu.memory_space<vmem>> -> memref<1x80xf32, #tpu.memory_space<vmem>>
      %dma_wait3A_194 = tpu.memref_squeeze %dma_wait3A_193 : memref<1x80xf32, #tpu.memory_space<vmem>> -> memref<80xf32, #tpu.memory_space<vmem>>
      %dma_wait3A_195 = arith.constant 0 : i32
      %dma_wait3A_196 = arith.constant 0 : i32
      %dma_wait3A_197 = tpu.memref_slice %arg12[%rem3A_96, %dma_wait3A_195, %dma_wait3A_196] : memref<2x5x80xi32, #tpu.memory_space<vmem>> -> memref<1x5x80xi32, #tpu.memory_space<vmem>>
      %dma_wait3A_198 = tpu.memref_squeeze %dma_wait3A_197 : memref<1x5x80xi32, #tpu.memory_space<vmem>> -> memref<5x80xi32, #tpu.memory_space<vmem>>
      %dma_wait3A_199 = arith.constant 0 : i32
      %dma_wait3A_200 = tpu.memref_slice %dma_wait3A_198[%dma_wait3A_191, %dma_wait3A_199] : memref<5x80xi32, #tpu.memory_space<vmem>> -> memref<1x80xi32, #tpu.memory_space<vmem>>
      %dma_wait3A_201 = tpu.memref_squeeze %dma_wait3A_200 : memref<1x80xi32, #tpu.memory_space<vmem>> -> memref<80xi32, #tpu.memory_space<vmem>>
      %dma_wait3A_202 = arith.constant 0 : i32
      %dma_wait3A_203 = tpu.memref_slice %arg16[%dma_wait3A_202] : memref<10240xf32, #tpu.memory_space<vmem_shared>> -> memref<10240xf32, #tpu.memory_space<vmem_shared>>
      tpu.wait_indirect_dma semaphore(%arg19 : memref<!tpu.dma_semaphore, #tpu.memory_space<semaphore_mem>>) src(%dma_wait3A_194 : memref<80xf32, #tpu.memory_space<vmem>>) dst(%dma_wait3A_203 : memref<10240xf32, #tpu.memory_space<vmem_shared>>)
      %dma_wait3A_204 = arith.constant 0 : i32
      %dma_wait3A_205 = arith.constant 0 : i32
      %dma_wait3A_206 = arith.constant 0 : i32
      %dma_wait3A_207 = tpu.memref_slice %arg14[%dma_wait3A_204, %dma_wait3A_206] : memref<2x80xf32, #tpu.memory_space<vmem>> -> memref<1x80xf32, #tpu.memory_space<vmem>>
      %dma_wait3A_208 = tpu.memref_squeeze %dma_wait3A_207 : memref<1x80xf32, #tpu.memory_space<vmem>> -> memref<80xf32, #tpu.memory_space<vmem>>
      %dma_wait3A_209 = arith.constant 0 : i32
      %dma_wait3A_210 = arith.constant 0 : i32
      %dma_wait3A_211 = tpu.memref_slice %arg12[%rem3A_96, %dma_wait3A_209, %dma_wait3A_210] : memref<2x5x80xi32, #tpu.memory_space<vmem>> -> memref<1x5x80xi32, #tpu.memory_space<vmem>>
      %dma_wait3A_212 = tpu.memref_squeeze %dma_wait3A_211 : memref<1x5x80xi32, #tpu.memory_space<vmem>> -> memref<5x80xi32, #tpu.memory_space<vmem>>
      %dma_wait3A_213 = arith.constant 0 : i32
      %dma_wait3A_214 = tpu.memref_slice %dma_wait3A_212[%dma_wait3A_205, %dma_wait3A_213] : memref<5x80xi32, #tpu.memory_space<vmem>> -> memref<1x80xi32, #tpu.memory_space<vmem>>
      %dma_wait3A_215 = tpu.memref_squeeze %dma_wait3A_214 : memref<1x80xi32, #tpu.memory_space<vmem>> -> memref<80xi32, #tpu.memory_space<vmem>>
      %dma_wait3A_216 = arith.constant 0 : i32
      %dma_wait3A_217 = tpu.memref_slice %arg16[%dma_wait3A_216] : memref<10240xf32, #tpu.memory_space<vmem_shared>> -> memref<10240xf32, #tpu.memory_space<vmem_shared>>
      tpu.wait_indirect_dma semaphore(%arg19 : memref<!tpu.dma_semaphore, #tpu.memory_space<semaphore_mem>>) src(%dma_wait3A_208 : memref<80xf32, #tpu.memory_space<vmem>>) dst(%dma_wait3A_217 : memref<10240xf32, #tpu.memory_space<vmem_shared>>)
    }
    %scan3A_83 = arith.constant 25 : i32
    %barrier3A_84 = arith.constant 0 : index
    tpu.barrier barrier_id(%barrier3A_84)
    "tpu.region"() ({
      %run_scoped3A_95 = tpu.sem_alloc : memref<!tpu.dma_semaphore, #tpu.memory_space<semaphore_mem>>
      %dma_start3A_96 = arith.constant 0 : i32
      %dma_start3A_97 = tpu.memref_slice %arg6[%arg0, %mul3A_48, %dma_start3A_96] : memref<2x10000x64xf32, #tpu.memory_space<hbm>> -> memref<1x624x64xf32, #tpu.memory_space<hbm>>
      %dma_start3A_98 = tpu.memref_squeeze %dma_start3A_97 : memref<1x624x64xf32, #tpu.memory_space<hbm>> -> memref<624x64xf32, #tpu.memory_space<hbm>>
      %dma_start3A_99 = arith.constant 0 : i32
      %dma_start3A_100 = tpu.memref_slice %arg15[%mul3A_48, %dma_start3A_99] : memref<10000x64xf32, #tpu.memory_space<vmem_shared>> -> memref<624x64xf32, #tpu.memory_space<vmem_shared>>
      tpu.enqueue_dma source(%dma_start3A_100 : memref<624x64xf32, #tpu.memory_space<vmem_shared>>) target(%dma_start3A_98 : memref<624x64xf32, #tpu.memory_space<hbm>>) target_semaphore(%run_scoped3A_95 : memref<!tpu.dma_semaphore, #tpu.memory_space<semaphore_mem>>)
      %dma_wait3A = arith.constant 0 : i32
      %dma_wait3A_101 = tpu.memref_slice %arg6[%arg0, %mul3A_48, %dma_wait3A] : memref<2x10000x64xf32, #tpu.memory_space<hbm>> -> memref<1x624x64xf32, #tpu.memory_space<hbm>>
      %dma_wait3A_102 = tpu.memref_squeeze %dma_wait3A_101 : memref<1x624x64xf32, #tpu.memory_space<hbm>> -> memref<624x64xf32, #tpu.memory_space<hbm>>
      %dma_wait3A_103 = arith.constant 0 : i32
      %dma_wait3A_104 = tpu.memref_slice %arg15[%mul3A_48, %dma_wait3A_103] : memref<10000x64xf32, #tpu.memory_space<vmem_shared>> -> memref<624x64xf32, #tpu.memory_space<vmem_shared>>
      tpu.wait_dma2 semaphore(%run_scoped3A_95 : memref<!tpu.dma_semaphore, #tpu.memory_space<semaphore_mem>>) src(%dma_wait3A_104 : memref<624x64xf32, #tpu.memory_space<vmem_shared>>) dst(%dma_wait3A_102 : memref<624x64xf32, #tpu.memory_space<hbm>>)
      tpu.yield
    }) : () -> ()
    %eq3A_85 = arith.constant 15 : i32
    %eq3A_86 = arith.cmpi eq, %arg1, %eq3A_85 : i32
    %convert_element_type3A_87 = arith.extui %eq3A_86 : i1 to i32
    %cond3A_88 = arith.constant 0 : i32
    %cond3A_89 = arith.cmpi ne, %convert_element_type3A_87, %cond3A_88 : i32
    scf.if %cond3A_89 {
      "tpu.region"() ({
        %run_scoped3A_95 = tpu.sem_alloc : memref<!tpu.dma_semaphore, #tpu.memory_space<semaphore_mem>>
        %dma_start3A_96 = arith.constant 9984 : i32
        %dma_start3A_97 = arith.constant 0 : i32
        %dma_start3A_98 = tpu.memref_slice %arg6[%arg0, %dma_start3A_96, %dma_start3A_97] : memref<2x10000x64xf32, #tpu.memory_space<hbm>> -> memref<1x16x64xf32, #tpu.memory_space<hbm>>
        %dma_start3A_99 = tpu.memref_squeeze %dma_start3A_98 : memref<1x16x64xf32, #tpu.memory_space<hbm>> -> memref<16x64xf32, #tpu.memory_space<hbm>>
        %dma_start3A_100 = arith.constant 9984 : i32
        %dma_start3A_101 = arith.constant 0 : i32
        %dma_start3A_102 = tpu.memref_slice %arg15[%dma_start3A_100, %dma_start3A_101] : memref<10000x64xf32, #tpu.memory_space<vmem_shared>> -> memref<16x64xf32, #tpu.memory_space<vmem_shared>>
        tpu.enqueue_dma source(%dma_start3A_102 : memref<16x64xf32, #tpu.memory_space<vmem_shared>>) target(%dma_start3A_99 : memref<16x64xf32, #tpu.memory_space<hbm>>) target_semaphore(%run_scoped3A_95 : memref<!tpu.dma_semaphore, #tpu.memory_space<semaphore_mem>>)
        %dma_wait3A = arith.constant 9984 : i32
        %dma_wait3A_103 = arith.constant 0 : i32
        %dma_wait3A_104 = tpu.memref_slice %arg6[%arg0, %dma_wait3A, %dma_wait3A_103] : memref<2x10000x64xf32, #tpu.memory_space<hbm>> -> memref<1x16x64xf32, #tpu.memory_space<hbm>>
        %dma_wait3A_105 = tpu.memref_squeeze %dma_wait3A_104 : memref<1x16x64xf32, #tpu.memory_space<hbm>> -> memref<16x64xf32, #tpu.memory_space<hbm>>
        %dma_wait3A_106 = arith.constant 9984 : i32
        %dma_wait3A_107 = arith.constant 0 : i32
        %dma_wait3A_108 = tpu.memref_slice %arg15[%dma_wait3A_106, %dma_wait3A_107] : memref<10000x64xf32, #tpu.memory_space<vmem_shared>> -> memref<16x64xf32, #tpu.memory_space<vmem_shared>>
        tpu.wait_dma2 semaphore(%run_scoped3A_95 : memref<!tpu.dma_semaphore, #tpu.memory_space<semaphore_mem>>) src(%dma_wait3A_108 : memref<16x64xf32, #tpu.memory_space<vmem_shared>>) dst(%dma_wait3A_105 : memref<16x64xf32, #tpu.memory_space<hbm>>)
        tpu.yield
      }) : () -> ()
    } else {
    }
    %mul3A_90 = arith.constant 640 : i32
    %mul3A_91 = arith.muli %arg1, %mul3A_90 : i32
    %mul3A_92 = arith.constant 640 : i32
    %mul3A_93 = arith.muli %arg1, %mul3A_92 : i32
    %run_scoped3A_94 = arith.constant 0 : i32
    "tpu.region"() ({
      %run_scoped3A_95 = tpu.sem_alloc : memref<!tpu.dma_semaphore, #tpu.memory_space<semaphore_mem>>
      %dma_start3A_96 = tpu.memref_slice %arg7[%arg0, %run_scoped3A_94, %mul3A_93] : memref<2x1x10240xf32, #tpu.memory_space<hbm>> -> memref<1x1x640xf32, #tpu.memory_space<hbm>>
      %dma_start3A_97 = tpu.memref_squeeze %dma_start3A_96 : memref<1x1x640xf32, #tpu.memory_space<hbm>> -> memref<640xf32, #tpu.memory_space<hbm>>
      %dma_start3A_98 = tpu.memref_slice %arg16[%mul3A_91] : memref<10240xf32, #tpu.memory_space<vmem_shared>> -> memref<640xf32, #tpu.memory_space<vmem_shared>>
      tpu.enqueue_dma source(%dma_start3A_98 : memref<640xf32, #tpu.memory_space<vmem_shared>>) target(%dma_start3A_97 : memref<640xf32, #tpu.memory_space<hbm>>) target_semaphore(%run_scoped3A_95 : memref<!tpu.dma_semaphore, #tpu.memory_space<semaphore_mem>>)
      %dma_wait3A = tpu.memref_slice %arg7[%arg0, %run_scoped3A_94, %mul3A_93] : memref<2x1x10240xf32, #tpu.memory_space<hbm>> -> memref<1x1x640xf32, #tpu.memory_space<hbm>>
      %dma_wait3A_99 = tpu.memref_squeeze %dma_wait3A : memref<1x1x640xf32, #tpu.memory_space<hbm>> -> memref<640xf32, #tpu.memory_space<hbm>>
      %dma_wait3A_100 = tpu.memref_slice %arg16[%mul3A_91] : memref<10240xf32, #tpu.memory_space<vmem_shared>> -> memref<640xf32, #tpu.memory_space<vmem_shared>>
      tpu.wait_dma2 semaphore(%run_scoped3A_95 : memref<!tpu.dma_semaphore, #tpu.memory_space<semaphore_mem>>) src(%dma_wait3A_100 : memref<640xf32, #tpu.memory_space<vmem_shared>>) dst(%dma_wait3A_99 : memref<640xf32, #tpu.memory_space<hbm>>)
      tpu.yield
    }) : () -> ()
    return
  }
}

#map = affine_map<(d0, d1) -> (0, 0)>
#map1 = affine_map<(d0, d1) -> (0)>
#map2 = affine_map<(d0, d1) -> (0, 0, 0, 0, 0)>
#map3 = affine_map<(d0, d1) -> (0, 0, 0)>
module attributes {stable_mosaic.version = 14 : i64} {
  func.func @edge_kernel(%arg0: i32, %arg1: i32, %arg2: memref<10000x128xf32, #tpu.memory_space<hbm>>, %arg3: memref<10000xf32, #tpu.memory_space<hbm>>, %arg4: memref<10000xf32, #tpu.memory_space<hbm>>, %arg5: memref<2x32x25x5x80xi32, #tpu.memory_space<hbm>>, %arg6: memref<2x10000x128xf32, #tpu.memory_space<hbm>>, %arg7: memref<2x1x10240xf32, #tpu.memory_space<hbm>>, %arg8: memref<10000xf32, #tpu.memory_space<vmem>>, %arg9: memref<10000xf32, #tpu.memory_space<vmem>>, %arg10: memref<2048xf32, #tpu.memory_space<vmem>>, %arg11: memref<2x5x80xi32, #tpu.memory_space<vmem>>, %arg12: memref<2x5x80xi32, #tpu.memory_space<vmem>>, %arg13: memref<2x80x128xf32, #tpu.memory_space<vmem>>, %arg14: memref<2x80xf32, #tpu.memory_space<vmem>>, %arg15: memref<10000x128xf32, #tpu.memory_space<vmem_shared>>, %arg16: memref<10240xf32, #tpu.memory_space<vmem_shared>>, %arg17: memref<!tpu.dma_semaphore, #tpu.memory_space<semaphore_mem>>, %arg18: memref<!tpu.dma_semaphore, #tpu.memory_space<semaphore_mem>>, %arg19: memref<!tpu.dma_semaphore, #tpu.memory_space<semaphore_mem>>, %arg20: memref<!tpu.dma_semaphore, #tpu.memory_space<semaphore_mem>>) attributes {dimension_semantics = [#tpu.dimension_semantics<core_parallel>, #tpu.dimension_semantics<subcore_parallel>], iteration_bounds = array<i64: 2, 16>, scalar_prefetch = 0 : i64, scratch_operands = 13 : i64, tpu.core_type = #tpu.core_type<sc_vector_subcore>, window_params = [{transform_indices = #map}, {transform_indices = #map1}, {transform_indices = #map1}, {transform_indices = #map2}, {transform_indices = #map3}, {transform_indices = #map3}]} {
    %mul3A = arith.constant 16 : i32
    %mul3A_0 = arith.muli %arg0, %mul3A : i32
    %add3A = arith.addi %mul3A_0, %arg1 : i32
    tpu.enqueue_dma source(%arg3 : memref<10000xf32, #tpu.memory_space<hbm>>) target(%arg8 : memref<10000xf32, #tpu.memory_space<vmem>>) target_semaphore(%arg17 : memref<!tpu.dma_semaphore, #tpu.memory_space<semaphore_mem>>)
    tpu.enqueue_dma source(%arg4 : memref<10000xf32, #tpu.memory_space<hbm>>) target(%arg9 : memref<10000xf32, #tpu.memory_space<vmem>>) target_semaphore(%arg17 : memref<!tpu.dma_semaphore, #tpu.memory_space<semaphore_mem>>)
    %dma_start3A = arith.constant 0 : i32
    %dma_start3A_1 = arith.constant 0 : i32
    %dma_start3A_2 = arith.constant 0 : i32
    %dma_start3A_3 = arith.constant 0 : i32
    %dma_start3A_4 = arith.constant 0 : i32
    %dma_start3A_5 = tpu.memref_slice %arg11[%dma_start3A_2, %dma_start3A_3, %dma_start3A_4] : memref<2x5x80xi32, #tpu.memory_space<vmem>> -> memref<1x5x80xi32, #tpu.memory_space<vmem>>
    %dma_start3A_6 = tpu.memref_squeeze %dma_start3A_5 : memref<1x5x80xi32, #tpu.memory_space<vmem>> -> memref<5x80xi32, #tpu.memory_space<vmem>>
    %dma_start3A_7 = arith.constant 0 : i32
    %dma_start3A_8 = arith.constant 0 : i32
    %dma_start3A_9 = tpu.memref_slice %arg5[%dma_start3A, %add3A, %dma_start3A_1, %dma_start3A_7, %dma_start3A_8] : memref<2x32x25x5x80xi32, #tpu.memory_space<hbm>> -> memref<1x1x1x5x80xi32, #tpu.memory_space<hbm>>
    %dma_start3A_10 = tpu.memref_squeeze %dma_start3A_9 : memref<1x1x1x5x80xi32, #tpu.memory_space<hbm>> -> memref<5x80xi32, #tpu.memory_space<hbm>>
    %dma_start3A_11 = arith.constant 0 : i32
    %dma_start3A_12 = arith.constant 0 : i32
    %dma_start3A_13 = tpu.memref_slice %arg11[%dma_start3A_2, %dma_start3A_11, %dma_start3A_12] : memref<2x5x80xi32, #tpu.memory_space<vmem>> -> memref<1x5x80xi32, #tpu.memory_space<vmem>>
    %dma_start3A_14 = tpu.memref_squeeze %dma_start3A_13 : memref<1x5x80xi32, #tpu.memory_space<vmem>> -> memref<5x80xi32, #tpu.memory_space<vmem>>
    %dma_start3A_15 = arith.constant 0 : i32
    %dma_start3A_16 = arith.constant 0 : i32
    %dma_start3A_17 = tpu.memref_slice %arg5[%dma_start3A, %add3A, %dma_start3A_1, %dma_start3A_15, %dma_start3A_16] : memref<2x32x25x5x80xi32, #tpu.memory_space<hbm>> -> memref<1x1x1x5x80xi32, #tpu.memory_space<hbm>>
    %dma_start3A_18 = tpu.memref_squeeze %dma_start3A_17 : memref<1x1x1x5x80xi32, #tpu.memory_space<hbm>> -> memref<5x80xi32, #tpu.memory_space<hbm>>
    tpu.enqueue_dma source(%dma_start3A_18 : memref<5x80xi32, #tpu.memory_space<hbm>>) target(%dma_start3A_14 : memref<5x80xi32, #tpu.memory_space<vmem>>) target_semaphore(%arg20 : memref<!tpu.dma_semaphore, #tpu.memory_space<semaphore_mem>>)
    %dma_start3A_19 = arith.constant 1 : i32
    %dma_start3A_20 = arith.constant 0 : i32
    %dma_start3A_21 = arith.constant 0 : i32
    %dma_start3A_22 = arith.constant 0 : i32
    %dma_start3A_23 = arith.constant 0 : i32
    %dma_start3A_24 = tpu.memref_slice %arg12[%dma_start3A_21, %dma_start3A_22, %dma_start3A_23] : memref<2x5x80xi32, #tpu.memory_space<vmem>> -> memref<1x5x80xi32, #tpu.memory_space<vmem>>
    %dma_start3A_25 = tpu.memref_squeeze %dma_start3A_24 : memref<1x5x80xi32, #tpu.memory_space<vmem>> -> memref<5x80xi32, #tpu.memory_space<vmem>>
    %dma_start3A_26 = arith.constant 0 : i32
    %dma_start3A_27 = arith.constant 0 : i32
    %dma_start3A_28 = tpu.memref_slice %arg5[%dma_start3A_19, %add3A, %dma_start3A_20, %dma_start3A_26, %dma_start3A_27] : memref<2x32x25x5x80xi32, #tpu.memory_space<hbm>> -> memref<1x1x1x5x80xi32, #tpu.memory_space<hbm>>
    %dma_start3A_29 = tpu.memref_squeeze %dma_start3A_28 : memref<1x1x1x5x80xi32, #tpu.memory_space<hbm>> -> memref<5x80xi32, #tpu.memory_space<hbm>>
    %dma_start3A_30 = arith.constant 0 : i32
    %dma_start3A_31 = arith.constant 0 : i32
    %dma_start3A_32 = tpu.memref_slice %arg12[%dma_start3A_21, %dma_start3A_30, %dma_start3A_31] : memref<2x5x80xi32, #tpu.memory_space<vmem>> -> memref<1x5x80xi32, #tpu.memory_space<vmem>>
    %dma_start3A_33 = tpu.memref_squeeze %dma_start3A_32 : memref<1x5x80xi32, #tpu.memory_space<vmem>> -> memref<5x80xi32, #tpu.memory_space<vmem>>
    %dma_start3A_34 = arith.constant 0 : i32
    %dma_start3A_35 = arith.constant 0 : i32
    %dma_start3A_36 = tpu.memref_slice %arg5[%dma_start3A_19, %add3A, %dma_start3A_20, %dma_start3A_34, %dma_start3A_35] : memref<2x32x25x5x80xi32, #tpu.memory_space<hbm>> -> memref<1x1x1x5x80xi32, #tpu.memory_space<hbm>>
    %dma_start3A_37 = tpu.memref_squeeze %dma_start3A_36 : memref<1x1x1x5x80xi32, #tpu.memory_space<hbm>> -> memref<5x80xi32, #tpu.memory_space<hbm>>
    tpu.enqueue_dma source(%dma_start3A_37 : memref<5x80xi32, #tpu.memory_space<hbm>>) target(%dma_start3A_33 : memref<5x80xi32, #tpu.memory_space<vmem>>) target_semaphore(%arg20 : memref<!tpu.dma_semaphore, #tpu.memory_space<semaphore_mem>>)
    %broadcast_in_dim3A = arith.constant 0.000000e+00 : f32
    %broadcast_in_dim3A_38 = vector.broadcast %broadcast_in_dim3A : f32 to vector<16xf32>
    %eq3A = arith.constant 0 : i32
    %eq3A_39 = arith.cmpi eq, %arg1, %eq3A : i32
    %convert_element_type3A = arith.extui %eq3A_39 : i1 to i32
    %cond3A = arith.constant 0 : i32
    %cond3A_40 = arith.cmpi ne, %convert_element_type3A, %cond3A : i32
    scf.if %cond3A_40 {
      %scan3A_95 = arith.constant 0 : i32
      %scan3A_96 = arith.constant 0 : i32
      %scan3A_97 = arith.constant 128 : i32
      %scan3A_98 = arith.addi %scan3A_96, %scan3A_97 : i32
      %scan3A_99 = arith.constant 1 : i32
      scf.for %scan3A_101 = %scan3A_96 to %scan3A_98 step %scan3A_99  : i32 {
        %mul3A_102 = arith.constant 16 : i32
        %mul3A_103 = arith.muli %scan3A_101, %mul3A_102 : i32
        %swap3A = arith.index_cast %mul3A_103 : i32 to index
        %swap3A_104 = tpu.vector_load %arg10[%swap3A] {strides = array<i32>} : memref<2048xf32, #tpu.memory_space<vmem>>, vector<16xf32>,
        tpu.vector_store %arg10[%swap3A], %broadcast_in_dim3A_38 {strides = array<i32>} : memref<2048xf32, #tpu.memory_space<vmem>>, vector<16xf32>,
      }
      %scan3A_100 = arith.constant 128 : i32
      "tpu.region"() ({
        %run_scoped3A_101 = tpu.sem_alloc : memref<!tpu.dma_semaphore, #tpu.memory_space<semaphore_mem>>
        %dma_start3A_102 = arith.constant 0 : i32
        %dma_start3A_103 = tpu.memref_slice %arg16[%dma_start3A_102] : memref<10240xf32, #tpu.memory_space<vmem_shared>> -> memref<2048xf32, #tpu.memory_space<vmem_shared>>
        %dma_start3A_104 = arith.constant 0 : i32
        %dma_start3A_105 = tpu.memref_slice %arg16[%dma_start3A_104] : memref<10240xf32, #tpu.memory_space<vmem_shared>> -> memref<2048xf32, #tpu.memory_space<vmem_shared>>
        tpu.enqueue_dma source(%arg10 : memref<2048xf32, #tpu.memory_space<vmem>>) target(%dma_start3A_105 : memref<2048xf32, #tpu.memory_space<vmem_shared>>) target_semaphore(%run_scoped3A_101 : memref<!tpu.dma_semaphore, #tpu.memory_space<semaphore_mem>>)
        %dma_wait3A = arith.constant 0 : i32
        %dma_wait3A_106 = tpu.memref_slice %arg16[%dma_wait3A] : memref<10240xf32, #tpu.memory_space<vmem_shared>> -> memref<2048xf32, #tpu.memory_space<vmem_shared>>
        %dma_wait3A_107 = arith.constant 0 : i32
        %dma_wait3A_108 = tpu.memref_slice %arg16[%dma_wait3A_107] : memref<10240xf32, #tpu.memory_space<vmem_shared>> -> memref<2048xf32, #tpu.memory_space<vmem_shared>>
        tpu.wait_dma2 semaphore(%run_scoped3A_101 : memref<!tpu.dma_semaphore, #tpu.memory_space<semaphore_mem>>) src(%arg10 : memref<2048xf32, #tpu.memory_space<vmem>>) dst(%dma_wait3A_108 : memref<2048xf32, #tpu.memory_space<vmem_shared>>)
        tpu.yield
      }) : () -> ()
      "tpu.region"() ({
        %run_scoped3A_101 = tpu.sem_alloc : memref<!tpu.dma_semaphore, #tpu.memory_space<semaphore_mem>>
        %dma_start3A_102 = arith.constant 2048 : i32
        %dma_start3A_103 = tpu.memref_slice %arg16[%dma_start3A_102] : memref<10240xf32, #tpu.memory_space<vmem_shared>> -> memref<2048xf32, #tpu.memory_space<vmem_shared>>
        %dma_start3A_104 = arith.constant 2048 : i32
        %dma_start3A_105 = tpu.memref_slice %arg16[%dma_start3A_104] : memref<10240xf32, #tpu.memory_space<vmem_shared>> -> memref<2048xf32, #tpu.memory_space<vmem_shared>>
        tpu.enqueue_dma source(%arg10 : memref<2048xf32, #tpu.memory_space<vmem>>) target(%dma_start3A_105 : memref<2048xf32, #tpu.memory_space<vmem_shared>>) target_semaphore(%run_scoped3A_101 : memref<!tpu.dma_semaphore, #tpu.memory_space<semaphore_mem>>)
        %dma_wait3A = arith.constant 2048 : i32
        %dma_wait3A_106 = tpu.memref_slice %arg16[%dma_wait3A] : memref<10240xf32, #tpu.memory_space<vmem_shared>> -> memref<2048xf32, #tpu.memory_space<vmem_shared>>
        %dma_wait3A_107 = arith.constant 2048 : i32
        %dma_wait3A_108 = tpu.memref_slice %arg16[%dma_wait3A_107] : memref<10240xf32, #tpu.memory_space<vmem_shared>> -> memref<2048xf32, #tpu.memory_space<vmem_shared>>
        tpu.wait_dma2 semaphore(%run_scoped3A_101 : memref<!tpu.dma_semaphore, #tpu.memory_space<semaphore_mem>>) src(%arg10 : memref<2048xf32, #tpu.memory_space<vmem>>) dst(%dma_wait3A_108 : memref<2048xf32, #tpu.memory_space<vmem_shared>>)
        tpu.yield
      }) : () -> ()
      "tpu.region"() ({
        %run_scoped3A_101 = tpu.sem_alloc : memref<!tpu.dma_semaphore, #tpu.memory_space<semaphore_mem>>
        %dma_start3A_102 = arith.constant 4096 : i32
        %dma_start3A_103 = tpu.memref_slice %arg16[%dma_start3A_102] : memref<10240xf32, #tpu.memory_space<vmem_shared>> -> memref<2048xf32, #tpu.memory_space<vmem_shared>>
        %dma_start3A_104 = arith.constant 4096 : i32
        %dma_start3A_105 = tpu.memref_slice %arg16[%dma_start3A_104] : memref<10240xf32, #tpu.memory_space<vmem_shared>> -> memref<2048xf32, #tpu.memory_space<vmem_shared>>
        tpu.enqueue_dma source(%arg10 : memref<2048xf32, #tpu.memory_space<vmem>>) target(%dma_start3A_105 : memref<2048xf32, #tpu.memory_space<vmem_shared>>) target_semaphore(%run_scoped3A_101 : memref<!tpu.dma_semaphore, #tpu.memory_space<semaphore_mem>>)
        %dma_wait3A = arith.constant 4096 : i32
        %dma_wait3A_106 = tpu.memref_slice %arg16[%dma_wait3A] : memref<10240xf32, #tpu.memory_space<vmem_shared>> -> memref<2048xf32, #tpu.memory_space<vmem_shared>>
        %dma_wait3A_107 = arith.constant 4096 : i32
        %dma_wait3A_108 = tpu.memref_slice %arg16[%dma_wait3A_107] : memref<10240xf32, #tpu.memory_space<vmem_shared>> -> memref<2048xf32, #tpu.memory_space<vmem_shared>>
        tpu.wait_dma2 semaphore(%run_scoped3A_101 : memref<!tpu.dma_semaphore, #tpu.memory_space<semaphore_mem>>) src(%arg10 : memref<2048xf32, #tpu.memory_space<vmem>>) dst(%dma_wait3A_108 : memref<2048xf32, #tpu.memory_space<vmem_shared>>)
        tpu.yield
      }) : () -> ()
      "tpu.region"() ({
        %run_scoped3A_101 = tpu.sem_alloc : memref<!tpu.dma_semaphore, #tpu.memory_space<semaphore_mem>>
        %dma_start3A_102 = arith.constant 6144 : i32
        %dma_start3A_103 = tpu.memref_slice %arg16[%dma_start3A_102] : memref<10240xf32, #tpu.memory_space<vmem_shared>> -> memref<2048xf32, #tpu.memory_space<vmem_shared>>
        %dma_start3A_104 = arith.constant 6144 : i32
        %dma_start3A_105 = tpu.memref_slice %arg16[%dma_start3A_104] : memref<10240xf32, #tpu.memory_space<vmem_shared>> -> memref<2048xf32, #tpu.memory_space<vmem_shared>>
        tpu.enqueue_dma source(%arg10 : memref<2048xf32, #tpu.memory_space<vmem>>) target(%dma_start3A_105 : memref<2048xf32, #tpu.memory_space<vmem_shared>>) target_semaphore(%run_scoped3A_101 : memref<!tpu.dma_semaphore, #tpu.memory_space<semaphore_mem>>)
        %dma_wait3A = arith.constant 6144 : i32
        %dma_wait3A_106 = tpu.memref_slice %arg16[%dma_wait3A] : memref<10240xf32, #tpu.memory_space<vmem_shared>> -> memref<2048xf32, #tpu.memory_space<vmem_shared>>
        %dma_wait3A_107 = arith.constant 6144 : i32
        %dma_wait3A_108 = tpu.memref_slice %arg16[%dma_wait3A_107] : memref<10240xf32, #tpu.memory_space<vmem_shared>> -> memref<2048xf32, #tpu.memory_space<vmem_shared>>
        tpu.wait_dma2 semaphore(%run_scoped3A_101 : memref<!tpu.dma_semaphore, #tpu.memory_space<semaphore_mem>>) src(%arg10 : memref<2048xf32, #tpu.memory_space<vmem>>) dst(%dma_wait3A_108 : memref<2048xf32, #tpu.memory_space<vmem_shared>>)
        tpu.yield
      }) : () -> ()
      "tpu.region"() ({
        %run_scoped3A_101 = tpu.sem_alloc : memref<!tpu.dma_semaphore, #tpu.memory_space<semaphore_mem>>
        %dma_start3A_102 = arith.constant 8192 : i32
        %dma_start3A_103 = tpu.memref_slice %arg16[%dma_start3A_102] : memref<10240xf32, #tpu.memory_space<vmem_shared>> -> memref<2048xf32, #tpu.memory_space<vmem_shared>>
        %dma_start3A_104 = arith.constant 8192 : i32
        %dma_start3A_105 = tpu.memref_slice %arg16[%dma_start3A_104] : memref<10240xf32, #tpu.memory_space<vmem_shared>> -> memref<2048xf32, #tpu.memory_space<vmem_shared>>
        tpu.enqueue_dma source(%arg10 : memref<2048xf32, #tpu.memory_space<vmem>>) target(%dma_start3A_105 : memref<2048xf32, #tpu.memory_space<vmem_shared>>) target_semaphore(%run_scoped3A_101 : memref<!tpu.dma_semaphore, #tpu.memory_space<semaphore_mem>>)
        %dma_wait3A = arith.constant 8192 : i32
        %dma_wait3A_106 = tpu.memref_slice %arg16[%dma_wait3A] : memref<10240xf32, #tpu.memory_space<vmem_shared>> -> memref<2048xf32, #tpu.memory_space<vmem_shared>>
        %dma_wait3A_107 = arith.constant 8192 : i32
        %dma_wait3A_108 = tpu.memref_slice %arg16[%dma_wait3A_107] : memref<10240xf32, #tpu.memory_space<vmem_shared>> -> memref<2048xf32, #tpu.memory_space<vmem_shared>>
        tpu.wait_dma2 semaphore(%run_scoped3A_101 : memref<!tpu.dma_semaphore, #tpu.memory_space<semaphore_mem>>) src(%arg10 : memref<2048xf32, #tpu.memory_space<vmem>>) dst(%dma_wait3A_108 : memref<2048xf32, #tpu.memory_space<vmem_shared>>)
        tpu.yield
      }) : () -> ()
    } else {
    }
    %scan3A = arith.constant 0 : i32
    %scan3A_41 = arith.constant 0 : i32
    %scan3A_42 = arith.constant 0 : i32
    %scan3A_43 = arith.constant 80 : i32
    %scan3A_44 = arith.addi %scan3A_42, %scan3A_43 : i32
    %scan3A_45 = arith.constant 1 : i32
    scf.for %scan3A_95 = %scan3A_42 to %scan3A_44 step %scan3A_45  : i32 {
      %swap3A = arith.constant 0 : i32
      %swap3A_96 = arith.constant 0 : i32
      %swap3A_97 = tpu.memref_slice %arg13[%scan3A_41, %swap3A, %swap3A_96] : memref<2x80x128xf32, #tpu.memory_space<vmem>> -> memref<1x80x128xf32, #tpu.memory_space<vmem>>
      %swap3A_98 = tpu.memref_squeeze %swap3A_97 : memref<1x80x128xf32, #tpu.memory_space<vmem>> -> memref<80x128xf32, #tpu.memory_space<vmem>>
      %swap3A_99 = arith.index_cast %scan3A_95 : i32 to index
      %swap3A_100 = arith.constant 0 : index
      %swap3A_101 = tpu.vector_load %swap3A_98[%swap3A_99, %swap3A_100] {strides = array<i32>} : memref<80x128xf32, #tpu.memory_space<vmem>>, vector<16xf32>,
      tpu.vector_store %swap3A_98[%swap3A_99, %swap3A_100], %broadcast_in_dim3A_38 {strides = array<i32>} : memref<80x128xf32, #tpu.memory_space<vmem>>, vector<16xf32>,
      %swap3A_102 = arith.constant 0 : i32
      %swap3A_103 = arith.constant 0 : i32
      %swap3A_104 = tpu.memref_slice %arg13[%scan3A_41, %swap3A_102, %swap3A_103] : memref<2x80x128xf32, #tpu.memory_space<vmem>> -> memref<1x80x128xf32, #tpu.memory_space<vmem>>
      %swap3A_105 = tpu.memref_squeeze %swap3A_104 : memref<1x80x128xf32, #tpu.memory_space<vmem>> -> memref<80x128xf32, #tpu.memory_space<vmem>>
      %swap3A_106 = arith.index_cast %scan3A_95 : i32 to index
      %swap3A_107 = arith.constant 16 : index
      %swap3A_108 = tpu.vector_load %swap3A_105[%swap3A_106, %swap3A_107] {strides = array<i32>} : memref<80x128xf32, #tpu.memory_space<vmem>>, vector<16xf32>,
      tpu.vector_store %swap3A_105[%swap3A_106, %swap3A_107], %broadcast_in_dim3A_38 {strides = array<i32>} : memref<80x128xf32, #tpu.memory_space<vmem>>, vector<16xf32>,
      %swap3A_109 = arith.constant 0 : i32
      %swap3A_110 = arith.constant 0 : i32
      %swap3A_111 = tpu.memref_slice %arg13[%scan3A_41, %swap3A_109, %swap3A_110] : memref<2x80x128xf32, #tpu.memory_space<vmem>> -> memref<1x80x128xf32, #tpu.memory_space<vmem>>
      %swap3A_112 = tpu.memref_squeeze %swap3A_111 : memref<1x80x128xf32, #tpu.memory_space<vmem>> -> memref<80x128xf32, #tpu.memory_space<vmem>>
      %swap3A_113 = arith.index_cast %scan3A_95 : i32 to index
      %swap3A_114 = arith.constant 32 : index
      %swap3A_115 = tpu.vector_load %swap3A_112[%swap3A_113, %swap3A_114] {strides = array<i32>} : memref<80x128xf32, #tpu.memory_space<vmem>>, vector<16xf32>,
      tpu.vector_store %swap3A_112[%swap3A_113, %swap3A_114], %broadcast_in_dim3A_38 {strides = array<i32>} : memref<80x128xf32, #tpu.memory_space<vmem>>, vector<16xf32>,
      %swap3A_116 = arith.constant 0 : i32
      %swap3A_117 = arith.constant 0 : i32
      %swap3A_118 = tpu.memref_slice %arg13[%scan3A_41, %swap3A_116, %swap3A_117] : memref<2x80x128xf32, #tpu.memory_space<vmem>> -> memref<1x80x128xf32, #tpu.memory_space<vmem>>
      %swap3A_119 = tpu.memref_squeeze %swap3A_118 : memref<1x80x128xf32, #tpu.memory_space<vmem>> -> memref<80x128xf32, #tpu.memory_space<vmem>>
      %swap3A_120 = arith.index_cast %scan3A_95 : i32 to index
      %swap3A_121 = arith.constant 48 : index
      %swap3A_122 = tpu.vector_load %swap3A_119[%swap3A_120, %swap3A_121] {strides = array<i32>} : memref<80x128xf32, #tpu.memory_space<vmem>>, vector<16xf32>,
      tpu.vector_store %swap3A_119[%swap3A_120, %swap3A_121], %broadcast_in_dim3A_38 {strides = array<i32>} : memref<80x128xf32, #tpu.memory_space<vmem>>, vector<16xf32>,
      %swap3A_123 = arith.constant 0 : i32
      %swap3A_124 = arith.constant 0 : i32
      %swap3A_125 = tpu.memref_slice %arg13[%scan3A_41, %swap3A_123, %swap3A_124] : memref<2x80x128xf32, #tpu.memory_space<vmem>> -> memref<1x80x128xf32, #tpu.memory_space<vmem>>
      %swap3A_126 = tpu.memref_squeeze %swap3A_125 : memref<1x80x128xf32, #tpu.memory_space<vmem>> -> memref<80x128xf32, #tpu.memory_space<vmem>>
      %swap3A_127 = arith.index_cast %scan3A_95 : i32 to index
      %swap3A_128 = arith.constant 64 : index
      %swap3A_129 = tpu.vector_load %swap3A_126[%swap3A_127, %swap3A_128] {strides = array<i32>} : memref<80x128xf32, #tpu.memory_space<vmem>>, vector<16xf32>,
      tpu.vector_store %swap3A_126[%swap3A_127, %swap3A_128], %broadcast_in_dim3A_38 {strides = array<i32>} : memref<80x128xf32, #tpu.memory_space<vmem>>, vector<16xf32>,
      %swap3A_130 = arith.constant 0 : i32
      %swap3A_131 = arith.constant 0 : i32
      %swap3A_132 = tpu.memref_slice %arg13[%scan3A_41, %swap3A_130, %swap3A_131] : memref<2x80x128xf32, #tpu.memory_space<vmem>> -> memref<1x80x128xf32, #tpu.memory_space<vmem>>
      %swap3A_133 = tpu.memref_squeeze %swap3A_132 : memref<1x80x128xf32, #tpu.memory_space<vmem>> -> memref<80x128xf32, #tpu.memory_space<vmem>>
      %swap3A_134 = arith.index_cast %scan3A_95 : i32 to index
      %swap3A_135 = arith.constant 80 : index
      %swap3A_136 = tpu.vector_load %swap3A_133[%swap3A_134, %swap3A_135] {strides = array<i32>} : memref<80x128xf32, #tpu.memory_space<vmem>>, vector<16xf32>,
      tpu.vector_store %swap3A_133[%swap3A_134, %swap3A_135], %broadcast_in_dim3A_38 {strides = array<i32>} : memref<80x128xf32, #tpu.memory_space<vmem>>, vector<16xf32>,
      %swap3A_137 = arith.constant 0 : i32
      %swap3A_138 = arith.constant 0 : i32
      %swap3A_139 = tpu.memref_slice %arg13[%scan3A_41, %swap3A_137, %swap3A_138] : memref<2x80x128xf32, #tpu.memory_space<vmem>> -> memref<1x80x128xf32, #tpu.memory_space<vmem>>
      %swap3A_140 = tpu.memref_squeeze %swap3A_139 : memref<1x80x128xf32, #tpu.memory_space<vmem>> -> memref<80x128xf32, #tpu.memory_space<vmem>>
      %swap3A_141 = arith.index_cast %scan3A_95 : i32 to index
      %swap3A_142 = arith.constant 96 : index
      %swap3A_143 = tpu.vector_load %swap3A_140[%swap3A_141, %swap3A_142] {strides = array<i32>} : memref<80x128xf32, #tpu.memory_space<vmem>>, vector<16xf32>,
      tpu.vector_store %swap3A_140[%swap3A_141, %swap3A_142], %broadcast_in_dim3A_38 {strides = array<i32>} : memref<80x128xf32, #tpu.memory_space<vmem>>, vector<16xf32>,
      %swap3A_144 = arith.constant 0 : i32
      %swap3A_145 = arith.constant 0 : i32
      %swap3A_146 = tpu.memref_slice %arg13[%scan3A_41, %swap3A_144, %swap3A_145] : memref<2x80x128xf32, #tpu.memory_space<vmem>> -> memref<1x80x128xf32, #tpu.memory_space<vmem>>
      %swap3A_147 = tpu.memref_squeeze %swap3A_146 : memref<1x80x128xf32, #tpu.memory_space<vmem>> -> memref<80x128xf32, #tpu.memory_space<vmem>>
      %swap3A_148 = arith.index_cast %scan3A_95 : i32 to index
      %swap3A_149 = arith.constant 112 : index
      %swap3A_150 = tpu.vector_load %swap3A_147[%swap3A_148, %swap3A_149] {strides = array<i32>} : memref<80x128xf32, #tpu.memory_space<vmem>>, vector<16xf32>,
      tpu.vector_store %swap3A_147[%swap3A_148, %swap3A_149], %broadcast_in_dim3A_38 {strides = array<i32>} : memref<80x128xf32, #tpu.memory_space<vmem>>, vector<16xf32>,
    }
    %scan3A_46 = arith.constant 80 : i32
    %mul3A_47 = arith.constant 624 : i32
    %mul3A_48 = arith.muli %arg1, %mul3A_47 : i32
    %add3A_49 = arith.constant 0 : i32
    %add3A_50 = arith.addi %mul3A_48, %add3A_49 : i32
    %run_scoped3A = arith.constant 0 : i32
    "tpu.region"() ({
      %run_scoped3A_95 = tpu.sem_alloc : memref<!tpu.dma_semaphore, #tpu.memory_space<semaphore_mem>>
      %dma_start3A_96 = arith.constant 0 : i32
      %dma_start3A_97 = arith.constant 0 : i32
      %dma_start3A_98 = tpu.memref_slice %arg13[%run_scoped3A, %dma_start3A_96, %dma_start3A_97] : memref<2x80x128xf32, #tpu.memory_space<vmem>> -> memref<1x80x128xf32, #tpu.memory_space<vmem>>
      %dma_start3A_99 = tpu.memref_squeeze %dma_start3A_98 : memref<1x80x128xf32, #tpu.memory_space<vmem>> -> memref<80x128xf32, #tpu.memory_space<vmem>>
      %dma_start3A_100 = arith.constant 0 : i32
      %dma_start3A_101 = tpu.memref_slice %arg15[%add3A_50, %dma_start3A_100] : memref<10000x128xf32, #tpu.memory_space<vmem_shared>> -> memref<80x128xf32, #tpu.memory_space<vmem_shared>>
      %dma_start3A_102 = arith.constant 0 : i32
      %dma_start3A_103 = tpu.memref_slice %arg15[%add3A_50, %dma_start3A_102] : memref<10000x128xf32, #tpu.memory_space<vmem_shared>> -> memref<80x128xf32, #tpu.memory_space<vmem_shared>>
      %dma_start3A_104 = arith.constant 0 : i32
      %dma_start3A_105 = arith.constant 0 : i32
      %dma_start3A_106 = tpu.memref_slice %arg13[%run_scoped3A, %dma_start3A_104, %dma_start3A_105] : memref<2x80x128xf32, #tpu.memory_space<vmem>> -> memref<1x80x128xf32, #tpu.memory_space<vmem>>
      %dma_start3A_107 = tpu.memref_squeeze %dma_start3A_106 : memref<1x80x128xf32, #tpu.memory_space<vmem>> -> memref<80x128xf32, #tpu.memory_space<vmem>>
      tpu.enqueue_dma source(%dma_start3A_107 : memref<80x128xf32, #tpu.memory_space<vmem>>) target(%dma_start3A_103 : memref<80x128xf32, #tpu.memory_space<vmem_shared>>) target_semaphore(%run_scoped3A_95 : memref<!tpu.dma_semaphore, #tpu.memory_space<semaphore_mem>>)
      %dma_wait3A = arith.constant 0 : i32
      %dma_wait3A_108 = arith.constant 0 : i32
      %dma_wait3A_109 = tpu.memref_slice %arg13[%run_scoped3A, %dma_wait3A, %dma_wait3A_108] : memref<2x80x128xf32, #tpu.memory_space<vmem>> -> memref<1x80x128xf32, #tpu.memory_space<vmem>>
      %dma_wait3A_110 = tpu.memref_squeeze %dma_wait3A_109 : memref<1x80x128xf32, #tpu.memory_space<vmem>> -> memref<80x128xf32, #tpu.memory_space<vmem>>
      %dma_wait3A_111 = arith.constant 0 : i32
      %dma_wait3A_112 = tpu.memref_slice %arg15[%add3A_50, %dma_wait3A_111] : memref<10000x128xf32, #tpu.memory_space<vmem_shared>> -> memref<80x128xf32, #tpu.memory_space<vmem_shared>>
      %dma_wait3A_113 = arith.constant 0 : i32
      %dma_wait3A_114 = tpu.memref_slice %arg15[%add3A_50, %dma_wait3A_113] : memref<10000x128xf32, #tpu.memory_space<vmem_shared>> -> memref<80x128xf32, #tpu.memory_space<vmem_shared>>
      %dma_wait3A_115 = arith.constant 0 : i32
      %dma_wait3A_116 = arith.constant 0 : i32
      %dma_wait3A_117 = tpu.memref_slice %arg13[%run_scoped3A, %dma_wait3A_115, %dma_wait3A_116] : memref<2x80x128xf32, #tpu.memory_space<vmem>> -> memref<1x80x128xf32, #tpu.memory_space<vmem>>
      %dma_wait3A_118 = tpu.memref_squeeze %dma_wait3A_117 : memref<1x80x128xf32, #tpu.memory_space<vmem>> -> memref<80x128xf32, #tpu.memory_space<vmem>>
      tpu.wait_dma2 semaphore(%run_scoped3A_95 : memref<!tpu.dma_semaphore, #tpu.memory_space<semaphore_mem>>) src(%dma_wait3A_118 : memref<80x128xf32, #tpu.memory_space<vmem>>) dst(%dma_wait3A_114 : memref<80x128xf32, #tpu.memory_space<vmem_shared>>)
      tpu.yield
    }) : () -> ()
    %add3A_51 = arith.constant 80 : i32
    %add3A_52 = arith.addi %mul3A_48, %add3A_51 : i32
    %run_scoped3A_53 = arith.constant 0 : i32
    "tpu.region"() ({
      %run_scoped3A_95 = tpu.sem_alloc : memref<!tpu.dma_semaphore, #tpu.memory_space<semaphore_mem>>
      %dma_start3A_96 = arith.constant 0 : i32
      %dma_start3A_97 = arith.constant 0 : i32
      %dma_start3A_98 = tpu.memref_slice %arg13[%run_scoped3A_53, %dma_start3A_96, %dma_start3A_97] : memref<2x80x128xf32, #tpu.memory_space<vmem>> -> memref<1x80x128xf32, #tpu.memory_space<vmem>>
      %dma_start3A_99 = tpu.memref_squeeze %dma_start3A_98 : memref<1x80x128xf32, #tpu.memory_space<vmem>> -> memref<80x128xf32, #tpu.memory_space<vmem>>
      %dma_start3A_100 = arith.constant 0 : i32
      %dma_start3A_101 = tpu.memref_slice %arg15[%add3A_52, %dma_start3A_100] : memref<10000x128xf32, #tpu.memory_space<vmem_shared>> -> memref<80x128xf32, #tpu.memory_space<vmem_shared>>
      %dma_start3A_102 = arith.constant 0 : i32
      %dma_start3A_103 = tpu.memref_slice %arg15[%add3A_52, %dma_start3A_102] : memref<10000x128xf32, #tpu.memory_space<vmem_shared>> -> memref<80x128xf32, #tpu.memory_space<vmem_shared>>
      %dma_start3A_104 = arith.constant 0 : i32
      %dma_start3A_105 = arith.constant 0 : i32
      %dma_start3A_106 = tpu.memref_slice %arg13[%run_scoped3A_53, %dma_start3A_104, %dma_start3A_105] : memref<2x80x128xf32, #tpu.memory_space<vmem>> -> memref<1x80x128xf32, #tpu.memory_space<vmem>>
      %dma_start3A_107 = tpu.memref_squeeze %dma_start3A_106 : memref<1x80x128xf32, #tpu.memory_space<vmem>> -> memref<80x128xf32, #tpu.memory_space<vmem>>
      tpu.enqueue_dma source(%dma_start3A_107 : memref<80x128xf32, #tpu.memory_space<vmem>>) target(%dma_start3A_103 : memref<80x128xf32, #tpu.memory_space<vmem_shared>>) target_semaphore(%run_scoped3A_95 : memref<!tpu.dma_semaphore, #tpu.memory_space<semaphore_mem>>)
      %dma_wait3A = arith.constant 0 : i32
      %dma_wait3A_108 = arith.constant 0 : i32
      %dma_wait3A_109 = tpu.memref_slice %arg13[%run_scoped3A_53, %dma_wait3A, %dma_wait3A_108] : memref<2x80x128xf32, #tpu.memory_space<vmem>> -> memref<1x80x128xf32, #tpu.memory_space<vmem>>
      %dma_wait3A_110 = tpu.memref_squeeze %dma_wait3A_109 : memref<1x80x128xf32, #tpu.memory_space<vmem>> -> memref<80x128xf32, #tpu.memory_space<vmem>>
      %dma_wait3A_111 = arith.constant 0 : i32
      %dma_wait3A_112 = tpu.memref_slice %arg15[%add3A_52, %dma_wait3A_111] : memref<10000x128xf32, #tpu.memory_space<vmem_shared>> -> memref<80x128xf32, #tpu.memory_space<vmem_shared>>
      %dma_wait3A_113 = arith.constant 0 : i32
      %dma_wait3A_114 = tpu.memref_slice %arg15[%add3A_52, %dma_wait3A_113] : memref<10000x128xf32, #tpu.memory_space<vmem_shared>> -> memref<80x128xf32, #tpu.memory_space<vmem_shared>>
      %dma_wait3A_115 = arith.constant 0 : i32
      %dma_wait3A_116 = arith.constant 0 : i32
      %dma_wait3A_117 = tpu.memref_slice %arg13[%run_scoped3A_53, %dma_wait3A_115, %dma_wait3A_116] : memref<2x80x128xf32, #tpu.memory_space<vmem>> -> memref<1x80x128xf32, #tpu.memory_space<vmem>>
      %dma_wait3A_118 = tpu.memref_squeeze %dma_wait3A_117 : memref<1x80x128xf32, #tpu.memory_space<vmem>> -> memref<80x128xf32, #tpu.memory_space<vmem>>
      tpu.wait_dma2 semaphore(%run_scoped3A_95 : memref<!tpu.dma_semaphore, #tpu.memory_space<semaphore_mem>>) src(%dma_wait3A_118 : memref<80x128xf32, #tpu.memory_space<vmem>>) dst(%dma_wait3A_114 : memref<80x128xf32, #tpu.memory_space<vmem_shared>>)
      tpu.yield
    }) : () -> ()
    %add3A_54 = arith.constant 160 : i32
    %add3A_55 = arith.addi %mul3A_48, %add3A_54 : i32
    %run_scoped3A_56 = arith.constant 0 : i32
    "tpu.region"() ({
      %run_scoped3A_95 = tpu.sem_alloc : memref<!tpu.dma_semaphore, #tpu.memory_space<semaphore_mem>>
      %dma_start3A_96 = arith.constant 0 : i32
      %dma_start3A_97 = arith.constant 0 : i32
      %dma_start3A_98 = tpu.memref_slice %arg13[%run_scoped3A_56, %dma_start3A_96, %dma_start3A_97] : memref<2x80x128xf32, #tpu.memory_space<vmem>> -> memref<1x80x128xf32, #tpu.memory_space<vmem>>
      %dma_start3A_99 = tpu.memref_squeeze %dma_start3A_98 : memref<1x80x128xf32, #tpu.memory_space<vmem>> -> memref<80x128xf32, #tpu.memory_space<vmem>>
      %dma_start3A_100 = arith.constant 0 : i32
      %dma_start3A_101 = tpu.memref_slice %arg15[%add3A_55, %dma_start3A_100] : memref<10000x128xf32, #tpu.memory_space<vmem_shared>> -> memref<80x128xf32, #tpu.memory_space<vmem_shared>>
      %dma_start3A_102 = arith.constant 0 : i32
      %dma_start3A_103 = tpu.memref_slice %arg15[%add3A_55, %dma_start3A_102] : memref<10000x128xf32, #tpu.memory_space<vmem_shared>> -> memref<80x128xf32, #tpu.memory_space<vmem_shared>>
      %dma_start3A_104 = arith.constant 0 : i32
      %dma_start3A_105 = arith.constant 0 : i32
      %dma_start3A_106 = tpu.memref_slice %arg13[%run_scoped3A_56, %dma_start3A_104, %dma_start3A_105] : memref<2x80x128xf32, #tpu.memory_space<vmem>> -> memref<1x80x128xf32, #tpu.memory_space<vmem>>
      %dma_start3A_107 = tpu.memref_squeeze %dma_start3A_106 : memref<1x80x128xf32, #tpu.memory_space<vmem>> -> memref<80x128xf32, #tpu.memory_space<vmem>>
      tpu.enqueue_dma source(%dma_start3A_107 : memref<80x128xf32, #tpu.memory_space<vmem>>) target(%dma_start3A_103 : memref<80x128xf32, #tpu.memory_space<vmem_shared>>) target_semaphore(%run_scoped3A_95 : memref<!tpu.dma_semaphore, #tpu.memory_space<semaphore_mem>>)
      %dma_wait3A = arith.constant 0 : i32
      %dma_wait3A_108 = arith.constant 0 : i32
      %dma_wait3A_109 = tpu.memref_slice %arg13[%run_scoped3A_56, %dma_wait3A, %dma_wait3A_108] : memref<2x80x128xf32, #tpu.memory_space<vmem>> -> memref<1x80x128xf32, #tpu.memory_space<vmem>>
      %dma_wait3A_110 = tpu.memref_squeeze %dma_wait3A_109 : memref<1x80x128xf32, #tpu.memory_space<vmem>> -> memref<80x128xf32, #tpu.memory_space<vmem>>
      %dma_wait3A_111 = arith.constant 0 : i32
      %dma_wait3A_112 = tpu.memref_slice %arg15[%add3A_55, %dma_wait3A_111] : memref<10000x128xf32, #tpu.memory_space<vmem_shared>> -> memref<80x128xf32, #tpu.memory_space<vmem_shared>>
      %dma_wait3A_113 = arith.constant 0 : i32
      %dma_wait3A_114 = tpu.memref_slice %arg15[%add3A_55, %dma_wait3A_113] : memref<10000x128xf32, #tpu.memory_space<vmem_shared>> -> memref<80x128xf32, #tpu.memory_space<vmem_shared>>
      %dma_wait3A_115 = arith.constant 0 : i32
      %dma_wait3A_116 = arith.constant 0 : i32
      %dma_wait3A_117 = tpu.memref_slice %arg13[%run_scoped3A_56, %dma_wait3A_115, %dma_wait3A_116] : memref<2x80x128xf32, #tpu.memory_space<vmem>> -> memref<1x80x128xf32, #tpu.memory_space<vmem>>
      %dma_wait3A_118 = tpu.memref_squeeze %dma_wait3A_117 : memref<1x80x128xf32, #tpu.memory_space<vmem>> -> memref<80x128xf32, #tpu.memory_space<vmem>>
      tpu.wait_dma2 semaphore(%run_scoped3A_95 : memref<!tpu.dma_semaphore, #tpu.memory_space<semaphore_mem>>) src(%dma_wait3A_118 : memref<80x128xf32, #tpu.memory_space<vmem>>) dst(%dma_wait3A_114 : memref<80x128xf32, #tpu.memory_space<vmem_shared>>)
      tpu.yield
    }) : () -> ()
    %add3A_57 = arith.constant 240 : i32
    %add3A_58 = arith.addi %mul3A_48, %add3A_57 : i32
    %run_scoped3A_59 = arith.constant 0 : i32
    "tpu.region"() ({
      %run_scoped3A_95 = tpu.sem_alloc : memref<!tpu.dma_semaphore, #tpu.memory_space<semaphore_mem>>
      %dma_start3A_96 = arith.constant 0 : i32
      %dma_start3A_97 = arith.constant 0 : i32
      %dma_start3A_98 = tpu.memref_slice %arg13[%run_scoped3A_59, %dma_start3A_96, %dma_start3A_97] : memref<2x80x128xf32, #tpu.memory_space<vmem>> -> memref<1x80x128xf32, #tpu.memory_space<vmem>>
      %dma_start3A_99 = tpu.memref_squeeze %dma_start3A_98 : memref<1x80x128xf32, #tpu.memory_space<vmem>> -> memref<80x128xf32, #tpu.memory_space<vmem>>
      %dma_start3A_100 = arith.constant 0 : i32
      %dma_start3A_101 = tpu.memref_slice %arg15[%add3A_58, %dma_start3A_100] : memref<10000x128xf32, #tpu.memory_space<vmem_shared>> -> memref<80x128xf32, #tpu.memory_space<vmem_shared>>
      %dma_start3A_102 = arith.constant 0 : i32
      %dma_start3A_103 = tpu.memref_slice %arg15[%add3A_58, %dma_start3A_102] : memref<10000x128xf32, #tpu.memory_space<vmem_shared>> -> memref<80x128xf32, #tpu.memory_space<vmem_shared>>
      %dma_start3A_104 = arith.constant 0 : i32
      %dma_start3A_105 = arith.constant 0 : i32
      %dma_start3A_106 = tpu.memref_slice %arg13[%run_scoped3A_59, %dma_start3A_104, %dma_start3A_105] : memref<2x80x128xf32, #tpu.memory_space<vmem>> -> memref<1x80x128xf32, #tpu.memory_space<vmem>>
      %dma_start3A_107 = tpu.memref_squeeze %dma_start3A_106 : memref<1x80x128xf32, #tpu.memory_space<vmem>> -> memref<80x128xf32, #tpu.memory_space<vmem>>
      tpu.enqueue_dma source(%dma_start3A_107 : memref<80x128xf32, #tpu.memory_space<vmem>>) target(%dma_start3A_103 : memref<80x128xf32, #tpu.memory_space<vmem_shared>>) target_semaphore(%run_scoped3A_95 : memref<!tpu.dma_semaphore, #tpu.memory_space<semaphore_mem>>)
      %dma_wait3A = arith.constant 0 : i32
      %dma_wait3A_108 = arith.constant 0 : i32
      %dma_wait3A_109 = tpu.memref_slice %arg13[%run_scoped3A_59, %dma_wait3A, %dma_wait3A_108] : memref<2x80x128xf32, #tpu.memory_space<vmem>> -> memref<1x80x128xf32, #tpu.memory_space<vmem>>
      %dma_wait3A_110 = tpu.memref_squeeze %dma_wait3A_109 : memref<1x80x128xf32, #tpu.memory_space<vmem>> -> memref<80x128xf32, #tpu.memory_space<vmem>>
      %dma_wait3A_111 = arith.constant 0 : i32
      %dma_wait3A_112 = tpu.memref_slice %arg15[%add3A_58, %dma_wait3A_111] : memref<10000x128xf32, #tpu.memory_space<vmem_shared>> -> memref<80x128xf32, #tpu.memory_space<vmem_shared>>
      %dma_wait3A_113 = arith.constant 0 : i32
      %dma_wait3A_114 = tpu.memref_slice %arg15[%add3A_58, %dma_wait3A_113] : memref<10000x128xf32, #tpu.memory_space<vmem_shared>> -> memref<80x128xf32, #tpu.memory_space<vmem_shared>>
      %dma_wait3A_115 = arith.constant 0 : i32
      %dma_wait3A_116 = arith.constant 0 : i32
      %dma_wait3A_117 = tpu.memref_slice %arg13[%run_scoped3A_59, %dma_wait3A_115, %dma_wait3A_116] : memref<2x80x128xf32, #tpu.memory_space<vmem>> -> memref<1x80x128xf32, #tpu.memory_space<vmem>>
      %dma_wait3A_118 = tpu.memref_squeeze %dma_wait3A_117 : memref<1x80x128xf32, #tpu.memory_space<vmem>> -> memref<80x128xf32, #tpu.memory_space<vmem>>
      tpu.wait_dma2 semaphore(%run_scoped3A_95 : memref<!tpu.dma_semaphore, #tpu.memory_space<semaphore_mem>>) src(%dma_wait3A_118 : memref<80x128xf32, #tpu.memory_space<vmem>>) dst(%dma_wait3A_114 : memref<80x128xf32, #tpu.memory_space<vmem_shared>>)
      tpu.yield
    }) : () -> ()
    %add3A_60 = arith.constant 320 : i32
    %add3A_61 = arith.addi %mul3A_48, %add3A_60 : i32
    %run_scoped3A_62 = arith.constant 0 : i32
    "tpu.region"() ({
      %run_scoped3A_95 = tpu.sem_alloc : memref<!tpu.dma_semaphore, #tpu.memory_space<semaphore_mem>>
      %dma_start3A_96 = arith.constant 0 : i32
      %dma_start3A_97 = arith.constant 0 : i32
      %dma_start3A_98 = tpu.memref_slice %arg13[%run_scoped3A_62, %dma_start3A_96, %dma_start3A_97] : memref<2x80x128xf32, #tpu.memory_space<vmem>> -> memref<1x80x128xf32, #tpu.memory_space<vmem>>
      %dma_start3A_99 = tpu.memref_squeeze %dma_start3A_98 : memref<1x80x128xf32, #tpu.memory_space<vmem>> -> memref<80x128xf32, #tpu.memory_space<vmem>>
      %dma_start3A_100 = arith.constant 0 : i32
      %dma_start3A_101 = tpu.memref_slice %arg15[%add3A_61, %dma_start3A_100] : memref<10000x128xf32, #tpu.memory_space<vmem_shared>> -> memref<80x128xf32, #tpu.memory_space<vmem_shared>>
      %dma_start3A_102 = arith.constant 0 : i32
      %dma_start3A_103 = tpu.memref_slice %arg15[%add3A_61, %dma_start3A_102] : memref<10000x128xf32, #tpu.memory_space<vmem_shared>> -> memref<80x128xf32, #tpu.memory_space<vmem_shared>>
      %dma_start3A_104 = arith.constant 0 : i32
      %dma_start3A_105 = arith.constant 0 : i32
      %dma_start3A_106 = tpu.memref_slice %arg13[%run_scoped3A_62, %dma_start3A_104, %dma_start3A_105] : memref<2x80x128xf32, #tpu.memory_space<vmem>> -> memref<1x80x128xf32, #tpu.memory_space<vmem>>
      %dma_start3A_107 = tpu.memref_squeeze %dma_start3A_106 : memref<1x80x128xf32, #tpu.memory_space<vmem>> -> memref<80x128xf32, #tpu.memory_space<vmem>>
      tpu.enqueue_dma source(%dma_start3A_107 : memref<80x128xf32, #tpu.memory_space<vmem>>) target(%dma_start3A_103 : memref<80x128xf32, #tpu.memory_space<vmem_shared>>) target_semaphore(%run_scoped3A_95 : memref<!tpu.dma_semaphore, #tpu.memory_space<semaphore_mem>>)
      %dma_wait3A = arith.constant 0 : i32
      %dma_wait3A_108 = arith.constant 0 : i32
      %dma_wait3A_109 = tpu.memref_slice %arg13[%run_scoped3A_62, %dma_wait3A, %dma_wait3A_108] : memref<2x80x128xf32, #tpu.memory_space<vmem>> -> memref<1x80x128xf32, #tpu.memory_space<vmem>>
      %dma_wait3A_110 = tpu.memref_squeeze %dma_wait3A_109 : memref<1x80x128xf32, #tpu.memory_space<vmem>> -> memref<80x128xf32, #tpu.memory_space<vmem>>
      %dma_wait3A_111 = arith.constant 0 : i32
      %dma_wait3A_112 = tpu.memref_slice %arg15[%add3A_61, %dma_wait3A_111] : memref<10000x128xf32, #tpu.memory_space<vmem_shared>> -> memref<80x128xf32, #tpu.memory_space<vmem_shared>>
      %dma_wait3A_113 = arith.constant 0 : i32
      %dma_wait3A_114 = tpu.memref_slice %arg15[%add3A_61, %dma_wait3A_113] : memref<10000x128xf32, #tpu.memory_space<vmem_shared>> -> memref<80x128xf32, #tpu.memory_space<vmem_shared>>
      %dma_wait3A_115 = arith.constant 0 : i32
      %dma_wait3A_116 = arith.constant 0 : i32
      %dma_wait3A_117 = tpu.memref_slice %arg13[%run_scoped3A_62, %dma_wait3A_115, %dma_wait3A_116] : memref<2x80x128xf32, #tpu.memory_space<vmem>> -> memref<1x80x128xf32, #tpu.memory_space<vmem>>
      %dma_wait3A_118 = tpu.memref_squeeze %dma_wait3A_117 : memref<1x80x128xf32, #tpu.memory_space<vmem>> -> memref<80x128xf32, #tpu.memory_space<vmem>>
      tpu.wait_dma2 semaphore(%run_scoped3A_95 : memref<!tpu.dma_semaphore, #tpu.memory_space<semaphore_mem>>) src(%dma_wait3A_118 : memref<80x128xf32, #tpu.memory_space<vmem>>) dst(%dma_wait3A_114 : memref<80x128xf32, #tpu.memory_space<vmem_shared>>)
      tpu.yield
    }) : () -> ()
    %add3A_63 = arith.constant 400 : i32
    %add3A_64 = arith.addi %mul3A_48, %add3A_63 : i32
    %run_scoped3A_65 = arith.constant 0 : i32
    "tpu.region"() ({
      %run_scoped3A_95 = tpu.sem_alloc : memref<!tpu.dma_semaphore, #tpu.memory_space<semaphore_mem>>
      %dma_start3A_96 = arith.constant 0 : i32
      %dma_start3A_97 = arith.constant 0 : i32
      %dma_start3A_98 = tpu.memref_slice %arg13[%run_scoped3A_65, %dma_start3A_96, %dma_start3A_97] : memref<2x80x128xf32, #tpu.memory_space<vmem>> -> memref<1x80x128xf32, #tpu.memory_space<vmem>>
      %dma_start3A_99 = tpu.memref_squeeze %dma_start3A_98 : memref<1x80x128xf32, #tpu.memory_space<vmem>> -> memref<80x128xf32, #tpu.memory_space<vmem>>
      %dma_start3A_100 = arith.constant 0 : i32
      %dma_start3A_101 = tpu.memref_slice %arg15[%add3A_64, %dma_start3A_100] : memref<10000x128xf32, #tpu.memory_space<vmem_shared>> -> memref<80x128xf32, #tpu.memory_space<vmem_shared>>
      %dma_start3A_102 = arith.constant 0 : i32
      %dma_start3A_103 = tpu.memref_slice %arg15[%add3A_64, %dma_start3A_102] : memref<10000x128xf32, #tpu.memory_space<vmem_shared>> -> memref<80x128xf32, #tpu.memory_space<vmem_shared>>
      %dma_start3A_104 = arith.constant 0 : i32
      %dma_start3A_105 = arith.constant 0 : i32
      %dma_start3A_106 = tpu.memref_slice %arg13[%run_scoped3A_65, %dma_start3A_104, %dma_start3A_105] : memref<2x80x128xf32, #tpu.memory_space<vmem>> -> memref<1x80x128xf32, #tpu.memory_space<vmem>>
      %dma_start3A_107 = tpu.memref_squeeze %dma_start3A_106 : memref<1x80x128xf32, #tpu.memory_space<vmem>> -> memref<80x128xf32, #tpu.memory_space<vmem>>
      tpu.enqueue_dma source(%dma_start3A_107 : memref<80x128xf32, #tpu.memory_space<vmem>>) target(%dma_start3A_103 : memref<80x128xf32, #tpu.memory_space<vmem_shared>>) target_semaphore(%run_scoped3A_95 : memref<!tpu.dma_semaphore, #tpu.memory_space<semaphore_mem>>)
      %dma_wait3A = arith.constant 0 : i32
      %dma_wait3A_108 = arith.constant 0 : i32
      %dma_wait3A_109 = tpu.memref_slice %arg13[%run_scoped3A_65, %dma_wait3A, %dma_wait3A_108] : memref<2x80x128xf32, #tpu.memory_space<vmem>> -> memref<1x80x128xf32, #tpu.memory_space<vmem>>
      %dma_wait3A_110 = tpu.memref_squeeze %dma_wait3A_109 : memref<1x80x128xf32, #tpu.memory_space<vmem>> -> memref<80x128xf32, #tpu.memory_space<vmem>>
      %dma_wait3A_111 = arith.constant 0 : i32
      %dma_wait3A_112 = tpu.memref_slice %arg15[%add3A_64, %dma_wait3A_111] : memref<10000x128xf32, #tpu.memory_space<vmem_shared>> -> memref<80x128xf32, #tpu.memory_space<vmem_shared>>
      %dma_wait3A_113 = arith.constant 0 : i32
      %dma_wait3A_114 = tpu.memref_slice %arg15[%add3A_64, %dma_wait3A_113] : memref<10000x128xf32, #tpu.memory_space<vmem_shared>> -> memref<80x128xf32, #tpu.memory_space<vmem_shared>>
      %dma_wait3A_115 = arith.constant 0 : i32
      %dma_wait3A_116 = arith.constant 0 : i32
      %dma_wait3A_117 = tpu.memref_slice %arg13[%run_scoped3A_65, %dma_wait3A_115, %dma_wait3A_116] : memref<2x80x128xf32, #tpu.memory_space<vmem>> -> memref<1x80x128xf32, #tpu.memory_space<vmem>>
      %dma_wait3A_118 = tpu.memref_squeeze %dma_wait3A_117 : memref<1x80x128xf32, #tpu.memory_space<vmem>> -> memref<80x128xf32, #tpu.memory_space<vmem>>
      tpu.wait_dma2 semaphore(%run_scoped3A_95 : memref<!tpu.dma_semaphore, #tpu.memory_space<semaphore_mem>>) src(%dma_wait3A_118 : memref<80x128xf32, #tpu.memory_space<vmem>>) dst(%dma_wait3A_114 : memref<80x128xf32, #tpu.memory_space<vmem_shared>>)
      tpu.yield
    }) : () -> ()
    %add3A_66 = arith.constant 480 : i32
    %add3A_67 = arith.addi %mul3A_48, %add3A_66 : i32
    %run_scoped3A_68 = arith.constant 0 : i32
    "tpu.region"() ({
      %run_scoped3A_95 = tpu.sem_alloc : memref<!tpu.dma_semaphore, #tpu.memory_space<semaphore_mem>>
      %dma_start3A_96 = arith.constant 0 : i32
      %dma_start3A_97 = arith.constant 0 : i32
      %dma_start3A_98 = tpu.memref_slice %arg13[%run_scoped3A_68, %dma_start3A_96, %dma_start3A_97] : memref<2x80x128xf32, #tpu.memory_space<vmem>> -> memref<1x80x128xf32, #tpu.memory_space<vmem>>
      %dma_start3A_99 = tpu.memref_squeeze %dma_start3A_98 : memref<1x80x128xf32, #tpu.memory_space<vmem>> -> memref<80x128xf32, #tpu.memory_space<vmem>>
      %dma_start3A_100 = arith.constant 0 : i32
      %dma_start3A_101 = tpu.memref_slice %arg15[%add3A_67, %dma_start3A_100] : memref<10000x128xf32, #tpu.memory_space<vmem_shared>> -> memref<80x128xf32, #tpu.memory_space<vmem_shared>>
      %dma_start3A_102 = arith.constant 0 : i32
      %dma_start3A_103 = tpu.memref_slice %arg15[%add3A_67, %dma_start3A_102] : memref<10000x128xf32, #tpu.memory_space<vmem_shared>> -> memref<80x128xf32, #tpu.memory_space<vmem_shared>>
      %dma_start3A_104 = arith.constant 0 : i32
      %dma_start3A_105 = arith.constant 0 : i32
      %dma_start3A_106 = tpu.memref_slice %arg13[%run_scoped3A_68, %dma_start3A_104, %dma_start3A_105] : memref<2x80x128xf32, #tpu.memory_space<vmem>> -> memref<1x80x128xf32, #tpu.memory_space<vmem>>
      %dma_start3A_107 = tpu.memref_squeeze %dma_start3A_106 : memref<1x80x128xf32, #tpu.memory_space<vmem>> -> memref<80x128xf32, #tpu.memory_space<vmem>>
      tpu.enqueue_dma source(%dma_start3A_107 : memref<80x128xf32, #tpu.memory_space<vmem>>) target(%dma_start3A_103 : memref<80x128xf32, #tpu.memory_space<vmem_shared>>) target_semaphore(%run_scoped3A_95 : memref<!tpu.dma_semaphore, #tpu.memory_space<semaphore_mem>>)
      %dma_wait3A = arith.constant 0 : i32
      %dma_wait3A_108 = arith.constant 0 : i32
      %dma_wait3A_109 = tpu.memref_slice %arg13[%run_scoped3A_68, %dma_wait3A, %dma_wait3A_108] : memref<2x80x128xf32, #tpu.memory_space<vmem>> -> memref<1x80x128xf32, #tpu.memory_space<vmem>>
      %dma_wait3A_110 = tpu.memref_squeeze %dma_wait3A_109 : memref<1x80x128xf32, #tpu.memory_space<vmem>> -> memref<80x128xf32, #tpu.memory_space<vmem>>
      %dma_wait3A_111 = arith.constant 0 : i32
      %dma_wait3A_112 = tpu.memref_slice %arg15[%add3A_67, %dma_wait3A_111] : memref<10000x128xf32, #tpu.memory_space<vmem_shared>> -> memref<80x128xf32, #tpu.memory_space<vmem_shared>>
      %dma_wait3A_113 = arith.constant 0 : i32
      %dma_wait3A_114 = tpu.memref_slice %arg15[%add3A_67, %dma_wait3A_113] : memref<10000x128xf32, #tpu.memory_space<vmem_shared>> -> memref<80x128xf32, #tpu.memory_space<vmem_shared>>
      %dma_wait3A_115 = arith.constant 0 : i32
      %dma_wait3A_116 = arith.constant 0 : i32
      %dma_wait3A_117 = tpu.memref_slice %arg13[%run_scoped3A_68, %dma_wait3A_115, %dma_wait3A_116] : memref<2x80x128xf32, #tpu.memory_space<vmem>> -> memref<1x80x128xf32, #tpu.memory_space<vmem>>
      %dma_wait3A_118 = tpu.memref_squeeze %dma_wait3A_117 : memref<1x80x128xf32, #tpu.memory_space<vmem>> -> memref<80x128xf32, #tpu.memory_space<vmem>>
      tpu.wait_dma2 semaphore(%run_scoped3A_95 : memref<!tpu.dma_semaphore, #tpu.memory_space<semaphore_mem>>) src(%dma_wait3A_118 : memref<80x128xf32, #tpu.memory_space<vmem>>) dst(%dma_wait3A_114 : memref<80x128xf32, #tpu.memory_space<vmem_shared>>)
      tpu.yield
    }) : () -> ()
    %add3A_69 = arith.constant 560 : i32
    %add3A_70 = arith.addi %mul3A_48, %add3A_69 : i32
    %run_scoped3A_71 = arith.constant 0 : i32
    "tpu.region"() ({
      %run_scoped3A_95 = tpu.sem_alloc : memref<!tpu.dma_semaphore, #tpu.memory_space<semaphore_mem>>
      %dma_start3A_96 = arith.constant 0 : i32
      %dma_start3A_97 = arith.constant 0 : i32
      %dma_start3A_98 = tpu.memref_slice %arg13[%run_scoped3A_71, %dma_start3A_96, %dma_start3A_97] : memref<2x80x128xf32, #tpu.memory_space<vmem>> -> memref<1x80x128xf32, #tpu.memory_space<vmem>>
      %dma_start3A_99 = tpu.memref_squeeze %dma_start3A_98 : memref<1x80x128xf32, #tpu.memory_space<vmem>> -> memref<80x128xf32, #tpu.memory_space<vmem>>
      %dma_start3A_100 = arith.constant 0 : i32
      %dma_start3A_101 = arith.constant 0 : i32
      %dma_start3A_102 = tpu.memref_slice %dma_start3A_99[%dma_start3A_100, %dma_start3A_101] : memref<80x128xf32, #tpu.memory_space<vmem>> -> memref<64x128xf32, #tpu.memory_space<vmem>>
      %dma_start3A_103 = arith.constant 0 : i32
      %dma_start3A_104 = tpu.memref_slice %arg15[%add3A_70, %dma_start3A_103] : memref<10000x128xf32, #tpu.memory_space<vmem_shared>> -> memref<64x128xf32, #tpu.memory_space<vmem_shared>>
      %dma_start3A_105 = arith.constant 0 : i32
      %dma_start3A_106 = tpu.memref_slice %arg15[%add3A_70, %dma_start3A_105] : memref<10000x128xf32, #tpu.memory_space<vmem_shared>> -> memref<64x128xf32, #tpu.memory_space<vmem_shared>>
      %dma_start3A_107 = arith.constant 0 : i32
      %dma_start3A_108 = arith.constant 0 : i32
      %dma_start3A_109 = tpu.memref_slice %arg13[%run_scoped3A_71, %dma_start3A_107, %dma_start3A_108] : memref<2x80x128xf32, #tpu.memory_space<vmem>> -> memref<1x80x128xf32, #tpu.memory_space<vmem>>
      %dma_start3A_110 = tpu.memref_squeeze %dma_start3A_109 : memref<1x80x128xf32, #tpu.memory_space<vmem>> -> memref<80x128xf32, #tpu.memory_space<vmem>>
      %dma_start3A_111 = arith.constant 0 : i32
      %dma_start3A_112 = arith.constant 0 : i32
      %dma_start3A_113 = tpu.memref_slice %dma_start3A_110[%dma_start3A_111, %dma_start3A_112] : memref<80x128xf32, #tpu.memory_space<vmem>> -> memref<64x128xf32, #tpu.memory_space<vmem>>
      tpu.enqueue_dma source(%dma_start3A_113 : memref<64x128xf32, #tpu.memory_space<vmem>>) target(%dma_start3A_106 : memref<64x128xf32, #tpu.memory_space<vmem_shared>>) target_semaphore(%run_scoped3A_95 : memref<!tpu.dma_semaphore, #tpu.memory_space<semaphore_mem>>)
      %dma_wait3A = arith.constant 0 : i32
      %dma_wait3A_114 = arith.constant 0 : i32
      %dma_wait3A_115 = tpu.memref_slice %arg13[%run_scoped3A_71, %dma_wait3A, %dma_wait3A_114] : memref<2x80x128xf32, #tpu.memory_space<vmem>> -> memref<1x80x128xf32, #tpu.memory_space<vmem>>
      %dma_wait3A_116 = tpu.memref_squeeze %dma_wait3A_115 : memref<1x80x128xf32, #tpu.memory_space<vmem>> -> memref<80x128xf32, #tpu.memory_space<vmem>>
      %dma_wait3A_117 = arith.constant 0 : i32
      %dma_wait3A_118 = arith.constant 0 : i32
      %dma_wait3A_119 = tpu.memref_slice %dma_wait3A_116[%dma_wait3A_117, %dma_wait3A_118] : memref<80x128xf32, #tpu.memory_space<vmem>> -> memref<64x128xf32, #tpu.memory_space<vmem>>
      %dma_wait3A_120 = arith.constant 0 : i32
      %dma_wait3A_121 = tpu.memref_slice %arg15[%add3A_70, %dma_wait3A_120] : memref<10000x128xf32, #tpu.memory_space<vmem_shared>> -> memref<64x128xf32, #tpu.memory_space<vmem_shared>>
      %dma_wait3A_122 = arith.constant 0 : i32
      %dma_wait3A_123 = tpu.memref_slice %arg15[%add3A_70, %dma_wait3A_122] : memref<10000x128xf32, #tpu.memory_space<vmem_shared>> -> memref<64x128xf32, #tpu.memory_space<vmem_shared>>
      %dma_wait3A_124 = arith.constant 0 : i32
      %dma_wait3A_125 = arith.constant 0 : i32
      %dma_wait3A_126 = tpu.memref_slice %arg13[%run_scoped3A_71, %dma_wait3A_124, %dma_wait3A_125] : memref<2x80x128xf32, #tpu.memory_space<vmem>> -> memref<1x80x128xf32, #tpu.memory_space<vmem>>
      %dma_wait3A_127 = tpu.memref_squeeze %dma_wait3A_126 : memref<1x80x128xf32, #tpu.memory_space<vmem>> -> memref<80x128xf32, #tpu.memory_space<vmem>>
      %dma_wait3A_128 = arith.constant 0 : i32
      %dma_wait3A_129 = arith.constant 0 : i32
      %dma_wait3A_130 = tpu.memref_slice %dma_wait3A_127[%dma_wait3A_128, %dma_wait3A_129] : memref<80x128xf32, #tpu.memory_space<vmem>> -> memref<64x128xf32, #tpu.memory_space<vmem>>
      tpu.wait_dma2 semaphore(%run_scoped3A_95 : memref<!tpu.dma_semaphore, #tpu.memory_space<semaphore_mem>>) src(%dma_wait3A_130 : memref<64x128xf32, #tpu.memory_space<vmem>>) dst(%dma_wait3A_123 : memref<64x128xf32, #tpu.memory_space<vmem_shared>>)
      tpu.yield
    }) : () -> ()
    %eq3A_72 = arith.constant 15 : i32
    %eq3A_73 = arith.cmpi eq, %arg1, %eq3A_72 : i32
    %convert_element_type3A_74 = arith.extui %eq3A_73 : i1 to i32
    %cond3A_75 = arith.constant 0 : i32
    %cond3A_76 = arith.constant 0 : i32
    %cond3A_77 = arith.cmpi ne, %convert_element_type3A_74, %cond3A_76 : i32
    scf.if %cond3A_77 {
      "tpu.region"() ({
        %run_scoped3A_95 = tpu.sem_alloc : memref<!tpu.dma_semaphore, #tpu.memory_space<semaphore_mem>>
        %dma_start3A_96 = arith.constant 0 : i32
        %dma_start3A_97 = arith.constant 0 : i32
        %dma_start3A_98 = tpu.memref_slice %arg13[%cond3A_75, %dma_start3A_96, %dma_start3A_97] : memref<2x80x128xf32, #tpu.memory_space<vmem>> -> memref<1x80x128xf32, #tpu.memory_space<vmem>>
        %dma_start3A_99 = tpu.memref_squeeze %dma_start3A_98 : memref<1x80x128xf32, #tpu.memory_space<vmem>> -> memref<80x128xf32, #tpu.memory_space<vmem>>
        %dma_start3A_100 = arith.constant 0 : i32
        %dma_start3A_101 = arith.constant 0 : i32
        %dma_start3A_102 = tpu.memref_slice %dma_start3A_99[%dma_start3A_100, %dma_start3A_101] : memref<80x128xf32, #tpu.memory_space<vmem>> -> memref<16x128xf32, #tpu.memory_space<vmem>>
        %dma_start3A_103 = arith.constant 9984 : i32
        %dma_start3A_104 = arith.constant 0 : i32
        %dma_start3A_105 = tpu.memref_slice %arg15[%dma_start3A_103, %dma_start3A_104] : memref<10000x128xf32, #tpu.memory_space<vmem_shared>> -> memref<16x128xf32, #tpu.memory_space<vmem_shared>>
        %dma_start3A_106 = arith.constant 9984 : i32
        %dma_start3A_107 = arith.constant 0 : i32
        %dma_start3A_108 = tpu.memref_slice %arg15[%dma_start3A_106, %dma_start3A_107] : memref<10000x128xf32, #tpu.memory_space<vmem_shared>> -> memref<16x128xf32, #tpu.memory_space<vmem_shared>>
        %dma_start3A_109 = arith.constant 0 : i32
        %dma_start3A_110 = arith.constant 0 : i32
        %dma_start3A_111 = tpu.memref_slice %arg13[%cond3A_75, %dma_start3A_109, %dma_start3A_110] : memref<2x80x128xf32, #tpu.memory_space<vmem>> -> memref<1x80x128xf32, #tpu.memory_space<vmem>>
        %dma_start3A_112 = tpu.memref_squeeze %dma_start3A_111 : memref<1x80x128xf32, #tpu.memory_space<vmem>> -> memref<80x128xf32, #tpu.memory_space<vmem>>
        %dma_start3A_113 = arith.constant 0 : i32
        %dma_start3A_114 = arith.constant 0 : i32
        %dma_start3A_115 = tpu.memref_slice %dma_start3A_112[%dma_start3A_113, %dma_start3A_114] : memref<80x128xf32, #tpu.memory_space<vmem>> -> memref<16x128xf32, #tpu.memory_space<vmem>>
        tpu.enqueue_dma source(%dma_start3A_115 : memref<16x128xf32, #tpu.memory_space<vmem>>) target(%dma_start3A_108 : memref<16x128xf32, #tpu.memory_space<vmem_shared>>) target_semaphore(%run_scoped3A_95 : memref<!tpu.dma_semaphore, #tpu.memory_space<semaphore_mem>>)
        %dma_wait3A = arith.constant 0 : i32
        %dma_wait3A_116 = arith.constant 0 : i32
        %dma_wait3A_117 = tpu.memref_slice %arg13[%cond3A_75, %dma_wait3A, %dma_wait3A_116] : memref<2x80x128xf32, #tpu.memory_space<vmem>> -> memref<1x80x128xf32, #tpu.memory_space<vmem>>
        %dma_wait3A_118 = tpu.memref_squeeze %dma_wait3A_117 : memref<1x80x128xf32, #tpu.memory_space<vmem>> -> memref<80x128xf32, #tpu.memory_space<vmem>>
        %dma_wait3A_119 = arith.constant 0 : i32
        %dma_wait3A_120 = arith.constant 0 : i32
        %dma_wait3A_121 = tpu.memref_slice %dma_wait3A_118[%dma_wait3A_119, %dma_wait3A_120] : memref<80x128xf32, #tpu.memory_space<vmem>> -> memref<16x128xf32, #tpu.memory_space<vmem>>
        %dma_wait3A_122 = arith.constant 9984 : i32
        %dma_wait3A_123 = arith.constant 0 : i32
        %dma_wait3A_124 = tpu.memref_slice %arg15[%dma_wait3A_122, %dma_wait3A_123] : memref<10000x128xf32, #tpu.memory_space<vmem_shared>> -> memref<16x128xf32, #tpu.memory_space<vmem_shared>>
        %dma_wait3A_125 = arith.constant 9984 : i32
        %dma_wait3A_126 = arith.constant 0 : i32
        %dma_wait3A_127 = tpu.memref_slice %arg15[%dma_wait3A_125, %dma_wait3A_126] : memref<10000x128xf32, #tpu.memory_space<vmem_shared>> -> memref<16x128xf32, #tpu.memory_space<vmem_shared>>
        %dma_wait3A_128 = arith.constant 0 : i32
        %dma_wait3A_129 = arith.constant 0 : i32
        %dma_wait3A_130 = tpu.memref_slice %arg13[%cond3A_75, %dma_wait3A_128, %dma_wait3A_129] : memref<2x80x128xf32, #tpu.memory_space<vmem>> -> memref<1x80x128xf32, #tpu.memory_space<vmem>>
        %dma_wait3A_131 = tpu.memref_squeeze %dma_wait3A_130 : memref<1x80x128xf32, #tpu.memory_space<vmem>> -> memref<80x128xf32, #tpu.memory_space<vmem>>
        %dma_wait3A_132 = arith.constant 0 : i32
        %dma_wait3A_133 = arith.constant 0 : i32
        %dma_wait3A_134 = tpu.memref_slice %dma_wait3A_131[%dma_wait3A_132, %dma_wait3A_133] : memref<80x128xf32, #tpu.memory_space<vmem>> -> memref<16x128xf32, #tpu.memory_space<vmem>>
        tpu.wait_dma2 semaphore(%run_scoped3A_95 : memref<!tpu.dma_semaphore, #tpu.memory_space<semaphore_mem>>) src(%dma_wait3A_134 : memref<16x128xf32, #tpu.memory_space<vmem>>) dst(%dma_wait3A_127 : memref<16x128xf32, #tpu.memory_space<vmem_shared>>)
        tpu.yield
      }) : () -> ()
    } else {
    }
    tpu.wait_dma2 semaphore(%arg17 : memref<!tpu.dma_semaphore, #tpu.memory_space<semaphore_mem>>) src(%arg3 : memref<10000xf32, #tpu.memory_space<hbm>>) dst(%arg8 : memref<10000xf32, #tpu.memory_space<vmem>>)
    tpu.wait_dma2 semaphore(%arg17 : memref<!tpu.dma_semaphore, #tpu.memory_space<semaphore_mem>>) src(%arg4 : memref<10000xf32, #tpu.memory_space<hbm>>) dst(%arg9 : memref<10000xf32, #tpu.memory_space<vmem>>)
    %barrier3A = arith.constant 0 : index
    tpu.barrier barrier_id(%barrier3A)
    %scan3A_78 = arith.constant 0 : i32
    %scan3A_79 = arith.constant 0 : i32
    %scan3A_80 = arith.constant 25 : i32
    %scan3A_81 = arith.addi %scan3A_79, %scan3A_80 : i32
    %scan3A_82 = arith.constant 1 : i32
    scf.for %scan3A_95 = %scan3A_79 to %scan3A_81 step %scan3A_82  : i32 {
      %rem3A = arith.constant 2 : i32
      %rem3A_96 = arith.remsi %scan3A_95, %rem3A : i32
      %dma_wait3A = arith.constant 0 : i32
      %dma_wait3A_97 = arith.constant 0 : i32
      %dma_wait3A_98 = arith.constant 0 : i32
      %dma_wait3A_99 = arith.constant 0 : i32
      %dma_wait3A_100 = tpu.memref_slice %arg11[%rem3A_96, %dma_wait3A_98, %dma_wait3A_99] : memref<2x5x80xi32, #tpu.memory_space<vmem>> -> memref<1x5x80xi32, #tpu.memory_space<vmem>>
      %dma_wait3A_101 = tpu.memref_squeeze %dma_wait3A_100 : memref<1x5x80xi32, #tpu.memory_space<vmem>> -> memref<5x80xi32, #tpu.memory_space<vmem>>
      %dma_wait3A_102 = arith.constant 0 : i32
      %dma_wait3A_103 = arith.constant 0 : i32
      %dma_wait3A_104 = tpu.memref_slice %arg5[%dma_wait3A, %add3A, %dma_wait3A_97, %dma_wait3A_102, %dma_wait3A_103] : memref<2x32x25x5x80xi32, #tpu.memory_space<hbm>> -> memref<1x1x1x5x80xi32, #tpu.memory_space<hbm>>
      %dma_wait3A_105 = tpu.memref_squeeze %dma_wait3A_104 : memref<1x1x1x5x80xi32, #tpu.memory_space<hbm>> -> memref<5x80xi32, #tpu.memory_space<hbm>>
      %dma_wait3A_106 = arith.constant 0 : i32
      %dma_wait3A_107 = arith.constant 0 : i32
      %dma_wait3A_108 = tpu.memref_slice %arg11[%rem3A_96, %dma_wait3A_106, %dma_wait3A_107] : memref<2x5x80xi32, #tpu.memory_space<vmem>> -> memref<1x5x80xi32, #tpu.memory_space<vmem>>
      %dma_wait3A_109 = tpu.memref_squeeze %dma_wait3A_108 : memref<1x5x80xi32, #tpu.memory_space<vmem>> -> memref<5x80xi32, #tpu.memory_space<vmem>>
      %dma_wait3A_110 = arith.constant 0 : i32
      %dma_wait3A_111 = arith.constant 0 : i32
      %dma_wait3A_112 = tpu.memref_slice %arg5[%dma_wait3A, %add3A, %dma_wait3A_97, %dma_wait3A_110, %dma_wait3A_111] : memref<2x32x25x5x80xi32, #tpu.memory_space<hbm>> -> memref<1x1x1x5x80xi32, #tpu.memory_space<hbm>>
      %dma_wait3A_113 = tpu.memref_squeeze %dma_wait3A_112 : memref<1x1x1x5x80xi32, #tpu.memory_space<hbm>> -> memref<5x80xi32, #tpu.memory_space<hbm>>
      tpu.wait_dma2 semaphore(%arg20 : memref<!tpu.dma_semaphore, #tpu.memory_space<semaphore_mem>>) src(%dma_wait3A_113 : memref<5x80xi32, #tpu.memory_space<hbm>>) dst(%dma_wait3A_109 : memref<5x80xi32, #tpu.memory_space<vmem>>)
      %dma_wait3A_114 = arith.constant 1 : i32
      %dma_wait3A_115 = arith.constant 0 : i32
      %dma_wait3A_116 = arith.constant 0 : i32
      %dma_wait3A_117 = arith.constant 0 : i32
      %dma_wait3A_118 = tpu.memref_slice %arg12[%rem3A_96, %dma_wait3A_116, %dma_wait3A_117] : memref<2x5x80xi32, #tpu.memory_space<vmem>> -> memref<1x5x80xi32, #tpu.memory_space<vmem>>
      %dma_wait3A_119 = tpu.memref_squeeze %dma_wait3A_118 : memref<1x5x80xi32, #tpu.memory_space<vmem>> -> memref<5x80xi32, #tpu.memory_space<vmem>>
      %dma_wait3A_120 = arith.constant 0 : i32
      %dma_wait3A_121 = arith.constant 0 : i32
      %dma_wait3A_122 = tpu.memref_slice %arg5[%dma_wait3A_114, %add3A, %dma_wait3A_115, %dma_wait3A_120, %dma_wait3A_121] : memref<2x32x25x5x80xi32, #tpu.memory_space<hbm>> -> memref<1x1x1x5x80xi32, #tpu.memory_space<hbm>>
      %dma_wait3A_123 = tpu.memref_squeeze %dma_wait3A_122 : memref<1x1x1x5x80xi32, #tpu.memory_space<hbm>> -> memref<5x80xi32, #tpu.memory_space<hbm>>
      %dma_wait3A_124 = arith.constant 0 : i32
      %dma_wait3A_125 = arith.constant 0 : i32
      %dma_wait3A_126 = tpu.memref_slice %arg12[%rem3A_96, %dma_wait3A_124, %dma_wait3A_125] : memref<2x5x80xi32, #tpu.memory_space<vmem>> -> memref<1x5x80xi32, #tpu.memory_space<vmem>>
      %dma_wait3A_127 = tpu.memref_squeeze %dma_wait3A_126 : memref<1x5x80xi32, #tpu.memory_space<vmem>> -> memref<5x80xi32, #tpu.memory_space<vmem>>
      %dma_wait3A_128 = arith.constant 0 : i32
      %dma_wait3A_129 = arith.constant 0 : i32
      %dma_wait3A_130 = tpu.memref_slice %arg5[%dma_wait3A_114, %add3A, %dma_wait3A_115, %dma_wait3A_128, %dma_wait3A_129] : memref<2x32x25x5x80xi32, #tpu.memory_space<hbm>> -> memref<1x1x1x5x80xi32, #tpu.memory_space<hbm>>
      %dma_wait3A_131 = tpu.memref_squeeze %dma_wait3A_130 : memref<1x1x1x5x80xi32, #tpu.memory_space<hbm>> -> memref<5x80xi32, #tpu.memory_space<hbm>>
      tpu.wait_dma2 semaphore(%arg20 : memref<!tpu.dma_semaphore, #tpu.memory_space<semaphore_mem>>) src(%dma_wait3A_131 : memref<5x80xi32, #tpu.memory_space<hbm>>) dst(%dma_wait3A_127 : memref<5x80xi32, #tpu.memory_space<vmem>>)
      %lt3A = arith.constant 24 : i32
      %lt3A_132 = arith.cmpi slt, %scan3A_95, %lt3A : i32
      %convert_element_type3A_133 = arith.extui %lt3A_132 : i1 to i32
      %cond3A_134 = arith.constant 0 : i32
      %cond3A_135 = arith.cmpi ne, %convert_element_type3A_133, %cond3A_134 : i32
      scf.if %cond3A_135 {
        %add3A_202 = arith.constant 1 : i32
        %add3A_203 = arith.addi %scan3A_95, %add3A_202 : i32
        %min3A = arith.constant 24 : i32
        %min3A_204 = arith.minsi %add3A_203, %min3A : i32
        %sub3A = arith.constant 1 : i32
        %sub3A_205 = arith.subi %sub3A, %rem3A_96 : i32
        %dma_start3A_206 = arith.constant 0 : i32
        %dma_start3A_207 = arith.constant 0 : i32
        %dma_start3A_208 = arith.constant 0 : i32
        %dma_start3A_209 = tpu.memref_slice %arg11[%sub3A_205, %dma_start3A_207, %dma_start3A_208] : memref<2x5x80xi32, #tpu.memory_space<vmem>> -> memref<1x5x80xi32, #tpu.memory_space<vmem>>
        %dma_start3A_210 = tpu.memref_squeeze %dma_start3A_209 : memref<1x5x80xi32, #tpu.memory_space<vmem>> -> memref<5x80xi32, #tpu.memory_space<vmem>>
        %dma_start3A_211 = arith.constant 0 : i32
        %dma_start3A_212 = arith.constant 0 : i32
        %dma_start3A_213 = tpu.memref_slice %arg5[%dma_start3A_206, %add3A, %min3A_204, %dma_start3A_211, %dma_start3A_212] : memref<2x32x25x5x80xi32, #tpu.memory_space<hbm>> -> memref<1x1x1x5x80xi32, #tpu.memory_space<hbm>>
        %dma_start3A_214 = tpu.memref_squeeze %dma_start3A_213 : memref<1x1x1x5x80xi32, #tpu.memory_space<hbm>> -> memref<5x80xi32, #tpu.memory_space<hbm>>
        %dma_start3A_215 = arith.constant 0 : i32
        %dma_start3A_216 = arith.constant 0 : i32
        %dma_start3A_217 = tpu.memref_slice %arg11[%sub3A_205, %dma_start3A_215, %dma_start3A_216] : memref<2x5x80xi32, #tpu.memory_space<vmem>> -> memref<1x5x80xi32, #tpu.memory_space<vmem>>
        %dma_start3A_218 = tpu.memref_squeeze %dma_start3A_217 : memref<1x5x80xi32, #tpu.memory_space<vmem>> -> memref<5x80xi32, #tpu.memory_space<vmem>>
        %dma_start3A_219 = arith.constant 0 : i32
        %dma_start3A_220 = arith.constant 0 : i32
        %dma_start3A_221 = tpu.memref_slice %arg5[%dma_start3A_206, %add3A, %min3A_204, %dma_start3A_219, %dma_start3A_220] : memref<2x32x25x5x80xi32, #tpu.memory_space<hbm>> -> memref<1x1x1x5x80xi32, #tpu.memory_space<hbm>>
        %dma_start3A_222 = tpu.memref_squeeze %dma_start3A_221 : memref<1x1x1x5x80xi32, #tpu.memory_space<hbm>> -> memref<5x80xi32, #tpu.memory_space<hbm>>
        tpu.enqueue_dma source(%dma_start3A_222 : memref<5x80xi32, #tpu.memory_space<hbm>>) target(%dma_start3A_218 : memref<5x80xi32, #tpu.memory_space<vmem>>) target_semaphore(%arg20 : memref<!tpu.dma_semaphore, #tpu.memory_space<semaphore_mem>>)
        %sub3A_223 = arith.constant 1 : i32
        %sub3A_224 = arith.subi %sub3A_223, %rem3A_96 : i32
        %dma_start3A_225 = arith.constant 1 : i32
        %dma_start3A_226 = arith.constant 0 : i32
        %dma_start3A_227 = arith.constant 0 : i32
        %dma_start3A_228 = tpu.memref_slice %arg12[%sub3A_224, %dma_start3A_226, %dma_start3A_227] : memref<2x5x80xi32, #tpu.memory_space<vmem>> -> memref<1x5x80xi32, #tpu.memory_space<vmem>>
        %dma_start3A_229 = tpu.memref_squeeze %dma_start3A_228 : memref<1x5x80xi32, #tpu.memory_space<vmem>> -> memref<5x80xi32, #tpu.memory_space<vmem>>
        %dma_start3A_230 = arith.constant 0 : i32
        %dma_start3A_231 = arith.constant 0 : i32
        %dma_start3A_232 = tpu.memref_slice %arg5[%dma_start3A_225, %add3A, %min3A_204, %dma_start3A_230, %dma_start3A_231] : memref<2x32x25x5x80xi32, #tpu.memory_space<hbm>> -> memref<1x1x1x5x80xi32, #tpu.memory_space<hbm>>
        %dma_start3A_233 = tpu.memref_squeeze %dma_start3A_232 : memref<1x1x1x5x80xi32, #tpu.memory_space<hbm>> -> memref<5x80xi32, #tpu.memory_space<hbm>>
        %dma_start3A_234 = arith.constant 0 : i32
        %dma_start3A_235 = arith.constant 0 : i32
        %dma_start3A_236 = tpu.memref_slice %arg12[%sub3A_224, %dma_start3A_234, %dma_start3A_235] : memref<2x5x80xi32, #tpu.memory_space<vmem>> -> memref<1x5x80xi32, #tpu.memory_space<vmem>>
        %dma_start3A_237 = tpu.memref_squeeze %dma_start3A_236 : memref<1x5x80xi32, #tpu.memory_space<vmem>> -> memref<5x80xi32, #tpu.memory_space<vmem>>
        %dma_start3A_238 = arith.constant 0 : i32
        %dma_start3A_239 = arith.constant 0 : i32
        %dma_start3A_240 = tpu.memref_slice %arg5[%dma_start3A_225, %add3A, %min3A_204, %dma_start3A_238, %dma_start3A_239] : memref<2x32x25x5x80xi32, #tpu.memory_space<hbm>> -> memref<1x1x1x5x80xi32, #tpu.memory_space<hbm>>
        %dma_start3A_241 = tpu.memref_squeeze %dma_start3A_240 : memref<1x1x1x5x80xi32, #tpu.memory_space<hbm>> -> memref<5x80xi32, #tpu.memory_space<hbm>>
        tpu.enqueue_dma source(%dma_start3A_241 : memref<5x80xi32, #tpu.memory_space<hbm>>) target(%dma_start3A_237 : memref<5x80xi32, #tpu.memory_space<vmem>>) target_semaphore(%arg20 : memref<!tpu.dma_semaphore, #tpu.memory_space<semaphore_mem>>)
      } else {
      }
      %dma_start3A_136 = arith.constant 0 : i32
      %dma_start3A_137 = arith.constant 0 : i32
      %dma_start3A_138 = arith.constant 0 : i32
      %dma_start3A_139 = arith.constant 0 : i32
      %dma_start3A_140 = tpu.memref_slice %arg13[%dma_start3A_137, %dma_start3A_138, %dma_start3A_139] : memref<2x80x128xf32, #tpu.memory_space<vmem>> -> memref<1x80x128xf32, #tpu.memory_space<vmem>>
      %dma_start3A_141 = tpu.memref_squeeze %dma_start3A_140 : memref<1x80x128xf32, #tpu.memory_space<vmem>> -> memref<80x128xf32, #tpu.memory_space<vmem>>
      %dma_start3A_142 = arith.constant 0 : i32
      %dma_start3A_143 = arith.constant 0 : i32
      %dma_start3A_144 = tpu.memref_slice %arg11[%rem3A_96, %dma_start3A_142, %dma_start3A_143] : memref<2x5x80xi32, #tpu.memory_space<vmem>> -> memref<1x5x80xi32, #tpu.memory_space<vmem>>
      %dma_start3A_145 = tpu.memref_squeeze %dma_start3A_144 : memref<1x5x80xi32, #tpu.memory_space<vmem>> -> memref<5x80xi32, #tpu.memory_space<vmem>>
      %dma_start3A_146 = arith.constant 0 : i32
      %dma_start3A_147 = tpu.memref_slice %dma_start3A_145[%dma_start3A_136, %dma_start3A_146] : memref<5x80xi32, #tpu.memory_space<vmem>> -> memref<1x80xi32, #tpu.memory_space<vmem>>
      %dma_start3A_148 = tpu.memref_squeeze %dma_start3A_147 : memref<1x80xi32, #tpu.memory_space<vmem>> -> memref<80xi32, #tpu.memory_space<vmem>>
      %dma_start3A_149 = arith.constant 0 : i32
      %dma_start3A_150 = arith.constant 0 : i32
      %dma_start3A_151 = tpu.memref_slice %arg2[%dma_start3A_149, %dma_start3A_150] : memref<10000x128xf32, #tpu.memory_space<hbm>> -> memref<10000x128xf32, #tpu.memory_space<hbm>>
      tpu.enqueue_indirect_dma source(%dma_start3A_151 : memref<10000x128xf32, #tpu.memory_space<hbm>>) target(%dma_start3A_141 : memref<80x128xf32, #tpu.memory_space<vmem>>) offsets(%dma_start3A_148 : memref<80xi32, #tpu.memory_space<vmem>>) semaphore(%arg17 : memref<!tpu.dma_semaphore, #tpu.memory_space<semaphore_mem>>)
      %scan3A_152 = arith.constant 0 : i32
      %scan3A_153 = arith.constant 0 : i32
      %scan3A_154 = arith.constant 5 : i32
      %scan3A_155 = arith.addi %scan3A_153, %scan3A_154 : i32
      %scan3A_156 = arith.constant 1 : i32
      scf.for %scan3A_202 = %scan3A_153 to %scan3A_155 step %scan3A_156  : i32 {
        %rem3A_203 = arith.constant 2 : i32
        %rem3A_204 = arith.remsi %scan3A_202, %rem3A_203 : i32
        %rem3A_205 = arith.constant 2 : i32
        %rem3A_206 = arith.remsi %scan3A_202, %rem3A_205 : i32
        %ge3A = arith.constant 2 : i32
        %ge3A_207 = arith.cmpi sge, %scan3A_202, %ge3A : i32
        %convert_element_type3A_208 = arith.extui %ge3A_207 : i1 to i32
        %cond3A_209 = arith.constant 0 : i32
        %cond3A_210 = arith.cmpi ne, %convert_element_type3A_208, %cond3A_209 : i32
        scf.if %cond3A_210 {
          %dma_wait3A_413 = arith.constant 0 : i32
          %dma_wait3A_414 = arith.constant 0 : i32
          %dma_wait3A_415 = tpu.memref_slice %arg14[%rem3A_206, %dma_wait3A_414] : memref<2x80xf32, #tpu.memory_space<vmem>> -> memref<1x80xf32, #tpu.memory_space<vmem>>
          %dma_wait3A_416 = tpu.memref_squeeze %dma_wait3A_415 : memref<1x80xf32, #tpu.memory_space<vmem>> -> memref<80xf32, #tpu.memory_space<vmem>>
          %dma_wait3A_417 = arith.constant 0 : i32
          %dma_wait3A_418 = arith.constant 0 : i32
          %dma_wait3A_419 = tpu.memref_slice %arg12[%rem3A_96, %dma_wait3A_417, %dma_wait3A_418] : memref<2x5x80xi32, #tpu.memory_space<vmem>> -> memref<1x5x80xi32, #tpu.memory_space<vmem>>
          %dma_wait3A_420 = tpu.memref_squeeze %dma_wait3A_419 : memref<1x5x80xi32, #tpu.memory_space<vmem>> -> memref<5x80xi32, #tpu.memory_space<vmem>>
          %dma_wait3A_421 = arith.constant 0 : i32
          %dma_wait3A_422 = tpu.memref_slice %dma_wait3A_420[%dma_wait3A_413, %dma_wait3A_421] : memref<5x80xi32, #tpu.memory_space<vmem>> -> memref<1x80xi32, #tpu.memory_space<vmem>>
          %dma_wait3A_423 = tpu.memref_squeeze %dma_wait3A_422 : memref<1x80xi32, #tpu.memory_space<vmem>> -> memref<80xi32, #tpu.memory_space<vmem>>
          %dma_wait3A_424 = arith.constant 0 : i32
          %dma_wait3A_425 = tpu.memref_slice %arg16[%dma_wait3A_424] : memref<10240xf32, #tpu.memory_space<vmem_shared>> -> memref<10240xf32, #tpu.memory_space<vmem_shared>>
          tpu.wait_indirect_dma semaphore(%arg19 : memref<!tpu.dma_semaphore, #tpu.memory_space<semaphore_mem>>) src(%dma_wait3A_416 : memref<80xf32, #tpu.memory_space<vmem>>) dst(%dma_wait3A_425 : memref<10240xf32, #tpu.memory_space<vmem_shared>>)
        } else {
        }
        %get3A = arith.constant 0 : i32
        %get3A_211 = arith.constant 0 : i32
        %get3A_212 = tpu.memref_slice %arg11[%rem3A_96, %get3A, %get3A_211] : memref<2x5x80xi32, #tpu.memory_space<vmem>> -> memref<1x5x80xi32, #tpu.memory_space<vmem>>
        %get3A_213 = tpu.memref_squeeze %get3A_212 : memref<1x5x80xi32, #tpu.memory_space<vmem>> -> memref<5x80xi32, #tpu.memory_space<vmem>>
        %get3A_214 = arith.index_cast %scan3A_202 : i32 to index
        %get3A_215 = arith.constant 0 : index
        %get3A_216 = tpu.vector_load %get3A_213[%get3A_214, %get3A_215] {strides = array<i32>} : memref<5x80xi32, #tpu.memory_space<vmem>>, vector<16xi32>,
        %get3A_217 = arith.constant 0 : i32
        %get3A_218 = arith.constant 0 : i32
        %get3A_219 = tpu.memref_slice %arg12[%rem3A_96, %get3A_217, %get3A_218] : memref<2x5x80xi32, #tpu.memory_space<vmem>> -> memref<1x5x80xi32, #tpu.memory_space<vmem>>
        %get3A_220 = tpu.memref_squeeze %get3A_219 : memref<1x5x80xi32, #tpu.memory_space<vmem>> -> memref<5x80xi32, #tpu.memory_space<vmem>>
        %get3A_221 = arith.index_cast %scan3A_202 : i32 to index
        %get3A_222 = arith.constant 0 : index
        %get3A_223 = tpu.vector_load %get3A_220[%get3A_221, %get3A_222] {strides = array<i32>} : memref<5x80xi32, #tpu.memory_space<vmem>>, vector<16xi32>,
        %gather3A = tpu.vector_load_idx %arg8[%get3A_216] : memref<10000xf32, #tpu.memory_space<vmem>>[vector<16xi32>], vector<16xf32>,
        %gather3A_224 = tpu.vector_load_idx %arg9[%get3A_223] : memref<10000xf32, #tpu.memory_space<vmem>>[vector<16xi32>], vector<16xf32>,
        %add3A_225 = arith.addf %gather3A, %gather3A_224 : vector<16xf32>
        %ge3A_226 = arith.constant 0.000000e+00 : f32
        %ge3A_227 = vector.broadcast %ge3A_226 : f32 to vector<16xf32>
        %ge3A_228 = arith.cmpf oge, %add3A_225, %ge3A_227 : vector<16xf32>
        %mul3A_229 = arith.constant 2.000000e-01 : f32
        %mul3A_230 = vector.broadcast %mul3A_229 : f32 to vector<16xf32>
        %mul3A_231 = arith.mulf %add3A_225, %mul3A_230 : vector<16xf32>
        %select_n3A = arith.select %ge3A_228, %add3A_225, %mul3A_231 : vector<16xi1>, vector<16xf32>
        %exp3A = math.exp %select_n3A : vector<16xf32>
        %swap3A = arith.constant 0 : i32
        %swap3A_232 = tpu.memref_slice %arg14[%rem3A_206, %swap3A] : memref<2x80xf32, #tpu.memory_space<vmem>> -> memref<1x80xf32, #tpu.memory_space<vmem>>
        %swap3A_233 = tpu.memref_squeeze %swap3A_232 : memref<1x80xf32, #tpu.memory_space<vmem>> -> memref<80xf32, #tpu.memory_space<vmem>>
        %swap3A_234 = arith.constant 0 : index
        %swap3A_235 = tpu.vector_load %swap3A_233[%swap3A_234] {strides = array<i32>} : memref<80xf32, #tpu.memory_space<vmem>>, vector<16xf32>,
        tpu.vector_store %swap3A_233[%swap3A_234], %exp3A {strides = array<i32>} : memref<80xf32, #tpu.memory_space<vmem>>, vector<16xf32>,
        %get3A_236 = arith.constant 0 : i32
        %get3A_237 = arith.constant 0 : i32
        %get3A_238 = tpu.memref_slice %arg11[%rem3A_96, %get3A_236, %get3A_237] : memref<2x5x80xi32, #tpu.memory_space<vmem>> -> memref<1x5x80xi32, #tpu.memory_space<vmem>>
        %get3A_239 = tpu.memref_squeeze %get3A_238 : memref<1x5x80xi32, #tpu.memory_space<vmem>> -> memref<5x80xi32, #tpu.memory_space<vmem>>
        %get3A_240 = arith.index_cast %scan3A_202 : i32 to index
        %get3A_241 = arith.constant 16 : index
        %get3A_242 = tpu.vector_load %get3A_239[%get3A_240, %get3A_241] {strides = array<i32>} : memref<5x80xi32, #tpu.memory_space<vmem>>, vector<16xi32>,
        %get3A_243 = arith.constant 0 : i32
        %get3A_244 = arith.constant 0 : i32
        %get3A_245 = tpu.memref_slice %arg12[%rem3A_96, %get3A_243, %get3A_244] : memref<2x5x80xi32, #tpu.memory_space<vmem>> -> memref<1x5x80xi32, #tpu.memory_space<vmem>>
        %get3A_246 = tpu.memref_squeeze %get3A_245 : memref<1x5x80xi32, #tpu.memory_space<vmem>> -> memref<5x80xi32, #tpu.memory_space<vmem>>
        %get3A_247 = arith.index_cast %scan3A_202 : i32 to index
        %get3A_248 = arith.constant 16 : index
        %get3A_249 = tpu.vector_load %get3A_246[%get3A_247, %get3A_248] {strides = array<i32>} : memref<5x80xi32, #tpu.memory_space<vmem>>, vector<16xi32>,
        %gather3A_250 = tpu.vector_load_idx %arg8[%get3A_242] : memref<10000xf32, #tpu.memory_space<vmem>>[vector<16xi32>], vector<16xf32>,
        %gather3A_251 = tpu.vector_load_idx %arg9[%get3A_249] : memref<10000xf32, #tpu.memory_space<vmem>>[vector<16xi32>], vector<16xf32>,
        %add3A_252 = arith.addf %gather3A_250, %gather3A_251 : vector<16xf32>
        %ge3A_253 = arith.constant 0.000000e+00 : f32
        %ge3A_254 = vector.broadcast %ge3A_253 : f32 to vector<16xf32>
        %ge3A_255 = arith.cmpf oge, %add3A_252, %ge3A_254 : vector<16xf32>
        %mul3A_256 = arith.constant 2.000000e-01 : f32
        %mul3A_257 = vector.broadcast %mul3A_256 : f32 to vector<16xf32>
        %mul3A_258 = arith.mulf %add3A_252, %mul3A_257 : vector<16xf32>
        %select_n3A_259 = arith.select %ge3A_255, %add3A_252, %mul3A_258 : vector<16xi1>, vector<16xf32>
        %exp3A_260 = math.exp %select_n3A_259 : vector<16xf32>
        %swap3A_261 = arith.constant 0 : i32
        %swap3A_262 = tpu.memref_slice %arg14[%rem3A_206, %swap3A_261] : memref<2x80xf32, #tpu.memory_space<vmem>> -> memref<1x80xf32, #tpu.memory_space<vmem>>
        %swap3A_263 = tpu.memref_squeeze %swap3A_262 : memref<1x80xf32, #tpu.memory_space<vmem>> -> memref<80xf32, #tpu.memory_space<vmem>>
        %swap3A_264 = arith.constant 16 : index
        %swap3A_265 = tpu.vector_load %swap3A_263[%swap3A_264] {strides = array<i32>} : memref<80xf32, #tpu.memory_space<vmem>>, vector<16xf32>,
        tpu.vector_store %swap3A_263[%swap3A_264], %exp3A_260 {strides = array<i32>} : memref<80xf32, #tpu.memory_space<vmem>>, vector<16xf32>,
        %get3A_266 = arith.constant 0 : i32
        %get3A_267 = arith.constant 0 : i32
        %get3A_268 = tpu.memref_slice %arg11[%rem3A_96, %get3A_266, %get3A_267] : memref<2x5x80xi32, #tpu.memory_space<vmem>> -> memref<1x5x80xi32, #tpu.memory_space<vmem>>
        %get3A_269 = tpu.memref_squeeze %get3A_268 : memref<1x5x80xi32, #tpu.memory_space<vmem>> -> memref<5x80xi32, #tpu.memory_space<vmem>>
        %get3A_270 = arith.index_cast %scan3A_202 : i32 to index
        %get3A_271 = arith.constant 32 : index
        %get3A_272 = tpu.vector_load %get3A_269[%get3A_270, %get3A_271] {strides = array<i32>} : memref<5x80xi32, #tpu.memory_space<vmem>>, vector<16xi32>,
        %get3A_273 = arith.constant 0 : i32
        %get3A_274 = arith.constant 0 : i32
        %get3A_275 = tpu.memref_slice %arg12[%rem3A_96, %get3A_273, %get3A_274] : memref<2x5x80xi32, #tpu.memory_space<vmem>> -> memref<1x5x80xi32, #tpu.memory_space<vmem>>
        %get3A_276 = tpu.memref_squeeze %get3A_275 : memref<1x5x80xi32, #tpu.memory_space<vmem>> -> memref<5x80xi32, #tpu.memory_space<vmem>>
        %get3A_277 = arith.index_cast %scan3A_202 : i32 to index
        %get3A_278 = arith.constant 32 : index
        %get3A_279 = tpu.vector_load %get3A_276[%get3A_277, %get3A_278] {strides = array<i32>} : memref<5x80xi32, #tpu.memory_space<vmem>>, vector<16xi32>,
        %gather3A_280 = tpu.vector_load_idx %arg8[%get3A_272] : memref<10000xf32, #tpu.memory_space<vmem>>[vector<16xi32>], vector<16xf32>,
        %gather3A_281 = tpu.vector_load_idx %arg9[%get3A_279] : memref<10000xf32, #tpu.memory_space<vmem>>[vector<16xi32>], vector<16xf32>,
        %add3A_282 = arith.addf %gather3A_280, %gather3A_281 : vector<16xf32>
        %ge3A_283 = arith.constant 0.000000e+00 : f32
        %ge3A_284 = vector.broadcast %ge3A_283 : f32 to vector<16xf32>
        %ge3A_285 = arith.cmpf oge, %add3A_282, %ge3A_284 : vector<16xf32>
        %mul3A_286 = arith.constant 2.000000e-01 : f32
        %mul3A_287 = vector.broadcast %mul3A_286 : f32 to vector<16xf32>
        %mul3A_288 = arith.mulf %add3A_282, %mul3A_287 : vector<16xf32>
        %select_n3A_289 = arith.select %ge3A_285, %add3A_282, %mul3A_288 : vector<16xi1>, vector<16xf32>
        %exp3A_290 = math.exp %select_n3A_289 : vector<16xf32>
        %swap3A_291 = arith.constant 0 : i32
        %swap3A_292 = tpu.memref_slice %arg14[%rem3A_206, %swap3A_291] : memref<2x80xf32, #tpu.memory_space<vmem>> -> memref<1x80xf32, #tpu.memory_space<vmem>>
        %swap3A_293 = tpu.memref_squeeze %swap3A_292 : memref<1x80xf32, #tpu.memory_space<vmem>> -> memref<80xf32, #tpu.memory_space<vmem>>
        %swap3A_294 = arith.constant 32 : index
        %swap3A_295 = tpu.vector_load %swap3A_293[%swap3A_294] {strides = array<i32>} : memref<80xf32, #tpu.memory_space<vmem>>, vector<16xf32>,
        tpu.vector_store %swap3A_293[%swap3A_294], %exp3A_290 {strides = array<i32>} : memref<80xf32, #tpu.memory_space<vmem>>, vector<16xf32>,
        %get3A_296 = arith.constant 0 : i32
        %get3A_297 = arith.constant 0 : i32
        %get3A_298 = tpu.memref_slice %arg11[%rem3A_96, %get3A_296, %get3A_297] : memref<2x5x80xi32, #tpu.memory_space<vmem>> -> memref<1x5x80xi32, #tpu.memory_space<vmem>>
        %get3A_299 = tpu.memref_squeeze %get3A_298 : memref<1x5x80xi32, #tpu.memory_space<vmem>> -> memref<5x80xi32, #tpu.memory_space<vmem>>
        %get3A_300 = arith.index_cast %scan3A_202 : i32 to index
        %get3A_301 = arith.constant 48 : index
        %get3A_302 = tpu.vector_load %get3A_299[%get3A_300, %get3A_301] {strides = array<i32>} : memref<5x80xi32, #tpu.memory_space<vmem>>, vector<16xi32>,
        %get3A_303 = arith.constant 0 : i32
        %get3A_304 = arith.constant 0 : i32
        %get3A_305 = tpu.memref_slice %arg12[%rem3A_96, %get3A_303, %get3A_304] : memref<2x5x80xi32, #tpu.memory_space<vmem>> -> memref<1x5x80xi32, #tpu.memory_space<vmem>>
        %get3A_306 = tpu.memref_squeeze %get3A_305 : memref<1x5x80xi32, #tpu.memory_space<vmem>> -> memref<5x80xi32, #tpu.memory_space<vmem>>
        %get3A_307 = arith.index_cast %scan3A_202 : i32 to index
        %get3A_308 = arith.constant 48 : index
        %get3A_309 = tpu.vector_load %get3A_306[%get3A_307, %get3A_308] {strides = array<i32>} : memref<5x80xi32, #tpu.memory_space<vmem>>, vector<16xi32>,
        %gather3A_310 = tpu.vector_load_idx %arg8[%get3A_302] : memref<10000xf32, #tpu.memory_space<vmem>>[vector<16xi32>], vector<16xf32>,
        %gather3A_311 = tpu.vector_load_idx %arg9[%get3A_309] : memref<10000xf32, #tpu.memory_space<vmem>>[vector<16xi32>], vector<16xf32>,
        %add3A_312 = arith.addf %gather3A_310, %gather3A_311 : vector<16xf32>
        %ge3A_313 = arith.constant 0.000000e+00 : f32
        %ge3A_314 = vector.broadcast %ge3A_313 : f32 to vector<16xf32>
        %ge3A_315 = arith.cmpf oge, %add3A_312, %ge3A_314 : vector<16xf32>
        %mul3A_316 = arith.constant 2.000000e-01 : f32
        %mul3A_317 = vector.broadcast %mul3A_316 : f32 to vector<16xf32>
        %mul3A_318 = arith.mulf %add3A_312, %mul3A_317 : vector<16xf32>
        %select_n3A_319 = arith.select %ge3A_315, %add3A_312, %mul3A_318 : vector<16xi1>, vector<16xf32>
        %exp3A_320 = math.exp %select_n3A_319 : vector<16xf32>
        %swap3A_321 = arith.constant 0 : i32
        %swap3A_322 = tpu.memref_slice %arg14[%rem3A_206, %swap3A_321] : memref<2x80xf32, #tpu.memory_space<vmem>> -> memref<1x80xf32, #tpu.memory_space<vmem>>
        %swap3A_323 = tpu.memref_squeeze %swap3A_322 : memref<1x80xf32, #tpu.memory_space<vmem>> -> memref<80xf32, #tpu.memory_space<vmem>>
        %swap3A_324 = arith.constant 48 : index
        %swap3A_325 = tpu.vector_load %swap3A_323[%swap3A_324] {strides = array<i32>} : memref<80xf32, #tpu.memory_space<vmem>>, vector<16xf32>,
        tpu.vector_store %swap3A_323[%swap3A_324], %exp3A_320 {strides = array<i32>} : memref<80xf32, #tpu.memory_space<vmem>>, vector<16xf32>,
        %get3A_326 = arith.constant 0 : i32
        %get3A_327 = arith.constant 0 : i32
        %get3A_328 = tpu.memref_slice %arg11[%rem3A_96, %get3A_326, %get3A_327] : memref<2x5x80xi32, #tpu.memory_space<vmem>> -> memref<1x5x80xi32, #tpu.memory_space<vmem>>
        %get3A_329 = tpu.memref_squeeze %get3A_328 : memref<1x5x80xi32, #tpu.memory_space<vmem>> -> memref<5x80xi32, #tpu.memory_space<vmem>>
        %get3A_330 = arith.index_cast %scan3A_202 : i32 to index
        %get3A_331 = arith.constant 64 : index
        %get3A_332 = tpu.vector_load %get3A_329[%get3A_330, %get3A_331] {strides = array<i32>} : memref<5x80xi32, #tpu.memory_space<vmem>>, vector<16xi32>,
        %get3A_333 = arith.constant 0 : i32
        %get3A_334 = arith.constant 0 : i32
        %get3A_335 = tpu.memref_slice %arg12[%rem3A_96, %get3A_333, %get3A_334] : memref<2x5x80xi32, #tpu.memory_space<vmem>> -> memref<1x5x80xi32, #tpu.memory_space<vmem>>
        %get3A_336 = tpu.memref_squeeze %get3A_335 : memref<1x5x80xi32, #tpu.memory_space<vmem>> -> memref<5x80xi32, #tpu.memory_space<vmem>>
        %get3A_337 = arith.index_cast %scan3A_202 : i32 to index
        %get3A_338 = arith.constant 64 : index
        %get3A_339 = tpu.vector_load %get3A_336[%get3A_337, %get3A_338] {strides = array<i32>} : memref<5x80xi32, #tpu.memory_space<vmem>>, vector<16xi32>,
        %gather3A_340 = tpu.vector_load_idx %arg8[%get3A_332] : memref<10000xf32, #tpu.memory_space<vmem>>[vector<16xi32>], vector<16xf32>,
        %gather3A_341 = tpu.vector_load_idx %arg9[%get3A_339] : memref<10000xf32, #tpu.memory_space<vmem>>[vector<16xi32>], vector<16xf32>,
        %add3A_342 = arith.addf %gather3A_340, %gather3A_341 : vector<16xf32>
        %ge3A_343 = arith.constant 0.000000e+00 : f32
        %ge3A_344 = vector.broadcast %ge3A_343 : f32 to vector<16xf32>
        %ge3A_345 = arith.cmpf oge, %add3A_342, %ge3A_344 : vector<16xf32>
        %mul3A_346 = arith.constant 2.000000e-01 : f32
        %mul3A_347 = vector.broadcast %mul3A_346 : f32 to vector<16xf32>
        %mul3A_348 = arith.mulf %add3A_342, %mul3A_347 : vector<16xf32>
        %select_n3A_349 = arith.select %ge3A_345, %add3A_342, %mul3A_348 : vector<16xi1>, vector<16xf32>
        %exp3A_350 = math.exp %select_n3A_349 : vector<16xf32>
        %swap3A_351 = arith.constant 0 : i32
        %swap3A_352 = tpu.memref_slice %arg14[%rem3A_206, %swap3A_351] : memref<2x80xf32, #tpu.memory_space<vmem>> -> memref<1x80xf32, #tpu.memory_space<vmem>>
        %swap3A_353 = tpu.memref_squeeze %swap3A_352 : memref<1x80xf32, #tpu.memory_space<vmem>> -> memref<80xf32, #tpu.memory_space<vmem>>
        %swap3A_354 = arith.constant 64 : index
        %swap3A_355 = tpu.vector_load %swap3A_353[%swap3A_354] {strides = array<i32>} : memref<80xf32, #tpu.memory_space<vmem>>, vector<16xf32>,
        tpu.vector_store %swap3A_353[%swap3A_354], %exp3A_350 {strides = array<i32>} : memref<80xf32, #tpu.memory_space<vmem>>, vector<16xf32>,
        %dma_start3A_356 = arith.constant 0 : i32
        %dma_start3A_357 = tpu.memref_slice %arg14[%rem3A_206, %dma_start3A_356] : memref<2x80xf32, #tpu.memory_space<vmem>> -> memref<1x80xf32, #tpu.memory_space<vmem>>
        %dma_start3A_358 = tpu.memref_squeeze %dma_start3A_357 : memref<1x80xf32, #tpu.memory_space<vmem>> -> memref<80xf32, #tpu.memory_space<vmem>>
        %dma_start3A_359 = arith.constant 0 : i32
        %dma_start3A_360 = arith.constant 0 : i32
        %dma_start3A_361 = tpu.memref_slice %arg12[%rem3A_96, %dma_start3A_359, %dma_start3A_360] : memref<2x5x80xi32, #tpu.memory_space<vmem>> -> memref<1x5x80xi32, #tpu.memory_space<vmem>>
        %dma_start3A_362 = tpu.memref_squeeze %dma_start3A_361 : memref<1x5x80xi32, #tpu.memory_space<vmem>> -> memref<5x80xi32, #tpu.memory_space<vmem>>
        %dma_start3A_363 = arith.constant 0 : i32
        %dma_start3A_364 = tpu.memref_slice %dma_start3A_362[%scan3A_202, %dma_start3A_363] : memref<5x80xi32, #tpu.memory_space<vmem>> -> memref<1x80xi32, #tpu.memory_space<vmem>>
        %dma_start3A_365 = tpu.memref_squeeze %dma_start3A_364 : memref<1x80xi32, #tpu.memory_space<vmem>> -> memref<80xi32, #tpu.memory_space<vmem>>
        %dma_start3A_366 = arith.constant 0 : i32
        %dma_start3A_367 = tpu.memref_slice %arg16[%dma_start3A_366] : memref<10240xf32, #tpu.memory_space<vmem_shared>> -> memref<10240xf32, #tpu.memory_space<vmem_shared>>
        tpu.enqueue_indirect_dma source(%dma_start3A_358 : memref<80xf32, #tpu.memory_space<vmem>>) target(%dma_start3A_367 : memref<10240xf32, #tpu.memory_space<vmem_shared>>) offsets(%dma_start3A_365 : memref<80xi32, #tpu.memory_space<vmem>>) semaphore(%arg19 : memref<!tpu.dma_semaphore, #tpu.memory_space<semaphore_mem>>) {add = true}
        %add3A_368 = arith.constant 1 : i32
        %add3A_369 = arith.addi %scan3A_202, %add3A_368 : i32
        %rem3A_370 = arith.constant 2 : i32
        %rem3A_371 = arith.remsi %add3A_369, %rem3A_370 : i32
        %ge3A_372 = arith.constant 1 : i32
        %ge3A_373 = arith.cmpi sge, %scan3A_202, %ge3A_372 : i32
        %convert_element_type3A_374 = arith.extui %ge3A_373 : i1 to i32
        %cond3A_375 = arith.constant 0 : i32
        %cond3A_376 = arith.cmpi ne, %convert_element_type3A_374, %cond3A_375 : i32
        scf.if %cond3A_376 {
          %dma_wait3A_413 = arith.constant 0 : i32
          %dma_wait3A_414 = arith.constant 0 : i32
          %dma_wait3A_415 = arith.constant 0 : i32
          %dma_wait3A_416 = tpu.memref_slice %arg13[%rem3A_371, %dma_wait3A_414, %dma_wait3A_415] : memref<2x80x128xf32, #tpu.memory_space<vmem>> -> memref<1x80x128xf32, #tpu.memory_space<vmem>>
          %dma_wait3A_417 = tpu.memref_squeeze %dma_wait3A_416 : memref<1x80x128xf32, #tpu.memory_space<vmem>> -> memref<80x128xf32, #tpu.memory_space<vmem>>
          %dma_wait3A_418 = arith.constant 0 : i32
          %dma_wait3A_419 = arith.constant 0 : i32
          %dma_wait3A_420 = tpu.memref_slice %arg12[%rem3A_96, %dma_wait3A_418, %dma_wait3A_419] : memref<2x5x80xi32, #tpu.memory_space<vmem>> -> memref<1x5x80xi32, #tpu.memory_space<vmem>>
          %dma_wait3A_421 = tpu.memref_squeeze %dma_wait3A_420 : memref<1x5x80xi32, #tpu.memory_space<vmem>> -> memref<5x80xi32, #tpu.memory_space<vmem>>
          %dma_wait3A_422 = arith.constant 0 : i32
          %dma_wait3A_423 = tpu.memref_slice %dma_wait3A_421[%dma_wait3A_413, %dma_wait3A_422] : memref<5x80xi32, #tpu.memory_space<vmem>> -> memref<1x80xi32, #tpu.memory_space<vmem>>
          %dma_wait3A_424 = tpu.memref_squeeze %dma_wait3A_423 : memref<1x80xi32, #tpu.memory_space<vmem>> -> memref<80xi32, #tpu.memory_space<vmem>>
          %dma_wait3A_425 = arith.constant 0 : i32
          %dma_wait3A_426 = arith.constant 0 : i32
          %dma_wait3A_427 = tpu.memref_slice %arg15[%dma_wait3A_425, %dma_wait3A_426] : memref<10000x128xf32, #tpu.memory_space<vmem_shared>> -> memref<10000x128xf32, #tpu.memory_space<vmem_shared>>
          tpu.wait_indirect_dma semaphore(%arg18 : memref<!tpu.dma_semaphore, #tpu.memory_space<semaphore_mem>>) src(%dma_wait3A_417 : memref<80x128xf32, #tpu.memory_space<vmem>>) dst(%dma_wait3A_427 : memref<10000x128xf32, #tpu.memory_space<vmem_shared>>)
        } else {
        }
        %lt3A_377 = arith.constant 4 : i32
        %lt3A_378 = arith.cmpi slt, %scan3A_202, %lt3A_377 : i32
        %convert_element_type3A_379 = arith.extui %lt3A_378 : i1 to i32
        %cond3A_380 = arith.constant 0 : i32
        %cond3A_381 = arith.cmpi ne, %convert_element_type3A_379, %cond3A_380 : i32
        scf.if %cond3A_381 {
          %add3A_413 = arith.constant 1 : i32
          %add3A_414 = arith.addi %scan3A_202, %add3A_413 : i32
          %min3A = arith.constant 4 : i32
          %min3A_415 = arith.minsi %add3A_414, %min3A : i32
          %dma_start3A_416 = arith.constant 0 : i32
          %dma_start3A_417 = arith.constant 0 : i32
          %dma_start3A_418 = tpu.memref_slice %arg13[%rem3A_371, %dma_start3A_416, %dma_start3A_417] : memref<2x80x128xf32, #tpu.memory_space<vmem>> -> memref<1x80x128xf32, #tpu.memory_space<vmem>>
          %dma_start3A_419 = tpu.memref_squeeze %dma_start3A_418 : memref<1x80x128xf32, #tpu.memory_space<vmem>> -> memref<80x128xf32, #tpu.memory_space<vmem>>
          %dma_start3A_420 = arith.constant 0 : i32
          %dma_start3A_421 = arith.constant 0 : i32
          %dma_start3A_422 = tpu.memref_slice %arg11[%rem3A_96, %dma_start3A_420, %dma_start3A_421] : memref<2x5x80xi32, #tpu.memory_space<vmem>> -> memref<1x5x80xi32, #tpu.memory_space<vmem>>
          %dma_start3A_423 = tpu.memref_squeeze %dma_start3A_422 : memref<1x5x80xi32, #tpu.memory_space<vmem>> -> memref<5x80xi32, #tpu.memory_space<vmem>>
          %dma_start3A_424 = arith.constant 0 : i32
          %dma_start3A_425 = tpu.memref_slice %dma_start3A_423[%min3A_415, %dma_start3A_424] : memref<5x80xi32, #tpu.memory_space<vmem>> -> memref<1x80xi32, #tpu.memory_space<vmem>>
          %dma_start3A_426 = tpu.memref_squeeze %dma_start3A_425 : memref<1x80xi32, #tpu.memory_space<vmem>> -> memref<80xi32, #tpu.memory_space<vmem>>
          %dma_start3A_427 = arith.constant 0 : i32
          %dma_start3A_428 = arith.constant 0 : i32
          %dma_start3A_429 = tpu.memref_slice %arg2[%dma_start3A_427, %dma_start3A_428] : memref<10000x128xf32, #tpu.memory_space<hbm>> -> memref<10000x128xf32, #tpu.memory_space<hbm>>
          tpu.enqueue_indirect_dma source(%dma_start3A_429 : memref<10000x128xf32, #tpu.memory_space<hbm>>) target(%dma_start3A_419 : memref<80x128xf32, #tpu.memory_space<vmem>>) offsets(%dma_start3A_426 : memref<80xi32, #tpu.memory_space<vmem>>) semaphore(%arg17 : memref<!tpu.dma_semaphore, #tpu.memory_space<semaphore_mem>>)
        } else {
        }
        %dma_wait3A_382 = arith.constant 0 : i32
        %dma_wait3A_383 = arith.constant 0 : i32
        %dma_wait3A_384 = arith.constant 0 : i32
        %dma_wait3A_385 = tpu.memref_slice %arg13[%rem3A_204, %dma_wait3A_383, %dma_wait3A_384] : memref<2x80x128xf32, #tpu.memory_space<vmem>> -> memref<1x80x128xf32, #tpu.memory_space<vmem>>
        %dma_wait3A_386 = tpu.memref_squeeze %dma_wait3A_385 : memref<1x80x128xf32, #tpu.memory_space<vmem>> -> memref<80x128xf32, #tpu.memory_space<vmem>>
        %dma_wait3A_387 = arith.constant 0 : i32
        %dma_wait3A_388 = arith.constant 0 : i32
        %dma_wait3A_389 = tpu.memref_slice %arg11[%rem3A_96, %dma_wait3A_387, %dma_wait3A_388] : memref<2x5x80xi32, #tpu.memory_space<vmem>> -> memref<1x5x80xi32, #tpu.memory_space<vmem>>
        %dma_wait3A_390 = tpu.memref_squeeze %dma_wait3A_389 : memref<1x5x80xi32, #tpu.memory_space<vmem>> -> memref<5x80xi32, #tpu.memory_space<vmem>>
        %dma_wait3A_391 = arith.constant 0 : i32
        %dma_wait3A_392 = tpu.memref_slice %dma_wait3A_390[%dma_wait3A_382, %dma_wait3A_391] : memref<5x80xi32, #tpu.memory_space<vmem>> -> memref<1x80xi32, #tpu.memory_space<vmem>>
        %dma_wait3A_393 = tpu.memref_squeeze %dma_wait3A_392 : memref<1x80xi32, #tpu.memory_space<vmem>> -> memref<80xi32, #tpu.memory_space<vmem>>
        %dma_wait3A_394 = arith.constant 0 : i32
        %dma_wait3A_395 = arith.constant 0 : i32
        %dma_wait3A_396 = tpu.memref_slice %arg2[%dma_wait3A_394, %dma_wait3A_395] : memref<10000x128xf32, #tpu.memory_space<hbm>> -> memref<10000x128xf32, #tpu.memory_space<hbm>>
        tpu.wait_indirect_dma semaphore(%arg17 : memref<!tpu.dma_semaphore, #tpu.memory_space<semaphore_mem>>) src(%dma_wait3A_396 : memref<10000x128xf32, #tpu.memory_space<hbm>>) dst(%dma_wait3A_386 : memref<80x128xf32, #tpu.memory_space<vmem>>)
        %parallel_loop3A = arith.constant 0 : i32
        %parallel_loop3A_397 = arith.constant 80 : i32
        %parallel_loop3A_398 = arith.constant 1 : i32
        scf.for %parallel_loop3A_413 = %parallel_loop3A to %parallel_loop3A_397 step %parallel_loop3A_398  : i32 {
          %parallel_loop3A_414 = arith.constant 0 : i32
          %parallel_loop3A_415 = vector.broadcast %parallel_loop3A_414 : i32 to vector<16xi32>
          %parallel_loop3A_416 = vector.broadcast %parallel_loop3A_413 : i32 to vector<16xi32>
          %parallel_loop3A_417 = arith.addi %parallel_loop3A_415, %parallel_loop3A_416 : vector<16xi32>
          %parallel_loop3A_418 = arith.constant 0 : i32
          %parallel_loop3A_419 = tpu.memref_slice %arg14[%rem3A_206, %parallel_loop3A_418] : memref<2x80xf32, #tpu.memory_space<vmem>> -> memref<1x80xf32, #tpu.memory_space<vmem>>
          %parallel_loop3A_420 = tpu.memref_squeeze %parallel_loop3A_419 : memref<1x80xf32, #tpu.memory_space<vmem>> -> memref<80xf32, #tpu.memory_space<vmem>>
          %parallel_loop3A_421 = tpu.vector_load_idx %parallel_loop3A_420[%parallel_loop3A_417] : memref<80xf32, #tpu.memory_space<vmem>>[vector<16xi32>], vector<16xf32>,
          %parallel_loop3A_422 = arith.constant 0 : i32
          %parallel_loop3A_423 = arith.constant 0 : i32
          %parallel_loop3A_424 = tpu.memref_slice %arg13[%rem3A_204, %parallel_loop3A_422, %parallel_loop3A_423] : memref<2x80x128xf32, #tpu.memory_space<vmem>> -> memref<1x80x128xf32, #tpu.memory_space<vmem>>
          %parallel_loop3A_425 = tpu.memref_squeeze %parallel_loop3A_424 : memref<1x80x128xf32, #tpu.memory_space<vmem>> -> memref<80x128xf32, #tpu.memory_space<vmem>>
          %parallel_loop3A_426 = arith.index_cast %parallel_loop3A_413 : i32 to index
          %parallel_loop3A_427 = arith.constant 0 : index
          %parallel_loop3A_428 = tpu.vector_load %parallel_loop3A_425[%parallel_loop3A_426, %parallel_loop3A_427] {strides = array<i32>} : memref<80x128xf32, #tpu.memory_space<vmem>>, vector<16xf32>,
          %parallel_loop3A_429 = arith.mulf %parallel_loop3A_428, %parallel_loop3A_421 : vector<16xf32>
          %parallel_loop3A_430 = arith.constant 0 : i32
          %parallel_loop3A_431 = arith.constant 0 : i32
          %parallel_loop3A_432 = tpu.memref_slice %arg13[%rem3A_204, %parallel_loop3A_430, %parallel_loop3A_431] : memref<2x80x128xf32, #tpu.memory_space<vmem>> -> memref<1x80x128xf32, #tpu.memory_space<vmem>>
          %parallel_loop3A_433 = tpu.memref_squeeze %parallel_loop3A_432 : memref<1x80x128xf32, #tpu.memory_space<vmem>> -> memref<80x128xf32, #tpu.memory_space<vmem>>
          %parallel_loop3A_434 = arith.index_cast %parallel_loop3A_413 : i32 to index
          %parallel_loop3A_435 = arith.constant 0 : index
          %parallel_loop3A_436 = tpu.vector_load %parallel_loop3A_433[%parallel_loop3A_434, %parallel_loop3A_435] {strides = array<i32>} : memref<80x128xf32, #tpu.memory_space<vmem>>, vector<16xf32>,
          tpu.vector_store %parallel_loop3A_433[%parallel_loop3A_434, %parallel_loop3A_435], %parallel_loop3A_429 {strides = array<i32>} : memref<80x128xf32, #tpu.memory_space<vmem>>, vector<16xf32>,
          %parallel_loop3A_437 = arith.constant 0 : i32
          %parallel_loop3A_438 = arith.constant 0 : i32
          %parallel_loop3A_439 = tpu.memref_slice %arg13[%rem3A_204, %parallel_loop3A_437, %parallel_loop3A_438] : memref<2x80x128xf32, #tpu.memory_space<vmem>> -> memref<1x80x128xf32, #tpu.memory_space<vmem>>
          %parallel_loop3A_440 = tpu.memref_squeeze %parallel_loop3A_439 : memref<1x80x128xf32, #tpu.memory_space<vmem>> -> memref<80x128xf32, #tpu.memory_space<vmem>>
          %parallel_loop3A_441 = arith.index_cast %parallel_loop3A_413 : i32 to index
          %parallel_loop3A_442 = arith.constant 16 : index
          %parallel_loop3A_443 = tpu.vector_load %parallel_loop3A_440[%parallel_loop3A_441, %parallel_loop3A_442] {strides = array<i32>} : memref<80x128xf32, #tpu.memory_space<vmem>>, vector<16xf32>,
          %parallel_loop3A_444 = arith.mulf %parallel_loop3A_443, %parallel_loop3A_421 : vector<16xf32>
          %parallel_loop3A_445 = arith.constant 0 : i32
          %parallel_loop3A_446 = arith.constant 0 : i32
          %parallel_loop3A_447 = tpu.memref_slice %arg13[%rem3A_204, %parallel_loop3A_445, %parallel_loop3A_446] : memref<2x80x128xf32, #tpu.memory_space<vmem>> -> memref<1x80x128xf32, #tpu.memory_space<vmem>>
          %parallel_loop3A_448 = tpu.memref_squeeze %parallel_loop3A_447 : memref<1x80x128xf32, #tpu.memory_space<vmem>> -> memref<80x128xf32, #tpu.memory_space<vmem>>
          %parallel_loop3A_449 = arith.index_cast %parallel_loop3A_413 : i32 to index
          %parallel_loop3A_450 = arith.constant 16 : index
          %parallel_loop3A_451 = tpu.vector_load %parallel_loop3A_448[%parallel_loop3A_449, %parallel_loop3A_450] {strides = array<i32>} : memref<80x128xf32, #tpu.memory_space<vmem>>, vector<16xf32>,
          tpu.vector_store %parallel_loop3A_448[%parallel_loop3A_449, %parallel_loop3A_450], %parallel_loop3A_444 {strides = array<i32>} : memref<80x128xf32, #tpu.memory_space<vmem>>, vector<16xf32>,
          %parallel_loop3A_452 = arith.constant 0 : i32
          %parallel_loop3A_453 = arith.constant 0 : i32
          %parallel_loop3A_454 = tpu.memref_slice %arg13[%rem3A_204, %parallel_loop3A_452, %parallel_loop3A_453] : memref<2x80x128xf32, #tpu.memory_space<vmem>> -> memref<1x80x128xf32, #tpu.memory_space<vmem>>
          %parallel_loop3A_455 = tpu.memref_squeeze %parallel_loop3A_454 : memref<1x80x128xf32, #tpu.memory_space<vmem>> -> memref<80x128xf32, #tpu.memory_space<vmem>>
          %parallel_loop3A_456 = arith.index_cast %parallel_loop3A_413 : i32 to index
          %parallel_loop3A_457 = arith.constant 32 : index
          %parallel_loop3A_458 = tpu.vector_load %parallel_loop3A_455[%parallel_loop3A_456, %parallel_loop3A_457] {strides = array<i32>} : memref<80x128xf32, #tpu.memory_space<vmem>>, vector<16xf32>,
          %parallel_loop3A_459 = arith.mulf %parallel_loop3A_458, %parallel_loop3A_421 : vector<16xf32>
          %parallel_loop3A_460 = arith.constant 0 : i32
          %parallel_loop3A_461 = arith.constant 0 : i32
          %parallel_loop3A_462 = tpu.memref_slice %arg13[%rem3A_204, %parallel_loop3A_460, %parallel_loop3A_461] : memref<2x80x128xf32, #tpu.memory_space<vmem>> -> memref<1x80x128xf32, #tpu.memory_space<vmem>>
          %parallel_loop3A_463 = tpu.memref_squeeze %parallel_loop3A_462 : memref<1x80x128xf32, #tpu.memory_space<vmem>> -> memref<80x128xf32, #tpu.memory_space<vmem>>
          %parallel_loop3A_464 = arith.index_cast %parallel_loop3A_413 : i32 to index
          %parallel_loop3A_465 = arith.constant 32 : index
          %parallel_loop3A_466 = tpu.vector_load %parallel_loop3A_463[%parallel_loop3A_464, %parallel_loop3A_465] {strides = array<i32>} : memref<80x128xf32, #tpu.memory_space<vmem>>, vector<16xf32>,
          tpu.vector_store %parallel_loop3A_463[%parallel_loop3A_464, %parallel_loop3A_465], %parallel_loop3A_459 {strides = array<i32>} : memref<80x128xf32, #tpu.memory_space<vmem>>, vector<16xf32>,
          %parallel_loop3A_467 = arith.constant 0 : i32
          %parallel_loop3A_468 = arith.constant 0 : i32
          %parallel_loop3A_469 = tpu.memref_slice %arg13[%rem3A_204, %parallel_loop3A_467, %parallel_loop3A_468] : memref<2x80x128xf32, #tpu.memory_space<vmem>> -> memref<1x80x128xf32, #tpu.memory_space<vmem>>
          %parallel_loop3A_470 = tpu.memref_squeeze %parallel_loop3A_469 : memref<1x80x128xf32, #tpu.memory_space<vmem>> -> memref<80x128xf32, #tpu.memory_space<vmem>>
          %parallel_loop3A_471 = arith.index_cast %parallel_loop3A_413 : i32 to index
          %parallel_loop3A_472 = arith.constant 48 : index
          %parallel_loop3A_473 = tpu.vector_load %parallel_loop3A_470[%parallel_loop3A_471, %parallel_loop3A_472] {strides = array<i32>} : memref<80x128xf32, #tpu.memory_space<vmem>>, vector<16xf32>,
          %parallel_loop3A_474 = arith.mulf %parallel_loop3A_473, %parallel_loop3A_421 : vector<16xf32>
          %parallel_loop3A_475 = arith.constant 0 : i32
          %parallel_loop3A_476 = arith.constant 0 : i32
          %parallel_loop3A_477 = tpu.memref_slice %arg13[%rem3A_204, %parallel_loop3A_475, %parallel_loop3A_476] : memref<2x80x128xf32, #tpu.memory_space<vmem>> -> memref<1x80x128xf32, #tpu.memory_space<vmem>>
          %parallel_loop3A_478 = tpu.memref_squeeze %parallel_loop3A_477 : memref<1x80x128xf32, #tpu.memory_space<vmem>> -> memref<80x128xf32, #tpu.memory_space<vmem>>
          %parallel_loop3A_479 = arith.index_cast %parallel_loop3A_413 : i32 to index
          %parallel_loop3A_480 = arith.constant 48 : index
          %parallel_loop3A_481 = tpu.vector_load %parallel_loop3A_478[%parallel_loop3A_479, %parallel_loop3A_480] {strides = array<i32>} : memref<80x128xf32, #tpu.memory_space<vmem>>, vector<16xf32>,
          tpu.vector_store %parallel_loop3A_478[%parallel_loop3A_479, %parallel_loop3A_480], %parallel_loop3A_474 {strides = array<i32>} : memref<80x128xf32, #tpu.memory_space<vmem>>, vector<16xf32>,
          %parallel_loop3A_482 = arith.constant 0 : i32
          %parallel_loop3A_483 = arith.constant 0 : i32
          %parallel_loop3A_484 = tpu.memref_slice %arg13[%rem3A_204, %parallel_loop3A_482, %parallel_loop3A_483] : memref<2x80x128xf32, #tpu.memory_space<vmem>> -> memref<1x80x128xf32, #tpu.memory_space<vmem>>
          %parallel_loop3A_485 = tpu.memref_squeeze %parallel_loop3A_484 : memref<1x80x128xf32, #tpu.memory_space<vmem>> -> memref<80x128xf32, #tpu.memory_space<vmem>>
          %parallel_loop3A_486 = arith.index_cast %parallel_loop3A_413 : i32 to index
          %parallel_loop3A_487 = arith.constant 64 : index
          %parallel_loop3A_488 = tpu.vector_load %parallel_loop3A_485[%parallel_loop3A_486, %parallel_loop3A_487] {strides = array<i32>} : memref<80x128xf32, #tpu.memory_space<vmem>>, vector<16xf32>,
          %parallel_loop3A_489 = arith.mulf %parallel_loop3A_488, %parallel_loop3A_421 : vector<16xf32>
          %parallel_loop3A_490 = arith.constant 0 : i32
          %parallel_loop3A_491 = arith.constant 0 : i32
          %parallel_loop3A_492 = tpu.memref_slice %arg13[%rem3A_204, %parallel_loop3A_490, %parallel_loop3A_491] : memref<2x80x128xf32, #tpu.memory_space<vmem>> -> memref<1x80x128xf32, #tpu.memory_space<vmem>>
          %parallel_loop3A_493 = tpu.memref_squeeze %parallel_loop3A_492 : memref<1x80x128xf32, #tpu.memory_space<vmem>> -> memref<80x128xf32, #tpu.memory_space<vmem>>
          %parallel_loop3A_494 = arith.index_cast %parallel_loop3A_413 : i32 to index
          %parallel_loop3A_495 = arith.constant 64 : index
          %parallel_loop3A_496 = tpu.vector_load %parallel_loop3A_493[%parallel_loop3A_494, %parallel_loop3A_495] {strides = array<i32>} : memref<80x128xf32, #tpu.memory_space<vmem>>, vector<16xf32>,
          tpu.vector_store %parallel_loop3A_493[%parallel_loop3A_494, %parallel_loop3A_495], %parallel_loop3A_489 {strides = array<i32>} : memref<80x128xf32, #tpu.memory_space<vmem>>, vector<16xf32>,
          %parallel_loop3A_497 = arith.constant 0 : i32
          %parallel_loop3A_498 = arith.constant 0 : i32
          %parallel_loop3A_499 = tpu.memref_slice %arg13[%rem3A_204, %parallel_loop3A_497, %parallel_loop3A_498] : memref<2x80x128xf32, #tpu.memory_space<vmem>> -> memref<1x80x128xf32, #tpu.memory_space<vmem>>
          %parallel_loop3A_500 = tpu.memref_squeeze %parallel_loop3A_499 : memref<1x80x128xf32, #tpu.memory_space<vmem>> -> memref<80x128xf32, #tpu.memory_space<vmem>>
          %parallel_loop3A_501 = arith.index_cast %parallel_loop3A_413 : i32 to index
          %parallel_loop3A_502 = arith.constant 80 : index
          %parallel_loop3A_503 = tpu.vector_load %parallel_loop3A_500[%parallel_loop3A_501, %parallel_loop3A_502] {strides = array<i32>} : memref<80x128xf32, #tpu.memory_space<vmem>>, vector<16xf32>,
          %parallel_loop3A_504 = arith.mulf %parallel_loop3A_503, %parallel_loop3A_421 : vector<16xf32>
          %parallel_loop3A_505 = arith.constant 0 : i32
          %parallel_loop3A_506 = arith.constant 0 : i32
          %parallel_loop3A_507 = tpu.memref_slice %arg13[%rem3A_204, %parallel_loop3A_505, %parallel_loop3A_506] : memref<2x80x128xf32, #tpu.memory_space<vmem>> -> memref<1x80x128xf32, #tpu.memory_space<vmem>>
          %parallel_loop3A_508 = tpu.memref_squeeze %parallel_loop3A_507 : memref<1x80x128xf32, #tpu.memory_space<vmem>> -> memref<80x128xf32, #tpu.memory_space<vmem>>
          %parallel_loop3A_509 = arith.index_cast %parallel_loop3A_413 : i32 to index
          %parallel_loop3A_510 = arith.constant 80 : index
          %parallel_loop3A_511 = tpu.vector_load %parallel_loop3A_508[%parallel_loop3A_509, %parallel_loop3A_510] {strides = array<i32>} : memref<80x128xf32, #tpu.memory_space<vmem>>, vector<16xf32>,
          tpu.vector_store %parallel_loop3A_508[%parallel_loop3A_509, %parallel_loop3A_510], %parallel_loop3A_504 {strides = array<i32>} : memref<80x128xf32, #tpu.memory_space<vmem>>, vector<16xf32>,
          %parallel_loop3A_512 = arith.constant 0 : i32
          %parallel_loop3A_513 = arith.constant 0 : i32
          %parallel_loop3A_514 = tpu.memref_slice %arg13[%rem3A_204, %parallel_loop3A_512, %parallel_loop3A_513] : memref<2x80x128xf32, #tpu.memory_space<vmem>> -> memref<1x80x128xf32, #tpu.memory_space<vmem>>
          %parallel_loop3A_515 = tpu.memref_squeeze %parallel_loop3A_514 : memref<1x80x128xf32, #tpu.memory_space<vmem>> -> memref<80x128xf32, #tpu.memory_space<vmem>>
          %parallel_loop3A_516 = arith.index_cast %parallel_loop3A_413 : i32 to index
          %parallel_loop3A_517 = arith.constant 96 : index
          %parallel_loop3A_518 = tpu.vector_load %parallel_loop3A_515[%parallel_loop3A_516, %parallel_loop3A_517] {strides = array<i32>} : memref<80x128xf32, #tpu.memory_space<vmem>>, vector<16xf32>,
          %parallel_loop3A_519 = arith.mulf %parallel_loop3A_518, %parallel_loop3A_421 : vector<16xf32>
          %parallel_loop3A_520 = arith.constant 0 : i32
          %parallel_loop3A_521 = arith.constant 0 : i32
          %parallel_loop3A_522 = tpu.memref_slice %arg13[%rem3A_204, %parallel_loop3A_520, %parallel_loop3A_521] : memref<2x80x128xf32, #tpu.memory_space<vmem>> -> memref<1x80x128xf32, #tpu.memory_space<vmem>>
          %parallel_loop3A_523 = tpu.memref_squeeze %parallel_loop3A_522 : memref<1x80x128xf32, #tpu.memory_space<vmem>> -> memref<80x128xf32, #tpu.memory_space<vmem>>
          %parallel_loop3A_524 = arith.index_cast %parallel_loop3A_413 : i32 to index
          %parallel_loop3A_525 = arith.constant 96 : index
          %parallel_loop3A_526 = tpu.vector_load %parallel_loop3A_523[%parallel_loop3A_524, %parallel_loop3A_525] {strides = array<i32>} : memref<80x128xf32, #tpu.memory_space<vmem>>, vector<16xf32>,
          tpu.vector_store %parallel_loop3A_523[%parallel_loop3A_524, %parallel_loop3A_525], %parallel_loop3A_519 {strides = array<i32>} : memref<80x128xf32, #tpu.memory_space<vmem>>, vector<16xf32>,
          %parallel_loop3A_527 = arith.constant 0 : i32
          %parallel_loop3A_528 = arith.constant 0 : i32
          %parallel_loop3A_529 = tpu.memref_slice %arg13[%rem3A_204, %parallel_loop3A_527, %parallel_loop3A_528] : memref<2x80x128xf32, #tpu.memory_space<vmem>> -> memref<1x80x128xf32, #tpu.memory_space<vmem>>
          %parallel_loop3A_530 = tpu.memref_squeeze %parallel_loop3A_529 : memref<1x80x128xf32, #tpu.memory_space<vmem>> -> memref<80x128xf32, #tpu.memory_space<vmem>>
          %parallel_loop3A_531 = arith.index_cast %parallel_loop3A_413 : i32 to index
          %parallel_loop3A_532 = arith.constant 112 : index
          %parallel_loop3A_533 = tpu.vector_load %parallel_loop3A_530[%parallel_loop3A_531, %parallel_loop3A_532] {strides = array<i32>} : memref<80x128xf32, #tpu.memory_space<vmem>>, vector<16xf32>,
          %parallel_loop3A_534 = arith.mulf %parallel_loop3A_533, %parallel_loop3A_421 : vector<16xf32>
          %parallel_loop3A_535 = arith.constant 0 : i32
          %parallel_loop3A_536 = arith.constant 0 : i32
          %parallel_loop3A_537 = tpu.memref_slice %arg13[%rem3A_204, %parallel_loop3A_535, %parallel_loop3A_536] : memref<2x80x128xf32, #tpu.memory_space<vmem>> -> memref<1x80x128xf32, #tpu.memory_space<vmem>>
          %parallel_loop3A_538 = tpu.memref_squeeze %parallel_loop3A_537 : memref<1x80x128xf32, #tpu.memory_space<vmem>> -> memref<80x128xf32, #tpu.memory_space<vmem>>
          %parallel_loop3A_539 = arith.index_cast %parallel_loop3A_413 : i32 to index
          %parallel_loop3A_540 = arith.constant 112 : index
          %parallel_loop3A_541 = tpu.vector_load %parallel_loop3A_538[%parallel_loop3A_539, %parallel_loop3A_540] {strides = array<i32>} : memref<80x128xf32, #tpu.memory_space<vmem>>, vector<16xf32>,
          tpu.vector_store %parallel_loop3A_538[%parallel_loop3A_539, %parallel_loop3A_540], %parallel_loop3A_534 {strides = array<i32>} : memref<80x128xf32, #tpu.memory_space<vmem>>, vector<16xf32>,
        } {sc.loop_unroll_factor = 8 : i64, sc.parallel_access}
        %dma_start3A_399 = arith.constant 0 : i32
        %dma_start3A_400 = arith.constant 0 : i32
        %dma_start3A_401 = tpu.memref_slice %arg13[%rem3A_204, %dma_start3A_399, %dma_start3A_400] : memref<2x80x128xf32, #tpu.memory_space<vmem>> -> memref<1x80x128xf32, #tpu.memory_space<vmem>>
        %dma_start3A_402 = tpu.memref_squeeze %dma_start3A_401 : memref<1x80x128xf32, #tpu.memory_space<vmem>> -> memref<80x128xf32, #tpu.memory_space<vmem>>
        %dma_start3A_403 = arith.constant 0 : i32
        %dma_start3A_404 = arith.constant 0 : i32
        %dma_start3A_405 = tpu.memref_slice %arg12[%rem3A_96, %dma_start3A_403, %dma_start3A_404] : memref<2x5x80xi32, #tpu.memory_space<vmem>> -> memref<1x5x80xi32, #tpu.memory_space<vmem>>
        %dma_start3A_406 = tpu.memref_squeeze %dma_start3A_405 : memref<1x5x80xi32, #tpu.memory_space<vmem>> -> memref<5x80xi32, #tpu.memory_space<vmem>>
        %dma_start3A_407 = arith.constant 0 : i32
        %dma_start3A_408 = tpu.memref_slice %dma_start3A_406[%scan3A_202, %dma_start3A_407] : memref<5x80xi32, #tpu.memory_space<vmem>> -> memref<1x80xi32, #tpu.memory_space<vmem>>
        %dma_start3A_409 = tpu.memref_squeeze %dma_start3A_408 : memref<1x80xi32, #tpu.memory_space<vmem>> -> memref<80xi32, #tpu.memory_space<vmem>>
        %dma_start3A_410 = arith.constant 0 : i32
        %dma_start3A_411 = arith.constant 0 : i32
        %dma_start3A_412 = tpu.memref_slice %arg15[%dma_start3A_410, %dma_start3A_411] : memref<10000x128xf32, #tpu.memory_space<vmem_shared>> -> memref<10000x128xf32, #tpu.memory_space<vmem_shared>>
        tpu.enqueue_indirect_dma source(%dma_start3A_402 : memref<80x128xf32, #tpu.memory_space<vmem>>) target(%dma_start3A_412 : memref<10000x128xf32, #tpu.memory_space<vmem_shared>>) offsets(%dma_start3A_409 : memref<80xi32, #tpu.memory_space<vmem>>) semaphore(%arg18 : memref<!tpu.dma_semaphore, #tpu.memory_space<semaphore_mem>>) {add = true}
      }
      %scan3A_157 = arith.constant 5 : i32
      %dma_wait3A_158 = arith.constant 0 : i32
      %dma_wait3A_159 = arith.constant 0 : i32
      %dma_wait3A_160 = arith.constant 0 : i32
      %dma_wait3A_161 = arith.constant 0 : i32
      %dma_wait3A_162 = tpu.memref_slice %arg13[%dma_wait3A_158, %dma_wait3A_160, %dma_wait3A_161] : memref<2x80x128xf32, #tpu.memory_space<vmem>> -> memref<1x80x128xf32, #tpu.memory_space<vmem>>
      %dma_wait3A_163 = tpu.memref_squeeze %dma_wait3A_162 : memref<1x80x128xf32, #tpu.memory_space<vmem>> -> memref<80x128xf32, #tpu.memory_space<vmem>>
      %dma_wait3A_164 = arith.constant 0 : i32
      %dma_wait3A_165 = arith.constant 0 : i32
      %dma_wait3A_166 = tpu.memref_slice %arg12[%rem3A_96, %dma_wait3A_164, %dma_wait3A_165] : memref<2x5x80xi32, #tpu.memory_space<vmem>> -> memref<1x5x80xi32, #tpu.memory_space<vmem>>
      %dma_wait3A_167 = tpu.memref_squeeze %dma_wait3A_166 : memref<1x5x80xi32, #tpu.memory_space<vmem>> -> memref<5x80xi32, #tpu.memory_space<vmem>>
      %dma_wait3A_168 = arith.constant 0 : i32
      %dma_wait3A_169 = tpu.memref_slice %dma_wait3A_167[%dma_wait3A_159, %dma_wait3A_168] : memref<5x80xi32, #tpu.memory_space<vmem>> -> memref<1x80xi32, #tpu.memory_space<vmem>>
      %dma_wait3A_170 = tpu.memref_squeeze %dma_wait3A_169 : memref<1x80xi32, #tpu.memory_space<vmem>> -> memref<80xi32, #tpu.memory_space<vmem>>
      %dma_wait3A_171 = arith.constant 0 : i32
      %dma_wait3A_172 = arith.constant 0 : i32
      %dma_wait3A_173 = tpu.memref_slice %arg15[%dma_wait3A_171, %dma_wait3A_172] : memref<10000x128xf32, #tpu.memory_space<vmem_shared>> -> memref<10000x128xf32, #tpu.memory_space<vmem_shared>>
      tpu.wait_indirect_dma semaphore(%arg18 : memref<!tpu.dma_semaphore, #tpu.memory_space<semaphore_mem>>) src(%dma_wait3A_163 : memref<80x128xf32, #tpu.memory_space<vmem>>) dst(%dma_wait3A_173 : memref<10000x128xf32, #tpu.memory_space<vmem_shared>>)
      %dma_wait3A_174 = arith.constant 0 : i32
      %dma_wait3A_175 = arith.constant 0 : i32
      %dma_wait3A_176 = arith.constant 0 : i32
      %dma_wait3A_177 = tpu.memref_slice %arg14[%dma_wait3A_174, %dma_wait3A_176] : memref<2x80xf32, #tpu.memory_space<vmem>> -> memref<1x80xf32, #tpu.memory_space<vmem>>
      %dma_wait3A_178 = tpu.memref_squeeze %dma_wait3A_177 : memref<1x80xf32, #tpu.memory_space<vmem>> -> memref<80xf32, #tpu.memory_space<vmem>>
      %dma_wait3A_179 = arith.constant 0 : i32
      %dma_wait3A_180 = arith.constant 0 : i32
      %dma_wait3A_181 = tpu.memref_slice %arg12[%rem3A_96, %dma_wait3A_179, %dma_wait3A_180] : memref<2x5x80xi32, #tpu.memory_space<vmem>> -> memref<1x5x80xi32, #tpu.memory_space<vmem>>
      %dma_wait3A_182 = tpu.memref_squeeze %dma_wait3A_181 : memref<1x5x80xi32, #tpu.memory_space<vmem>> -> memref<5x80xi32, #tpu.memory_space<vmem>>
      %dma_wait3A_183 = arith.constant 0 : i32
      %dma_wait3A_184 = tpu.memref_slice %dma_wait3A_182[%dma_wait3A_175, %dma_wait3A_183] : memref<5x80xi32, #tpu.memory_space<vmem>> -> memref<1x80xi32, #tpu.memory_space<vmem>>
      %dma_wait3A_185 = tpu.memref_squeeze %dma_wait3A_184 : memref<1x80xi32, #tpu.memory_space<vmem>> -> memref<80xi32, #tpu.memory_space<vmem>>
      %dma_wait3A_186 = arith.constant 0 : i32
      %dma_wait3A_187 = tpu.memref_slice %arg16[%dma_wait3A_186] : memref<10240xf32, #tpu.memory_space<vmem_shared>> -> memref<10240xf32, #tpu.memory_space<vmem_shared>>
      tpu.wait_indirect_dma semaphore(%arg19 : memref<!tpu.dma_semaphore, #tpu.memory_space<semaphore_mem>>) src(%dma_wait3A_178 : memref<80xf32, #tpu.memory_space<vmem>>) dst(%dma_wait3A_187 : memref<10240xf32, #tpu.memory_space<vmem_shared>>)
      %dma_wait3A_188 = arith.constant 0 : i32
      %dma_wait3A_189 = arith.constant 0 : i32
      %dma_wait3A_190 = arith.constant 0 : i32
      %dma_wait3A_191 = tpu.memref_slice %arg14[%dma_wait3A_188, %dma_wait3A_190] : memref<2x80xf32, #tpu.memory_space<vmem>> -> memref<1x80xf32, #tpu.memory_space<vmem>>
      %dma_wait3A_192 = tpu.memref_squeeze %dma_wait3A_191 : memref<1x80xf32, #tpu.memory_space<vmem>> -> memref<80xf32, #tpu.memory_space<vmem>>
      %dma_wait3A_193 = arith.constant 0 : i32
      %dma_wait3A_194 = arith.constant 0 : i32
      %dma_wait3A_195 = tpu.memref_slice %arg12[%rem3A_96, %dma_wait3A_193, %dma_wait3A_194] : memref<2x5x80xi32, #tpu.memory_space<vmem>> -> memref<1x5x80xi32, #tpu.memory_space<vmem>>
      %dma_wait3A_196 = tpu.memref_squeeze %dma_wait3A_195 : memref<1x5x80xi32, #tpu.memory_space<vmem>> -> memref<5x80xi32, #tpu.memory_space<vmem>>
      %dma_wait3A_197 = arith.constant 0 : i32
      %dma_wait3A_198 = tpu.memref_slice %dma_wait3A_196[%dma_wait3A_189, %dma_wait3A_197] : memref<5x80xi32, #tpu.memory_space<vmem>> -> memref<1x80xi32, #tpu.memory_space<vmem>>
      %dma_wait3A_199 = tpu.memref_squeeze %dma_wait3A_198 : memref<1x80xi32, #tpu.memory_space<vmem>> -> memref<80xi32, #tpu.memory_space<vmem>>
      %dma_wait3A_200 = arith.constant 0 : i32
      %dma_wait3A_201 = tpu.memref_slice %arg16[%dma_wait3A_200] : memref<10240xf32, #tpu.memory_space<vmem_shared>> -> memref<10240xf32, #tpu.memory_space<vmem_shared>>
      tpu.wait_indirect_dma semaphore(%arg19 : memref<!tpu.dma_semaphore, #tpu.memory_space<semaphore_mem>>) src(%dma_wait3A_192 : memref<80xf32, #tpu.memory_space<vmem>>) dst(%dma_wait3A_201 : memref<10240xf32, #tpu.memory_space<vmem_shared>>)
    }
    %scan3A_83 = arith.constant 25 : i32
    %barrier3A_84 = arith.constant 0 : index
    tpu.barrier barrier_id(%barrier3A_84)
    "tpu.region"() ({
      %run_scoped3A_95 = tpu.sem_alloc : memref<!tpu.dma_semaphore, #tpu.memory_space<semaphore_mem>>
      %dma_start3A_96 = arith.constant 0 : i32
      %dma_start3A_97 = tpu.memref_slice %arg6[%arg0, %mul3A_48, %dma_start3A_96] : memref<2x10000x128xf32, #tpu.memory_space<hbm>> -> memref<1x624x128xf32, #tpu.memory_space<hbm>>
      %dma_start3A_98 = tpu.memref_squeeze %dma_start3A_97 : memref<1x624x128xf32, #tpu.memory_space<hbm>> -> memref<624x128xf32, #tpu.memory_space<hbm>>
      %dma_start3A_99 = arith.constant 0 : i32
      %dma_start3A_100 = tpu.memref_slice %arg15[%mul3A_48, %dma_start3A_99] : memref<10000x128xf32, #tpu.memory_space<vmem_shared>> -> memref<624x128xf32, #tpu.memory_space<vmem_shared>>
      tpu.enqueue_dma source(%dma_start3A_100 : memref<624x128xf32, #tpu.memory_space<vmem_shared>>) target(%dma_start3A_98 : memref<624x128xf32, #tpu.memory_space<hbm>>) target_semaphore(%run_scoped3A_95 : memref<!tpu.dma_semaphore, #tpu.memory_space<semaphore_mem>>)
      %dma_wait3A = arith.constant 0 : i32
      %dma_wait3A_101 = tpu.memref_slice %arg6[%arg0, %mul3A_48, %dma_wait3A] : memref<2x10000x128xf32, #tpu.memory_space<hbm>> -> memref<1x624x128xf32, #tpu.memory_space<hbm>>
      %dma_wait3A_102 = tpu.memref_squeeze %dma_wait3A_101 : memref<1x624x128xf32, #tpu.memory_space<hbm>> -> memref<624x128xf32, #tpu.memory_space<hbm>>
      %dma_wait3A_103 = arith.constant 0 : i32
      %dma_wait3A_104 = tpu.memref_slice %arg15[%mul3A_48, %dma_wait3A_103] : memref<10000x128xf32, #tpu.memory_space<vmem_shared>> -> memref<624x128xf32, #tpu.memory_space<vmem_shared>>
      tpu.wait_dma2 semaphore(%run_scoped3A_95 : memref<!tpu.dma_semaphore, #tpu.memory_space<semaphore_mem>>) src(%dma_wait3A_104 : memref<624x128xf32, #tpu.memory_space<vmem_shared>>) dst(%dma_wait3A_102 : memref<624x128xf32, #tpu.memory_space<hbm>>)
      tpu.yield
    }) : () -> ()
    %eq3A_85 = arith.constant 15 : i32
    %eq3A_86 = arith.cmpi eq, %arg1, %eq3A_85 : i32
    %convert_element_type3A_87 = arith.extui %eq3A_86 : i1 to i32
    %cond3A_88 = arith.constant 0 : i32
    %cond3A_89 = arith.cmpi ne, %convert_element_type3A_87, %cond3A_88 : i32
    scf.if %cond3A_89 {
      "tpu.region"() ({
        %run_scoped3A_95 = tpu.sem_alloc : memref<!tpu.dma_semaphore, #tpu.memory_space<semaphore_mem>>
        %dma_start3A_96 = arith.constant 9984 : i32
        %dma_start3A_97 = arith.constant 0 : i32
        %dma_start3A_98 = tpu.memref_slice %arg6[%arg0, %dma_start3A_96, %dma_start3A_97] : memref<2x10000x128xf32, #tpu.memory_space<hbm>> -> memref<1x16x128xf32, #tpu.memory_space<hbm>>
        %dma_start3A_99 = tpu.memref_squeeze %dma_start3A_98 : memref<1x16x128xf32, #tpu.memory_space<hbm>> -> memref<16x128xf32, #tpu.memory_space<hbm>>
        %dma_start3A_100 = arith.constant 9984 : i32
        %dma_start3A_101 = arith.constant 0 : i32
        %dma_start3A_102 = tpu.memref_slice %arg15[%dma_start3A_100, %dma_start3A_101] : memref<10000x128xf32, #tpu.memory_space<vmem_shared>> -> memref<16x128xf32, #tpu.memory_space<vmem_shared>>
        tpu.enqueue_dma source(%dma_start3A_102 : memref<16x128xf32, #tpu.memory_space<vmem_shared>>) target(%dma_start3A_99 : memref<16x128xf32, #tpu.memory_space<hbm>>) target_semaphore(%run_scoped3A_95 : memref<!tpu.dma_semaphore, #tpu.memory_space<semaphore_mem>>)
        %dma_wait3A = arith.constant 9984 : i32
        %dma_wait3A_103 = arith.constant 0 : i32
        %dma_wait3A_104 = tpu.memref_slice %arg6[%arg0, %dma_wait3A, %dma_wait3A_103] : memref<2x10000x128xf32, #tpu.memory_space<hbm>> -> memref<1x16x128xf32, #tpu.memory_space<hbm>>
        %dma_wait3A_105 = tpu.memref_squeeze %dma_wait3A_104 : memref<1x16x128xf32, #tpu.memory_space<hbm>> -> memref<16x128xf32, #tpu.memory_space<hbm>>
        %dma_wait3A_106 = arith.constant 9984 : i32
        %dma_wait3A_107 = arith.constant 0 : i32
        %dma_wait3A_108 = tpu.memref_slice %arg15[%dma_wait3A_106, %dma_wait3A_107] : memref<10000x128xf32, #tpu.memory_space<vmem_shared>> -> memref<16x128xf32, #tpu.memory_space<vmem_shared>>
        tpu.wait_dma2 semaphore(%run_scoped3A_95 : memref<!tpu.dma_semaphore, #tpu.memory_space<semaphore_mem>>) src(%dma_wait3A_108 : memref<16x128xf32, #tpu.memory_space<vmem_shared>>) dst(%dma_wait3A_105 : memref<16x128xf32, #tpu.memory_space<hbm>>)
        tpu.yield
      }) : () -> ()
    } else {
    }
    %mul3A_90 = arith.constant 640 : i32
    %mul3A_91 = arith.muli %arg1, %mul3A_90 : i32
    %mul3A_92 = arith.constant 640 : i32
    %mul3A_93 = arith.muli %arg1, %mul3A_92 : i32
    %run_scoped3A_94 = arith.constant 0 : i32
    "tpu.region"() ({
      %run_scoped3A_95 = tpu.sem_alloc : memref<!tpu.dma_semaphore, #tpu.memory_space<semaphore_mem>>
      %dma_start3A_96 = tpu.memref_slice %arg7[%arg0, %run_scoped3A_94, %mul3A_93] : memref<2x1x10240xf32, #tpu.memory_space<hbm>> -> memref<1x1x640xf32, #tpu.memory_space<hbm>>
      %dma_start3A_97 = tpu.memref_squeeze %dma_start3A_96 : memref<1x1x640xf32, #tpu.memory_space<hbm>> -> memref<640xf32, #tpu.memory_space<hbm>>
      %dma_start3A_98 = tpu.memref_slice %arg16[%mul3A_91] : memref<10240xf32, #tpu.memory_space<vmem_shared>> -> memref<640xf32, #tpu.memory_space<vmem_shared>>
      tpu.enqueue_dma source(%dma_start3A_98 : memref<640xf32, #tpu.memory_space<vmem_shared>>) target(%dma_start3A_97 : memref<640xf32, #tpu.memory_space<hbm>>) target_semaphore(%run_scoped3A_95 : memref<!tpu.dma_semaphore, #tpu.memory_space<semaphore_mem>>)
      %dma_wait3A = tpu.memref_slice %arg7[%arg0, %run_scoped3A_94, %mul3A_93] : memref<2x1x10240xf32, #tpu.memory_space<hbm>> -> memref<1x1x640xf32, #tpu.memory_space<hbm>>
      %dma_wait3A_99 = tpu.memref_squeeze %dma_wait3A : memref<1x1x640xf32, #tpu.memory_space<hbm>> -> memref<640xf32, #tpu.memory_space<hbm>>
      %dma_wait3A_100 = tpu.memref_slice %arg16[%mul3A_91] : memref<10240xf32, #tpu.memory_space<vmem_shared>> -> memref<640xf32, #tpu.memory_space<vmem_shared>>
      tpu.wait_dma2 semaphore(%run_scoped3A_95 : memref<!tpu.dma_semaphore, #tpu.memory_space<semaphore_mem>>) src(%dma_wait3A_100 : memref<640xf32, #tpu.memory_space<vmem_shared>>) dst(%dma_wait3A_99 : memref<640xf32, #tpu.memory_space<hbm>>)
      tpu.yield
    }) : () -> ()
    return
  }
}

module attributes {stable_mosaic.version = 14 : i64} {
  func.func @_tc_first_body(%arg0: i32, %arg1: memref<1000x128xf32, #tpu.memory_space<vmem>>, %arg2: memref<128x128xf32, #tpu.memory_space<vmem>>, %arg3: memref<128x8xf32, #tpu.memory_space<vmem>>, %arg4: memref<1000x128xf32, #tpu.memory_space<vmem>>, %arg5: memref<1000x8xf32, #tpu.memory_space<vmem>>) attributes {dimension_semantics = [#tpu.dimension_semantics<arbitrary>], iteration_bounds = array<i64: 10>, scalar_prefetch = 0 : i64, scratch_operands = 0 : i64, tpu.core_type = #tpu.core_type<tc>, window_params = [{transform_indices = @transform_0, window_bounds = array<i64: 1000, 128>}, {pipeline_mode = #tpu.pipeline_mode<synchronous>, transform_indices = @transform_1, window_bounds = array<i64: 128, 128>}, {pipeline_mode = #tpu.pipeline_mode<synchronous>, transform_indices = @transform_2, window_bounds = array<i64: 128, 8>}, {transform_indices = @transform_3, window_bounds = array<i64: 1000, 128>}, {transform_indices = @transform_4, window_bounds = array<i64: 1000, 8>}]} {
    %get3A = arith.constant 0 : index
    %get3A_0 = arith.constant 0 : index
    %get3A_1 = vector.load %arg1[%get3A, %get3A_0] : memref<1000x128xf32, #tpu.memory_space<vmem>>, vector<1000x128xf32>
    %get3A_2 = arith.constant 0 : index
    %get3A_3 = arith.constant 0 : index
    %get3A_4 = vector.load %arg2[%get3A_2, %get3A_3] : memref<128x128xf32, #tpu.memory_space<vmem>>, vector<128x128xf32>
    %dot_general3A = arith.constant dense<0.000000e+00> : vector<1000x128xf32>
    %dot_general3A_5 = tpu.matmul %get3A_1, %get3A_4, %dot_general3A {dimension_numbers = #tpu.dot_dimension_numbers<[1], [0], [0], [1], [0, 0, 1, 1], [], []>, transpose_lhs_hint = false} : vector<1000x128xf32>, vector<128x128xf32>, vector<1000x128xf32> -> vector<1000x128xf32>
    %swap3A = arith.constant 0 : index
    %swap3A_6 = arith.constant 0 : index
    %swap3A_7 = vector.load %arg4[%swap3A, %swap3A_6] : memref<1000x128xf32, #tpu.memory_space<vmem>>, vector<1000x128xf32>
    tpu.vector_store %arg4[%swap3A, %swap3A_6], %dot_general3A_5 {strides = array<i32>} : memref<1000x128xf32, #tpu.memory_space<vmem>>, vector<1000x128xf32>,
    %get3A_8 = arith.constant 0 : index
    %get3A_9 = arith.constant 0 : index
    %get3A_10 = vector.load %arg3[%get3A_8, %get3A_9] : memref<128x8xf32, #tpu.memory_space<vmem>>, vector<128x8xf32>
    %dot_general3A_11 = arith.constant dense<0.000000e+00> : vector<1000x8xf32>
    %dot_general3A_12 = tpu.matmul %dot_general3A_5, %get3A_10, %dot_general3A_11 {dimension_numbers = #tpu.dot_dimension_numbers<[1], [0], [0], [1], [0, 0, 1, 1], [], []>, transpose_lhs_hint = false} : vector<1000x128xf32>, vector<128x8xf32>, vector<1000x8xf32> -> vector<1000x8xf32>
    %swap3A_13 = arith.constant 0 : index
    %swap3A_14 = arith.constant 0 : index
    %swap3A_15 = vector.load %arg5[%swap3A_13, %swap3A_14] : memref<1000x8xf32, #tpu.memory_space<vmem>>, vector<1000x8xf32>
    tpu.vector_store %arg5[%swap3A_13, %swap3A_14], %dot_general3A_12 {strides = array<i32>} : memref<1000x8xf32, #tpu.memory_space<vmem>>, vector<1000x8xf32>,
    return
  }
  func.func @transform_0(%arg0: i32) -> (i32, i32) {
    %c0_i32 = arith.constant 0 : i32
    %c0_i32_0 = arith.constant 0 : i32
    return %arg0, %c0_i32 : i32, i32
  }
  func.func @transform_1(%arg0: i32) -> (i32, i32) {
    %c0_i32 = arith.constant 0 : i32
    %c0_i32_0 = arith.constant 0 : i32
    %c0_i32_1 = arith.constant 0 : i32
    return %c0_i32, %c0_i32_0 : i32, i32
  }
  func.func @transform_2(%arg0: i32) -> (i32, i32) {
    %c0_i32 = arith.constant 0 : i32
    %c0_i32_0 = arith.constant 0 : i32
    %c0_i32_1 = arith.constant 0 : i32
    return %c0_i32, %c0_i32_0 : i32, i32
  }
  func.func @transform_3(%arg0: i32) -> (i32, i32) {
    %c0_i32 = arith.constant 0 : i32
    %c0_i32_0 = arith.constant 0 : i32
    return %arg0, %c0_i32 : i32, i32
  }
  func.func @transform_4(%arg0: i32) -> (i32, i32) {
    %c0_i32 = arith.constant 0 : i32
    %c0_i32_0 = arith.constant 0 : i32
    return %arg0, %c0_i32 : i32, i32
  }
}

module attributes {stable_mosaic.version = 14 : i64} {
  func.func @_tc_mid_body(%arg0: i32, %arg1: memref<1000x128xf32, #tpu.memory_space<vmem>>, %arg2: memref<1000x128xf32, #tpu.memory_space<vmem>>, %arg3: memref<1000x2xf32, #tpu.memory_space<vmem>>, %arg4: memref<1x128xf32, #tpu.memory_space<vmem>>, %arg5: memref<128x64xf32, #tpu.memory_space<vmem>>, %arg6: memref<64x8xf32, #tpu.memory_space<vmem>>, %arg7: memref<1000x64xf32, #tpu.memory_space<vmem>>, %arg8: memref<1000x8xf32, #tpu.memory_space<vmem>>) attributes {dimension_semantics = [#tpu.dimension_semantics<arbitrary>], iteration_bounds = array<i64: 10>, scalar_prefetch = 0 : i64, scratch_operands = 0 : i64, tpu.core_type = #tpu.core_type<tc>, window_params = [{transform_indices = @transform_0, window_bounds = array<i64: 1000, 128>}, {transform_indices = @transform_1, window_bounds = array<i64: 1000, 128>}, {transform_indices = @transform_2, window_bounds = array<i64: 1000, 2>}, {pipeline_mode = #tpu.pipeline_mode<synchronous>, transform_indices = @transform_3, window_bounds = array<i64: 1, 128>}, {pipeline_mode = #tpu.pipeline_mode<synchronous>, transform_indices = @transform_4, window_bounds = array<i64: 128, 64>}, {pipeline_mode = #tpu.pipeline_mode<synchronous>, transform_indices = @transform_5, window_bounds = array<i64: 64, 8>}, {transform_indices = @transform_6, window_bounds = array<i64: 1000, 64>}, {transform_indices = @transform_7, window_bounds = array<i64: 1000, 8>}]} {
    %get3A = arith.constant 0 : index
    %get3A_0 = arith.constant 0 : index
    %get3A_1 = vector.load %arg3[%get3A, %get3A_0] : memref<1000x2xf32, #tpu.memory_space<vmem>>, vector<1000x2xf32>
    %reduce_sum3A = arith.constant dense<0.000000e+00> : vector<1000xf32>
    %reduce_sum3A_2 = vector.multi_reduction <add>, %get3A_1, %reduce_sum3A [1] : vector<1000x2xf32> to vector<1000xf32>
    %get3A_3 = arith.constant 0 : index
    %get3A_4 = arith.constant 0 : index
    %get3A_5 = vector.load %arg1[%get3A_3, %get3A_4] : memref<1000x128xf32, #tpu.memory_space<vmem>>, vector<1000x128xf32>
    %get3A_6 = arith.constant 0 : index
    %get3A_7 = arith.constant 0 : index
    %get3A_8 = vector.load %arg2[%get3A_6, %get3A_7] : memref<1000x128xf32, #tpu.memory_space<vmem>>, vector<1000x128xf32>
    %add3A = arith.addf %get3A_5, %get3A_8 : vector<1000x128xf32>
    %broadcast_in_dim3A = vector.shape_cast %reduce_sum3A_2 : vector<1000xf32> to vector<1000x1xf32>
    %add3A_9 = arith.constant 1.000000e-16 : f32
    %add3A_10 = vector.broadcast %add3A_9 : f32 to vector<1000x1xf32>
    %add3A_11 = arith.addf %broadcast_in_dim3A, %add3A_10 : vector<1000x1xf32>
    %div3A = vector.broadcast %add3A_11 : vector<1000x1xf32> to vector<1000x128xf32>
    %div3A_12 = arith.divf %add3A, %div3A : vector<1000x128xf32>
    %get3A_13 = arith.constant 0 : index
    %get3A_14 = arith.constant 0 : index
    %get3A_15 = vector.load %arg4[%get3A_13, %get3A_14] : memref<1x128xf32, #tpu.memory_space<vmem>>, vector<1x128xf32>
    %add3A_16 = vector.broadcast %get3A_15 : vector<1x128xf32> to vector<1000x128xf32>
    %add3A_17 = arith.addf %div3A_12, %add3A_16 : vector<1000x128xf32>
    %max3A = arith.constant 0.000000e+00 : f32
    %max3A_18 = vector.broadcast %max3A : f32 to vector<1000x128xf32>
    %max3A_19 = arith.maximumf %add3A_17, %max3A_18 : vector<1000x128xf32>
    %get3A_20 = arith.constant 0 : index
    %get3A_21 = arith.constant 0 : index
    %get3A_22 = vector.load %arg5[%get3A_20, %get3A_21] : memref<128x64xf32, #tpu.memory_space<vmem>>, vector<128x64xf32>
    %dot_general3A = arith.constant dense<0.000000e+00> : vector<1000x64xf32>
    %dot_general3A_23 = tpu.matmul %max3A_19, %get3A_22, %dot_general3A {dimension_numbers = #tpu.dot_dimension_numbers<[1], [0], [0], [1], [0, 0, 1, 1], [], []>, transpose_lhs_hint = false} : vector<1000x128xf32>, vector<128x64xf32>, vector<1000x64xf32> -> vector<1000x64xf32>
    %swap3A = arith.constant 0 : index
    %swap3A_24 = arith.constant 0 : index
    %swap3A_25 = vector.load %arg7[%swap3A, %swap3A_24] : memref<1000x64xf32, #tpu.memory_space<vmem>>, vector<1000x64xf32>
    tpu.vector_store %arg7[%swap3A, %swap3A_24], %dot_general3A_23 {strides = array<i32>} : memref<1000x64xf32, #tpu.memory_space<vmem>>, vector<1000x64xf32>,
    %get3A_26 = arith.constant 0 : index
    %get3A_27 = arith.constant 0 : index
    %get3A_28 = vector.load %arg6[%get3A_26, %get3A_27] : memref<64x8xf32, #tpu.memory_space<vmem>>, vector<64x8xf32>
    %dot_general3A_29 = arith.constant dense<0.000000e+00> : vector<1000x8xf32>
    %dot_general3A_30 = tpu.matmul %dot_general3A_23, %get3A_28, %dot_general3A_29 {dimension_numbers = #tpu.dot_dimension_numbers<[1], [0], [0], [1], [0, 0, 1, 1], [], []>, transpose_lhs_hint = false} : vector<1000x64xf32>, vector<64x8xf32>, vector<1000x8xf32> -> vector<1000x8xf32>
    %swap3A_31 = arith.constant 0 : index
    %swap3A_32 = arith.constant 0 : index
    %swap3A_33 = vector.load %arg8[%swap3A_31, %swap3A_32] : memref<1000x8xf32, #tpu.memory_space<vmem>>, vector<1000x8xf32>
    tpu.vector_store %arg8[%swap3A_31, %swap3A_32], %dot_general3A_30 {strides = array<i32>} : memref<1000x8xf32, #tpu.memory_space<vmem>>, vector<1000x8xf32>,
    return
  }
  func.func @transform_0(%arg0: i32) -> (i32, i32) {
    %c0_i32 = arith.constant 0 : i32
    %c0_i32_0 = arith.constant 0 : i32
    return %arg0, %c0_i32 : i32, i32
  }
  func.func @transform_1(%arg0: i32) -> (i32, i32) {
    %c0_i32 = arith.constant 0 : i32
    %c0_i32_0 = arith.constant 0 : i32
    return %arg0, %c0_i32 : i32, i32
  }
  func.func @transform_2(%arg0: i32) -> (i32, i32) {
    %c0_i32 = arith.constant 0 : i32
    %c0_i32_0 = arith.constant 0 : i32
    return %arg0, %c0_i32 : i32, i32
  }
  func.func @transform_3(%arg0: i32) -> (i32, i32) {
    %c0_i32 = arith.constant 0 : i32
    %c0_i32_0 = arith.constant 0 : i32
    %c0_i32_1 = arith.constant 0 : i32
    return %c0_i32, %c0_i32_0 : i32, i32
  }
  func.func @transform_4(%arg0: i32) -> (i32, i32) {
    %c0_i32 = arith.constant 0 : i32
    %c0_i32_0 = arith.constant 0 : i32
    %c0_i32_1 = arith.constant 0 : i32
    return %c0_i32, %c0_i32_0 : i32, i32
  }
  func.func @transform_5(%arg0: i32) -> (i32, i32) {
    %c0_i32 = arith.constant 0 : i32
    %c0_i32_0 = arith.constant 0 : i32
    %c0_i32_1 = arith.constant 0 : i32
    return %c0_i32, %c0_i32_0 : i32, i32
  }
  func.func @transform_6(%arg0: i32) -> (i32, i32) {
    %c0_i32 = arith.constant 0 : i32
    %c0_i32_0 = arith.constant 0 : i32
    return %arg0, %c0_i32 : i32, i32
  }
  func.func @transform_7(%arg0: i32) -> (i32, i32) {
    %c0_i32 = arith.constant 0 : i32
    %c0_i32_0 = arith.constant 0 : i32
    return %arg0, %c0_i32 : i32, i32
  }
}

module attributes {stable_mosaic.version = 14 : i64} {
  func.func @_tc_last_body(%arg0: i32, %arg1: memref<1000x64xf32, #tpu.memory_space<vmem>>, %arg2: memref<1000x64xf32, #tpu.memory_space<vmem>>, %arg3: memref<1000x2xf32, #tpu.memory_space<vmem>>, %arg4: memref<1x64xf32, #tpu.memory_space<vmem>>, %arg5: memref<1000x64xf32, #tpu.memory_space<vmem>>) attributes {dimension_semantics = [#tpu.dimension_semantics<arbitrary>], iteration_bounds = array<i64: 10>, scalar_prefetch = 0 : i64, scratch_operands = 0 : i64, tpu.core_type = #tpu.core_type<tc>, window_params = [{transform_indices = @transform_0, window_bounds = array<i64: 1000, 64>}, {transform_indices = @transform_1, window_bounds = array<i64: 1000, 64>}, {transform_indices = @transform_2, window_bounds = array<i64: 1000, 2>}, {pipeline_mode = #tpu.pipeline_mode<synchronous>, transform_indices = @transform_3, window_bounds = array<i64: 1, 64>}, {transform_indices = @transform_4, window_bounds = array<i64: 1000, 64>}]} {
    %get3A = arith.constant 0 : index
    %get3A_0 = arith.constant 0 : index
    %get3A_1 = vector.load %arg3[%get3A, %get3A_0] : memref<1000x2xf32, #tpu.memory_space<vmem>>, vector<1000x2xf32>
    %reduce_sum3A = arith.constant dense<0.000000e+00> : vector<1000xf32>
    %reduce_sum3A_2 = vector.multi_reduction <add>, %get3A_1, %reduce_sum3A [1] : vector<1000x2xf32> to vector<1000xf32>
    %get3A_3 = arith.constant 0 : index
    %get3A_4 = arith.constant 0 : index
    %get3A_5 = vector.load %arg1[%get3A_3, %get3A_4] : memref<1000x64xf32, #tpu.memory_space<vmem>>, vector<1000x64xf32>
    %get3A_6 = arith.constant 0 : index
    %get3A_7 = arith.constant 0 : index
    %get3A_8 = vector.load %arg2[%get3A_6, %get3A_7] : memref<1000x64xf32, #tpu.memory_space<vmem>>, vector<1000x64xf32>
    %add3A = arith.addf %get3A_5, %get3A_8 : vector<1000x64xf32>
    %broadcast_in_dim3A = vector.shape_cast %reduce_sum3A_2 : vector<1000xf32> to vector<1000x1xf32>
    %add3A_9 = arith.constant 1.000000e-16 : f32
    %add3A_10 = vector.broadcast %add3A_9 : f32 to vector<1000x1xf32>
    %add3A_11 = arith.addf %broadcast_in_dim3A, %add3A_10 : vector<1000x1xf32>
    %div3A = vector.broadcast %add3A_11 : vector<1000x1xf32> to vector<1000x64xf32>
    %div3A_12 = arith.divf %add3A, %div3A : vector<1000x64xf32>
    %get3A_13 = arith.constant 0 : index
    %get3A_14 = arith.constant 0 : index
    %get3A_15 = vector.load %arg4[%get3A_13, %get3A_14] : memref<1x64xf32, #tpu.memory_space<vmem>>, vector<1x64xf32>
    %add3A_16 = vector.broadcast %get3A_15 : vector<1x64xf32> to vector<1000x64xf32>
    %add3A_17 = arith.addf %div3A_12, %add3A_16 : vector<1000x64xf32>
    %reduce_max3A = arith.constant dense<0xFF800000> : vector<1000xf32>
    %reduce_max3A_18 = vector.multi_reduction <maximumf>, %add3A_17, %reduce_max3A [1] : vector<1000x64xf32> to vector<1000xf32>
    %broadcast_in_dim3A_19 = vector.shape_cast %reduce_max3A_18 : vector<1000xf32> to vector<1000x1xf32>
    %sub3A = vector.broadcast %broadcast_in_dim3A_19 : vector<1000x1xf32> to vector<1000x64xf32>
    %sub3A_20 = arith.subf %add3A_17, %sub3A : vector<1000x64xf32>
    %exp3A = math.exp %sub3A_20 : vector<1000x64xf32>
    %reduce_sum3A_21 = arith.constant dense<0.000000e+00> : vector<1000xf32>
    %reduce_sum3A_22 = vector.multi_reduction <add>, %exp3A, %reduce_sum3A_21 [1] : vector<1000x64xf32> to vector<1000xf32>
    %broadcast_in_dim3A_23 = vector.shape_cast %reduce_sum3A_22 : vector<1000xf32> to vector<1000x1xf32>
    %log3A = math.log %broadcast_in_dim3A_23 : vector<1000x1xf32>
    %sub3A_24 = vector.broadcast %log3A : vector<1000x1xf32> to vector<1000x64xf32>
    %sub3A_25 = arith.subf %sub3A_20, %sub3A_24 : vector<1000x64xf32>
    %swap3A = arith.constant 0 : index
    %swap3A_26 = arith.constant 0 : index
    %swap3A_27 = vector.load %arg5[%swap3A, %swap3A_26] : memref<1000x64xf32, #tpu.memory_space<vmem>>, vector<1000x64xf32>
    tpu.vector_store %arg5[%swap3A, %swap3A_26], %sub3A_25 {strides = array<i32>} : memref<1000x64xf32, #tpu.memory_space<vmem>>, vector<1000x64xf32>,
    return
  }
  func.func @transform_0(%arg0: i32) -> (i32, i32) {
    %c0_i32 = arith.constant 0 : i32
    %c0_i32_0 = arith.constant 0 : i32
    return %arg0, %c0_i32 : i32, i32
  }
  func.func @transform_1(%arg0: i32) -> (i32, i32) {
    %c0_i32 = arith.constant 0 : i32
    %c0_i32_0 = arith.constant 0 : i32
    return %arg0, %c0_i32 : i32, i32
  }
  func.func @transform_2(%arg0: i32) -> (i32, i32) {
    %c0_i32 = arith.constant 0 : i32
    %c0_i32_0 = arith.constant 0 : i32
    return %arg0, %c0_i32 : i32, i32
  }
  func.func @transform_3(%arg0: i32) -> (i32, i32) {
    %c0_i32 = arith.constant 0 : i32
    %c0_i32_0 = arith.constant 0 : i32
    %c0_i32_1 = arith.constant 0 : i32
    return %c0_i32, %c0_i32_0 : i32, i32
  }
  func.func @transform_4(%arg0: i32) -> (i32, i32) {
    %c0_i32 = arith.constant 0 : i32
    %c0_i32_0 = arith.constant 0 : i32
    return %arg0, %c0_i32 : i32, i32
  }
}

</mosaic_0001>

<sc_bundles>
// kernel: kernel.10.cloned.1.call-start
scs
__scs_entry_jumppad:
0x0: {  	(pc) =	sbr.rel $0x88, $3  }
0x1: {  	(tag) =	ssettag $0x0;
	lr =	simm.s32 $0x1  }
0x2: {  	[smem:$0x3F97] =	sst lr;
	_ =	strace $0xD0000000  }
0x3: {  	_ = 	snop  }
0x4: {  	_ = 	snop  }
0x5: {  	_ = 	snop  }
0x6: {  	_ = 	snop  }
0x7: {  	_ = 	snop  }
__scs_overlays_trampoline_lowered:
0x8: {  	[smem:$0x3FA6] =	sst s0  }
0x9: {  	[smem:$0x3FA7] =	sst s1  }
0xa: {  	[smem:$0x3FA8] =	sst s2  }
0xb: {  	[smem:$0x3FA9] =	sst s3  }
0xc: {  	[smem:$0x3FAA] =	sst s4  }
0xd: {  	[smem:$0x3FAB] =	sst s5  }
0xe: {  	[smem:$0x3FAC] =	sst s6  }
0xf: {  	[smem:$0x3FAD] =	sst s7  }
0x10: {  	[smem:$0x3FAE] =	sst s8  }
0x11: {  	[smem:$0x3FAF] =	sst s9;
	s0 =	simm.s32 @!p0 $0x0  }
0x12: {  	s1 =	sld [smem:$0x3F95];
	s0 =	simm.s32 @p0 $0x1  }
0x13: {  	[smem:$0x3FB0] =	sst s0;
	s0 =	simm.s32 @!p1 $0x0  }
0x14: {  	s2 =	sld [smem:$0x3F94];
	s0 =	simm.s32 @p1 $0x1  }
0x15: {  	[smem:$0x3FB1] =	sst s0;
	s0 =	simm.s32 @!p2 $0x0  }
0x16: {  	s3 =	sld [smem:$0x3FDB];
	s0 =	simm.s32 @p2 $0x1  }
0x17: {  	s4 =	simm.s32 $0x1BF5;
	[smem:$0x3FB3] =	sst s0  }
0x18: {  	s0 =	sld [smem:$0x3F96];
	_ =	swait.ge [sflag:s4], $0x0  }
0x19: {  	s7 =	sld [smem:$0x3F97]  }
0x1a: {  	s8 =	sadd.s32 $0xFFFFE003, lr  }
0x1b: {  	s9 =	sadd.s32 $0xFFFFFEF7, lr;
	s5 =	simm.s32 $0xFFFFFFFF;
	p2 =	slt.u32 s8, $0xFFFFF086  }
0x1c: {  	p1 =	slt.u32 s9, $0xF7A;
	s5 =	simm.s32 @!p2 $0x0  }
0x1d: {  	s5 =	simm.s32 @p1 $0x1;
	p0 =	seq.s32 s7, s2  }
0x1e: {  	s7 =	smul.u32 @!p0 $0xF7A, s2;
	p2 =	seq.s32 @!p0 s5, $0x0  }
0x1f: {  	s9 =	smul.u32 $0xF7A, s1;
	s8 =	simm.s32 @!p0 $0x1BF5;
	p2 =	por !p2, p0  }
0x20: {  	[sflag:s8] =	ssyncset.s32 @!p0 $0xFFFFF086;
	s6 =	sadd.s32 @!p0 s3, s7;
	s7 =	simm.s32 @!p0 $0x108  }
0x21: {  	s3 =	sadd.s32 s3, s9;
	s6 =	sadd.s32 @!p0 $0x88, s6;
	s7 =	simm.s32 @p2 $0x1082  }
0x22: {  	[simem:s7], [sflag:s8] =	dma.local @!p0 [hbm:s6], $0xF7A  }
0x23: {  	s9 =	sor.u32 $0xD0000000, s2;
	s6 =	simm.s32 $0x108;
	_ =	swait.ge @!p0 [sflag:s8], $0x0  }
0x24: {  	s3 =	sadd.s32 $0x88, s3;
	s6 =	simm.s32 @!p1 $0x1082;
	[sflag:s4] =	ssyncset.s32 $0xFFFFF086  }
0x25: {  	[simem:s6], [sflag:s4] =	dma.local [hbm:s3], $0xF7A  }
0x26: {  	[smem:$0x3F97] =	sst s1;
	(tag) =	ssettag s2;
	_ =	strace s9  }
0x27: {  	s1 =	sld [smem:$0x3FA7]  }
0x28: {  	s2 =	sld [smem:$0x3FA8]  }
0x29: {  	s4 =	sld [smem:$0x3FAA]  }
0x2a: {  	p0 =	seq.s32 s5, $0x0;
	s5 =	sld [smem:$0x3FAB]  }
0x2b: {  	s6 =	sld [smem:$0x3FAC]  }
0x2c: {  	s7 =	sld [smem:$0x3FAD]  }
0x2d: {  	s3 =	simm.s32 $0x108;
	s8 =	sld [smem:$0x3FAE]  }
0x2e: {  	s3 =	simm.s32 @!p0 $0x1082;
	s9 =	sld [smem:$0x3FAF]  }
0x2f: {  	lr =	sadd.s32 s0, s3;
	s0 =	sld [smem:$0x3FA6]  }
0x30: {  	s3 =	sld [smem:$0x3FA9]  }
0x31: {  	[smem:$0x3FB2] =	sst s10  }
0x32: {  	s10 =	sld [smem:$0x3FB0];
	_ =	sdelay $0x3  }
0x33: {  	p0 =	seq.s32 s10, $0x1;
	s10 =	sld [smem:$0x3FB2];
	_ =	sdelay $0x3  }
0x34: {  	[smem:$0x3FB2] =	sst s10  }
0x35: {  	s10 =	sld [smem:$0x3FB1];
	_ =	sdelay $0x3  }
0x36: {  	p1 =	seq.s32 s10, $0x1;
	s10 =	sld [smem:$0x3FB2];
	_ =	sdelay $0x3  }
0x37: {  	[smem:$0x3FB2] =	sst s10  }
0x38: {  	s10 =	sld [smem:$0x3FB3]  }
0x39: {  	_ = 	snop;
	(pc) =	sbr.ind lr, $3  }
0x3a: {  	_ = 	snop  }
0x3b: {  	_ = 	snop  }
0x3c: {  	p2 =	seq.s32 s10, $0x1;
	s10 =	sld [smem:$0x3FB2]  }
0x3d: {  	_ =	shalt  }
0x3e: {  	_ =	shalt  }
0x3f: {  	_ =	shalt  }
0x40: {  	_ =	shalt  }
0x41: {  	_ =	shalt  }
0x42: {  	_ =	shalt  }
0x43: {  	_ =	shalt  }
0x44: {  	_ =	shalt  }
0x45: {  	_ =	shalt  }
0x46: {  	_ =	shalt  }
0x47: {  	_ =	shalt  }
0x48: {  	_ =	shalt  }
0x49: {  	_ =	shalt  }
0x4a: {  	_ =	shalt  }
0x4b: {  	_ =	shalt  }
0x4c: {  	_ =	shalt  }
0x4d: {  	_ =	shalt  }
0x4e: {  	_ =	shalt  }
0x4f: {  	_ =	shalt  }
0x50: {  	_ =	shalt  }
0x51: {  	_ =	shalt  }
0x52: {  	_ =	shalt  }
0x53: {  	_ =	shalt  }
0x54: {  	_ =	shalt  }
0x55: {  	_ =	shalt  }
0x56: {  	_ =	shalt  }
0x57: {  	_ =	shalt  }
0x58: {  	_ =	shalt  }
0x59: {  	_ =	shalt  }
0x5a: {  	_ =	shalt  }
0x5b: {  	_ =	shalt  }
0x5c: {  	_ =	shalt  }
0x5d: {  	_ =	shalt  }
0x5e: {  	_ =	shalt  }
0x5f: {  	_ =	shalt  }
0x60: {  	_ =	shalt  }
0x61: {  	_ =	shalt  }
0x62: {  	_ =	shalt  }
0x63: {  	_ =	shalt  }
0x64: {  	_ =	shalt  }
0x65: {  	_ =	shalt  }
0x66: {  	_ =	shalt  }
0x67: {  	_ =	shalt  }
0x68: {  	_ =	shalt  }
0x69: {  	_ =	shalt  }
0x6a: {  	_ =	shalt  }
0x6b: {  	_ =	shalt  }
0x6c: {  	_ =	shalt  }
0x6d: {  	_ =	shalt  }
0x6e: {  	_ =	shalt  }
0x6f: {  	_ =	shalt  }
0x70: {  	_ =	shalt  }
0x71: {  	_ =	shalt  }
0x72: {  	_ =	shalt  }
0x73: {  	_ =	shalt  }
0x74: {  	_ =	shalt  }
0x75: {  	_ =	shalt  }
0x76: {  	_ =	shalt  }
0x77: {  	_ =	shalt  }
0x78: {  	_ =	shalt  }
0x79: {  	_ =	shalt  }
0x7a: {  	_ =	shalt  }
0x7b: {  	_ =	shalt  }
0x7c: {  	_ =	shalt  }
0x7d: {  	_ =	shalt  }
0x7e: {  	_ =	shalt  }
0x7f: {  	_ =	shalt  }
0x80: {  	_ =	shalt  }
0x81: {  	_ =	shalt  }
0x82: {  	_ =	shalt  }
0x83: {  	_ =	shalt  }
0x84: {  	_ =	shalt  }
0x85: {  	_ =	shalt  }
0x86: {  	_ =	shalt  }
0x87: {  	_ =	shalt  }
.Lfunc_end0:
.L_simem_size_0:
called_computation.1_lowered:
.L_overlay_start_0:
0x88: {  	s2 =	sld [smem:$0x3FD9]  }
0x89: {  	s3 =	sld [smem:$0x3FFE];
	_ =	sdelay $0x1  }
0x8a: {  	s1 =	srdreg.scid  }
0x8b: {  	s0 =	sand.u32 $0x1, s1  }
0x8c: {  	s17 =	sshll.u32 s0, $0xA;
	s2 =	sadd.s32 s3, s2  }
0x8d: {  	s2 =	sadd.s32 s2, s17  }
0x8e: {  	[smem:$0x3FBE] =	sst s2  }
0x8f: {  	_ = 	snop  }
0x90: {  	s2 =	sld [smem:$0x3FD0];
	(tm) =	ssettm $0x1  }
0x91: {  	s18 =	sld [smem:$0x3FFB];
	_ =	sdelay $0x3  }
0x92: {  	_ =	strace s18  }
0x93: {  	s3 =	sld [smem:$0x3FFC];
	_ =	sdelay $0x3  }
0x94: {  	_ =	strace s3  }
0x95: {  	s3 =	sld [smem:$0x3FFD];
	_ =	sdelay $0x3  }
0x96: {  	_ =	strace s3  }
0x97: {  	_ =	strace $0x8FFFFFFF  }
0x98: {  	s19 =	sld [smem:$0x3FDB];
	_ =	sdelay $0x1  }
0x99: {  	s4 =	simm.s32 $_scs_section_size  }
0x9a: {  	s5 =	simm.s32 $_size__tile_overlayer_lowered;
	s6 =	simm.s32 $_tile_overlayer_lowered  }
0x9b: {  	s22 =	simm.s32 $0x1BFF;
	s21 =	sshll.u32 s6, $0x1;
	s3 =	sadd.s32 s4, s19  }
0x9c: {  	s7 =	simm.s32 $0x0;
	s20 =	sshll.u32 s5, $0x1;
	s5 =	sadd.s32 s21, s3  }
0x9d: {  	[timem:s7], [sflag:s22] =	dma.local [hbm:s5], s20  }
0x9e: {  	_ =	swait.ge [sflag:s22], s20  }
0x9f: {  	s4 =	ssub.s32 $0x0, s20;
	[sflag:s22] =	ssyncset.done $0x0  }
0xa0: {  	[sflag:s22] =	ssyncadd.s32 s4;
	_ =	sdelay $0x1  }
0xa1: {  	s23 =	simm.s32 $0x1B8B  }
0xa2: {  	_ =	swait.ge [sflag:s23], $0x1  }
0xa3: {  	[sflag:s23] =	ssyncset.done $0x0  }
0xa4: {  	s25 =	simm.s32 $0x1B8E;
	s24 =	sld [smem:$0x3FFE];
	[sflag:s23] =	ssyncadd.s32 $0xFFFFFFFF  }
0xa5: {  	s26 =	simm.s32 $execute0_lowered;
	[smem:$0x3FD2] =	sst s25  }
0xa6: {  	s5 =	sshll.u32 s26, $0x1;
	_ =	strace $0x80000049;
	[dreg:$0x1] =	wrdreg $0xFFFFFFFF  }
0xa7: {  	s28 =	simm.s32 $_size_execute0_lowered;
	s3 =	sadd.s32 s3, s5;
	[dreg:$0x0] =	wrdreg $0x0  }
0xa8: {  	s5 =	sshll.u32 s28, $0x1;
	[dreg:$0x2] =	wrdreg s3  }
0xa9: {  	[dreg:$0x3] =	wrdreg s5  }
0xaa: {  	[dreg:$0x4] =	wrdreg $0xC0  }
0xab: {  	_ =	task [dreg:s7], $0x5FFFF  }
0xac: {  	[dreg:$0x1] =	wrdreg $0xFFFFFFFF  }
0xad: {  	[dreg:$0x0] =	wrdreg $0x60  }
0xae: {  	[dreg:$0x2] =	wrdreg s24  }
0xaf: {  	[dreg:$0x3] =	wrdreg s2  }
0xb0: {  	[dreg:$0x4] =	wrdreg $0x135400  }
0xb1: {  	[dreg:$0x5] =	wrdreg $0x99000  }
0xb2: {  	[dreg:$0x6] =	wrdreg $0x9  }
0xb3: {  	_ =	task.clear_ibuf [dreg:s7], $0x7FFFF;
	_ =	strace $0x90000049  }
0xb4: {  	s29 =	simm.s32 $0x9;
	_ =	strace $0x8000004B  }
0xb5: {  	_ =	swait.ge [sflag:s29], $0x1  }
0xb6: {  	[sflag:s29] =	ssyncadd.s32 $0xFFFFFFFF  }
0xb7: {  	_ =	strace $0x9000004B  }
0xb8: {  	_ =	sfence  }
0xb9: {  	s30 =	sld [smem:$0x0];
	_ =	sdelay $0x2  }
0xba: {  	s31 =	sshll.u32 s1, $0xD;
	s1 =	sshrl.u32 s1, $0x2  }
0xbb: {  	s3 =	sand.u32 $0x4000, s31;
	s1 =	sadd.s32 s1, s30  }
0xbc: {  	s0 =	sor.u32 s3, s0;
	s1 =	sshll.u32 s1, $0x11  }
0xbd: {  	s0 =	sor.u32 s1, s0  }
0xbe: {  	s0 =	sadd.s32 $0x8F2B, s0  }
0xbf: {  	[sflag:s0] =	ssyncadd.remote.s32 $0x1  }
0xc0: {  	_ =	sfence.sel $0xFFFF  }
0xc1: {  	[dreg:$0x0] =	wrdreg $0xFFFFFFFF;
	(pc) =	sbr.abs _section_cstart, $3  }
0xc2: {  	[dreg:$0x1] =	wrdreg $0xFFFFFFFF  }
0xc3: {  	_ =	task.clear_ibuf [dreg:s7], $0x2FFFF;
	_ =	strace $0x9FFFFFFF  }
0xc4: {  	(tm) =	ssettm $0x7FFFFFFF  }
0xc5: {  	_ =	shalt  }
tec
execute0_lowered:
.L_overlay_start_1:
0x0: {  	(tag) =	ssettag $0x1  }
0x1: {  	s0 =	rddreg [dreg:$0x0]  }
0x2: {  	s1 =	rddreg [dreg:$0x1]  }
0x3: {  	s2 =	rddreg [dreg:$0x2]  }
0x4: {  	s3 =	rddreg [dreg:$0x3]  }
0x5: {  	s4 =	srdreg.scid;
	s15 =	stileid.u32;
	s31 =	simm.s32 $0x2710  }
0x6: {  	s28 =	simm.s32 $0x5;
	s29 =	simm.s32 $0x5C60;
	s5 =	sand.u32 $0x1, s4  }
0x7: {  	s4 =	simm.s32 $0x0;
	s8 =	smul.u32 $0x280, s15;
	s6 =	sadd.s32 $0x1800, s0  }
0x8: {  	s10 =	sadd.s32 $0x15800, s0;
	s19 =	sadd.s32 $0x15200, s0;
	s13 =	smul.u32 $0x27000, s15  }
0x9: {  	s11 =	sadd.s32 $0x16800, s0;
	s14 =	smul.u32 $0x9C00, s15;
	s23 =	sadd.s32 $0x800, s2  }
0xa: {  	p0 =	sne.s32 s15, $0x0;
	p1 =	sne.s32 s15, $0xF;
	s30 =	sadd.s32 $0x9C000, s3  }
0xb: {  	s7 =	smul.u32 $0x2800, s5;
	[smem:$0x7FF] =	sst s4;
	s9 =	sshll.u32 s5, $0x4  }
0xc: {  	s21 =	ssub.s32 $0x2, s5;
	_ =	strace $0x8000004A;
	[dreg:$0x5] =	wrdreg s10  }
0xd: {  	s5 =	smul.u32 $0x9C400, s5;
	[dreg:$0x6] =	wrdreg s19;
	s13 =	sshrl.u32 s13, $0x2  }
0xe: {  	[dreg:$0x8] =	wrdreg s23;
	s23 =	sadd.s32 $0x1800, s2;
	s13 =	sadd.s32 s13, s3  }
0xf: {  	s9 =	sor.u32 s15, s9;
	[dreg:$0x14] =	wrdreg s23;
	s16 =	sadd.s32 $0x1400, s13  }
0x10: {  	s22 =	sshrl.u32 s21, $0x1;
	s24 =	sadd.s32 $0x2800, s13;
	[dreg:$0x9] =	wrdreg s16  }
0x11: {  	s7 =	sadd.s32 s8, s7;
	s25 =	sadd.s32 $0x3C00, s13;
	[dreg:$0xa] =	wrdreg s24  }
0x12: {  	s20 =	smul.u32 $0x2710, s9;
	s26 =	sadd.s32 $0x5000, s13;
	[dreg:$0xb] =	wrdreg s25  }
0x13: {  	s7 =	sshrl.u32 s7, $0x3;
	s17 =	sadd.s32 $0x6400, s13;
	[dreg:$0xc] =	wrdreg s26  }
0x14: {  	s18 =	sadd.s32 $0x7800, s13;
	s19 =	sadd.s32 $0x8C00, s13;
	[dreg:$0xd] =	wrdreg s17  }
0x15: {  	s0 =	sadd.s32 s7, s0;
	s12 =	sshrl.u32 s20, $0x3;
	[dreg:$0xf] =	wrdreg s18  }
0x16: {  	s7 =	ssub.s32 s21, s22;
	[dreg:$0x10] =	wrdreg s19;
	s21 =	sadd.s32 $0x190, s20  }
0x17: {  	s20 =	sadd.s32 s8, s2;
	s22 =	sadd.s32 $0x1000, s2;
	s26 =	sadd.s32 $0x2000, s2  }
0x18: {  	s8 =	simm.s32 $0x0;
	s9 =	sadd.s32 s1, s12;
	s0 =	sadd.s32 $0x15E00, s0  }
0x19: {  	s24 =	smax.u32 s7, $0x1;
	s25 =	sshrl.u32 s20, $0x3;
	[dreg:$0x13] =	wrdreg s22  }
0x1a: {  	[dreg:$0x15] =	wrdreg s26;
	s26 =	simm.s32 $0x2;
	s12 =	sadd.s32 $0x9C40, s9  }
0x1b: {  	[dreg:$0x7] =	wrdreg s12;
	s12 =	sadd.s32 s14, s3;
	s14 =	sadd.s32 s14, s5  }
0x1c: {  	s7 =	simm.s32 $0x3;
	s5 =	sshrl.u32 s5, $0x3;
	s14 =	sshrl.u32 s14, $0x3  }
0x1d: {  	[dreg:$0x12] =	wrdreg s0;
	s5 =	sadd.s32 s11, s5;
	s14 =	sadd.s32 s11, s14  }
0x1e: {  	v1 =	vimm.s32 $0x0;
	vm0 =	vcmask $0x300;
	s0 =	simm.s32 $0x1;
	s5 =	sadd.s32 $0x13800, s5;
	[dreg:$0xe] =	wrdreg s14  }
0x1f: {  	v0 =	vimm.f32 $0.0e+00;
	v1 =	vsel vm0, $0x3, v1;
	s11 =	simm.s32 $0x4;
	[dreg:$0x11] =	wrdreg s5;
	s5 =	simm.s32 $0x50  }
.LBB2_1:
0x20: {  	s10 =	rddreg [dreg:$0x5]  }
0x21: {  	[tilespmem:s4], [sflag:$0x1] =	stream.linear.gather [hbm4b:s10+s4], $0x2710, $0x38;
	[tilespmem:$0x137C0] =	vst v63  }
0x22: {  	s20 =	rddreg [dreg:$0x6]  }
0x23: {  	[tilespmem:s31], [sflag:$0x1] =	stream.linear.gather [hbm4b:s20+s4], $0x2710, $0x38;
	[tilespmem:$0x137C0] =	vst v63  }
.Ltmp0:
0x24: {  	_ = 	snop;
	(pc) =	sbr.rel @p0 .LBB2_5-.Ltmp0, $4  }
0x25: {  	s22 =	simm.s32 $0x5620  }
0x26: {  	[tilespmem:s22], [sflag:$0x4] =	stream.linear.gather [hbm4b:s9+s4], $0x190, $0x38;
	[tilespmem:$0x137C0] =	vst v63  }
0x27: {  	s23 =	rddreg [dreg:$0x7];
	s13 =	simm.s32 $0x5940  }
0x28: {  	[tilespmem:s13], [sflag:$0x4] =	stream.linear.gather [hbm4b:s23+s4], $0x190, $0x38;
	[tilespmem:$0x137C0] =	vst v63  }
0x29: {  	s10 =	simm.s32 $0x40;
	s13 =	simm.s32 $0x0  }
.LBB2_3:
0x2a: {  	p2 =	sne.s32 s10, $0x1FC0;
	[tilespmem:s13+$0x4E20] =	vst v0;
	s13 =	smov.u32 s10;
	s10 =	sadd.s32 $0x40, s10  }
.Ltmp1:
0x2b: {  	(pc) =	sbr.rel @p2 .LBB2_3-.Ltmp1, $2  }
0x2c: {  	_ =	sdelay $0x2  }
0x2d: {  	s13 =	sshra.s32 s13, $0x2  }
0x2e: {  	[tilespmem:s13+$0x4E20] =	vst v0;
	s19 =	simm.s32 $0x4E20  }
0x2f: {  	[spmem:s2] =	stream.linear.scatter [tilespmem:s19], [sflag:$0x5], $0x800, $0x38;
	[tilespmem:$0x137C0] =	vst v63  }
0x30: {  	_ =	swait.ge [sflag:s28], $0x800  }
0x31: {  	[sflag:s28] =	ssyncset.done $0x0  }
0x32: {  	s10 =	rddreg [dreg:$0x8];
	[sflag:s28] =	ssyncadd.s32 $0xFFFFF800  }
0x33: {  	[spmem:s10] =	stream.linear.scatter [tilespmem:s19], [sflag:$0x5], $0x800, $0x38;
	[tilespmem:$0x137C0] =	vst v63  }
0x34: {  	_ =	swait.ge [sflag:s28], $0x800  }
0x35: {  	[sflag:s28] =	ssyncset.done $0x0  }
0x36: {  	s20 =	rddreg [dreg:$0x13];
	[sflag:s28] =	ssyncadd.s32 $0xFFFFF800  }
0x37: {  	[spmem:s20] =	stream.linear.scatter [tilespmem:s19], [sflag:$0x5], $0x800, $0x38;
	[tilespmem:$0x137C0] =	vst v63  }
0x38: {  	_ =	swait.ge [sflag:s28], $0x800  }
0x39: {  	[sflag:s28] =	ssyncset.done $0x0  }
0x3a: {  	s22 =	rddreg [dreg:$0x14];
	[sflag:s28] =	ssyncadd.s32 $0xFFFFF800  }
0x3b: {  	[spmem:s22] =	stream.linear.scatter [tilespmem:s19], [sflag:$0x5], $0x800, $0x38;
	[tilespmem:$0x137C0] =	vst v63  }
0x3c: {  	_ =	swait.ge [sflag:s28], $0x800  }
0x3d: {  	[sflag:s28] =	ssyncset.done $0x0  }
0x3e: {  	s23 =	rddreg [dreg:$0x15];
	[sflag:s28] =	ssyncadd.s32 $0xFFFFF800  }
0x3f: {  	[spmem:s23] =	stream.linear.scatter [tilespmem:s19], [sflag:$0x5], $0x800, $0x38;
	[tilespmem:$0x137C0] =	vst v63  }
0x40: {  	_ =	swait.ge [sflag:s28], $0x800  }
0x41: {  	[sflag:s28] =	ssyncset.done $0x0  }
0x42: {  	[sflag:s28] =	ssyncadd.s32 $0xFFFFF800  }
.LBB2_5:
0x43: {  	s13 =	simm.s32 $0x100;
	s10 =	simm.s32 $0x0  }
.LBB2_6:
0x44: {  	p2 =	sne.s32 s13, $0x4F00;
	[tilespmem:s10+$0x5C90] =	vst v0;
	s14 =	smov.u32 s13;
	s13 =	sadd.s32 $0x100, s13  }
.Ltmp2:
0x45: {  	[tilespmem:s10+$0x5C80] =	vst v0;
	(pc) =	sbr.rel @p2 .LBB2_6-.Ltmp2, $3  }
0x46: {  	[tilespmem:s10+$0x5C60] =	vst v0  }
0x47: {  	[tilespmem:s10+$0x5C70] =	vst v0;
	_ =	sdelay $0x1  }
0x48: {  	s10 =	sshra.s32 s14, $0x2  }
0x49: {  	[tilespmem:s10+$0x5C90] =	vst v0  }
0x4a: {  	[tilespmem:s10+$0x5C80] =	vst v0  }
0x4b: {  	[tilespmem:s10+$0x5C60] =	vst v0  }
0x4c: {  	[tilespmem:s10+$0x5C70] =	vst v0  }
0x4d: {  	[spmem:s12] =	stream.linear.scatter [tilespmem:s29], [sflag:$0x5], $0x1400, $0x38;
	[tilespmem:$0x137C0] =	vst v63  }
0x4e: {  	_ =	swait.ge [sflag:s28], $0x1400  }
0x4f: {  	[sflag:s28] =	ssyncset.done $0x0  }
0x50: {  	s16 =	rddreg [dreg:$0x9];
	[sflag:s28] =	ssyncadd.s32 $0xFFFFEC00  }
0x51: {  	[spmem:s16] =	stream.linear.scatter [tilespmem:s29], [sflag:$0x5], $0x1400, $0x38;
	[tilespmem:$0x137C0] =	vst v63  }
0x52: {  	_ =	swait.ge [sflag:s28], $0x1400  }
0x53: {  	[sflag:s28] =	ssyncset.done $0x0  }
0x54: {  	s17 =	rddreg [dreg:$0xa];
	[sflag:s28] =	ssyncadd.s32 $0xFFFFEC00  }
0x55: {  	[spmem:s17] =	stream.linear.scatter [tilespmem:s29], [sflag:$0x5], $0x1400, $0x38;
	[tilespmem:$0x137C0] =	vst v63  }
0x56: {  	_ =	swait.ge [sflag:s28], $0x1400  }
0x57: {  	[sflag:s28] =	ssyncset.done $0x0  }
0x58: {  	s18 =	rddreg [dreg:$0xb];
	[sflag:s28] =	ssyncadd.s32 $0xFFFFEC00  }
0x59: {  	[spmem:s18] =	stream.linear.scatter [tilespmem:s29], [sflag:$0x5], $0x1400, $0x38;
	[tilespmem:$0x137C0] =	vst v63  }
0x5a: {  	_ =	swait.ge [sflag:s28], $0x1400  }
0x5b: {  	[sflag:s28] =	ssyncset.done $0x0  }
0x5c: {  	s19 =	rddreg [dreg:$0xc];
	[sflag:s28] =	ssyncadd.s32 $0xFFFFEC00  }
0x5d: {  	[spmem:s19] =	stream.linear.scatter [tilespmem:s29], [sflag:$0x5], $0x1400, $0x38;
	[tilespmem:$0x137C0] =	vst v63  }
0x5e: {  	_ =	swait.ge [sflag:s28], $0x1400  }
0x5f: {  	[sflag:s28] =	ssyncset.done $0x0  }
0x60: {  	s20 =	rddreg [dreg:$0xd];
	[sflag:s28] =	ssyncadd.s32 $0xFFFFEC00  }
0x61: {  	[spmem:s20] =	stream.linear.scatter [tilespmem:s29], [sflag:$0x5], $0x1400, $0x38;
	[tilespmem:$0x137C0] =	vst v63  }
0x62: {  	_ =	swait.ge [sflag:s28], $0x1400  }
0x63: {  	[sflag:s28] =	ssyncset.done $0x0  }
0x64: {  	s22 =	rddreg [dreg:$0xf];
	[sflag:s28] =	ssyncadd.s32 $0xFFFFEC00  }
0x65: {  	[spmem:s22] =	stream.linear.scatter [tilespmem:s29], [sflag:$0x5], $0x1400, $0x38;
	[tilespmem:$0x137C0] =	vst v63  }
0x66: {  	_ =	swait.ge [sflag:s28], $0x1400  }
0x67: {  	[sflag:s28] =	ssyncset.done $0x0  }
0x68: {  	s23 =	rddreg [dreg:$0x10];
	[sflag:s28] =	ssyncadd.s32 $0xFFFFEC00  }
0x69: {  	[spmem:s23] =	stream.linear.scatter [tilespmem:s29], [sflag:$0x5], $0x1000, $0x38;
	[tilespmem:$0x137C0] =	vst v63  }
0x6a: {  	_ =	swait.ge [sflag:s28], $0x1000  }
0x6b: {  	[sflag:s28] =	ssyncset.done $0x0  }
0x6c: {  	s10 =	simm.s32 @!p1 $0x5C60;
	[sflag:s28] =	ssyncadd.s32 $0xFFFFF000  }
0x6d: {  	[spmem:s30] =	stream.linear.scatter @!p1 [tilespmem:s10], [sflag:$0x5], $0x400, $0x38;
	[tilespmem:$0x137C0] =	vst v63  }
0x6e: {  	s10 =	simm.s32 @!p1 $0x5  }
0x6f: {  	_ =	swait.ge @!p1 [sflag:s10], $0x400  }
0x70: {  	[sflag:s10] =	ssyncset.done @!p1 $0x0  }
0x71: {  	[sflag:s10] =	ssyncadd.s32 @!p1 $0xFFFFFC00  }
0x72: {  	_ =	swait.ge [sflag:s0], $0x2710  }
0x73: {  	[sflag:s0] =	ssyncset.done $0x0  }
0x74: {  	[sflag:s0] =	ssyncadd.s32 $0xFFFFD8F0  }
0x75: {  	_ =	swait.ge [sflag:s0], $0x2710  }
0x76: {  	[sflag:s0] =	ssyncset.done $0x0  }
0x77: {  	[sflag:s0] =	ssyncadd.s32 $0xFFFFD8F0  }
0x78: {  	s10 =	simm.s32 $0x0;
	[bflag:$0x0] =	sbarrier.arrive $0xFFFF  }
.LBB2_8:
0x79: {  	_ =	swait.ge [sflag:s11], $0x190;
	p2 =	seq.s32 s10, $0x18  }
0x7a: {  	s13 =	sand.u32 $0x1, s10;
	[sflag:s11] =	ssyncset.done $0x0;
	s14 =	smul.u32 @!p2 $0x190, s10  }
0x7b: {  	s15 =	sxor.u32 @!p2 $0x1, s13;
	[sflag:s11] =	ssyncadd.s32 $0xFFFFFE70  }
0x7c: {  	s15 =	smul.u32 @!p2 $0x190, s15;
	_ =	swait.ge [sflag:s11], $0x190;
	s14 =	sadd.s32 @!p2 s14, s21  }
0x7d: {  	s17 =	simm.s32 @!p2 $0x0;
	[sflag:s11] =	ssyncset.done $0x0;
	s14 =	sshrl.u32 @!p2 s14, $0x3  }
0x7e: {  	s16 =	sadd.s32 @!p2 $0x5620, s15;
	[sflag:s11] =	ssyncadd.s32 $0xFFFFFE70;
	s14 =	sadd.s32 @!p2 s1, s14  }
0x7f: {  	[tilespmem:s16], [sflag:$0x4] =	stream.linear.gather @!p2 [hbm4b:s14+s17], $0x190, $0x38;
	[tilespmem:$0x137C0] =	vst v63  }
0x80: {  	s23 =	smul.u32 $0x190, s13;
	s13 =	sadd.s32 @!p2 $0x5940, s15;
	s14 =	sadd.s32 @!p2 $0x9C40, s14  }
0x81: {  	[tilespmem:s13], [sflag:$0x4] =	stream.linear.gather @!p2 [hbm4b:s14+s17], $0x190, $0x38;
	[tilespmem:$0x137C0] =	vst v63  }
0x82: {  	s18 =	simm.s32 $0x0;
	s13 =	sadd.s32 $0x5620, s23;
	s14 =	sadd.s32 $0x5940, s23  }
0x83: {  	v2 =	vmov s13;
	v3 =	vmov s14;
	[tilespmem:s29], [sflag:$0x1] =	stream.indirect.gather [hbm4b:s6+s5], $0x40, s13, s5, $0xb8;
	[tilespmem:$0x137C0] =	vst v63  }
.LBB2_9:
0x84: {  	p2 =	slt.u32 s18, $0x2  }
0x85: {  	s16 =	simm.s32 @!p2 $0x3  }
0x86: {  	_ =	swait.ge @!p2 [sflag:s16], $0x50  }
0x87: {  	s15 =	smul.u32 $0x50, s18;
	[sflag:s16] =	ssyncset.done @!p2 $0x0  }
0x88: {  	[sflag:s16] =	ssyncadd.s32 @!p2 $0xFFFFFFB0  }
0x89: {  	v4 =	vld.idx.msk [tilespmem:v2+s15+$0x0 ss:$0x1], $0xffff  }
0x8a: {  	v5 =	vld.idx.msk [tilespmem:v3+s15+$0x0 ss:$0x1], $0xffff;
	_ =	sdelay $0x6  }
0x8b: {  	v4 =	vld.idx.msk [tilespmem:v4+s4+$0x0], $0xffff  }
0x8c: {  	v5 =	vld.idx.msk [tilespmem:v5+s31+$0x0], $0xffff;
	_ =	sdelay $0x4  }
0x8d: {  	v4 =	vadd.f32 v5, v4;
	_ =	sdelay $0x1  }
0x8e: {  	v5 =	vmul.f32 $2.000000030e-01, v4  }
0x8f: {  	vm0 =	vge.f32 v4, $0.0e+00  }
0x90: {  	v4 =	vsel vm0, v4, v5  }
0x91: {  	v4 =	vmul.f32 $1.442695020e+00, v4;
	_ =	sdelay $0x1  }
0x92: {  	(erf) = vpow2.f32 v4;
	_ =	sdelay $0x6  }
0x93: {  	s19 =	sand.u32 $0x1, s18  }
0x94: {  	p3 =	seq.s32 s19, $0x1;
	s16 =	simm.s32 $0x50  }
0x95: {  	s16 =	simm.s32 @!p3 $0x0;
	v4 =	vpop (erf)  }
0x96: {  	s17 =	sadd.s32 $0x10, s15;
	[tilespmem:s16+$0x9860] =	vst v4  }
0x97: {  	v4 =	vld.idx.msk [tilespmem:v2+s17+$0x0 ss:$0x1], $0xffff  }
0x98: {  	v5 =	vld.idx.msk [tilespmem:v3+s17+$0x0 ss:$0x1], $0xffff;
	_ =	sdelay $0x6  }
0x99: {  	v4 =	vld.idx.msk [tilespmem:v4+s4+$0x0], $0xffff  }
0x9a: {  	v5 =	vld.idx.msk [tilespmem:v5+s31+$0x0], $0xffff;
	_ =	sdelay $0x4  }
0x9b: {  	v4 =	vadd.f32 v5, v4;
	_ =	sdelay $0x1  }
0x9c: {  	v5 =	vmul.f32 $2.000000030e-01, v4  }
0x9d: {  	vm12 =	vge.f32 v4, $0.0e+00  }
0x9e: {  	v4 =	vsel vm12, v4, v5  }
0x9f: {  	v4 =	vmul.f32 $1.442695020e+00, v4;
	_ =	sdelay $0x1  }
0xa0: {  	(erf) = vpow2.f32 v4;
	_ =	sdelay $0x8  }
0xa1: {  	v4 =	vpop (erf)  }
0xa2: {  	s20 =	sadd.s32 $0x20, s15;
	[tilespmem:s16+$0x9870] =	vst v4  }
0xa3: {  	v4 =	vld.idx.msk [tilespmem:v2+s20+$0x0 ss:$0x1], $0xffff  }
0xa4: {  	v5 =	vld.idx.msk [tilespmem:v3+s20+$0x0 ss:$0x1], $0xffff;
	_ =	sdelay $0x6  }
0xa5: {  	v4 =	vld.idx.msk [tilespmem:v4+s4+$0x0], $0xffff  }
0xa6: {  	v5 =	vld.idx.msk [tilespmem:v5+s31+$0x0], $0xffff;
	_ =	sdelay $0x4  }
0xa7: {  	v4 =	vadd.f32 v5, v4;
	_ =	sdelay $0x1  }
0xa8: {  	v5 =	vmul.f32 $2.000000030e-01, v4  }
0xa9: {  	vm13 =	vge.f32 v4, $0.0e+00  }
0xaa: {  	v4 =	vsel vm13, v4, v5  }
0xab: {  	v4 =	vmul.f32 $1.442695020e+00, v4;
	_ =	sdelay $0x1  }
0xac: {  	(erf) = vpow2.f32 v4;
	_ =	sdelay $0x8  }
0xad: {  	v4 =	vpop (erf)  }
0xae: {  	s22 =	sadd.s32 $0x30, s15;
	[tilespmem:s16+$0x9880] =	vst v4  }
0xaf: {  	v4 =	vld.idx.msk [tilespmem:v2+s22+$0x0 ss:$0x1], $0xffff  }
0xb0: {  	v5 =	vld.idx.msk [tilespmem:v3+s22+$0x0 ss:$0x1], $0xffff;
	_ =	sdelay $0x6  }
0xb1: {  	v4 =	vld.idx.msk [tilespmem:v4+s4+$0x0], $0xffff  }
0xb2: {  	v5 =	vld.idx.msk [tilespmem:v5+s31+$0x0], $0xffff;
	_ =	sdelay $0x4  }
0xb3: {  	v4 =	vadd.f32 v5, v4;
	_ =	sdelay $0x1  }
0xb4: {  	v5 =	vmul.f32 $2.000000030e-01, v4  }
0xb5: {  	vm14 =	vge.f32 v4, $0.0e+00  }
0xb6: {  	v4 =	vsel vm14, v4, v5  }
0xb7: {  	v4 =	vmul.f32 $1.442695020e+00, v4;
	_ =	sdelay $0x1  }
0xb8: {  	(erf) = vpow2.f32 v4;
	_ =	sdelay $0x8  }
0xb9: {  	v4 =	vpop (erf)  }
0xba: {  	s23 =	sadd.s32 $0x40, s15;
	[tilespmem:s16+$0x9890] =	vst v4  }
0xbb: {  	v4 =	vld.idx.msk [tilespmem:v2+s23+$0x0 ss:$0x1], $0xffff  }
0xbc: {  	v5 =	vld.idx.msk [tilespmem:v3+s23+$0x0 ss:$0x1], $0xffff;
	_ =	sdelay $0x6  }
0xbd: {  	v4 =	vld.idx.msk [tilespmem:v4+s4+$0x0], $0xffff  }
0xbe: {  	v5 =	vld.idx.msk [tilespmem:v5+s31+$0x0], $0xffff;
	_ =	sdelay $0x4  }
0xbf: {  	v4 =	vadd.f32 v5, v4;
	_ =	sdelay $0x1  }
0xc0: {  	v5 =	vmul.f32 $2.000000030e-01, v4  }
0xc1: {  	vm15 =	vge.f32 v4, $0.0e+00  }
0xc2: {  	v4 =	vsel vm15, v4, v5  }
0xc3: {  	v4 =	vmul.f32 $1.442695020e+00, v4;
	_ =	sdelay $0x1  }
0xc4: {  	(erf) = vpow2.f32 v4;
	_ =	sdelay $0x7  }
0xc5: {  	p3 =	seq.s32 @!p2 s18, $0x4  }
0xc6: {  	s19 =	simm.s32 @!p2 $0x2;
	p3 =	por p2, !p3;
	v4 =	vpop (erf)  }
.Ltmp3:
0xc7: {  	s15 =	sadd.s32 s15, s14;
	s17 =	sadd.s32 $0x9860, s16;
	[tilespmem:s16+$0x98A0] =	vst v4;
	(pc) =	sbr.rel @!p3 .LBB2_11-.Ltmp3, $4  }
0xc8: {  	[spmem:s2] =	stream.indirect.scatter.add.f32 [tilespmem:s17], [sflag:$0x3], $0x1, s15, s5, $0xb8;
	[tilespmem:$0x137C0] =	vst v63  }
0xc9: {  	_ =	swait.ge @!p2 [sflag:s19], $0x1400  }
0xca: {  	[sflag:s19] =	ssyncset.done @!p2 $0x0  }
0xcb: {  	s16 =	sadd.s32 $0x1, s18;
	[sflag:s19] =	ssyncadd.s32 @!p2 $0xFFFFEC00  }
0xcc: {  	s19 =	sadd.s32 $0xFFFFFFFE, s18  }
0xcd: {  	s20 =	smul.u32 $0x140, s16;
	s19 =	smov.u32 @p2 s16  }
0xce: {  	s19 =	smul.u32 $0x5000, s19;
	_ =	sdelay $0x1  }
0xcf: {  	s20 =	sshra.s32 s20, $0x2;
	s19 =	sshra.s32 s19, $0x2  }
0xd0: {  	s20 =	sadd.s32 s20, s13;
	s19 =	sadd.s32 $0x5C60, s19  }
0xd1: {  	[tilespmem:s19], [sflag:$0x1] =	stream.indirect.gather [hbm4b:s6+s5], $0x40, s20, s5, $0xb8;
	[tilespmem:$0x137C0] =	vst v63  }
.LBB2_11:
0xd2: {  	s19 =	simm.s32 $0x0;
	s22 =	simm.s32 $0x1;
	s20 =	simm.s32 $0x2  }
0xd3: {  	s23 =	simm.s32 $0x3;
	v4 =	vmov s19;
	v5 =	vmov s22;
	s22 =	simm.s32 $0x4;
	v6 =	vmov s20  }
0xd4: {  	v7 =	vmov s23;
	v4 =	vshrl.u32 v4, $0x3;
	v8 =	vmov s22;
	s22 =	simm.s32 $0x5  }
0xd5: {  	v5 =	vshrl.u32 v5, $0x3;
	v6 =	vshrl.u32 v6, $0x3;
	v9 =	vmov s22  }
0xd6: {  	v4 =	vshll.u32 v4, v1;
	v8 =	vshrl.u32 v8, $0x3;
	v5 =	vshll.u32 v5, v1;
	s22 =	sadd.s32 $0xFFFFFFFD, s18  }
0xd7: {  	v6 =	vshll.u32 v6, v1;
	v4 =	vbroadcast v4, $0x0;
	v5 =	vadd.s32 $0x1, v5;
	s18 =	smin.u32 s18, s22  }
0xd8: {  	v8 =	vshll.u32 v8, v1;
	v6 =	vadd.s32 $0x2, v6;
	v5 =	vbroadcast v5, $0x0;
	s18 =	smul.u32 $0x5000, s18  }
0xd9: {  	_ =	swait.ge [sflag:s0], $0x1400;
	s23 =	simm.s32 $0x6;
	v9 =	vshrl.u32 v9, $0x3;
	v6 =	vbroadcast v6, $0x0;
	v8 =	vadd.s32 $0x4, v8  }
0xda: {  	s20 =	simm.s32 $0x7;
	[sflag:s0] =	ssyncset.done $0x0;
	v10 =	vmov s23;
	v9 =	vshll.u32 v9, v1;
	v8 =	vbroadcast v8, $0x0;
	s19 =	sshra.s32 s18, $0x2  }
0xdb: {  	v11 =	vmov s20;
	[sflag:s0] =	ssyncadd.s32 $0xFFFFEC00;
	v10 =	vshrl.u32 v10, $0x3;
	v9 =	vadd.s32 $0x5, v9;
	s18 =	sadd.s32 $0x5D60, s19  }
0xdc: {  	v11 =	vshrl.u32 v11, $0x3;
	v10 =	vshll.u32 v10, v1;
	v9 =	vbroadcast v9, $0x0;
	v15 =	vld [tilespmem:s18+$0xFFFFFF20]  }
0xdd: {  	v11 =	vshll.u32 v11, v1;
	v10 =	vadd.s32 $0x6, v10;
	v12 =	vld.idx.msk [tilespmem:v4+s17+$0x0], $0xffff  }
0xde: {  	v4 =	vbroadcast v10, $0x0;
	v10 =	vadd.s32 $0x7, v11;
	v11 =	vld.idx.msk [tilespmem:v5+s17+$0x0], $0xffff  }
0xdf: {  	v10 =	vbroadcast v10, $0x0;
	v13 =	vld.idx.msk [tilespmem:v6+s17+$0x0], $0xffff  }
0xe0: {  	v14 =	vld.idx.msk [tilespmem:v8+s17+$0x0], $0xffff  }
0xe1: {  	v8 =	vld [tilespmem:s18+$0xF0]  }
0xe2: {  	v6 =	vld.idx.msk [tilespmem:v9+s17+$0x0], $0xffff  }
0xe3: {  	v7 =	vshrl.u32 v7, $0x3;
	v9 =	vld [tilespmem:s18+$0xFFFFFF00]  }
0xe4: {  	v7 =	vshll.u32 v7, v1;
	v5 =	vld.idx.msk [tilespmem:v4+s17+$0x0], $0xffff  }
0xe5: {  	v7 =	vadd.s32 $0x3, v7;
	v4 =	vld.idx.msk [tilespmem:v10+s17+$0x0], $0xffff  }
0xe6: {  	v7 =	vbroadcast v7, $0x0;
	v10 =	vld [tilespmem:s18+$0xFFFFFF10]  }
0xe7: {  	v16 =	vld [tilespmem:s18+$0xFFFFFF30]  }
0xe8: {  	v17 =	vld [tilespmem:s18+$0xFFFFFF40]  }
0xe9: {  	v18 =	vld [tilespmem:s18+$0xFFFFFF50];
	v9 =	vmul.f32 v9, v12  }
0xea: {  	v19 =	vld [tilespmem:s18+$0xFFFFFF60];
	v8 =	vmul.f32 v8, v4  }
0xeb: {  	[tilespmem:s18+$0xFFFFFF00] =	vst v9;
	v9 =	vld [tilespmem:s18+$0xFFFFFF70];
	v10 =	vmul.f32 v10, v12  }
0xec: {  	v7 =	vld.idx.msk [tilespmem:v7+s17+$0x0], $0xffff;
	[tilespmem:s18+$0xF0] =	vst v8;
	v8 =	vmul.f32 v15, v12  }
0xed: {  	[tilespmem:s18+$0xFFFFFF10] =	vst v10;
	v10 =	vmul.f32 v16, v12;
	v15 =	vld [tilespmem:s18+$0xFFFFFF90]  }
0xee: {  	v12 =	vld [tilespmem:s18+$0xFFFFFF80];
	[tilespmem:s18+$0xFFFFFF20] =	vst v8;
	v8 =	vmul.f32 v17, v11  }
0xef: {  	v16 =	vld [tilespmem:s18+$0xFFFFFFA0];
	[tilespmem:s18+$0xFFFFFF30] =	vst v10;
	v10 =	vmul.f32 v18, v11  }
0xf0: {  	v9 =	vmul.f32 v9, v11;
	v17 =	vld [tilespmem:s18+$0xFFFFFFB0];
	[tilespmem:s18+$0xFFFFFF40] =	vst v8  }
0xf1: {  	v8 =	vmul.f32 v19, v11;
	[tilespmem:s18+$0xFFFFFF50] =	vst v10;
	v10 =	vld [tilespmem:s18+$0xFFFFFFC0]  }
0xf2: {  	s23 =	simm.s32 $0x8;
	[tilespmem:s18+$0xFFFFFF70] =	vst v9;
	v9 =	vmul.f32 v15, v13;
	v15 =	vld [tilespmem:s18+$0xFFFFFFE0]  }
0xf3: {  	s22 =	simm.s32 $0x9;
	v18 =	vmov s23;
	s23 =	simm.s32 $0xA;
	[tilespmem:s18+$0xFFFFFF60] =	vst v8;
	v8 =	vmul.f32 v12, v13;
	v12 =	vld [tilespmem:s18+$0xFFFFFFD0]  }
0xf4: {  	v11 =	vshrl.u32 v18, $0x3;
	v18 =	vmov s22;
	v19 =	vmov s23;
	s22 =	simm.s32 $0xB;
	s23 =	simm.s32 $0xC  }
0xf5: {  	v20 =	vmov s22;
	v21 =	vmov s23;
	s22 =	simm.s32 $0xD;
	[tilespmem:s18+$0xFFFFFF80] =	vst v8;
	v8 =	vmul.f32 v16, v13;
	v16 =	vld [tilespmem:s18+$0xFFFFFFF0]  }
0xf6: {  	s23 =	simm.s32 $0xE;
	v11 =	vshll.u32 v11, v1;
	v22 =	vmov s22;
	[tilespmem:s18+$0xFFFFFF90] =	vst v9;
	v9 =	vmul.f32 v17, v13;
	v13 =	vld [tilespmem:s18+$0x0]  }
0xf7: {  	v23 =	vmov s23;
	v17 =	vshrl.u32 v18, $0x3;
	[tilespmem:s18+$0xFFFFFFA0] =	vst v8;
	v8 =	vmul.f32 v10, v7;
	v10 =	vld [tilespmem:s18+$0x10]  }
0xf8: {  	v18 =	vshrl.u32 v19, $0x3;
	[tilespmem:s18+$0xFFFFFFB0] =	vst v9;
	v15 =	vmul.f32 v15, v7;
	v9 =	vmul.f32 v12, v7;
	v12 =	vld [tilespmem:s18+$0x20]  }
0xf9: {  	v19 =	vshrl.u32 v20, $0x3;
	v20 =	vshrl.u32 v21, $0x3;
	v21 =	vshrl.u32 v22, $0x3;
	v22 =	vld [tilespmem:s18+$0x30];
	[tilespmem:s18+$0xFFFFFFC0] =	vst v8  }
0xfa: {  	v17 =	vshll.u32 v17, v1;
	v18 =	vshll.u32 v18, v1;
	[tilespmem:s18+$0xFFFFFFE0] =	vst v15;
	v7 =	vmul.f32 v16, v7;
	v16 =	vld [tilespmem:s18+$0x40]  }
0xfb: {  	v20 =	vshll.u32 v20, v1;
	v21 =	vshll.u32 v21, v1;
	[tilespmem:s18+$0xFFFFFFD0] =	vst v9;
	v9 =	vmul.f32 v13, v14;
	v13 =	vld [tilespmem:s18+$0x50]  }
0xfc: {  	v8 =	vbroadcast v11, $0x0;
	v11 =	vshrl.u32 v23, $0x3;
	v23 =	vld [tilespmem:s18+$0x60];
	[tilespmem:s18+$0xFFFFFFF0] =	vst v7;
	v7 =	vmul.f32 v10, v14  }
0xfd: {  	v15 =	vshll.u32 v19, v1;
	v24 =	vshll.u32 v11, v1;
	[tilespmem:s18+$0x0] =	vst v9;
	v9 =	vld [tilespmem:s18+$0x70];
	v10 =	vmul.f32 v12, v14  }
0xfe: {  	v11 =	vadd.s32 $0x1, v17;
	v17 =	vadd.s32 $0x2, v18;
	v14 =	vmul.f32 v22, v14;
	[tilespmem:s18+$0x10] =	vst v7;
	v7 =	vld [tilespmem:s18+$0x80]  }
0xff: {  	v19 =	vadd.s32 $0x3, v15;
	v15 =	vadd.s32 $0x4, v20;
	[tilespmem:s18+$0x20] =	vst v10;
	v20 =	vmul.f32 v16, v6;
	v10 =	vld [tilespmem:s18+$0x90]  }
0x100: {  	v12 =	vbroadcast v11, $0x0;
	v11 =	vld [tilespmem:s18+$0xA0];
	v16 =	vadd.s32 $0x5, v21;
	[tilespmem:s18+$0x30] =	vst v14;
	v18 =	vmul.f32 v13, v6  }
0x101: {  	s20 =	simm.s32 $0x10;
	s19 =	sadd.s32 $0x5C60, s19;
	s22 =	simm.s32 $0xF;
	v14 =	vbroadcast v17, $0x0;
	v17 =	vadd.s32 $0x6, v24;
	v13 =	vld [tilespmem:s18+$0xB0];
	[tilespmem:s18+$0x40] =	vst v20;
	v20 =	vmul.f32 v23, v6  }
.LBB2_12:
0x102: {  	p2 =	slt.u32 s20, $0x48;
	v19 =	vbroadcast v19, $0x0;
	v21 =	vmov s22;
	[tilespmem:s18+$0x50] =	vst v18;
	v6 =	vmul.f32 v9, v6;
	v9 =	vld [tilespmem:s18+$0xC0]  }
0x103: {  	v15 =	vbroadcast v15, $0x0;
	v18 =	vshrl.u32 v21, $0x3;
	[tilespmem:s18+$0x60] =	vst v20;
	v7 =	vmul.f32 v7, v5;
	v20 =	vld [tilespmem:s18+$0xD0]  }
0x104: {  	v16 =	vbroadcast v16, $0x0;
	v18 =	vshll.u32 v18, v1;
	[tilespmem:s18+$0x70] =	vst v6;
	v6 =	vmul.f32 v10, v5;
	v10 =	vld [tilespmem:s18+$0xE0]  }
0x105: {  	v17 =	vbroadcast v17, $0x0;
	v8 =	vld.idx.msk [tilespmem:v8+s17+$0x0], $0xffff;
	v18 =	vadd.s32 $0x7, v18;
	[tilespmem:s18+$0x80] =	vst v7;
	v7 =	vmul.f32 v11, v5  }
0x106: {  	v11 =	vld.idx.msk [tilespmem:v12+s17+$0x0], $0xffff;
	v12 =	vbroadcast v18, $0x0;
	[tilespmem:s18+$0x90] =	vst v6;
	v5 =	vmul.f32 v13, v5  }
0x107: {  	v13 =	vld.idx.msk [tilespmem:v14+s17+$0x0], $0xffff;
	[tilespmem:s18+$0xA0] =	vst v7;
	v6 =	vmul.f32 v9, v4  }
0x108: {  	v9 =	vld.idx.msk [tilespmem:v19+s17+$0x0], $0xffff;
	[tilespmem:s18+$0xB0] =	vst v5;
	v5 =	vmul.f32 v20, v4  }
0x109: {  	v7 =	vld.idx.msk [tilespmem:v15+s17+$0x0], $0xffff;
	[tilespmem:s18+$0xC0] =	vst v6;
	v4 =	vmul.f32 v10, v4  }
0x10a: {  	v6 =	vld.idx.msk [tilespmem:v16+s17+$0x0], $0xffff;
	[tilespmem:s18+$0xD0] =	vst v5  }
0x10b: {  	v5 =	vld.idx.msk [tilespmem:v17+s17+$0x0], $0xffff;
	[tilespmem:s18+$0xE0] =	vst v4  }
0x10c: {  	s18 =	sadd.s32 $0x200, s18;
	v4 =	vld.idx.msk [tilespmem:v12+s17+$0x0], $0xffff  }
0x10d: {  	v10 =	vld [tilespmem:s18+$0xF0]  }
0x10e: {  	v12 =	vld [tilespmem:s18+$0xFFFFFF00]  }
0x10f: {  	v14 =	vld [tilespmem:s18+$0xFFFFFF10]  }
0x110: {  	v15 =	vld [tilespmem:s18+$0xFFFFFF20]  }
0x111: {  	v16 =	vld [tilespmem:s18+$0xFFFFFF30]  }
0x112: {  	v17 =	vld [tilespmem:s18+$0xFFFFFF40];
	v10 =	vmul.f32 v10, v4  }
0x113: {  	v12 =	vmul.f32 v12, v8;
	v18 =	vld [tilespmem:s18+$0xFFFFFF50]  }
0x114: {  	v14 =	vmul.f32 v14, v8;
	v19 =	vld [tilespmem:s18+$0xFFFFFF60];
	[tilespmem:s18+$0xF0] =	vst v10  }
0x115: {  	[tilespmem:s18+$0xFFFFFF00] =	vst v12;
	v10 =	vmul.f32 v15, v8;
	v12 =	vld [tilespmem:s18+$0xFFFFFF70]  }
0x116: {  	[tilespmem:s18+$0xFFFFFF10] =	vst v14;
	v8 =	vmul.f32 v16, v8;
	v14 =	vld [tilespmem:s18+$0xFFFFFF80]  }
0x117: {  	[tilespmem:s18+$0xFFFFFF20] =	vst v10;
	v10 =	vmul.f32 v17, v11;
	v15 =	vld [tilespmem:s18+$0xFFFFFF90]  }
0x118: {  	[tilespmem:s18+$0xFFFFFF30] =	vst v8;
	v8 =	vmul.f32 v18, v11;
	v16 =	vld [tilespmem:s18+$0xFFFFFFA0]  }
0x119: {  	[tilespmem:s18+$0xFFFFFF40] =	vst v10;
	v10 =	vmul.f32 v19, v11;
	v17 =	vld [tilespmem:s18+$0xFFFFFFB0]  }
0x11a: {  	v18 =	vmov s20;
	[tilespmem:s18+$0xFFFFFF50] =	vst v8;
	v8 =	vmul.f32 v12, v11;
	v11 =	vld [tilespmem:s18+$0xFFFFFFC0]  }
0x11b: {  	s22 =	sadd.s32 $0x1, s20;
	s23 =	sadd.s32 $0x2, s20;
	v12 =	vshrl.u32 v18, $0x3;
	[tilespmem:s18+$0xFFFFFF60] =	vst v10;
	v10 =	vmul.f32 v14, v13;
	v14 =	vld [tilespmem:s18+$0xFFFFFFD0]  }
0x11c: {  	v19 =	vmov s23;
	s23 =	sadd.s32 $0x4, s20;
	v18 =	vmov s22;
	s22 =	sadd.s32 $0x3, s20;
	[tilespmem:s18+$0xFFFFFF70] =	vst v8;
	v8 =	vmul.f32 v15, v13;
	v15 =	vld [tilespmem:s18+$0xFFFFFFE0]  }
0x11d: {  	v21 =	vmov s23;
	s23 =	sadd.s32 $0x6, s20;
	v20 =	vmov s22;
	s22 =	sadd.s32 $0x5, s20;
	[tilespmem:s18+$0xFFFFFF80] =	vst v10;
	v10 =	vmul.f32 v16, v13;
	v16 =	vld [tilespmem:s18+$0xFFFFFFF0]  }
0x11e: {  	v23 =	vmov s23;
	v22 =	vmov s22;
	[tilespmem:s18+$0xFFFFFF90] =	vst v8;
	v8 =	vmul.f32 v17, v13;
	v13 =	vld [tilespmem:s18+$0x0]  }
0x11f: {  	v12 =	vshll.u32 v12, v1;
	v17 =	vshrl.u32 v18, $0x3;
	[tilespmem:s18+$0xFFFFFFA0] =	vst v10;
	v10 =	vmul.f32 v11, v9;
	v11 =	vld [tilespmem:s18+$0x10]  }
0x120: {  	v18 =	vshrl.u32 v19, $0x3;
	v19 =	vshrl.u32 v20, $0x3;
	[tilespmem:s18+$0xFFFFFFB0] =	vst v8;
	v14 =	vmul.f32 v14, v9;
	v20 =	vld [tilespmem:s18+$0x20]  }
0x121: {  	v21 =	vshrl.u32 v21, $0x3;
	v22 =	vshrl.u32 v22, $0x3;
	[tilespmem:s18+$0xFFFFFFC0] =	vst v10;
	v10 =	vmul.f32 v15, v9;
	v15 =	vld [tilespmem:s18+$0x30]  }
0x122: {  	v8 =	vbroadcast v12, $0x0;
	v12 =	vshrl.u32 v23, $0x3;
	[tilespmem:s18+$0xFFFFFFD0] =	vst v14;
	v9 =	vmul.f32 v16, v9;
	v14 =	vld [tilespmem:s18+$0x40]  }
0x123: {  	v16 =	vshll.u32 v17, v1;
	v17 =	vshll.u32 v18, v1;
	[tilespmem:s18+$0xFFFFFFE0] =	vst v10;
	v10 =	vmul.f32 v13, v7;
	v13 =	vld [tilespmem:s18+$0x50]  }
0x124: {  	v21 =	vshll.u32 v21, v1;
	v18 =	vshll.u32 v19, v1;
	[tilespmem:s18+$0xFFFFFFF0] =	vst v9;
	v11 =	vmul.f32 v11, v7;
	v23 =	vld [tilespmem:s18+$0x60]  }
.Ltmp4:
0x125: {  	v22 =	vshll.u32 v22, v1;
	v24 =	vshll.u32 v12, v1;
	[tilespmem:s18+$0x0] =	vst v10;
	v10 =	vmul.f32 v20, v7;
	v9 =	vld [tilespmem:s18+$0x70];
	(pc) =	sbr.rel @p2 .LBB2_12-.Ltmp4, $4  }
0x126: {  	v12 =	vadd.s32 $0x1, v16;
	v17 =	vadd.s32 $0x2, v17;
	[tilespmem:s18+$0x10] =	vst v11;
	v11 =	vmul.f32 v15, v7;
	v7 =	vld [tilespmem:s18+$0x80]  }
0x127: {  	v19 =	vadd.s32 $0x3, v18;
	v15 =	vadd.s32 $0x4, v21;
	[tilespmem:s18+$0x20] =	vst v10;
	v20 =	vmul.f32 v14, v6;
	v10 =	vld [tilespmem:s18+$0x90]  }
0x128: {  	v16 =	vadd.s32 $0x5, v22;
	v12 =	vbroadcast v12, $0x0;
	[tilespmem:s18+$0x30] =	vst v11;
	v18 =	vmul.f32 v13, v6;
	v11 =	vld [tilespmem:s18+$0xA0]  }
0x129: {  	s22 =	sadd.s32 $0x7, s20;
	s20 =	sadd.s32 $0x8, s20;
	v14 =	vbroadcast v17, $0x0;
	v17 =	vadd.s32 $0x6, v24;
	[tilespmem:s18+$0x40] =	vst v20;
	v20 =	vmul.f32 v23, v6;
	v13 =	vld [tilespmem:s18+$0xB0]  }
0x12a: {  	_ = 	snop  }
0x12b: {  	v22 =	vld [tilespmem:s18+$0xC0]  }
0x12c: {  	v23 =	vld [tilespmem:s18+$0xD0]  }
0x12d: {  	v24 =	vld [tilespmem:s18+$0xE0]  }
0x12e: {  	v8 =	vld.idx.msk [tilespmem:v8+s17+$0x0], $0xffff  }
0x12f: {  	v12 =	vld.idx.msk [tilespmem:v12+s17+$0x0], $0xffff  }
0x130: {  	s23 =	sadd.s32 $0x200, s18;
	v14 =	vld.idx.msk [tilespmem:v14+s17+$0x0], $0xffff  }
0x131: {  	v32 =	vld [tilespmem:s23+$0xF0]  }
0x132: {  	v33 =	vld [tilespmem:s23+$0xFFFFFF00]  }
0x133: {  	[tilespmem:s18+$0x50] =	vst v18;
	v6 =	vmul.f32 v9, v6;
	v35 =	vld [tilespmem:s23+$0xFFFFFF10]  }
0x134: {  	v21 =	vmov s22;
	[tilespmem:s18+$0x60] =	vst v20;
	v7 =	vmul.f32 v7, v5;
	v36 =	vld [tilespmem:s23+$0xFFFFFF20]  }
0x135: {  	v21 =	vshrl.u32 v21, $0x3;
	v37 =	vld [tilespmem:s23+$0xFFFFFF30];
	[tilespmem:s18+$0x70] =	vst v6;
	v29 =	vmul.f32 v10, v5  }
0x136: {  	v38 =	vld [tilespmem:s23+$0xFFFFFF50];
	v21 =	vshll.u32 v21, v1;
	[tilespmem:s18+$0x80] =	vst v7;
	v31 =	vmul.f32 v11, v5  }
0x137: {  	v39 =	vld [tilespmem:s23+$0xFFFFFF60];
	v21 =	vadd.s32 $0x7, v21;
	[tilespmem:s18+$0x90] =	vst v29;
	v5 =	vmul.f32 v13, v5  }
0x138: {  	v40 =	vld [tilespmem:s23+$0xFFFFFF70];
	v21 =	vbroadcast v21, $0x0;
	[tilespmem:s18+$0xA0] =	vst v31;
	v34 =	vmul.f32 v22, v4  }
0x139: {  	v41 =	vld [tilespmem:s23+$0xFFFFFF80];
	[tilespmem:s18+$0xB0] =	vst v5;
	v5 =	vmul.f32 v23, v4  }
0x13a: {  	v42 =	vld [tilespmem:s23+$0xFFFFFFA0];
	v4 =	vmul.f32 v24, v4;
	[tilespmem:s18+$0xC0] =	vst v34  }
0x13b: {  	v13 =	vmul.f32 v35, v8;
	[tilespmem:s18+$0xD0] =	vst v5;
	v5 =	vld [tilespmem:s23+$0xFFFFFF40]  }
0x13c: {  	v43 =	vld [tilespmem:s23+$0xFFFFFFB0];
	[tilespmem:s18+$0xE0] =	vst v4;
	v4 =	vmul.f32 v33, v8  }
0x13d: {  	v19 =	vbroadcast v19, $0x0;
	v45 =	vld [tilespmem:s23+$0xFFFFFFC0];
	v7 =	vmul.f32 v37, v8;
	[tilespmem:s23+$0xFFFFFF10] =	vst v13  }
0x13e: {  	v30 =	vld.idx.msk [tilespmem:v21+s17+$0x0], $0xffff;
	[tilespmem:s23+$0xFFFFFF00] =	vst v4;
	v4 =	vmul.f32 v36, v8  }
0x13f: {  	v46 =	vld [tilespmem:s23+$0xFFFFFFD0];
	v6 =	vmul.f32 v38, v12;
	[tilespmem:s23+$0xFFFFFF30] =	vst v7  }
0x140: {  	[tilespmem:s23+$0xFFFFFF20] =	vst v4;
	v4 =	vmul.f32 v5, v12;
	v5 =	vld [tilespmem:s23+$0xFFFFFF90]  }
0x141: {  	v15 =	vbroadcast v15, $0x0;
	v47 =	vld [tilespmem:s23+$0xFFFFFFE0];
	v44 =	vmul.f32 v40, v12;
	[tilespmem:s23+$0xFFFFFF50] =	vst v6  }
0x142: {  	v48 =	vld [tilespmem:s23+$0xFFFFFFF0];
	[tilespmem:s23+$0xFFFFFF40] =	vst v4;
	v4 =	vmul.f32 v39, v12  }
0x143: {  	v19 =	vld.idx.msk [tilespmem:v19+s17+$0x0], $0xffff;
	[tilespmem:s23+$0xFFFFFF70] =	vst v44;
	v11 =	vmul.f32 v32, v30  }
0x144: {  	v49 =	vld [tilespmem:s23+$0x0];
	[tilespmem:s23+$0xFFFFFF60] =	vst v4;
	v4 =	vmul.f32 v41, v14  }
0x145: {  	v16 =	vbroadcast v16, $0x0;
	v50 =	vld [tilespmem:s23+$0x10];
	[tilespmem:s23+$0xF0] =	vst v11;
	v5 =	vmul.f32 v5, v14  }
0x146: {  	v51 =	vld [tilespmem:s23+$0x20];
	[tilespmem:s23+$0xFFFFFF80] =	vst v4;
	v4 =	vmul.f32 v42, v14  }
0x147: {  	v15 =	vld.idx.msk [tilespmem:v15+s17+$0x0], $0xffff;
	[tilespmem:s23+$0xFFFFFF90] =	vst v5;
	v5 =	vmul.f32 v43, v14  }
0x148: {  	v52 =	vld [tilespmem:s23+$0x30];
	[tilespmem:s23+$0xFFFFFFA0] =	vst v4;
	v4 =	vmul.f32 v45, v19  }
0x149: {  	v17 =	vbroadcast v17, $0x0;
	v53 =	vld [tilespmem:s23+$0x40];
	[tilespmem:s23+$0xFFFFFFB0] =	vst v5;
	v5 =	vmul.f32 v46, v19  }
0x14a: {  	v54 =	vld [tilespmem:s23+$0x50];
	[tilespmem:s23+$0xFFFFFFC0] =	vst v4;
	v4 =	vmul.f32 v47, v19  }
0x14b: {  	v27 =	vld.idx.msk [tilespmem:v16+s17+$0x0], $0xffff;
	[tilespmem:s23+$0xFFFFFFD0] =	vst v5;
	v5 =	vmul.f32 v48, v19  }
0x14c: {  	v55 =	vld [tilespmem:s23+$0x60];
	[tilespmem:s23+$0xFFFFFFE0] =	vst v4;
	v4 =	vmul.f32 v49, v15  }
0x14d: {  	v56 =	vld [tilespmem:s23+$0x70];
	[tilespmem:s23+$0xFFFFFFF0] =	vst v5;
	v5 =	vmul.f32 v50, v15  }
0x14e: {  	v57 =	vld [tilespmem:s23+$0x80];
	[tilespmem:s23+$0x0] =	vst v4;
	v4 =	vmul.f32 v51, v15  }
0x14f: {  	v28 =	vld.idx.msk [tilespmem:v17+s17+$0x0], $0xffff;
	[tilespmem:s23+$0x10] =	vst v5;
	v5 =	vmul.f32 v52, v15  }
0x150: {  	v58 =	vld [tilespmem:s23+$0x90];
	[tilespmem:s23+$0x20] =	vst v4;
	v4 =	vmul.f32 v53, v27  }
0x151: {  	v59 =	vld [tilespmem:s23+$0xA0];
	[tilespmem:s23+$0x30] =	vst v5;
	v5 =	vmul.f32 v54, v27  }
0x152: {  	v60 =	vld [tilespmem:s23+$0xB0];
	[tilespmem:s23+$0x40] =	vst v4;
	v4 =	vmul.f32 v55, v27  }
0x153: {  	v61 =	vld [tilespmem:s23+$0xC0];
	[tilespmem:s23+$0x50] =	vst v5;
	v5 =	vmul.f32 v56, v27  }
0x154: {  	v62 =	vld [tilespmem:s23+$0xD0];
	[tilespmem:s23+$0x60] =	vst v4;
	v4 =	vmul.f32 v57, v28  }
0x155: {  	v63 =	vld [tilespmem:s23+$0xE0];
	[tilespmem:s23+$0x70] =	vst v5;
	v5 =	vmul.f32 v58, v28  }
0x156: {  	[tilespmem:s23+$0x80] =	vst v4;
	v4 =	vmul.f32 v59, v28  }
0x157: {  	[tilespmem:s23+$0x90] =	vst v5;
	v5 =	vmul.f32 v60, v28  }
0x158: {  	p2 =	sne.s32 s16, $0x5;
	[tilespmem:s23+$0xA0] =	vst v4;
	v4 =	vmul.f32 v61, v30  }
.Ltmp5:
0x159: {  	[tilespmem:s23+$0xB0] =	vst v5;
	v5 =	vmul.f32 v62, v30;
	(pc) =	sbr.rel @p2 .LBB2_9-.Ltmp5, $4  }
0x15a: {  	[tilespmem:s23+$0xC0] =	vst v4;
	v4 =	vmul.f32 v63, v30  }
0x15b: {  	[tilespmem:s23+$0xD0] =	vst v5  }
0x15c: {  	s18 =	smov.u32 s16;
	[tilespmem:s23+$0xE0] =	vst v4  }
0x15d: {  	[spmem:s3] =	stream.indirect.scatter.add.f32 [tilespmem:s19], [sflag:$0x2], $0x40, s15, s5, $0xb8;
	[tilespmem:$0x137C0] =	vst v63  }
0x15e: {  	_ =	swait.ge [sflag:s26], $0x1400  }
0x15f: {  	[sflag:s26] =	ssyncset.done $0x0  }
0x160: {  	[sflag:s26] =	ssyncadd.s32 $0xFFFFEC00  }
0x161: {  	_ =	swait.ge [sflag:s26], $0x1400  }
0x162: {  	[sflag:s26] =	ssyncset.done $0x0  }
0x163: {  	s10 =	sadd.s32 $0x1, s10;
	[sflag:s26] =	ssyncadd.s32 $0xFFFFEC00  }
0x164: {  	p2 =	sne.s32 s10, $0x19;
	_ =	swait.ge [sflag:s7], $0x50  }
.Ltmp6:
0x165: {  	[sflag:s7] =	ssyncset.done $0x0;
	(pc) =	sbr.rel @p2 .LBB2_8-.Ltmp6, $4  }
0x166: {  	[sflag:s7] =	ssyncadd.s32 $0xFFFFFFB0  }
0x167: {  	_ =	swait.ge [sflag:s7], $0x50  }
0x168: {  	[sflag:s7] =	ssyncset.done $0x0  }
0x169: {  	[sflag:s7] =	ssyncadd.s32 $0xFFFFFFB0  }
0x16a: {  	s10 =	stileid.u32  }
0x16b: {  	[bflag:$0x0] =	sbarrier.arrive $0xFFFF;
	s10 =	sshll.u32 s10, $0x6  }
0x16c: {  	s13 =	sshrl.u32 s12, $0x3;
	s14 =	rddreg [dreg:$0xe];
	s10 =	sor.u32 $0x1C05, s10  }
0x16d: {  	[hbm:s14], [sflag:s10] =	dma.local [spmem:s13], $0x1380  }
0x16e: {  	_ =	swait.ge [sflag:s28], $0x1380  }
0x16f: {  	[sflag:s28] =	ssyncset.done $0x0  }
0x170: {  	s13 =	sshrl.u32 @!p1 s30, $0x3;
	s14 =	rddreg [dreg:$0x11];
	[sflag:s28] =	ssyncadd.s32 $0xFFFFEC80  }
0x171: {  	[hbm:s14], [sflag:s10] =	dma.local @!p1 [spmem:s13], $0x80  }
0x172: {  	s13 =	simm.s32 @!p1 $0x5  }
0x173: {  	s8 =	sadd.s32 $0x1, s8;
	_ =	swait.ge @!p1 [sflag:s13], $0x80  }
0x174: {  	p2 =	sne.s32 s8, s24;
	[sflag:s13] =	ssyncset.done @!p1 $0x0  }
.Ltmp7:
0x175: {  	s23 =	rddreg [dreg:$0x12];
	[sflag:s13] =	ssyncadd.s32 @!p1 $0xFFFFFF80;
	(pc) =	sbr.rel @p2 .LBB2_1-.Ltmp7, $4  }
0x176: {  	[hbm:s23], [sflag:s10] =	dma.local [spmem:s25], $0x50  }
0x177: {  	_ =	swait.ge [sflag:s28], $0x50  }
0x178: {  	[sflag:s28] =	ssyncset.done $0x0  }
0x179: {  	[sflag:s28] =	ssyncadd.s32 $0xFFFFFFB0  }
0x17a: {  	_ =	sfence.sel $0x180000  }
0x17b: {  	[bflag:$0x0] =	sbarrier.arrive $0xFFFF  }
0x17c: {  	_ =	strace $0x9000004A  }
0x17d: {  	[bflag:$0x2] =	sbarrier.arrive $0xFFFF  }
0x17e: {  	s0 =	rddreg [dreg:$0x4]  }
0x17f: {  	s0 =	sadd.s32 @!p0 $0x100000, s0  }
0x180: {  	[sflag:s0] =	ssyncadd.tile.s32 @!p0 $0x1;
	_ =	shalt  }
.Lfunc_end2:
_tile_overlayer_lowered:
.L_overlay_start_2:
0x181: {  	(tag) =	ssettag $0x2  }
0x182: {  	s0 =	rddreg [dreg:$0x0];
	s2 =	stileid.u32  }
0x183: {  	s1 =	rddreg [dreg:$0x1];
	p0 =	sne.s32 s2, $0x0  }
0x184: {  	s3 =	rddreg [dreg:$0x2];
	[bflag:$0x3] =	sbarrier.arrive $0xFFFF;
	s2 =	simm.s32 @!p0 $0x1C05  }
0x185: {  	[timem:s3], [sflag:s2] =	dma.local @!p0 [hbm:s0], s1  }
0x186: {  	s0 =	simm.s32 @!p0 $0x5  }
0x187: {  	_ =	swait.ge @!p0 [sflag:s0], s1  }
0x188: {  	s1 =	ssub.s32 @!p0 $0x0, s1;
	[sflag:s0] =	ssyncset.done @!p0 $0x0  }
0x189: {  	[sflag:s0] =	ssyncadd.s32 @!p0 s1  }
0x18a: {  	[bflag:$0x3] =	sbarrier.arrive $0xFFFF  }
0x18b: {  	_ =	shalt  }

// kernel: kernel.7.cloned.1.call-start
scs
__scs_entry_jumppad:
0x0: {  	(pc) =	sbr.rel $0x88, $3  }
0x1: {  	(tag) =	ssettag $0x0;
	lr =	simm.s32 $0x1  }
0x2: {  	[smem:$0x3F97] =	sst lr;
	_ =	strace $0xD0000000  }
0x3: {  	_ = 	snop  }
0x4: {  	_ = 	snop  }
0x5: {  	_ = 	snop  }
0x6: {  	_ = 	snop  }
0x7: {  	_ = 	snop  }
__scs_overlays_trampoline_lowered:
0x8: {  	[smem:$0x3FA6] =	sst s0  }
0x9: {  	[smem:$0x3FA7] =	sst s1  }
0xa: {  	[smem:$0x3FA8] =	sst s2  }
0xb: {  	[smem:$0x3FA9] =	sst s3  }
0xc: {  	[smem:$0x3FAA] =	sst s4  }
0xd: {  	[smem:$0x3FAB] =	sst s5  }
0xe: {  	[smem:$0x3FAC] =	sst s6  }
0xf: {  	[smem:$0x3FAD] =	sst s7  }
0x10: {  	[smem:$0x3FAE] =	sst s8  }
0x11: {  	[smem:$0x3FAF] =	sst s9;
	s0 =	simm.s32 @!p0 $0x0  }
0x12: {  	s1 =	sld [smem:$0x3F95];
	s0 =	simm.s32 @p0 $0x1  }
0x13: {  	[smem:$0x3FB0] =	sst s0;
	s0 =	simm.s32 @!p1 $0x0  }
0x14: {  	s2 =	sld [smem:$0x3F94];
	s0 =	simm.s32 @p1 $0x1  }
0x15: {  	[smem:$0x3FB1] =	sst s0;
	s0 =	simm.s32 @!p2 $0x0  }
0x16: {  	s3 =	sld [smem:$0x3FDB];
	s0 =	simm.s32 @p2 $0x1  }
0x17: {  	s4 =	simm.s32 $0x1BF5;
	[smem:$0x3FB3] =	sst s0  }
0x18: {  	s0 =	sld [smem:$0x3F96];
	_ =	swait.ge [sflag:s4], $0x0  }
0x19: {  	s7 =	sld [smem:$0x3F97]  }
0x1a: {  	s8 =	sadd.s32 $0xFFFFE003, lr  }
0x1b: {  	s9 =	sadd.s32 $0xFFFFFEF7, lr;
	s5 =	simm.s32 $0xFFFFFFFF;
	p2 =	slt.u32 s8, $0xFFFFF086  }
0x1c: {  	p1 =	slt.u32 s9, $0xF7A;
	s5 =	simm.s32 @!p2 $0x0  }
0x1d: {  	s5 =	simm.s32 @p1 $0x1;
	p0 =	seq.s32 s7, s2  }
0x1e: {  	s7 =	smul.u32 @!p0 $0xF7A, s2;
	p2 =	seq.s32 @!p0 s5, $0x0  }
0x1f: {  	s9 =	smul.u32 $0xF7A, s1;
	s8 =	simm.s32 @!p0 $0x1BF5;
	p2 =	por !p2, p0  }
0x20: {  	[sflag:s8] =	ssyncset.s32 @!p0 $0xFFFFF086;
	s6 =	sadd.s32 @!p0 s3, s7;
	s7 =	simm.s32 @!p0 $0x108  }
0x21: {  	s3 =	sadd.s32 s3, s9;
	s6 =	sadd.s32 @!p0 $0x88, s6;
	s7 =	simm.s32 @p2 $0x1082  }
0x22: {  	[simem:s7], [sflag:s8] =	dma.local @!p0 [hbm:s6], $0xF7A  }
0x23: {  	s9 =	sor.u32 $0xD0000000, s2;
	s6 =	simm.s32 $0x108;
	_ =	swait.ge @!p0 [sflag:s8], $0x0  }
0x24: {  	s3 =	sadd.s32 $0x88, s3;
	s6 =	simm.s32 @!p1 $0x1082;
	[sflag:s4] =	ssyncset.s32 $0xFFFFF086  }
0x25: {  	[simem:s6], [sflag:s4] =	dma.local [hbm:s3], $0xF7A  }
0x26: {  	[smem:$0x3F97] =	sst s1;
	(tag) =	ssettag s2;
	_ =	strace s9  }
0x27: {  	s1 =	sld [smem:$0x3FA7]  }
0x28: {  	s2 =	sld [smem:$0x3FA8]  }
0x29: {  	s4 =	sld [smem:$0x3FAA]  }
0x2a: {  	p0 =	seq.s32 s5, $0x0;
	s5 =	sld [smem:$0x3FAB]  }
0x2b: {  	s6 =	sld [smem:$0x3FAC]  }
0x2c: {  	s7 =	sld [smem:$0x3FAD]  }
0x2d: {  	s3 =	simm.s32 $0x108;
	s8 =	sld [smem:$0x3FAE]  }
0x2e: {  	s3 =	simm.s32 @!p0 $0x1082;
	s9 =	sld [smem:$0x3FAF]  }
0x2f: {  	lr =	sadd.s32 s0, s3;
	s0 =	sld [smem:$0x3FA6]  }
0x30: {  	s3 =	sld [smem:$0x3FA9]  }
0x31: {  	[smem:$0x3FB2] =	sst s10  }
0x32: {  	s10 =	sld [smem:$0x3FB0];
	_ =	sdelay $0x3  }
0x33: {  	p0 =	seq.s32 s10, $0x1;
	s10 =	sld [smem:$0x3FB2];
	_ =	sdelay $0x3  }
0x34: {  	[smem:$0x3FB2] =	sst s10  }
0x35: {  	s10 =	sld [smem:$0x3FB1];
	_ =	sdelay $0x3  }
0x36: {  	p1 =	seq.s32 s10, $0x1;
	s10 =	sld [smem:$0x3FB2];
	_ =	sdelay $0x3  }
0x37: {  	[smem:$0x3FB2] =	sst s10  }
0x38: {  	s10 =	sld [smem:$0x3FB3]  }
0x39: {  	_ = 	snop;
	(pc) =	sbr.ind lr, $3  }
0x3a: {  	_ = 	snop  }
0x3b: {  	_ = 	snop  }
0x3c: {  	p2 =	seq.s32 s10, $0x1;
	s10 =	sld [smem:$0x3FB2]  }
0x3d: {  	_ =	shalt  }
0x3e: {  	_ =	shalt  }
0x3f: {  	_ =	shalt  }
0x40: {  	_ =	shalt  }
0x41: {  	_ =	shalt  }
0x42: {  	_ =	shalt  }
0x43: {  	_ =	shalt  }
0x44: {  	_ =	shalt  }
0x45: {  	_ =	shalt  }
0x46: {  	_ =	shalt  }
0x47: {  	_ =	shalt  }
0x48: {  	_ =	shalt  }
0x49: {  	_ =	shalt  }
0x4a: {  	_ =	shalt  }
0x4b: {  	_ =	shalt  }
0x4c: {  	_ =	shalt  }
0x4d: {  	_ =	shalt  }
0x4e: {  	_ =	shalt  }
0x4f: {  	_ =	shalt  }
0x50: {  	_ =	shalt  }
0x51: {  	_ =	shalt  }
0x52: {  	_ =	shalt  }
0x53: {  	_ =	shalt  }
0x54: {  	_ =	shalt  }
0x55: {  	_ =	shalt  }
0x56: {  	_ =	shalt  }
0x57: {  	_ =	shalt  }
0x58: {  	_ =	shalt  }
0x59: {  	_ =	shalt  }
0x5a: {  	_ =	shalt  }
0x5b: {  	_ =	shalt  }
0x5c: {  	_ =	shalt  }
0x5d: {  	_ =	shalt  }
0x5e: {  	_ =	shalt  }
0x5f: {  	_ =	shalt  }
0x60: {  	_ =	shalt  }
0x61: {  	_ =	shalt  }
0x62: {  	_ =	shalt  }
0x63: {  	_ =	shalt  }
0x64: {  	_ =	shalt  }
0x65: {  	_ =	shalt  }
0x66: {  	_ =	shalt  }
0x67: {  	_ =	shalt  }
0x68: {  	_ =	shalt  }
0x69: {  	_ =	shalt  }
0x6a: {  	_ =	shalt  }
0x6b: {  	_ =	shalt  }
0x6c: {  	_ =	shalt  }
0x6d: {  	_ =	shalt  }
0x6e: {  	_ =	shalt  }
0x6f: {  	_ =	shalt  }
0x70: {  	_ =	shalt  }
0x71: {  	_ =	shalt  }
0x72: {  	_ =	shalt  }
0x73: {  	_ =	shalt  }
0x74: {  	_ =	shalt  }
0x75: {  	_ =	shalt  }
0x76: {  	_ =	shalt  }
0x77: {  	_ =	shalt  }
0x78: {  	_ =	shalt  }
0x79: {  	_ =	shalt  }
0x7a: {  	_ =	shalt  }
0x7b: {  	_ =	shalt  }
0x7c: {  	_ =	shalt  }
0x7d: {  	_ =	shalt  }
0x7e: {  	_ =	shalt  }
0x7f: {  	_ =	shalt  }
0x80: {  	_ =	shalt  }
0x81: {  	_ =	shalt  }
0x82: {  	_ =	shalt  }
0x83: {  	_ =	shalt  }
0x84: {  	_ =	shalt  }
0x85: {  	_ =	shalt  }
0x86: {  	_ =	shalt  }
0x87: {  	_ =	shalt  }
.Lfunc_end0:
.L_simem_size_0:
called_computation_lowered:
.L_overlay_start_0:
0x88: {  	s2 =	sld [smem:$0x3FD9]  }
0x89: {  	s3 =	sld [smem:$0x3FFE];
	_ =	sdelay $0x1  }
0x8a: {  	s1 =	srdreg.scid  }
0x8b: {  	s0 =	sand.u32 $0x1, s1  }
0x8c: {  	s17 =	sshll.u32 s0, $0xA;
	s2 =	sadd.s32 s3, s2  }
0x8d: {  	s2 =	sadd.s32 s2, s17  }
0x8e: {  	[smem:$0x3FBE] =	sst s2  }
0x8f: {  	_ = 	snop  }
0x90: {  	s2 =	sld [smem:$0x3FD0];
	(tm) =	ssettm $0x1  }
0x91: {  	s18 =	sld [smem:$0x3FFB];
	_ =	sdelay $0x3  }
0x92: {  	_ =	strace s18  }
0x93: {  	s3 =	sld [smem:$0x3FFC];
	_ =	sdelay $0x3  }
0x94: {  	_ =	strace s3  }
0x95: {  	s3 =	sld [smem:$0x3FFD];
	_ =	sdelay $0x3  }
0x96: {  	_ =	strace s3  }
0x97: {  	_ =	strace $0x8FFFFFFF  }
0x98: {  	s19 =	sld [smem:$0x3FDB];
	_ =	sdelay $0x1  }
0x99: {  	s4 =	simm.s32 $_scs_section_size  }
0x9a: {  	s5 =	simm.s32 $_size__tile_overlayer_lowered;
	s6 =	simm.s32 $_tile_overlayer_lowered  }
0x9b: {  	s22 =	simm.s32 $0x1BFF;
	s21 =	sshll.u32 s6, $0x1;
	s3 =	sadd.s32 s4, s19  }
0x9c: {  	s7 =	simm.s32 $0x0;
	s20 =	sshll.u32 s5, $0x1;
	s5 =	sadd.s32 s21, s3  }
0x9d: {  	[timem:s7], [sflag:s22] =	dma.local [hbm:s5], s20  }
0x9e: {  	_ =	swait.ge [sflag:s22], s20  }
0x9f: {  	s4 =	ssub.s32 $0x0, s20;
	[sflag:s22] =	ssyncset.done $0x0  }
0xa0: {  	[sflag:s22] =	ssyncadd.s32 s4;
	_ =	sdelay $0x1  }
0xa1: {  	s23 =	simm.s32 $0x1B8B  }
0xa2: {  	_ =	swait.ge [sflag:s23], $0x1  }
0xa3: {  	[sflag:s23] =	ssyncset.done $0x0  }
0xa4: {  	s25 =	simm.s32 $0x1B8E;
	s24 =	sld [smem:$0x3FFE];
	[sflag:s23] =	ssyncadd.s32 $0xFFFFFFFF  }
0xa5: {  	s26 =	simm.s32 $execute0_lowered;
	[smem:$0x3FD2] =	sst s25  }
0xa6: {  	s5 =	sshll.u32 s26, $0x1;
	_ =	strace $0x80000046;
	[dreg:$0x1] =	wrdreg $0xFFFFFFFF  }
0xa7: {  	s28 =	simm.s32 $_size_execute0_lowered;
	s3 =	sadd.s32 s3, s5;
	[dreg:$0x0] =	wrdreg $0x0  }
0xa8: {  	s5 =	sshll.u32 s28, $0x1;
	[dreg:$0x2] =	wrdreg s3  }
0xa9: {  	[dreg:$0x3] =	wrdreg s5  }
0xaa: {  	[dreg:$0x4] =	wrdreg $0xC0  }
0xab: {  	_ =	task [dreg:s7], $0x5FFFF  }
0xac: {  	[dreg:$0x1] =	wrdreg $0xFFFFFFFF  }
0xad: {  	[dreg:$0x0] =	wrdreg $0x60  }
0xae: {  	[dreg:$0x2] =	wrdreg s24  }
0xaf: {  	[dreg:$0x3] =	wrdreg s2  }
0xb0: {  	[dreg:$0x4] =	wrdreg $0x1E5800  }
0xb1: {  	[dreg:$0x5] =	wrdreg $0xAD000  }
0xb2: {  	[dreg:$0x6] =	wrdreg $0x9  }
0xb3: {  	_ =	task.clear_ibuf [dreg:s7], $0x7FFFF;
	_ =	strace $0x90000046  }
0xb4: {  	s29 =	simm.s32 $0x9;
	_ =	strace $0x80000048  }
0xb5: {  	_ =	swait.ge [sflag:s29], $0x1  }
0xb6: {  	[sflag:s29] =	ssyncadd.s32 $0xFFFFFFFF  }
0xb7: {  	_ =	strace $0x90000048  }
0xb8: {  	_ =	sfence  }
0xb9: {  	s30 =	sld [smem:$0x0];
	_ =	sdelay $0x2  }
0xba: {  	s31 =	sshll.u32 s1, $0xD;
	s1 =	sshrl.u32 s1, $0x2  }
0xbb: {  	s3 =	sand.u32 $0x4000, s31;
	s1 =	sadd.s32 s1, s30  }
0xbc: {  	s0 =	sor.u32 s3, s0;
	s1 =	sshll.u32 s1, $0x11  }
0xbd: {  	s0 =	sor.u32 s1, s0  }
0xbe: {  	s0 =	sadd.s32 $0x8F2B, s0  }
0xbf: {  	[sflag:s0] =	ssyncadd.remote.s32 $0x1  }
0xc0: {  	_ =	sfence.sel $0xFFFF  }
0xc1: {  	[dreg:$0x0] =	wrdreg $0xFFFFFFFF;
	(pc) =	sbr.abs _section_cstart, $3  }
0xc2: {  	[dreg:$0x1] =	wrdreg $0xFFFFFFFF  }
0xc3: {  	_ =	task.clear_ibuf [dreg:s7], $0x2FFFF;
	_ =	strace $0x9FFFFFFF  }
0xc4: {  	(tm) =	ssettm $0x7FFFFFFF  }
0xc5: {  	_ =	shalt  }
tec
execute0_lowered:
.L_overlay_start_1:
0x0: {  	(tag) =	ssettag $0x1  }
0x1: {  	s0 =	rddreg [dreg:$0x0]  }
0x2: {  	s1 =	rddreg [dreg:$0x1]  }
0x3: {  	s2 =	rddreg [dreg:$0x2]  }
0x4: {  	s3 =	rddreg [dreg:$0x3]  }
0x5: {  	s4 =	srdreg.scid;
	s15 =	stileid.u32;
	s31 =	simm.s32 $0x2710  }
0x6: {  	s28 =	simm.s32 $0x5;
	s29 =	simm.s32 $0x5C60;
	s5 =	sand.u32 $0x1, s4  }
0x7: {  	s4 =	simm.s32 $0x0;
	s8 =	smul.u32 $0x280, s15;
	s6 =	sadd.s32 $0x1800, s0  }
0x8: {  	s10 =	sadd.s32 $0x29000, s0;
	s19 =	sadd.s32 $0x28A00, s0;
	s13 =	smul.u32 $0x4E000, s15  }
0x9: {  	s11 =	sadd.s32 $0x2A000, s0;
	s14 =	smul.u32 $0x13800, s15;
	s23 =	sadd.s32 $0x800, s2  }
0xa: {  	p0 =	sne.s32 s15, $0x0;
	p1 =	sne.s32 s15, $0xF;
	s30 =	sadd.s32 $0x138000, s3  }
0xb: {  	s7 =	smul.u32 $0x2800, s5;
	[smem:$0x7FF] =	sst s4;
	s9 =	sshll.u32 s5, $0x4  }
0xc: {  	s21 =	ssub.s32 $0x2, s5;
	_ =	strace $0x80000047;
	[dreg:$0x5] =	wrdreg s10  }
0xd: {  	s5 =	smul.u32 $0x138800, s5;
	[dreg:$0x6] =	wrdreg s19;
	s13 =	sshrl.u32 s13, $0x2  }
0xe: {  	[dreg:$0x8] =	wrdreg s23;
	s23 =	sadd.s32 $0x1800, s2;
	s13 =	sadd.s32 s13, s3  }
0xf: {  	s9 =	sor.u32 s15, s9;
	[dreg:$0x14] =	wrdreg s23;
	s16 =	sadd.s32 $0x2800, s13  }
0x10: {  	s22 =	sshrl.u32 s21, $0x1;
	s24 =	sadd.s32 $0x5000, s13;
	[dreg:$0x9] =	wrdreg s16  }
0x11: {  	s7 =	sadd.s32 s8, s7;
	s25 =	sadd.s32 $0x7800, s13;
	[dreg:$0xa] =	wrdreg s24  }
0x12: {  	s20 =	smul.u32 $0x2710, s9;
	s26 =	sadd.s32 $0xA000, s13;
	[dreg:$0xb] =	wrdreg s25  }
0x13: {  	s7 =	sshrl.u32 s7, $0x3;
	s17 =	sadd.s32 $0xC800, s13;
	[dreg:$0xc] =	wrdreg s26  }
0x14: {  	s18 =	sadd.s32 $0xF000, s13;
	s19 =	sadd.s32 $0x11800, s13;
	[dreg:$0xd] =	wrdreg s17  }
0x15: {  	s0 =	sadd.s32 s7, s0;
	s12 =	sshrl.u32 s20, $0x3;
	[dreg:$0xf] =	wrdreg s18  }
0x16: {  	s7 =	ssub.s32 s21, s22;
	[dreg:$0x10] =	wrdreg s19;
	s21 =	sadd.s32 $0x190, s20  }
0x17: {  	s20 =	sadd.s32 s8, s2;
	s22 =	sadd.s32 $0x1000, s2;
	s26 =	sadd.s32 $0x2000, s2  }
0x18: {  	s8 =	simm.s32 $0x0;
	s9 =	sadd.s32 s1, s12;
	s0 =	sadd.s32 $0x29600, s0  }
0x19: {  	s24 =	smax.u32 s7, $0x1;
	s25 =	sshrl.u32 s20, $0x3;
	[dreg:$0x13] =	wrdreg s22  }
0x1a: {  	[dreg:$0x15] =	wrdreg s26;
	s26 =	simm.s32 $0x2;
	s12 =	sadd.s32 $0x9C40, s9  }
0x1b: {  	[dreg:$0x7] =	wrdreg s12;
	s12 =	sadd.s32 s14, s3;
	s14 =	sadd.s32 s14, s5  }
0x1c: {  	s7 =	simm.s32 $0x3;
	s5 =	sshrl.u32 s5, $0x3;
	s14 =	sshrl.u32 s14, $0x3  }
0x1d: {  	[dreg:$0x12] =	wrdreg s0;
	s5 =	sadd.s32 s11, s5;
	s14 =	sadd.s32 s11, s14  }
0x1e: {  	v1 =	vimm.s32 $0x0;
	vm0 =	vcmask $0x300;
	s0 =	simm.s32 $0x1;
	s5 =	sadd.s32 $0x27000, s5;
	[dreg:$0xe] =	wrdreg s14  }
0x1f: {  	v0 =	vimm.f32 $0.0e+00;
	v1 =	vsel vm0, $0x3, v1;
	s11 =	simm.s32 $0x4;
	[dreg:$0x11] =	wrdreg s5;
	s5 =	simm.s32 $0x50  }
.LBB2_1:
0x20: {  	s10 =	rddreg [dreg:$0x5]  }
0x21: {  	[tilespmem:s4], [sflag:$0x1] =	stream.linear.gather [hbm4b:s10+s4], $0x2710, $0x38;
	[tilespmem:$0x1E800] =	vst v63  }
0x22: {  	s20 =	rddreg [dreg:$0x6]  }
0x23: {  	[tilespmem:s31], [sflag:$0x1] =	stream.linear.gather [hbm4b:s20+s4], $0x2710, $0x38;
	[tilespmem:$0x1E800] =	vst v63  }
.Ltmp0:
0x24: {  	_ = 	snop;
	(pc) =	sbr.rel @p0 .LBB2_5-.Ltmp0, $4  }
0x25: {  	s22 =	simm.s32 $0x5620  }
0x26: {  	[tilespmem:s22], [sflag:$0x4] =	stream.linear.gather [hbm4b:s9+s4], $0x190, $0x38;
	[tilespmem:$0x1E800] =	vst v63  }
0x27: {  	s23 =	rddreg [dreg:$0x7];
	s13 =	simm.s32 $0x5940  }
0x28: {  	[tilespmem:s13], [sflag:$0x4] =	stream.linear.gather [hbm4b:s23+s4], $0x190, $0x38;
	[tilespmem:$0x1E800] =	vst v63  }
0x29: {  	s10 =	simm.s32 $0x40;
	s13 =	simm.s32 $0x0  }
.LBB2_3:
0x2a: {  	p2 =	sne.s32 s10, $0x1FC0;
	[tilespmem:s13+$0x4E20] =	vst v0;
	s13 =	smov.u32 s10;
	s10 =	sadd.s32 $0x40, s10  }
.Ltmp1:
0x2b: {  	(pc) =	sbr.rel @p2 .LBB2_3-.Ltmp1, $2  }
0x2c: {  	_ =	sdelay $0x2  }
0x2d: {  	s13 =	sshra.s32 s13, $0x2  }
0x2e: {  	[tilespmem:s13+$0x4E20] =	vst v0;
	s19 =	simm.s32 $0x4E20  }
0x2f: {  	[spmem:s2] =	stream.linear.scatter [tilespmem:s19], [sflag:$0x5], $0x800, $0x38;
	[tilespmem:$0x1E800] =	vst v63  }
0x30: {  	_ =	swait.ge [sflag:s28], $0x800  }
0x31: {  	[sflag:s28] =	ssyncset.done $0x0  }
0x32: {  	s10 =	rddreg [dreg:$0x8];
	[sflag:s28] =	ssyncadd.s32 $0xFFFFF800  }
0x33: {  	[spmem:s10] =	stream.linear.scatter [tilespmem:s19], [sflag:$0x5], $0x800, $0x38;
	[tilespmem:$0x1E800] =	vst v63  }
0x34: {  	_ =	swait.ge [sflag:s28], $0x800  }
0x35: {  	[sflag:s28] =	ssyncset.done $0x0  }
0x36: {  	s20 =	rddreg [dreg:$0x13];
	[sflag:s28] =	ssyncadd.s32 $0xFFFFF800  }
0x37: {  	[spmem:s20] =	stream.linear.scatter [tilespmem:s19], [sflag:$0x5], $0x800, $0x38;
	[tilespmem:$0x1E800] =	vst v63  }
0x38: {  	_ =	swait.ge [sflag:s28], $0x800  }
0x39: {  	[sflag:s28] =	ssyncset.done $0x0  }
0x3a: {  	s22 =	rddreg [dreg:$0x14];
	[sflag:s28] =	ssyncadd.s32 $0xFFFFF800  }
0x3b: {  	[spmem:s22] =	stream.linear.scatter [tilespmem:s19], [sflag:$0x5], $0x800, $0x38;
	[tilespmem:$0x1E800] =	vst v63  }
0x3c: {  	_ =	swait.ge [sflag:s28], $0x800  }
0x3d: {  	[sflag:s28] =	ssyncset.done $0x0  }
0x3e: {  	s23 =	rddreg [dreg:$0x15];
	[sflag:s28] =	ssyncadd.s32 $0xFFFFF800  }
0x3f: {  	[spmem:s23] =	stream.linear.scatter [tilespmem:s19], [sflag:$0x5], $0x800, $0x38;
	[tilespmem:$0x1E800] =	vst v63  }
0x40: {  	_ =	swait.ge [sflag:s28], $0x800  }
0x41: {  	[sflag:s28] =	ssyncset.done $0x0  }
0x42: {  	[sflag:s28] =	ssyncadd.s32 $0xFFFFF800  }
.LBB2_5:
0x43: {  	s10 =	simm.s32 $0x0;
	s13 =	simm.s32 $0x200  }
.LBB2_6:
0x44: {  	p2 =	sne.s32 s13, $0x9E00;
	[tilespmem:s10+$0x5CD0] =	vst v0  }
0x45: {  	[tilespmem:s10+$0x5C60] =	vst v0  }
0x46: {  	[tilespmem:s10+$0x5C70] =	vst v0  }
.Ltmp2:
0x47: {  	[tilespmem:s10+$0x5C80] =	vst v0;
	(pc) =	sbr.rel @p2 .LBB2_6-.Ltmp2, $4  }
0x48: {  	[tilespmem:s10+$0x5C90] =	vst v0  }
0x49: {  	[tilespmem:s10+$0x5CA0] =	vst v0  }
0x4a: {  	[tilespmem:s10+$0x5CB0] =	vst v0  }
0x4b: {  	[tilespmem:s10+$0x5CC0] =	vst v0;
	s10 =	sshra.s32 s13, $0x2;
	s13 =	sadd.s32 $0x200, s13  }
0x4c: {  	[tilespmem:s10+$0x5CD0] =	vst v0  }
0x4d: {  	[tilespmem:s10+$0x5C60] =	vst v0  }
0x4e: {  	[tilespmem:s10+$0x5C70] =	vst v0  }
0x4f: {  	[tilespmem:s10+$0x5C80] =	vst v0  }
0x50: {  	[tilespmem:s10+$0x5C90] =	vst v0  }
0x51: {  	[tilespmem:s10+$0x5CA0] =	vst v0  }
0x52: {  	[tilespmem:s10+$0x5CB0] =	vst v0  }
0x53: {  	[tilespmem:s10+$0x5CC0] =	vst v0  }
0x54: {  	[spmem:s12] =	stream.linear.scatter [tilespmem:s29], [sflag:$0x5], $0x2800, $0x38;
	[tilespmem:$0x1E800] =	vst v63  }
0x55: {  	_ =	swait.ge [sflag:s28], $0x2800  }
0x56: {  	[sflag:s28] =	ssyncset.done $0x0  }
0x57: {  	s16 =	rddreg [dreg:$0x9];
	[sflag:s28] =	ssyncadd.s32 $0xFFFFD800  }
0x58: {  	[spmem:s16] =	stream.linear.scatter [tilespmem:s29], [sflag:$0x5], $0x2800, $0x38;
	[tilespmem:$0x1E800] =	vst v63  }
0x59: {  	_ =	swait.ge [sflag:s28], $0x2800  }
0x5a: {  	[sflag:s28] =	ssyncset.done $0x0  }
0x5b: {  	s17 =	rddreg [dreg:$0xa];
	[sflag:s28] =	ssyncadd.s32 $0xFFFFD800  }
0x5c: {  	[spmem:s17] =	stream.linear.scatter [tilespmem:s29], [sflag:$0x5], $0x2800, $0x38;
	[tilespmem:$0x1E800] =	vst v63  }
0x5d: {  	_ =	swait.ge [sflag:s28], $0x2800  }
0x5e: {  	[sflag:s28] =	ssyncset.done $0x0  }
0x5f: {  	s18 =	rddreg [dreg:$0xb];
	[sflag:s28] =	ssyncadd.s32 $0xFFFFD800  }
0x60: {  	[spmem:s18] =	stream.linear.scatter [tilespmem:s29], [sflag:$0x5], $0x2800, $0x38;
	[tilespmem:$0x1E800] =	vst v63  }
0x61: {  	_ =	swait.ge [sflag:s28], $0x2800  }
0x62: {  	[sflag:s28] =	ssyncset.done $0x0  }
0x63: {  	s19 =	rddreg [dreg:$0xc];
	[sflag:s28] =	ssyncadd.s32 $0xFFFFD800  }
0x64: {  	[spmem:s19] =	stream.linear.scatter [tilespmem:s29], [sflag:$0x5], $0x2800, $0x38;
	[tilespmem:$0x1E800] =	vst v63  }
0x65: {  	_ =	swait.ge [sflag:s28], $0x2800  }
0x66: {  	[sflag:s28] =	ssyncset.done $0x0  }
0x67: {  	s20 =	rddreg [dreg:$0xd];
	[sflag:s28] =	ssyncadd.s32 $0xFFFFD800  }
0x68: {  	[spmem:s20] =	stream.linear.scatter [tilespmem:s29], [sflag:$0x5], $0x2800, $0x38;
	[tilespmem:$0x1E800] =	vst v63  }
0x69: {  	_ =	swait.ge [sflag:s28], $0x2800  }
0x6a: {  	[sflag:s28] =	ssyncset.done $0x0  }
0x6b: {  	s22 =	rddreg [dreg:$0xf];
	[sflag:s28] =	ssyncadd.s32 $0xFFFFD800  }
0x6c: {  	[spmem:s22] =	stream.linear.scatter [tilespmem:s29], [sflag:$0x5], $0x2800, $0x38;
	[tilespmem:$0x1E800] =	vst v63  }
0x6d: {  	_ =	swait.ge [sflag:s28], $0x2800  }
0x6e: {  	[sflag:s28] =	ssyncset.done $0x0  }
0x6f: {  	s23 =	rddreg [dreg:$0x10];
	[sflag:s28] =	ssyncadd.s32 $0xFFFFD800  }
0x70: {  	[spmem:s23] =	stream.linear.scatter [tilespmem:s29], [sflag:$0x5], $0x2000, $0x38;
	[tilespmem:$0x1E800] =	vst v63  }
0x71: {  	_ =	swait.ge [sflag:s28], $0x2000  }
0x72: {  	[sflag:s28] =	ssyncset.done $0x0  }
0x73: {  	s10 =	simm.s32 @!p1 $0x5C60;
	[sflag:s28] =	ssyncadd.s32 $0xFFFFE000  }
0x74: {  	[spmem:s30] =	stream.linear.scatter @!p1 [tilespmem:s10], [sflag:$0x5], $0x800, $0x38;
	[tilespmem:$0x1E800] =	vst v63  }
0x75: {  	s10 =	simm.s32 @!p1 $0x5  }
0x76: {  	_ =	swait.ge @!p1 [sflag:s10], $0x800  }
0x77: {  	[sflag:s10] =	ssyncset.done @!p1 $0x0  }
0x78: {  	[sflag:s10] =	ssyncadd.s32 @!p1 $0xFFFFF800  }
0x79: {  	_ =	swait.ge [sflag:s0], $0x2710  }
0x7a: {  	[sflag:s0] =	ssyncset.done $0x0  }
0x7b: {  	[sflag:s0] =	ssyncadd.s32 $0xFFFFD8F0  }
0x7c: {  	_ =	swait.ge [sflag:s0], $0x2710  }
0x7d: {  	[sflag:s0] =	ssyncset.done $0x0  }
0x7e: {  	[sflag:s0] =	ssyncadd.s32 $0xFFFFD8F0  }
0x7f: {  	s10 =	simm.s32 $0x0;
	[bflag:$0x0] =	sbarrier.arrive $0xFFFF  }
.LBB2_8:
0x80: {  	_ =	swait.ge [sflag:s11], $0x190;
	p2 =	seq.s32 s10, $0x18  }
0x81: {  	s13 =	sand.u32 $0x1, s10;
	[sflag:s11] =	ssyncset.done $0x0;
	s14 =	smul.u32 @!p2 $0x190, s10  }
0x82: {  	s15 =	sxor.u32 @!p2 $0x1, s13;
	s17 =	simm.s32 @!p2 $0x0;
	[sflag:s11] =	ssyncadd.s32 $0xFFFFFE70  }
0x83: {  	s15 =	smul.u32 @!p2 $0x190, s15;
	_ =	swait.ge [sflag:s11], $0x190;
	s14 =	sadd.s32 @!p2 s14, s21  }
0x84: {  	s23 =	smul.u32 $0x190, s13;
	[sflag:s11] =	ssyncset.done $0x0;
	s14 =	sshrl.u32 @!p2 s14, $0x3  }
0x85: {  	s16 =	sadd.s32 @!p2 $0x5620, s15;
	[sflag:s11] =	ssyncadd.s32 $0xFFFFFE70;
	s14 =	sadd.s32 @!p2 s1, s14  }
0x86: {  	[tilespmem:s16], [sflag:$0x4] =	stream.linear.gather @!p2 [hbm4b:s14+s17], $0x190, $0x38;
	[tilespmem:$0x1E800] =	vst v63  }
0x87: {  	s13 =	sadd.s32 @!p2 $0x5940, s15;
	s14 =	sadd.s32 @!p2 $0x9C40, s14;
	s16 =	simm.s32 $0x0  }
0x88: {  	[tilespmem:s13], [sflag:$0x4] =	stream.linear.gather @!p2 [hbm4b:s14+s17], $0x190, $0x38;
	[tilespmem:$0x1E800] =	vst v63  }
0x89: {  	s13 =	sadd.s32 $0x5620, s23;
	s14 =	sadd.s32 $0x5940, s23;
	p2 =	por $0x0, $0x0  }
0x8a: {  	v2 =	vmov s13;
	v3 =	vmov s14;
	[tilespmem:s29], [sflag:$0x1] =	stream.indirect.gather [hbm4b:s6+s5], $0x80, s13, s5, $0xb8;
	[tilespmem:$0x1E800] =	vst v63  }
.LBB2_9:
0x8b: {  	p3 =	slt.u32 s16, $0x2  }
0x8c: {  	s17 =	simm.s32 @!p3 $0x3  }
0x8d: {  	_ =	swait.ge @!p3 [sflag:s17], $0x50  }
0x8e: {  	s15 =	smul.u32 $0x50, s16;
	[sflag:s17] =	ssyncset.done @!p3 $0x0  }
0x8f: {  	[sflag:s17] =	ssyncadd.s32 @!p3 $0xFFFFFFB0  }
0x90: {  	v4 =	vld.idx.msk [tilespmem:v2+s15+$0x0 ss:$0x1], $0xffff  }
0x91: {  	v5 =	vld.idx.msk [tilespmem:v3+s15+$0x0 ss:$0x1], $0xffff;
	_ =	sdelay $0x6  }
0x92: {  	v4 =	vld.idx.msk [tilespmem:v4+s4+$0x0], $0xffff  }
0x93: {  	v5 =	vld.idx.msk [tilespmem:v5+s31+$0x0], $0xffff;
	_ =	sdelay $0x4  }
0x94: {  	v4 =	vadd.f32 v5, v4;
	_ =	sdelay $0x1  }
0x95: {  	v5 =	vmul.f32 $2.000000030e-01, v4  }
0x96: {  	vm0 =	vge.f32 v4, $0.0e+00  }
0x97: {  	v4 =	vsel vm0, v4, v5  }
0x98: {  	v4 =	vmul.f32 $1.442695020e+00, v4;
	_ =	sdelay $0x1  }
0x99: {  	(erf) = vpow2.f32 v4;
	_ =	sdelay $0x5  }
0x9a: {  	s19 =	sand.u32 $0x1, s16  }
0x9b: {  	s22 =	smul.u32 $0x140, s19;
	_ =	sdelay $0x1  }
0x9c: {  	s18 =	sshrl.u32 s22, $0x2;
	v4 =	vpop (erf)  }
0x9d: {  	s23 =	sadd.s32 $0x10, s15;
	[tilespmem:s18+$0xAC60] =	vst v4  }
0x9e: {  	v4 =	vld.idx.msk [tilespmem:v2+s23+$0x0 ss:$0x1], $0xffff  }
0x9f: {  	v5 =	vld.idx.msk [tilespmem:v3+s23+$0x0 ss:$0x1], $0xffff;
	_ =	sdelay $0x6  }
0xa0: {  	v4 =	vld.idx.msk [tilespmem:v4+s4+$0x0], $0xffff  }
0xa1: {  	v5 =	vld.idx.msk [tilespmem:v5+s31+$0x0], $0xffff;
	_ =	sdelay $0x4  }
0xa2: {  	v4 =	vadd.f32 v5, v4;
	_ =	sdelay $0x1  }
0xa3: {  	v5 =	vmul.f32 $2.000000030e-01, v4  }
0xa4: {  	vm12 =	vge.f32 v4, $0.0e+00  }
0xa5: {  	v4 =	vsel vm12, v4, v5  }
0xa6: {  	v4 =	vmul.f32 $1.442695020e+00, v4;
	_ =	sdelay $0x1  }
0xa7: {  	(erf) = vpow2.f32 v4;
	_ =	sdelay $0x8  }
0xa8: {  	v4 =	vpop (erf)  }
0xa9: {  	s20 =	sadd.s32 $0x20, s15;
	[tilespmem:s18+$0xAC70] =	vst v4  }
0xaa: {  	v4 =	vld.idx.msk [tilespmem:v2+s20+$0x0 ss:$0x1], $0xffff  }
0xab: {  	v5 =	vld.idx.msk [tilespmem:v3+s20+$0x0 ss:$0x1], $0xffff;
	_ =	sdelay $0x6  }
0xac: {  	v4 =	vld.idx.msk [tilespmem:v4+s4+$0x0], $0xffff  }
0xad: {  	v5 =	vld.idx.msk [tilespmem:v5+s31+$0x0], $0xffff;
	_ =	sdelay $0x4  }
0xae: {  	v4 =	vadd.f32 v5, v4;
	_ =	sdelay $0x1  }
0xaf: {  	v5 =	vmul.f32 $2.000000030e-01, v4  }
0xb0: {  	vm13 =	vge.f32 v4, $0.0e+00  }
0xb1: {  	v4 =	vsel vm13, v4, v5  }
0xb2: {  	v4 =	vmul.f32 $1.442695020e+00, v4;
	_ =	sdelay $0x1  }
0xb3: {  	(erf) = vpow2.f32 v4;
	_ =	sdelay $0x8  }
0xb4: {  	v4 =	vpop (erf)  }
0xb5: {  	s22 =	sadd.s32 $0x30, s15;
	[tilespmem:s18+$0xAC80] =	vst v4  }
0xb6: {  	v4 =	vld.idx.msk [tilespmem:v2+s22+$0x0 ss:$0x1], $0xffff  }
0xb7: {  	v5 =	vld.idx.msk [tilespmem:v3+s22+$0x0 ss:$0x1], $0xffff;
	_ =	sdelay $0x6  }
0xb8: {  	v4 =	vld.idx.msk [tilespmem:v4+s4+$0x0], $0xffff  }
0xb9: {  	v5 =	vld.idx.msk [tilespmem:v5+s31+$0x0], $0xffff;
	_ =	sdelay $0x4  }
0xba: {  	v4 =	vadd.f32 v5, v4;
	_ =	sdelay $0x1  }
0xbb: {  	v5 =	vmul.f32 $2.000000030e-01, v4  }
0xbc: {  	vm14 =	vge.f32 v4, $0.0e+00  }
0xbd: {  	v4 =	vsel vm14, v4, v5  }
0xbe: {  	v4 =	vmul.f32 $1.442695020e+00, v4;
	_ =	sdelay $0x1  }
0xbf: {  	(erf) = vpow2.f32 v4;
	_ =	sdelay $0x8  }
0xc0: {  	v4 =	vpop (erf)  }
0xc1: {  	s23 =	sadd.s32 $0x40, s15;
	[tilespmem:s18+$0xAC90] =	vst v4  }
0xc2: {  	v4 =	vld.idx.msk [tilespmem:v2+s23+$0x0 ss:$0x1], $0xffff  }
0xc3: {  	v5 =	vld.idx.msk [tilespmem:v3+s23+$0x0 ss:$0x1], $0xffff;
	_ =	sdelay $0x6  }
0xc4: {  	v4 =	vld.idx.msk [tilespmem:v4+s4+$0x0], $0xffff  }
0xc5: {  	v5 =	vld.idx.msk [tilespmem:v5+s31+$0x0], $0xffff;
	_ =	sdelay $0x4  }
0xc6: {  	v4 =	vadd.f32 v5, v4;
	_ =	sdelay $0x1  }
0xc7: {  	v5 =	vmul.f32 $2.000000030e-01, v4  }
0xc8: {  	vm15 =	vge.f32 v4, $0.0e+00  }
0xc9: {  	v4 =	vsel vm15, v4, v5  }
0xca: {  	v4 =	vmul.f32 $1.442695020e+00, v4;
	_ =	sdelay $0x1  }
0xcb: {  	(erf) = vpow2.f32 v4;
	_ =	sdelay $0x6  }
0xcc: {  	p3 =	seq.s32 s16, $0x0  }
0xcd: {  	p4 =	seq.s32 @!p3 s16, $0x4  }
0xce: {  	s17 =	sadd.s32 $0xAC60, s18;
	p4 =	por p3, !p4;
	v4 =	vpop (erf)  }
.Ltmp3:
0xcf: {  	s15 =	sadd.s32 s15, s14;
	[tilespmem:s18+$0xACA0] =	vst v4;
	s18 =	simm.s32 @!p3 $0x2;
	(pc) =	sbr.rel @!p4 .LBB2_11-.Ltmp3, $4  }
0xd0: {  	[spmem:s2] =	stream.indirect.scatter.add.f32 [tilespmem:s17], [sflag:$0x3], $0x1, s15, s5, $0xb8;
	[tilespmem:$0x1E800] =	vst v63  }
0xd1: {  	_ =	swait.ge @!p3 [sflag:s18], $0x2800  }
0xd2: {  	[sflag:s18] =	ssyncset.done @!p3 $0x0  }
0xd3: {  	s16 =	sadd.s32 $0x1, s16;
	[sflag:s18] =	ssyncadd.s32 @!p3 $0xFFFFD800  }
0xd4: {  	s18 =	smul.u32 $0x140, s16  }
0xd5: {  	s20 =	sand.u32 $0x1, s16  }
0xd6: {  	p3 =	seq.s32 s20, $0x1;
	s20 =	simm.s32 $0x8460;
	s18 =	sshra.s32 s18, $0x2  }
0xd7: {  	s20 =	simm.s32 @!p3 $0x5C60;
	s18 =	sadd.s32 s18, s13  }
0xd8: {  	[tilespmem:s20], [sflag:$0x1] =	stream.indirect.gather [hbm4b:s6+s5], $0x80, s18, s5, $0xb8;
	[tilespmem:$0x1E800] =	vst v63  }
.LBB2_11:
0xd9: {  	s18 =	simm.s32 $0x0  }
0xda: {  	v4 =	vmov s18;
	s18 =	simm.s32 $0x1  }
0xdb: {  	s18 =	simm.s32 @!p2 $0x0  }
0xdc: {  	s18 =	smul.u32 $0xA000, s18  }
0xdd: {  	_ =	swait.ge [sflag:s0], $0x2800  }
0xde: {  	s22 =	simm.s32 $0x7;
	[sflag:s0] =	ssyncset.done $0x0;
	s18 =	sshrl.u32 s18, $0x2  }
0xdf: {  	v6 =	vmov s22;
	[sflag:s0] =	ssyncadd.s32 $0xFFFFD800;
	s18 =	sadd.s32 $0x5E60, s18  }
0xe0: {  	v4 =	vshrl.u32 v4, $0x3;
	v6 =	vshrl.u32 v6, $0x3;
	v8 =	vld [tilespmem:s18+$0xFFFFFE10]  }
0xe1: {  	v4 =	vshll.u32 v4, v1;
	v6 =	vshll.u32 v6, v1;
	v9 =	vld [tilespmem:s18+$0xFFFFFE20]  }
0xe2: {  	s20 =	simm.s32 $0x1;
	v4 =	vbroadcast v4, $0x0;
	v6 =	vadd.s32 $0x7, v6;
	v10 =	vld [tilespmem:s18+$0xFFFFFE30]  }
0xe3: {  	v5 =	vmov s20;
	v6 =	vbroadcast v6, $0x0;
	v11 =	vld [tilespmem:s18+$0xFFFFFE40]  }
0xe4: {  	v5 =	vshrl.u32 v5, $0x3;
	v12 =	vld [tilespmem:s18+$0xFFFFFE50]  }
0xe5: {  	v5 =	vshll.u32 v5, v1;
	v14 =	vld [tilespmem:s18+$0xFFFFFE60]  }
0xe6: {  	v5 =	vadd.s32 $0x1, v5;
	v15 =	vld [tilespmem:s18+$0x1F0]  }
0xe7: {  	v5 =	vbroadcast v5, $0x0;
	v16 =	vld [tilespmem:s18+$0xFFFFFE80]  }
0xe8: {  	v7 =	vld.idx.msk [tilespmem:v4+s17+$0x0], $0xffff  }
0xe9: {  	v4 =	vld.idx.msk [tilespmem:v6+s17+$0x0], $0xffff  }
0xea: {  	v6 =	vld [tilespmem:s18+$0xFFFFFE00]  }
0xeb: {  	v17 =	vld [tilespmem:s18+$0xFFFFFE90]  }
0xec: {  	v19 =	vld [tilespmem:s18+$0xFFFFFEB0]  }
0xed: {  	v5 =	vld.idx.msk [tilespmem:v5+s17+$0x0], $0xffff;
	v8 =	vmul.f32 v8, v7  }
0xee: {  	s23 =	simm.s32 $0x2;
	v18 =	vld [tilespmem:s18+$0xFFFFFEA0];
	v9 =	vmul.f32 v9, v7  }
0xef: {  	v13 =	vmov s23;
	v20 =	vld [tilespmem:s18+$0xFFFFFEC0];
	v6 =	vmul.f32 v6, v7;
	[tilespmem:s18+$0xFFFFFE10] =	vst v8  }
0xf0: {  	v13 =	vshrl.u32 v13, $0x3;
	v10 =	vmul.f32 v10, v7;
	v8 =	vld [tilespmem:s18+$0xFFFFFEE0];
	[tilespmem:s18+$0xFFFFFE20] =	vst v9  }
0xf1: {  	v15 =	vmul.f32 v15, v4;
	v9 =	vmul.f32 v11, v7;
	v11 =	vld [tilespmem:s18+$0xFFFFFEF0];
	[tilespmem:s18+$0xFFFFFE00] =	vst v6;
	v6 =	vshll.u32 v13, v1  }
0xf2: {  	s22 =	simm.s32 $0x3;
	v19 =	vmul.f32 v19, v5;
	[tilespmem:s18+$0xFFFFFE30] =	vst v10;
	v10 =	vmul.f32 v12, v7;
	v12 =	vld [tilespmem:s18+$0xFFFFFF00];
	v6 =	vadd.s32 $0x2, v6  }
0xf3: {  	v21 =	vmov s22;
	v13 =	vld [tilespmem:s18+$0xFFFFFE70];
	[tilespmem:s18+$0x1F0] =	vst v15;
	v15 =	vmul.f32 v16, v5;
	v6 =	vbroadcast v6, $0x0  }
0xf4: {  	v21 =	vshrl.u32 v21, $0x3;
	v16 =	vld [tilespmem:s18+$0xFFFFFED0];
	[tilespmem:s18+$0xFFFFFEB0] =	vst v19  }
0xf5: {  	v19 =	vld [tilespmem:s18+$0xFFFFFF80];
	[tilespmem:s18+$0xFFFFFE80] =	vst v15;
	v15 =	vshll.u32 v21, v1  }
0xf6: {  	[tilespmem:s18+$0xFFFFFE40] =	vst v9;
	v9 =	vmul.f32 v14, v7;
	v14 =	vld [tilespmem:s18+$0xFFFFFF10];
	v15 =	vadd.s32 $0x3, v15  }
0xf7: {  	[tilespmem:s18+$0xFFFFFE50] =	vst v10;
	v10 =	vld [tilespmem:s18+$0xFFFFFF20];
	v15 =	vbroadcast v15, $0x0  }
0xf8: {  	[tilespmem:s18+$0xFFFFFE60] =	vst v9;
	v9 =	vmul.f32 v17, v5;
	v17 =	vld [tilespmem:s18+$0xFFFFFF40];
	v7 =	vmul.f32 v13, v7  }
0xf9: {  	v20 =	vmul.f32 v20, v5;
	v6 =	vld.idx.msk [tilespmem:v6+s17+$0x0], $0xffff  }
0xfa: {  	v8 =	vmul.f32 v8, v5;
	v13 =	vld [tilespmem:s18+$0xFFFFFF30];
	[tilespmem:s18+$0xFFFFFE70] =	vst v7;
	v7 =	vmul.f32 v18, v5  }
0xfb: {  	[tilespmem:s18+$0xFFFFFE90] =	vst v9;
	v16 =	vmul.f32 v16, v5;
	v5 =	vmul.f32 v11, v5;
	v11 =	vld [tilespmem:s18+$0xFFFFFF90]  }
0xfc: {  	[tilespmem:s18+$0xFFFFFEA0] =	vst v7;
	v7 =	vld [tilespmem:s18+$0xFFFFFF60]  }
0xfd: {  	[tilespmem:s18+$0xFFFFFEE0] =	vst v8;
	v15 =	vld.idx.msk [tilespmem:v15+s17+$0x0], $0xffff  }
0xfe: {  	s23 =	simm.s32 $0x4;
	[tilespmem:s18+$0xFFFFFED0] =	vst v16;
	v16 =	vld [tilespmem:s18+$0xFFFFFFD0];
	v9 =	vmul.f32 v12, v6  }
0xff: {  	v18 =	vmov s23;
	[tilespmem:s18+$0xFFFFFEF0] =	vst v5;
	v12 =	vld [tilespmem:s18+$0xFFFFFF50];
	v8 =	vmul.f32 v14, v6  }
0x100: {  	v18 =	vshrl.u32 v18, $0x3;
	v14 =	vld [tilespmem:s18+$0xFFFFFFA0];
	v5 =	vmul.f32 v10, v6;
	[tilespmem:s18+$0xFFFFFF00] =	vst v9  }
0x101: {  	s22 =	simm.s32 $0x5;
	v10 =	vld [tilespmem:s18+$0xFFFFFFB0];
	v17 =	vmul.f32 v17, v6;
	v7 =	vmul.f32 v7, v6;
	v9 =	vshll.u32 v18, v1;
	[tilespmem:s18+$0xFFFFFF10] =	vst v8  }
0x102: {  	v18 =	vld [tilespmem:s18+$0xFFFFFF70];
	[tilespmem:s18+$0xFFFFFF20] =	vst v5;
	v5 =	vmul.f32 v19, v15;
	v19 =	vmov s22;
	v9 =	vadd.s32 $0x4, v9  }
0x103: {  	v8 =	vmul.f32 v13, v6;
	v13 =	vld [tilespmem:s18+$0xFFFFFFC0];
	[tilespmem:s18+$0xFFFFFF40] =	vst v17;
	v19 =	vshrl.u32 v19, $0x3;
	v9 =	vbroadcast v9, $0x0  }
0x104: {  	v17 =	vld [tilespmem:s18+$0xFFFFFFF0];
	[tilespmem:s18+$0xFFFFFF80] =	vst v5;
	v5 =	vshll.u32 v19, v1  }
0x105: {  	[tilespmem:s18+$0xFFFFFF60] =	vst v7;
	v7 =	vmul.f32 v11, v15;
	v11 =	vld [tilespmem:s18+$0x10];
	v5 =	vadd.s32 $0x5, v5  }
0x106: {  	[tilespmem:s18+$0xFFFFFF30] =	vst v8;
	v8 =	vld [tilespmem:s18+$0xFFFFFFE0];
	v12 =	vmul.f32 v12, v6;
	v5 =	vbroadcast v5, $0x0  }
0x107: {  	[tilespmem:s18+$0xFFFFFF90] =	vst v7;
	v7 =	vmul.f32 v10, v15;
	v10 =	vld [tilespmem:s18+$0x30];
	v6 =	vmul.f32 v18, v6  }
0x108: {  	[tilespmem:s18+$0xFFFFFF50] =	vst v12;
	v12 =	vld [tilespmem:s18+$0x0]  }
0x109: {  	[tilespmem:s18+$0xFFFFFF70] =	vst v6;
	v6 =	vmul.f32 v14, v15;
	v9 =	vld.idx.msk [tilespmem:v9+s17+$0x0], $0xffff  }
0x10a: {  	[tilespmem:s18+$0xFFFFFEC0] =	vst v20;
	v16 =	vmul.f32 v16, v15;
	v14 =	vld [tilespmem:s18+$0x20]  }
0x10b: {  	[tilespmem:s18+$0xFFFFFFA0] =	vst v6;
	v6 =	vmul.f32 v13, v15;
	v13 =	vld [tilespmem:s18+$0x40]  }
0x10c: {  	[tilespmem:s18+$0xFFFFFFD0] =	vst v16;
	v19 =	vld.idx.msk [tilespmem:v5+s17+$0x0], $0xffff  }
0x10d: {  	s23 =	simm.s32 $0x6;
	[tilespmem:s18+$0xFFFFFFB0] =	vst v7;
	v5 =	vmul.f32 v8, v15;
	v8 =	vmul.f32 v17, v15;
	v15 =	vld [tilespmem:s18+$0x70]  }
0x10e: {  	v18 =	vmov s23;
	v17 =	vld [tilespmem:s18+$0xE0];
	[tilespmem:s18+$0xFFFFFFC0] =	vst v6;
	v7 =	vmul.f32 v12, v9  }
0x10f: {  	v18 =	vshrl.u32 v18, $0x3;
	v6 =	vld [tilespmem:s18+$0x60];
	[tilespmem:s18+$0xFFFFFFE0] =	vst v5  }
0x110: {  	v12 =	vld [tilespmem:s18+$0x50];
	v5 =	vmul.f32 v11, v9;
	[tilespmem:s18+$0x0] =	vst v7;
	v7 =	vshll.u32 v18, v1  }
0x111: {  	[tilespmem:s18+$0xFFFFFFF0] =	vst v8;
	v11 =	vld [tilespmem:s18+$0x80];
	v8 =	vmul.f32 v14, v9;
	v7 =	vadd.s32 $0x6, v7  }
0x112: {  	v14 =	vld [tilespmem:s18+$0x90];
	[tilespmem:s18+$0x10] =	vst v5;
	v5 =	vmul.f32 v10, v9;
	v7 =	vbroadcast v7, $0x0  }
0x113: {  	v10 =	vld [tilespmem:s18+$0xA0];
	[tilespmem:s18+$0x20] =	vst v8;
	v8 =	vmul.f32 v13, v9  }
0x114: {  	v13 =	vld [tilespmem:s18+$0xB0];
	v6 =	vmul.f32 v6, v9;
	[tilespmem:s18+$0x30] =	vst v5  }
0x115: {  	[tilespmem:s18+$0x40] =	vst v8;
	v5 =	vmul.f32 v12, v9;
	v12 =	vld [tilespmem:s18+$0xC0]  }
0x116: {  	s22 =	simm.s32 $0x8;
	s23 =	simm.s32 $0x9;
	v8 =	vmul.f32 v11, v19;
	v11 =	vld [tilespmem:s18+$0xD0];
	[tilespmem:s18+$0x60] =	vst v6  }
0x117: {  	v16 =	vmov s22;
	s22 =	simm.s32 $0xA;
	v18 =	vld [tilespmem:s18+$0x100];
	v6 =	vmov s23;
	v14 =	vmul.f32 v14, v19;
	[tilespmem:s18+$0x50] =	vst v5  }
0x118: {  	v6 =	vshrl.u32 v6, $0x3;
	[tilespmem:s18+$0x80] =	vst v8;
	v8 =	vmov s22;
	v10 =	vmul.f32 v10, v19;
	v5 =	vld.idx.msk [tilespmem:v7+s17+$0x0], $0xffff  }
0x119: {  	s23 =	simm.s32 $0xC;
	[tilespmem:s18+$0x90] =	vst v14;
	v13 =	vmul.f32 v13, v19;
	v8 =	vshrl.u32 v8, $0x3;
	v7 =	vmul.f32 v15, v9;
	v15 =	vld [tilespmem:s18+$0xF0]  }
0x11a: {  	v14 =	vld [tilespmem:s18+$0x110];
	[tilespmem:s18+$0xA0] =	vst v10;
	v8 =	vshll.u32 v8, v1;
	v9 =	vshrl.u32 v16, $0x3;
	v16 =	vmov s23;
	s23 =	simm.s32 $0xE  }
0x11b: {  	s22 =	simm.s32 $0xB;
	[tilespmem:s18+$0xB0] =	vst v13;
	v13 =	vld [tilespmem:s18+$0x130];
	v10 =	vmul.f32 v12, v19;
	v11 =	vmul.f32 v11, v19;
	v61 =	vmov s23  }
0x11c: {  	v12 =	vld [tilespmem:s18+$0x120];
	v9 =	vshll.u32 v9, v1;
	v16 =	vshrl.u32 v16, $0x3;
	[tilespmem:s18+$0x70] =	vst v7;
	v7 =	vmov s22;
	s22 =	simm.s32 $0xD  }
0x11d: {  	[tilespmem:s18+$0xC0] =	vst v10;
	v10 =	vmul.f32 v17, v19;
	v16 =	vshll.u32 v16, v1;
	v20 =	vmov s22  }
0x11e: {  	v17 =	vld [tilespmem:s18+$0x140];
	[tilespmem:s18+$0xD0] =	vst v11;
	v22 =	vshrl.u32 v7, $0x3;
	v11 =	vmul.f32 v15, v19;
	v15 =	vmul.f32 v18, v5  }
0x11f: {  	v7 =	vbroadcast v9, $0x0;
	v9 =	vshrl.u32 v20, $0x3;
	v20 =	vshll.u32 v6, v1;
	[tilespmem:s18+$0xE0] =	vst v10;
	v19 =	vld [tilespmem:s18+$0x150]  }
0x120: {  	v62 =	vld [tilespmem:s18+$0x160];
	v10 =	vshll.u32 v22, v1;
	v18 =	vshrl.u32 v61, $0x3;
	v14 =	vmul.f32 v14, v5;
	[tilespmem:s18+$0x100] =	vst v15  }
0x121: {  	v6 =	vld [tilespmem:s18+$0x170];
	v12 =	vmul.f32 v12, v5;
	v13 =	vmul.f32 v13, v5;
	v63 =	vshll.u32 v18, v1;
	[tilespmem:s18+$0xF0] =	vst v11  }
0x122: {  	s19 =	smul.u32 $0xA000, s19;
	v18 =	vadd.s32 $0x3, v10;
	v11 =	vshll.u32 v9, v1;
	v15 =	vadd.s32 $0x1, v20;
	[tilespmem:s18+$0x110] =	vst v14;
	v9 =	vld [tilespmem:s18+$0x180]  }
0x123: {  	v10 =	vld [tilespmem:s18+$0x190];
	v20 =	vadd.s32 $0x2, v8;
	v14 =	vadd.s32 $0x4, v16;
	[tilespmem:s18+$0x120] =	vst v12;
	v12 =	vmul.f32 v17, v5  }
0x124: {  	s19 =	sshrl.u32 s19, $0x2;
	[tilespmem:s18+$0x130] =	vst v13;
	v8 =	vbroadcast v15, $0x0;
	v15 =	vadd.s32 $0x5, v11;
	v11 =	vld [tilespmem:s18+$0x1A0];
	v17 =	vmul.f32 v19, v5  }
0x125: {  	s20 =	simm.s32 $0x10;
	s19 =	sadd.s32 $0x5C60, s19;
	s22 =	simm.s32 $0xF;
	v16 =	vadd.s32 $0x6, v63;
	v13 =	vbroadcast v20, $0x0;
	[tilespmem:s18+$0x140] =	vst v12;
	v12 =	vld [tilespmem:s18+$0x1B0];
	v19 =	vmul.f32 v62, v5  }
.LBB2_12:
0x126: {  	p3 =	slt.u32 s20, $0x48;
	v18 =	vbroadcast v18, $0x0;
	v20 =	vmov s22;
	[tilespmem:s18+$0x150] =	vst v17;
	v5 =	vmul.f32 v6, v5;
	v6 =	vld [tilespmem:s18+$0x1C0]  }
0x127: {  	v14 =	vbroadcast v14, $0x0;
	v17 =	vshrl.u32 v20, $0x3;
	[tilespmem:s18+$0x160] =	vst v19;
	v9 =	vmul.f32 v9, v4;
	v19 =	vld [tilespmem:s18+$0x1D0]  }
0x128: {  	v15 =	vbroadcast v15, $0x0;
	v17 =	vshll.u32 v17, v1;
	[tilespmem:s18+$0x170] =	vst v5;
	v5 =	vmul.f32 v10, v4;
	v10 =	vld [tilespmem:s18+$0x1E0]  }
0x129: {  	v16 =	vbroadcast v16, $0x0;
	v20 =	vld.idx.msk [tilespmem:v7+s17+$0x0], $0xffff;
	v7 =	vadd.s32 $0x7, v17;
	[tilespmem:s18+$0x180] =	vst v9;
	v9 =	vmul.f32 v11, v4  }
0x12a: {  	v11 =	vld.idx.msk [tilespmem:v8+s17+$0x0], $0xffff;
	v17 =	vbroadcast v7, $0x0;
	[tilespmem:s18+$0x190] =	vst v5;
	v5 =	vmul.f32 v12, v4  }
0x12b: {  	v12 =	vld.idx.msk [tilespmem:v13+s17+$0x0], $0xffff;
	[tilespmem:s18+$0x1A0] =	vst v9;
	v6 =	vmul.f32 v6, v4  }
0x12c: {  	v8 =	vld.idx.msk [tilespmem:v18+s17+$0x0], $0xffff;
	[tilespmem:s18+$0x1B0] =	vst v5;
	v5 =	vmul.f32 v19, v4  }
0x12d: {  	v7 =	vld.idx.msk [tilespmem:v14+s17+$0x0], $0xffff;
	[tilespmem:s18+$0x1C0] =	vst v6;
	v4 =	vmul.f32 v10, v4  }
0x12e: {  	v6 =	vld.idx.msk [tilespmem:v15+s17+$0x0], $0xffff;
	[tilespmem:s18+$0x1D0] =	vst v5  }
0x12f: {  	v5 =	vld.idx.msk [tilespmem:v16+s17+$0x0], $0xffff;
	[tilespmem:s18+$0x1E0] =	vst v4  }
0x130: {  	s18 =	sadd.s32 $0x400, s18;
	v4 =	vld.idx.msk [tilespmem:v17+s17+$0x0], $0xffff  }
0x131: {  	v9 =	vld [tilespmem:s18+$0x1F0]  }
0x132: {  	v10 =	vld [tilespmem:s18+$0xFFFFFE00]  }
0x133: {  	v13 =	vld [tilespmem:s18+$0xFFFFFE10]  }
0x134: {  	v14 =	vld [tilespmem:s18+$0xFFFFFE20]  }
0x135: {  	v15 =	vld [tilespmem:s18+$0xFFFFFE30]  }
0x136: {  	v16 =	vld [tilespmem:s18+$0xFFFFFE40];
	v9 =	vmul.f32 v9, v4  }
0x137: {  	v10 =	vmul.f32 v10, v20;
	v17 =	vld [tilespmem:s18+$0xFFFFFE50]  }
0x138: {  	v13 =	vmul.f32 v13, v20;
	v18 =	vld [tilespmem:s18+$0xFFFFFE60];
	[tilespmem:s18+$0x1F0] =	vst v9  }
0x139: {  	[tilespmem:s18+$0xFFFFFE00] =	vst v10;
	v9 =	vmul.f32 v14, v20;
	v10 =	vld [tilespmem:s18+$0xFFFFFE70]  }
0x13a: {  	[tilespmem:s18+$0xFFFFFE10] =	vst v13;
	v13 =	vmul.f32 v15, v20;
	v14 =	vld [tilespmem:s18+$0xFFFFFE80]  }
0x13b: {  	[tilespmem:s18+$0xFFFFFE20] =	vst v9;
	v9 =	vmul.f32 v16, v20;
	v15 =	vld [tilespmem:s18+$0xFFFFFE90]  }
0x13c: {  	[tilespmem:s18+$0xFFFFFE30] =	vst v13;
	v13 =	vmul.f32 v17, v20;
	v16 =	vld [tilespmem:s18+$0xFFFFFEA0]  }
0x13d: {  	[tilespmem:s18+$0xFFFFFE40] =	vst v9;
	v9 =	vmul.f32 v18, v20;
	v17 =	vld [tilespmem:s18+$0xFFFFFEB0]  }
0x13e: {  	[tilespmem:s18+$0xFFFFFE50] =	vst v13;
	v10 =	vmul.f32 v10, v20;
	v13 =	vld [tilespmem:s18+$0xFFFFFEC0]  }
0x13f: {  	[tilespmem:s18+$0xFFFFFE60] =	vst v9;
	v9 =	vmul.f32 v14, v11;
	v14 =	vld [tilespmem:s18+$0xFFFFFED0]  }
0x140: {  	[tilespmem:s18+$0xFFFFFE70] =	vst v10;
	v10 =	vmul.f32 v15, v11;
	v15 =	vld [tilespmem:s18+$0xFFFFFEE0]  }
0x141: {  	[tilespmem:s18+$0xFFFFFE80] =	vst v9;
	v9 =	vmul.f32 v16, v11;
	v16 =	vld [tilespmem:s18+$0xFFFFFEF0]  }
0x142: {  	[tilespmem:s18+$0xFFFFFE90] =	vst v10;
	v10 =	vmul.f32 v17, v11;
	v17 =	vld [tilespmem:s18+$0xFFFFFF00]  }
0x143: {  	[tilespmem:s18+$0xFFFFFEA0] =	vst v9;
	v9 =	vmul.f32 v13, v11;
	v13 =	vld [tilespmem:s18+$0xFFFFFF10]  }
0x144: {  	[tilespmem:s18+$0xFFFFFEB0] =	vst v10;
	v10 =	vmul.f32 v14, v11;
	v14 =	vld [tilespmem:s18+$0xFFFFFF20]  }
0x145: {  	[tilespmem:s18+$0xFFFFFEC0] =	vst v9;
	v9 =	vmul.f32 v15, v11;
	v15 =	vld [tilespmem:s18+$0xFFFFFF30]  }
0x146: {  	[tilespmem:s18+$0xFFFFFED0] =	vst v10;
	v10 =	vmul.f32 v16, v11;
	v11 =	vld [tilespmem:s18+$0xFFFFFF40]  }
0x147: {  	[tilespmem:s18+$0xFFFFFEE0] =	vst v9;
	v9 =	vmul.f32 v17, v12;
	v16 =	vld [tilespmem:s18+$0xFFFFFF50]  }
0x148: {  	[tilespmem:s18+$0xFFFFFEF0] =	vst v10;
	v10 =	vmul.f32 v13, v12;
	v13 =	vld [tilespmem:s18+$0xFFFFFF60]  }
0x149: {  	[tilespmem:s18+$0xFFFFFF00] =	vst v9;
	v9 =	vmul.f32 v14, v12;
	v14 =	vld [tilespmem:s18+$0xFFFFFF70]  }
0x14a: {  	[tilespmem:s18+$0xFFFFFF10] =	vst v10;
	v10 =	vmul.f32 v15, v12;
	v15 =	vld [tilespmem:s18+$0xFFFFFF80]  }
0x14b: {  	[tilespmem:s18+$0xFFFFFF20] =	vst v9;
	v9 =	vmul.f32 v11, v12;
	v11 =	vld [tilespmem:s18+$0xFFFFFF90]  }
0x14c: {  	[tilespmem:s18+$0xFFFFFF30] =	vst v10;
	v10 =	vmul.f32 v16, v12;
	v16 =	vld [tilespmem:s18+$0xFFFFFFA0]  }
0x14d: {  	[tilespmem:s18+$0xFFFFFF40] =	vst v9;
	v9 =	vmul.f32 v13, v12;
	v13 =	vld [tilespmem:s18+$0xFFFFFFB0]  }
0x14e: {  	[tilespmem:s18+$0xFFFFFF50] =	vst v10;
	v10 =	vmul.f32 v14, v12;
	v12 =	vld [tilespmem:s18+$0xFFFFFFC0]  }
0x14f: {  	[tilespmem:s18+$0xFFFFFF60] =	vst v9;
	v9 =	vmul.f32 v15, v8;
	v14 =	vld [tilespmem:s18+$0xFFFFFFD0]  }
0x150: {  	[tilespmem:s18+$0xFFFFFF70] =	vst v10;
	v10 =	vmul.f32 v11, v8;
	v11 =	vld [tilespmem:s18+$0xFFFFFFE0]  }
0x151: {  	[tilespmem:s18+$0xFFFFFF80] =	vst v9;
	v9 =	vmul.f32 v16, v8;
	v15 =	vld [tilespmem:s18+$0xFFFFFFF0]  }
0x152: {  	[tilespmem:s18+$0xFFFFFF90] =	vst v10;
	v10 =	vmul.f32 v13, v8;
	v13 =	vld [tilespmem:s18+$0x0]  }
0x153: {  	[tilespmem:s18+$0xFFFFFFA0] =	vst v9;
	v9 =	vmul.f32 v12, v8;
	v12 =	vld [tilespmem:s18+$0x10]  }
0x154: {  	[tilespmem:s18+$0xFFFFFFB0] =	vst v10;
	v10 =	vmul.f32 v14, v8;
	v14 =	vld [tilespmem:s18+$0x20]  }
0x155: {  	[tilespmem:s18+$0xFFFFFFC0] =	vst v9;
	v9 =	vmul.f32 v11, v8;
	v11 =	vld [tilespmem:s18+$0x30]  }
0x156: {  	[tilespmem:s18+$0xFFFFFFD0] =	vst v10;
	v8 =	vmul.f32 v15, v8;
	v10 =	vld [tilespmem:s18+$0x40]  }
0x157: {  	[tilespmem:s18+$0xFFFFFFE0] =	vst v9;
	v9 =	vmul.f32 v13, v7;
	v13 =	vld [tilespmem:s18+$0x50]  }
0x158: {  	[tilespmem:s18+$0xFFFFFFF0] =	vst v8;
	v8 =	vmul.f32 v12, v7;
	v12 =	vld [tilespmem:s18+$0x60]  }
0x159: {  	[tilespmem:s18+$0x0] =	vst v9;
	v9 =	vmul.f32 v14, v7;
	v14 =	vld [tilespmem:s18+$0x70]  }
0x15a: {  	[tilespmem:s18+$0x10] =	vst v8;
	v8 =	vmul.f32 v11, v7;
	v11 =	vld [tilespmem:s18+$0x80]  }
0x15b: {  	[tilespmem:s18+$0x20] =	vst v9;
	v9 =	vmul.f32 v10, v7;
	v10 =	vld [tilespmem:s18+$0x90]  }
0x15c: {  	[tilespmem:s18+$0x30] =	vst v8;
	v8 =	vmul.f32 v13, v7;
	v13 =	vld [tilespmem:s18+$0xA0]  }
0x15d: {  	[tilespmem:s18+$0x40] =	vst v9;
	v9 =	vmul.f32 v12, v7;
	v12 =	vld [tilespmem:s18+$0xB0]  }
0x15e: {  	v15 =	vmov s20;
	[tilespmem:s18+$0x50] =	vst v8;
	v7 =	vmul.f32 v14, v7;
	v8 =	vld [tilespmem:s18+$0xC0]  }
0x15f: {  	s22 =	sadd.s32 $0x1, s20;
	s23 =	sadd.s32 $0x2, s20;
	v14 =	vshrl.u32 v15, $0x3;
	[tilespmem:s18+$0x60] =	vst v9;
	v9 =	vmul.f32 v11, v6;
	v11 =	vld [tilespmem:s18+$0xD0]  }
0x160: {  	v16 =	vmov s23;
	s23 =	sadd.s32 $0x4, s20;
	v15 =	vmov s22;
	s22 =	sadd.s32 $0x3, s20;
	[tilespmem:s18+$0x70] =	vst v7;
	v7 =	vmul.f32 v10, v6;
	v10 =	vld [tilespmem:s18+$0xE0]  }
0x161: {  	v18 =	vmov s23;
	s23 =	sadd.s32 $0x6, s20;
	v17 =	vmov s22;
	s22 =	sadd.s32 $0x5, s20;
	[tilespmem:s18+$0x80] =	vst v9;
	v9 =	vmul.f32 v13, v6;
	v13 =	vld [tilespmem:s18+$0xF0]  }
0x162: {  	v20 =	vmov s23;
	v19 =	vmov s22;
	[tilespmem:s18+$0x90] =	vst v7;
	v7 =	vmul.f32 v12, v6;
	v12 =	vld [tilespmem:s18+$0x100]  }
0x163: {  	v14 =	vshll.u32 v14, v1;
	v15 =	vshrl.u32 v15, $0x3;
	[tilespmem:s18+$0xA0] =	vst v9;
	v8 =	vmul.f32 v8, v6;
	v9 =	vld [tilespmem:s18+$0x110]  }
0x164: {  	v16 =	vshrl.u32 v16, $0x3;
	v17 =	vshrl.u32 v17, $0x3;
	[tilespmem:s18+$0xB0] =	vst v7;
	v11 =	vmul.f32 v11, v6;
	v21 =	vld [tilespmem:s18+$0x120]  }
0x165: {  	v18 =	vshrl.u32 v18, $0x3;
	v19 =	vshrl.u32 v19, $0x3;
	[tilespmem:s18+$0xC0] =	vst v8;
	v8 =	vmul.f32 v10, v6;
	v10 =	vld [tilespmem:s18+$0x130]  }
0x166: {  	v7 =	vbroadcast v14, $0x0;
	v14 =	vshrl.u32 v20, $0x3;
	[tilespmem:s18+$0xD0] =	vst v11;
	v6 =	vmul.f32 v13, v6;
	v11 =	vld [tilespmem:s18+$0x140]  }
0x167: {  	v13 =	vshll.u32 v15, v1;
	v15 =	vshll.u32 v16, v1;
	[tilespmem:s18+$0xE0] =	vst v8;
	v8 =	vmul.f32 v12, v5;
	v12 =	vld [tilespmem:s18+$0x150]  }
0x168: {  	v16 =	vshll.u32 v17, v1;
	v17 =	vshll.u32 v18, v1;
	[tilespmem:s18+$0xF0] =	vst v6;
	v9 =	vmul.f32 v9, v5;
	v20 =	vld [tilespmem:s18+$0x160]  }
.Ltmp4:
0x169: {  	v19 =	vshll.u32 v19, v1;
	v22 =	vshll.u32 v14, v1;
	[tilespmem:s18+$0x100] =	vst v8;
	v8 =	vmul.f32 v21, v5;
	v6 =	vld [tilespmem:s18+$0x170];
	(pc) =	sbr.rel @p3 .LBB2_12-.Ltmp4, $4  }
0x16a: {  	v13 =	vadd.s32 $0x1, v13;
	v21 =	vadd.s32 $0x2, v15;
	[tilespmem:s18+$0x110] =	vst v9;
	v23 =	vmul.f32 v10, v5;
	v9 =	vld [tilespmem:s18+$0x180]  }
0x16b: {  	v18 =	vadd.s32 $0x3, v16;
	v14 =	vadd.s32 $0x4, v17;
	[tilespmem:s18+$0x120] =	vst v8;
	v24 =	vmul.f32 v11, v5;
	v10 =	vld [tilespmem:s18+$0x190]  }
0x16c: {  	v15 =	vadd.s32 $0x5, v19;
	v8 =	vbroadcast v13, $0x0;
	[tilespmem:s18+$0x130] =	vst v23;
	v17 =	vmul.f32 v12, v5;
	v11 =	vld [tilespmem:s18+$0x1A0]  }
0x16d: {  	s22 =	sadd.s32 $0x7, s20;
	s20 =	sadd.s32 $0x8, s20;
	v16 =	vadd.s32 $0x6, v22;
	v13 =	vbroadcast v21, $0x0;
	[tilespmem:s18+$0x140] =	vst v24;
	v19 =	vmul.f32 v20, v5;
	v12 =	vld [tilespmem:s18+$0x1B0]  }
0x16e: {  	_ = 	snop  }
0x16f: {  	v21 =	vld [tilespmem:s18+$0x1C0]  }
0x170: {  	v22 =	vld [tilespmem:s18+$0x1D0]  }
0x171: {  	v23 =	vld [tilespmem:s18+$0x1E0]  }
0x172: {  	v24 =	vld.idx.msk [tilespmem:v7+s17+$0x0], $0xffff  }
0x173: {  	v58 =	vld.idx.msk [tilespmem:v8+s17+$0x0], $0xffff  }
0x174: {  	s23 =	sadd.s32 $0x400, s18;
	v13 =	vld.idx.msk [tilespmem:v13+s17+$0x0], $0xffff  }
0x175: {  	v60 =	vld [tilespmem:s23+$0x1F0]  }
0x176: {  	v62 =	vld [tilespmem:s23+$0xFFFFFE00]  }
0x177: {  	[tilespmem:s18+$0x160] =	vst v19;
	v19 =	vld [tilespmem:s23+$0xFFFFFE10]  }
0x178: {  	v26 =	vld [tilespmem:s23+$0xFFFFFE40]  }
0x179: {  	v5 =	vmul.f32 v6, v5;
	v27 =	vld [tilespmem:s23+$0xFFFFFE50]  }
0x17a: {  	[tilespmem:s18+$0x150] =	vst v17;
	v9 =	vmul.f32 v9, v4;
	v28 =	vld [tilespmem:s23+$0xFFFFFE60]  }
0x17b: {  	v14 =	vbroadcast v14, $0x0;
	v29 =	vld [tilespmem:s23+$0xFFFFFE70];
	[tilespmem:s18+$0x170] =	vst v5;
	v10 =	vmul.f32 v10, v4  }
0x17c: {  	v30 =	vld [tilespmem:s23+$0xFFFFFE80];
	[tilespmem:s18+$0x180] =	vst v9;
	v59 =	vmul.f32 v11, v4  }
0x17d: {  	v31 =	vld [tilespmem:s23+$0xFFFFFE90];
	[tilespmem:s18+$0x190] =	vst v10;
	v61 =	vmul.f32 v12, v4  }
0x17e: {  	v33 =	vld [tilespmem:s23+$0xFFFFFEA0];
	[tilespmem:s18+$0x1A0] =	vst v59;
	v63 =	vmul.f32 v21, v4  }
0x17f: {  	v21 =	vmul.f32 v22, v4;
	v22 =	vld [tilespmem:s23+$0xFFFFFE20];
	[tilespmem:s18+$0x1B0] =	vst v61  }
0x180: {  	v34 =	vld [tilespmem:s23+$0xFFFFFEB0];
	v4 =	vmul.f32 v23, v4;
	[tilespmem:s18+$0x1C0] =	vst v63  }
0x181: {  	v8 =	vld.idx.msk [tilespmem:v14+s17+$0x0], $0xffff;
	v14 =	vmul.f32 v19, v24;
	[tilespmem:s18+$0x1D0] =	vst v21  }
0x182: {  	v36 =	vld [tilespmem:s23+$0xFFFFFEC0];
	[tilespmem:s18+$0x1E0] =	vst v4;
	v4 =	vmul.f32 v62, v24  }
0x183: {  	v37 =	vld [tilespmem:s23+$0xFFFFFED0];
	v32 =	vmul.f32 v27, v24;
	[tilespmem:s23+$0xFFFFFE10] =	vst v14  }
0x184: {  	v39 =	vld [tilespmem:s23+$0xFFFFFEE0];
	[tilespmem:s23+$0xFFFFFE00] =	vst v4;
	v4 =	vmul.f32 v22, v24  }
0x185: {  	v40 =	vld [tilespmem:s23+$0xFFFFFEF0];
	v35 =	vmul.f32 v29, v24;
	[tilespmem:s23+$0xFFFFFE50] =	vst v32  }
0x186: {  	v42 =	vld [tilespmem:s23+$0xFFFFFF00];
	[tilespmem:s23+$0xFFFFFE20] =	vst v4;
	v4 =	vmul.f32 v26, v24  }
0x187: {  	v43 =	vld [tilespmem:s23+$0xFFFFFF10];
	v38 =	vmul.f32 v31, v58;
	[tilespmem:s23+$0xFFFFFE70] =	vst v35  }
0x188: {  	v45 =	vld [tilespmem:s23+$0xFFFFFF20];
	[tilespmem:s23+$0xFFFFFE40] =	vst v4;
	v4 =	vmul.f32 v28, v24  }
0x189: {  	v46 =	vld [tilespmem:s23+$0xFFFFFF30];
	v41 =	vmul.f32 v34, v58;
	[tilespmem:s23+$0xFFFFFE90] =	vst v38  }
0x18a: {  	v20 =	vmov s22;
	v48 =	vld [tilespmem:s23+$0xFFFFFF40];
	[tilespmem:s23+$0xFFFFFE60] =	vst v4;
	v4 =	vmul.f32 v30, v58  }
0x18b: {  	v20 =	vshrl.u32 v20, $0x3;
	v49 =	vld [tilespmem:s23+$0xFFFFFF50];
	v44 =	vmul.f32 v37, v58;
	[tilespmem:s23+$0xFFFFFEB0] =	vst v41  }
0x18c: {  	v18 =	vbroadcast v18, $0x0;
	v51 =	vld [tilespmem:s23+$0xFFFFFF60];
	v20 =	vshll.u32 v20, v1;
	[tilespmem:s23+$0xFFFFFE80] =	vst v4;
	v4 =	vmul.f32 v33, v58  }
0x18d: {  	v52 =	vld [tilespmem:s23+$0xFFFFFF70];
	v57 =	vadd.s32 $0x7, v20;
	v47 =	vmul.f32 v40, v58;
	[tilespmem:s23+$0xFFFFFED0] =	vst v44  }
0x18e: {  	v54 =	vld [tilespmem:s23+$0xFFFFFF80];
	v25 =	vbroadcast v57, $0x0;
	[tilespmem:s23+$0xFFFFFEA0] =	vst v4;
	v4 =	vmul.f32 v36, v58  }
0x18f: {  	v15 =	vbroadcast v15, $0x0;
	v55 =	vld [tilespmem:s23+$0xFFFFFF90];
	v50 =	vmul.f32 v43, v13;
	[tilespmem:s23+$0xFFFFFEF0] =	vst v47  }
0x190: {  	v16 =	vbroadcast v16, $0x0;
	v20 =	vld [tilespmem:s23+$0x10];
	[tilespmem:s23+$0xFFFFFEC0] =	vst v4;
	v4 =	vmul.f32 v39, v58  }
0x191: {  	v57 =	vld [tilespmem:s23+$0xFFFFFFA0];
	v53 =	vmul.f32 v46, v13;
	[tilespmem:s23+$0xFFFFFF10] =	vst v50  }
0x192: {  	v18 =	vld.idx.msk [tilespmem:v18+s17+$0x0], $0xffff;
	[tilespmem:s23+$0xFFFFFEE0] =	vst v4;
	v4 =	vmul.f32 v42, v13  }
0x193: {  	v56 =	vmul.f32 v49, v13;
	v61 =	vld [tilespmem:s23+$0xFFFFFFD0];
	[tilespmem:s23+$0xFFFFFF30] =	vst v53  }
0x194: {  	v5 =	vld.idx.msk [tilespmem:v25+s17+$0x0], $0xffff;
	[tilespmem:s23+$0xFFFFFF00] =	vst v4;
	v4 =	vmul.f32 v45, v13  }
0x195: {  	v7 =	vld.idx.msk [tilespmem:v15+s17+$0x0], $0xffff;
	v59 =	vmul.f32 v52, v13;
	[tilespmem:s23+$0xFFFFFF50] =	vst v56  }
0x196: {  	v6 =	vld.idx.msk [tilespmem:v16+s17+$0x0], $0xffff;
	[tilespmem:s23+$0xFFFFFF20] =	vst v4;
	v4 =	vmul.f32 v48, v13  }
0x197: {  	v37 =	vld [tilespmem:s23+$0xD0];
	[tilespmem:s23+$0xFFFFFF70] =	vst v59;
	v62 =	vmul.f32 v55, v18  }
0x198: {  	v43 =	vld [tilespmem:s23+$0x110];
	[tilespmem:s23+$0xFFFFFF40] =	vst v4;
	v4 =	vmul.f32 v51, v13  }
0x199: {  	v21 =	vmul.f32 v61, v18;
	[tilespmem:s23+$0xFFFFFF90] =	vst v62;
	v11 =	vmul.f32 v60, v5;
	v60 =	vld [tilespmem:s23+$0xFFFFFFC0]  }
0x19a: {  	v46 =	vld [tilespmem:s23+$0x130];
	[tilespmem:s23+$0xFFFFFF60] =	vst v4;
	v4 =	vmul.f32 v54, v18  }
0x19b: {  	v63 =	vld [tilespmem:s23+$0xFFFFFFE0];
	v27 =	vmul.f32 v20, v8;
	[tilespmem:s23+$0xFFFFFFD0] =	vst v21  }
0x19c: {  	v25 =	vld [tilespmem:s23+$0xFFFFFE30];
	[tilespmem:s23+$0xFFFFFF80] =	vst v4;
	v4 =	vmul.f32 v57, v18  }
0x19d: {  	v19 =	vld [tilespmem:s23+$0x0];
	v44 =	vmul.f32 v37, v7;
	[tilespmem:s23+$0x10] =	vst v27  }
0x19e: {  	v32 =	vld [tilespmem:s23+$0x90];
	[tilespmem:s23+$0xFFFFFFA0] =	vst v4;
	v4 =	vmul.f32 v60, v18  }
0x19f: {  	v22 =	vld [tilespmem:s23+$0x20];
	v49 =	vmul.f32 v43, v6;
	[tilespmem:s23+$0xD0] =	vst v44  }
0x1a0: {  	v35 =	vld [tilespmem:s23+$0xB0];
	[tilespmem:s23+$0xFFFFFFC0] =	vst v4;
	v4 =	vmul.f32 v63, v18  }
0x1a1: {  	v52 =	vmul.f32 v46, v6;
	[tilespmem:s23+$0x110] =	vst v49;
	v9 =	vmul.f32 v25, v24;
	v25 =	vld [tilespmem:s23+$0x40]  }
0x1a2: {  	[tilespmem:s23+$0xFFFFFFE0] =	vst v4;
	v4 =	vmul.f32 v19, v8  }
0x1a3: {  	v38 =	vmul.f32 v32, v7;
	[tilespmem:s23+$0x130] =	vst v52;
	v28 =	vld [tilespmem:s23+$0x60]  }
0x1a4: {  	[tilespmem:s23+$0x0] =	vst v4;
	v4 =	vmul.f32 v22, v8  }
0x1a5: {  	v31 =	vld [tilespmem:s23+$0x80];
	v41 =	vmul.f32 v35, v7;
	[tilespmem:s23+$0x90] =	vst v38  }
0x1a6: {  	v16 =	vld [tilespmem:s23+$0xFFFFFFF0];
	[tilespmem:s23+$0x20] =	vst v4;
	v4 =	vmul.f32 v25, v8  }
0x1a7: {  	v34 =	vld [tilespmem:s23+$0xA0];
	[tilespmem:s23+$0xB0] =	vst v41  }
0x1a8: {  	v23 =	vld [tilespmem:s23+$0x30];
	[tilespmem:s23+$0x40] =	vst v4;
	v4 =	vmul.f32 v28, v8  }
0x1a9: {  	[tilespmem:s23+$0x1F0] =	vst v11;
	v36 =	vld [tilespmem:s23+$0xC0]  }
0x1aa: {  	v26 =	vld [tilespmem:s23+$0x50];
	[tilespmem:s23+$0x60] =	vst v4;
	v4 =	vmul.f32 v31, v7  }
0x1ab: {  	v24 =	vmul.f32 v16, v18;
	[tilespmem:s23+$0xFFFFFE30] =	vst v9;
	v39 =	vld [tilespmem:s23+$0xE0]  }
0x1ac: {  	v58 =	vld [tilespmem:s23+$0xFFFFFFB0];
	[tilespmem:s23+$0x80] =	vst v4;
	v4 =	vmul.f32 v34, v7  }
0x1ad: {  	v30 =	vmul.f32 v23, v8;
	[tilespmem:s23+$0xFFFFFFF0] =	vst v24;
	v42 =	vld [tilespmem:s23+$0x100]  }
0x1ae: {  	v48 =	vld [tilespmem:s23+$0x150];
	[tilespmem:s23+$0xA0] =	vst v4;
	v4 =	vmul.f32 v36, v7  }
0x1af: {  	[tilespmem:s23+$0x30] =	vst v30;
	v33 =	vmul.f32 v26, v8;
	v45 =	vld [tilespmem:s23+$0x120]  }
0x1b0: {  	v54 =	vld [tilespmem:s23+$0x190];
	[tilespmem:s23+$0xC0] =	vst v4;
	v4 =	vmul.f32 v39, v7  }
0x1b1: {  	v47 =	vld [tilespmem:s23+$0x140];
	[tilespmem:s23+$0x50] =	vst v33;
	v17 =	vmul.f32 v58, v18  }
0x1b2: {  	v59 =	vld [tilespmem:s23+$0x1D0];
	[tilespmem:s23+$0xE0] =	vst v4;
	v4 =	vmul.f32 v42, v6  }
0x1b3: {  	v50 =	vld [tilespmem:s23+$0x160];
	[tilespmem:s23+$0xFFFFFFB0] =	vst v17;
	v55 =	vmul.f32 v48, v6  }
0x1b4: {  	v57 =	vld [tilespmem:s23+$0x1B0];
	[tilespmem:s23+$0x100] =	vst v4;
	v4 =	vmul.f32 v45, v6  }
0x1b5: {  	v53 =	vld [tilespmem:s23+$0x180];
	[tilespmem:s23+$0x150] =	vst v55;
	v60 =	vmul.f32 v54, v5  }
0x1b6: {  	v29 =	vld [tilespmem:s23+$0x70];
	[tilespmem:s23+$0x120] =	vst v4;
	v4 =	vmul.f32 v47, v6  }
0x1b7: {  	v56 =	vld [tilespmem:s23+$0x1A0];
	v63 =	vmul.f32 v59, v5;
	[tilespmem:s23+$0x190] =	vst v60  }
0x1b8: {  	v40 =	vld [tilespmem:s23+$0xF0];
	[tilespmem:s23+$0x140] =	vst v4;
	v4 =	vmul.f32 v50, v6  }
0x1b9: {  	v58 =	vld [tilespmem:s23+$0x1C0];
	v62 =	vmul.f32 v57, v5;
	[tilespmem:s23+$0x1D0] =	vst v63  }
0x1ba: {  	v51 =	vld [tilespmem:s23+$0x170];
	[tilespmem:s23+$0x160] =	vst v4;
	v4 =	vmul.f32 v53, v5  }
0x1bb: {  	v61 =	vld [tilespmem:s23+$0x1E0];
	[tilespmem:s23+$0x1B0] =	vst v62;
	v8 =	vmul.f32 v29, v8  }
0x1bc: {  	[tilespmem:s23+$0x180] =	vst v4;
	v4 =	vmul.f32 v56, v5  }
0x1bd: {  	[tilespmem:s23+$0x70] =	vst v8;
	v7 =	vmul.f32 v40, v7  }
0x1be: {  	p3 =	sne.s32 s16, $0x5;
	[tilespmem:s23+$0x1A0] =	vst v4;
	v4 =	vmul.f32 v58, v5  }
.Ltmp5:
0x1bf: {  	[tilespmem:s23+$0xF0] =	vst v7;
	v6 =	vmul.f32 v51, v6;
	(pc) =	sbr.rel @p3 .LBB2_9-.Ltmp5, $4  }
0x1c0: {  	[tilespmem:s23+$0x1C0] =	vst v4;
	v4 =	vmul.f32 v61, v5  }
0x1c1: {  	[tilespmem:s23+$0x170] =	vst v6  }
0x1c2: {  	p2 =	por !p2, !p2;
	[tilespmem:s23+$0x1E0] =	vst v4  }
0x1c3: {  	[spmem:s3] =	stream.indirect.scatter.add.f32 [tilespmem:s19], [sflag:$0x2], $0x80, s15, s5, $0xb8;
	[tilespmem:$0x1E800] =	vst v63  }
0x1c4: {  	_ =	swait.ge [sflag:s26], $0x2800  }
0x1c5: {  	[sflag:s26] =	ssyncset.done $0x0  }
0x1c6: {  	s10 =	sadd.s32 $0x1, s10;
	[sflag:s26] =	ssyncadd.s32 $0xFFFFD800  }
0x1c7: {  	p2 =	sne.s32 s10, $0x19;
	_ =	swait.ge [sflag:s7], $0x50  }
.Ltmp6:
0x1c8: {  	[sflag:s7] =	ssyncset.done $0x0;
	(pc) =	sbr.rel @p2 .LBB2_8-.Ltmp6, $4  }
0x1c9: {  	[sflag:s7] =	ssyncadd.s32 $0xFFFFFFB0  }
0x1ca: {  	_ =	swait.ge [sflag:s7], $0x50  }
0x1cb: {  	[sflag:s7] =	ssyncset.done $0x0  }
0x1cc: {  	[sflag:s7] =	ssyncadd.s32 $0xFFFFFFB0  }
0x1cd: {  	s10 =	stileid.u32  }
0x1ce: {  	[bflag:$0x0] =	sbarrier.arrive $0xFFFF;
	s10 =	sshll.u32 s10, $0x6  }
0x1cf: {  	s13 =	sshrl.u32 s12, $0x3;
	s14 =	rddreg [dreg:$0xe];
	s10 =	sor.u32 $0x1C05, s10  }
0x1d0: {  	[hbm:s14], [sflag:s10] =	dma.local [spmem:s13], $0x2700  }
0x1d1: {  	_ =	swait.ge [sflag:s28], $0x2700  }
0x1d2: {  	[sflag:s28] =	ssyncset.done $0x0  }
0x1d3: {  	s13 =	sshrl.u32 @!p1 s30, $0x3;
	s14 =	rddreg [dreg:$0x11];
	[sflag:s28] =	ssyncadd.s32 $0xFFFFD900  }
0x1d4: {  	[hbm:s14], [sflag:s10] =	dma.local @!p1 [spmem:s13], $0x100  }
0x1d5: {  	s13 =	simm.s32 @!p1 $0x5  }
0x1d6: {  	s8 =	sadd.s32 $0x1, s8;
	_ =	swait.ge @!p1 [sflag:s13], $0x100  }
0x1d7: {  	p2 =	sne.s32 s8, s24;
	[sflag:s13] =	ssyncset.done @!p1 $0x0  }
.Ltmp7:
0x1d8: {  	s23 =	rddreg [dreg:$0x12];
	[sflag:s13] =	ssyncadd.s32 @!p1 $0xFFFFFF00;
	(pc) =	sbr.rel @p2 .LBB2_1-.Ltmp7, $4  }
0x1d9: {  	[hbm:s23], [sflag:s10] =	dma.local [spmem:s25], $0x50  }
0x1da: {  	_ =	swait.ge [sflag:s28], $0x50  }
0x1db: {  	[sflag:s28] =	ssyncset.done $0x0  }
0x1dc: {  	[sflag:s28] =	ssyncadd.s32 $0xFFFFFFB0  }
0x1dd: {  	_ =	sfence.sel $0x180000  }
0x1de: {  	[bflag:$0x0] =	sbarrier.arrive $0xFFFF  }
0x1df: {  	_ =	strace $0x90000047  }
0x1e0: {  	[bflag:$0x2] =	sbarrier.arrive $0xFFFF  }
0x1e1: {  	s0 =	rddreg [dreg:$0x4]  }
0x1e2: {  	s0 =	sadd.s32 @!p0 $0x100000, s0  }
0x1e3: {  	[sflag:s0] =	ssyncadd.tile.s32 @!p0 $0x1;
	_ =	shalt  }
.Lfunc_end2:
_tile_overlayer_lowered:
.L_overlay_start_2:
0x1e4: {  	(tag) =	ssettag $0x2  }
0x1e5: {  	s0 =	rddreg [dreg:$0x0];
	s2 =	stileid.u32  }
0x1e6: {  	s1 =	rddreg [dreg:$0x1];
	p0 =	sne.s32 s2, $0x0  }
0x1e7: {  	s3 =	rddreg [dreg:$0x2];
	[bflag:$0x3] =	sbarrier.arrive $0xFFFF;
	s2 =	simm.s32 @!p0 $0x1C05  }
0x1e8: {  	[timem:s3], [sflag:s2] =	dma.local @!p0 [hbm:s0], s1  }
0x1e9: {  	s0 =	simm.s32 @!p0 $0x5  }
0x1ea: {  	_ =	swait.ge @!p0 [sflag:s0], s1  }
0x1eb: {  	s1 =	ssub.s32 @!p0 $0x0, s1;
	[sflag:s0] =	ssyncset.done @!p0 $0x0  }
0x1ec: {  	[sflag:s0] =	ssyncadd.s32 @!p0 s1  }
0x1ed: {  	[bflag:$0x3] =	sbarrier.arrive $0xFFFF  }
0x1ee: {  	_ =	shalt  }

</sc_bundles>
